<compile_context>
chip_gen: v7x
topology: tpu7x:2x2x1
jax: 0.10.2.dev20260603
libtpu: 0.0.44.dev20260713+nightly
codegen_flags: <defaults>
</compile_context>

<pallas_src>
import dataclasses
import functools

import jax
import jax.numpy as jnp
from jax import lax
from jax.experimental import pallas as pl
from jax.experimental.pallas import tpu as pltpu
from jax.experimental.pallas import tpu_sc as plsc

RADIUS = 2
TOP_K = 5000
TEMP = 0.1
KS = 2 * RADIUS + 1
B, H, W = 4, 512, 512
HP, WP = 520, 640
ROWS_PER_BATCH = HP * WP // 16
NKP = 5120
TOTAL_KP = B * NKP
NTILES = 32
KP_PER_TILE = TOTAL_KP // NTILES
CHUNK = 128
NCHUNK = KP_PER_TILE // CHUNK
GROUPS = CHUNK // 16
NEG_INF = float("-inf")


def _maxpool5(a):
    h, w = a.shape
    pad_c = jnp.full((h, RADIUS), NEG_INF, a.dtype)
    ac = jnp.concatenate([pad_c, a, pad_c], axis=1)
    m = ac[:, 0:w]
    for j in range(1, KS):
        m = jnp.maximum(m, ac[:, j:j + w])
    pad_r = jnp.full((RADIUS, w), NEG_INF, a.dtype)
    ar = jnp.concatenate([pad_r, m, pad_r], axis=0)
    m = ar[0:h, :]
    for i in range(1, KS):
        m = jnp.maximum(m, ar[i:i + h, :])
    return m


def _nms_body(s_ref, nms_ref, pad_ref):
    s = s_ref[0]
    zeros = jnp.zeros_like(s)
    max_mask = s == _maxpool5(s)
    for _ in range(2):
        supp_mask = _maxpool5(max_mask.astype(s.dtype)) > 0
        supp_scores = jnp.where(supp_mask, zeros, s)
        new_max_mask = supp_scores == _maxpool5(supp_scores)
        max_mask = max_mask | (new_max_mask & (~supp_mask))
    nms = jnp.where(max_mask, s, zeros)
    row = lax.broadcasted_iota(jnp.int32, (H, W), 0)
    col = lax.broadcasted_iota(jnp.int32, (H, W), 1)
    border = (row >= RADIUS + 1) & (row < H - RADIUS) & \
             (col >= RADIUS + 1) & (col < W - RADIUS)
    nms_ref[0] = jnp.where(border, nms, zeros)
    pc_l = jnp.zeros((H, RADIUS + 1), s.dtype)
    pc_r = jnp.zeros((H, WP - W - RADIUS - 1), s.dtype)
    p = jnp.concatenate([pc_l, s, pc_r], axis=1)
    pr_t = jnp.zeros((RADIUS + 1, WP), s.dtype)
    pr_b = jnp.zeros((HP - H - RADIUS - 1, WP), s.dtype)
    pad_ref[0] = jnp.concatenate([pr_t, p, pr_b], axis=0)


def _nms_and_pad(scores):
    return pl.pallas_call(
        _nms_body,
        grid=(B,),
        in_specs=[pl.BlockSpec((1, H, W), lambda b: (b, 0, 0))],
        out_specs=[
            pl.BlockSpec((1, H, W), lambda b: (b, 0, 0)),
            pl.BlockSpec((1, HP, WP), lambda b: (b, 0, 0)),
        ],
        out_shape=[
            jax.ShapeDtypeStruct((B, H, W), scores.dtype),
            jax.ShapeDtypeStruct((B, HP, WP), scores.dtype),
        ],
    )(scores)


def _sc_compiler_params():
    cp = pltpu.CompilerParams()
    fields = pltpu.CompilerParams.__dataclass_fields__
    if "needs_layout_passes" in fields:
        cp = dataclasses.replace(cp, needs_layout_passes=False)
    if "use_tc_tiling_on_sc" in fields:
        cp = dataclasses.replace(cp, use_tc_tiling_on_sc=False)
    return cp


SLABS = 8
SLAB_ELEMS = H * W // SLABS
CAP = 3072
CCH = 2048
NCCH = SLAB_ELEMS // CCH
NCAND = SLABS * CAP
NBUCK = 128
CAP2 = 1024
NCAND2 = SLABS * CAP2


def _compact_sc(nms_flat):
    mesh = plsc.VectorSubcoreMesh(core_axis_name="c", subcore_axis_name="s")
    out_t = [
        jax.ShapeDtypeStruct((NTILES * CAP,), jnp.float32),
        jax.ShapeDtypeStruct((NTILES * CAP,), jnp.int32),
        jax.ShapeDtypeStruct((NTILES, 16), jnp.int32),
        jax.ShapeDtypeStruct((NTILES * NBUCK,), jnp.int32),
    ]

    @functools.partial(
        pl.kernel,
        out_type=out_t,
        mesh=mesh,
        compiler_params=_sc_compiler_params(),
        scratch_types=[
            pltpu.VMEM((CCH,), jnp.float32),
            pltpu.VMEM((CAP + 16,), jnp.float32),
            pltpu.VMEM((CAP + 16,), jnp.int32),
            pltpu.VMEM((16,), jnp.int32),
            pltpu.VMEM((NBUCK * 16,), jnp.int32),
            pltpu.VMEM((NBUCK,), jnp.int32),
        ],
    )
    def kern(nms_hbm, ov, oi, oc, oh, buf_v, cv_v, ci_v, cnt_v, lh_v, h_v):
        wid = lax.axis_index("s") * 2 + lax.axis_index("c")
        bat = jnp.right_shift(wid, 3)
        slab = jnp.bitwise_and(wid, 7)
        region = bat * (H * W) + slab * SLAB_ELEMS
        ln = lax.iota(jnp.int32, 16)
        neg = jnp.full((16,), -1.0, jnp.float32)
        zero16 = jnp.zeros((16,), jnp.int32)
        one16 = jnp.full((16,), 1, jnp.int32)

        @pl.loop(0, (CAP + 16) // 16)
        def _init(i):
            cv_v[pl.ds(i * 16, 16)] = neg

        @pl.loop(0, NBUCK)
        def _hinit(i):
            lh_v[pl.ds(i * 16, 16)] = zero16

        def chunk_body(c, off):
            pltpu.sync_copy(nms_hbm.at[pl.ds(region + c * CCH, CCH)], buf_v)

            def grp_body(g, off):
                v = buf_v[pl.ds(g * 16, 16)]
                mask = v > 0.0
                ivec = slab * SLAB_ELEMS + c * CCH + g * 16 + ln
                woff = jnp.minimum(off, CAP)
                plsc.store_compressed(cv_v.at[pl.ds(woff, 16)], v, mask=mask)
                plsc.store_compressed(ci_v.at[pl.ds(woff, 16)], ivec, mask=mask)
                bk = jnp.minimum((v * jnp.float32(NBUCK)).astype(jnp.int32),
                                 NBUCK - 1)
                plsc.addupdate_scatter(lh_v, [bk * 16 + ln], one16, mask=mask)
                pop = plsc.all_reduce_population_count(mask)
                return off + jnp.max(pop)

            return lax.fori_loop(0, CCH // 16, grp_body, off)

        total = lax.fori_loop(0, NCCH, chunk_body, jnp.int32(0))
        cnt_v[...] = one16 * total

        @pl.loop(0, NBUCK)
        def _hred(i):
            s = jnp.sum(lh_v[pl.ds(i * 16, 16)])
            plsc.store_scatter(h_v, [one16 * i], one16 * s, mask=ln == 0)

        pltpu.sync_copy(cv_v.at[pl.ds(0, CAP)], ov.at[pl.ds(wid * CAP, CAP)])
        pltpu.sync_copy(ci_v.at[pl.ds(0, CAP)], oi.at[pl.ds(wid * CAP, CAP)])
        pltpu.sync_copy(cnt_v, oc.at[wid])
        pltpu.sync_copy(h_v, oh.at[pl.ds(wid * NBUCK, NBUCK)])

    return kern(nms_flat)


def _filter_sc(cv, ci, tbs):
    mesh = plsc.VectorSubcoreMesh(core_axis_name="c", subcore_axis_name="s")
    out_t = [
        jax.ShapeDtypeStruct((NTILES * CAP2,), jnp.float32),
        jax.ShapeDtypeStruct((NTILES * CAP2,), jnp.int32),
        jax.ShapeDtypeStruct((NTILES, 16), jnp.int32),
    ]

    @functools.partial(
        pl.kernel,
        out_type=out_t,
        mesh=mesh,
        compiler_params=_sc_compiler_params(),
        scratch_types=[
            pltpu.VMEM((CAP,), jnp.float32),
            pltpu.VMEM((CAP,), jnp.int32),
            pltpu.VMEM((CAP2 + 16,), jnp.float32),
            pltpu.VMEM((CAP2 + 16,), jnp.int32),
            pltpu.VMEM((16,), jnp.int32),
        ],
    )
    def kern(cv_hbm, ci_hbm, tb_hbm, ov, oi, oc, iv_v, ii_v, fv_v, fi_v, cnt_v):
        wid = lax.axis_index("s") * 2 + lax.axis_index("c")
        bat = jnp.right_shift(wid, 3)
        neg = jnp.full((16,), -1.0, jnp.float32)
        one16 = jnp.full((16,), 1, jnp.int32)

        pltpu.sync_copy(cv_hbm.at[pl.ds(wid * CAP, CAP)], iv_v)
        pltpu.sync_copy(ci_hbm.at[pl.ds(wid * CAP, CAP)], ii_v)
        pltpu.sync_copy(tb_hbm.at[bat], cnt_v)
        tb = jnp.max(cnt_v[...])

        @pl.loop(0, (CAP2 + 16) // 16)
        def _init(i):
            fv_v[pl.ds(i * 16, 16)] = neg

        def grp_body(g, off):
            v = iv_v[pl.ds(g * 16, 16)]
            bk = jnp.minimum((v * jnp.float32(NBUCK)).astype(jnp.int32),
                             NBUCK - 1)
            mask = (v > 0.0) & (bk >= tb)
            iv = ii_v[pl.ds(g * 16, 16)]
            woff = jnp.minimum(off, CAP2)
            plsc.store_compressed(fv_v.at[pl.ds(woff, 16)], v, mask=mask)
            plsc.store_compressed(fi_v.at[pl.ds(woff, 16)], iv, mask=mask)
            pop = plsc.all_reduce_population_count(mask)
            return off + jnp.max(pop)

        total = lax.fori_loop(0, CAP // 16, grp_body, jnp.int32(0))
        cnt_v[...] = one16 * total
        pltpu.sync_copy(fv_v.at[pl.ds(0, CAP2)], ov.at[pl.ds(wid * CAP2, CAP2)])
        pltpu.sync_copy(fi_v.at[pl.ds(0, CAP2)], oi.at[pl.ds(wid * CAP2, CAP2)])
        pltpu.sync_copy(cnt_v, oc.at[wid])

    return kern(cv, ci, tbs)


def _refine_sc(p_rows, idx_g):
    mesh = plsc.VectorSubcoreMesh(core_axis_name="c", subcore_axis_name="s")
    out_t = [jax.ShapeDtypeStruct((TOTAL_KP,), jnp.float32)] * 4

    @functools.partial(
        pl.kernel,
        out_type=out_t,
        mesh=mesh,
        compiler_params=_sc_compiler_params(),
        scratch_types=[
            pltpu.VMEM((CHUNK,), jnp.int32),
            pltpu.VMEM((CHUNK * 12,), jnp.int32),
            pltpu.VMEM((CHUNK * 12, 16), jnp.float32),
            pltpu.VMEM((CHUNK,), jnp.float32),
            pltpu.VMEM((CHUNK,), jnp.float32),
            pltpu.VMEM((CHUNK,), jnp.float32),
            pltpu.VMEM((CHUNK,), jnp.float32),
            pltpu.SemaphoreType.DMA,
        ],
    )
    def kern(p_hbm, ig_hbm, okx, oky, osc, odi, ig_v, gi_v, data_v,
             kx_v, ky_v, sc_v, di_v, sem):
        wid = lax.axis_index("s") * 2 + lax.axis_index("c")
        ln = lax.iota(jnp.int32, 16)

        @pl.loop(0, NCHUNK)
        def _chunk(c):
            base = wid * KP_PER_TILE + c * CHUNK
            pltpu.sync_copy(ig_hbm.at[pl.ds(base, CHUNK)], ig_v)

            @pl.loop(0, GROUPS)
            def _build(g):
                n = g * 16 + ln
                gv = plsc.load_gather(ig_v, [n])
                b = jnp.right_shift(gv, 18)
                ii = jnp.bitwise_and(gv, 262143)
                y = jnp.right_shift(ii, 9)
                x = jnp.bitwise_and(ii, 511)
                col16 = jnp.right_shift(x + 1, 4)
                rowb = b * ROWS_PER_BATCH + (y + 1) * (WP // 16) + col16
                for k in range(12):
                    r, hh = k // 2, k % 2
                    plsc.store_scatter(gi_v, [n * 12 + k],
                                       rowb + r * (WP // 16) + hh)

            handles = []
            for k in range(12):
                handles.append(pltpu.async_copy(
                    p_hbm.at[gi_v.at[pl.ds(k * CHUNK, CHUNK)]],
                    data_v.at[pl.ds(k * CHUNK, CHUNK)], sem))
            for hdl in handles:
                hdl.wait()

            @pl.loop(0, GROUPS)
            def _compute(g):
                n = g * 16 + ln
                gv = plsc.load_gather(ig_v, [n])
                ii = jnp.bitwise_and(gv, 262143)
                y = jnp.right_shift(ii, 9)
                x = jnp.bitwise_and(ii, 511)
                o = jnp.bitwise_and(x + 1, 15)
                addr0 = n * 192 + o
                v = {}
                for r in range(6):
                    for j in range(6):
                        a = addr0 + (r * 32 + j)
                        v[(r, j)] = plsc.load_gather(
                            data_v, [jnp.right_shift(a, 4),
                                     jnp.bitwise_and(a, 15)])
                inner = [(r, j) for r in range(5) for j in range(5)]
                maxv = v[inner[0]]
                for rj in inner[1:]:
                    maxv = jnp.maximum(maxv, v[rj])
                temp = jnp.float32(TEMP)
                denom = jnp.zeros((16,), jnp.float32)
                sx = jnp.zeros((16,), jnp.float32)
                sy = jnp.zeros((16,), jnp.float32)
                e = {}
                for (r, j) in inner:
                    ev = jnp.exp((v[(r, j)] - maxv) / temp)
                    e[(r, j)] = ev
                    denom = denom + ev
                    sx = sx + ev * jnp.float32(j - 2)
                    sy = sy + ev * jnp.float32(r - 2)
                rx = sx / denom
                ry = sy / denom
                disp = jnp.zeros((16,), jnp.float32)
                for (r, j) in inner:
                    dxd = (jnp.float32(j - 2) - rx) / jnp.float32(RADIUS)
                    dyd = (jnp.float32(r - 2) - ry) / jnp.float32(RADIUS)
                    disp = disp + e[(r, j)] * (dxd * dxd + dyd * dyd)
                disp = disp / denom
                xf = x.astype(jnp.float32)
                yf = y.astype(jnp.float32)
                kxn = (xf + rx) / jnp.float32(W - 1) * 2.0 - 1.0
                kyn = (yf + ry) / jnp.float32(H - 1) * 2.0 - 1.0
                ix = (kxn + 1.0) / 2.0 * jnp.float32(W - 1)
                iy = (kyn + 1.0) / 2.0 * jnp.float32(H - 1)
                score = jnp.zeros((16,), jnp.float32)
                for r in range(6):
                    wy = jnp.maximum(0.0, 1.0 - jnp.abs(iy - (yf + jnp.float32(r - 2))))
                    for j in range(6):
                        wx = jnp.maximum(0.0, 1.0 - jnp.abs(ix - (xf + jnp.float32(j - 2))))
                        score = score + v[(r, j)] * wx * wy
                plsc.store_scatter(kx_v, [n], kxn)
                plsc.store_scatter(ky_v, [n], kyn)
                plsc.store_scatter(sc_v, [n], score)
                plsc.store_scatter(di_v, [n], disp)

            pltpu.sync_copy(kx_v, okx.at[pl.ds(base, CHUNK)])
            pltpu.sync_copy(ky_v, oky.at[pl.ds(base, CHUNK)])
            pltpu.sync_copy(sc_v, osc.at[pl.ds(base, CHUNK)])
            pltpu.sync_copy(di_v, odi.at[pl.ds(base, CHUNK)])

    return kern(p_rows, idx_g)


def kernel(scores_map):
    scores = scores_map.reshape(B, H, W)
    nms, padded = _nms_and_pad(scores)
    cvals, cidxs, counts, hists = _compact_sc(nms.reshape(B * H * W))
    tile_cnt = counts[:, 0]
    batch_cnt = tile_cnt.reshape(B, SLABS).sum(axis=1)
    hist_b = hists.reshape(B, SLABS, NBUCK).sum(axis=1)
    c_ge = jnp.cumsum(hist_b[:, ::-1], axis=1)[:, ::-1]
    ok = c_ge >= TOP_K
    tb = jnp.max(jnp.where(ok, jnp.arange(NBUCK, dtype=jnp.int32)[None, :], -1),
                 axis=1)
    tbs = jnp.broadcast_to(tb[:, None], (B, 16)).astype(jnp.int32)
    c_ge_t = jnp.cumsum(hists.reshape(NTILES, NBUCK)[:, ::-1], axis=1)[:, ::-1]
    tb_t = jnp.repeat(jnp.maximum(tb, 0), SLABS)
    kept_t = jnp.take_along_axis(c_ge_t, tb_t[:, None], axis=1)[:, 0]
    need_fallback = (jnp.any(tile_cnt > CAP) | jnp.any(batch_cnt < TOP_K)
                     | jnp.any(kept_t > CAP2))
    fvals, fidxs, _ = _filter_sc(cvals, cidxs, tbs)

    def _fast(_):
        _, pos = lax.top_k(fvals.reshape(B, NCAND2), TOP_K)
        return jnp.take_along_axis(fidxs.reshape(B, NCAND2), pos, axis=1)

    def _slow(_):
        _, i = lax.top_k(nms.reshape(B, H * W), TOP_K)
        return i.astype(jnp.int32)

    idx_fast = _fast(None)
    idx = lax.cond(need_fallback, _slow, lambda _: idx_fast, operand=None)
    offs = (jnp.arange(B, dtype=jnp.int32) * (H * W))[:, None]
    idx_g = idx.astype(jnp.int32) + offs
    pad_block = jnp.broadcast_to(offs, (B, NKP - TOP_K))
    idx_g = jnp.concatenate([idx_g, pad_block], axis=1).reshape(-1)
    p_rows = padded.reshape(B * ROWS_PER_BATCH, 16)
    kx, ky, sc, di = _refine_sc(p_rows, idx_g)
    kx = kx.reshape(B, NKP)[:, :TOP_K]
    ky = ky.reshape(B, NKP)[:, :TOP_K]
    keypoints = jnp.stack([kx, ky], axis=-1)
    kptscores = sc.reshape(B, NKP)[:, :TOP_K]
    scoredispersitys = di.reshape(B, NKP)[:, :TOP_K]
    return keypoints, kptscores, scoredispersitys

# --- scband reference (transcript-rebuilt; emitter-appended) ---
"""Pipeline reference for scband-soft-detect-19043884990743 (READ-ONLY COPY).

The authoritative reference and input builder live on the scoring server;
editing this copy changes nothing except your own understanding.
"""

import jax, jax.numpy as jnp
import numpy as np

RADIUS = 2
TOP_K = 5000
TEMP = 0.1
KS = 2 * RADIUS + 1

_xs = jnp.linspace(-RADIUS, RADIUS, KS)
_g0, _g1 = jnp.meshgrid(_xs, _xs, indexing='ij')
HW_GRID = jnp.stack([_g1.ravel(), _g0.ravel()], axis=1)  # [KS*KS, 2] -> (dx, dy), matches torch hw_grid[:, [1, 0]]


def _max_pool(x):
    return jax.lax.reduce_window(x, -jnp.inf, jax.lax.max, (1, 1, KS, KS), (1, 1, 1, 1), 'SAME')


def _simple_nms(scores):
    zeros = jnp.zeros_like(scores)
    max_mask = scores == _max_pool(scores)
    for _ in range(2):
        supp_mask = _max_pool(max_mask.astype(scores.dtype)) > 0
        supp_scores = jnp.where(supp_mask, zeros, scores)
        new_max_mask = supp_scores == _max_pool(supp_scores)
        max_mask = max_mask | (new_max_mask & (~supp_mask))
    return jnp.where(max_mask, scores, zeros)


def _bilinear_sample(img, xy, H, W):
    # torch grid_sample bilinear, align_corners=True, padding_mode='zeros' on pixel coords xy
    x = xy[:, 0]
    y = xy[:, 1]
    x0 = jnp.floor(x)
    y0 = jnp.floor(y)
    x1 = x0 + 1.0
    y1 = y0 + 1.0

    def get(yy, xx):
        valid = (xx >= 0) & (xx <= W - 1) & (yy >= 0) & (yy <= H - 1)
        v = img[jnp.clip(yy, 0, H - 1).astype(jnp.int32), jnp.clip(xx, 0, W - 1).astype(jnp.int32)]
        return jnp.where(valid, v, 0.0)

    Ia = get(y0, x0)
    Ib = get(y1, x0)
    Ic = get(y0, x1)
    Id = get(y1, x1)
    wa = (x1 - x) * (y1 - y)
    wb = (x1 - x) * (y - y0)
    wc = (x - x0) * (y1 - y)
    wd = (x - x0) * (y - y0)
    return Ia * wa + Ib * wb + Ic * wc + Id * wd


def setup_inputs(seed: int = 0) -> dict:
    key = jax.random.key(seed)
    scores_map = jax.random.uniform(key, (4, 1, 512, 512), dtype=jnp.float32)
    return {"scores_map": scores_map}


def reference(scores_map):
    B, _, H, W = scores_map.shape
    scores_nograd = jax.lax.stop_gradient(scores_map)
    nms_scores = _simple_nms(scores_nograd)
    # zero out borders: rows/cols [0 : radius+1) ... actually [:radius+1] and [h-radius:]
    row = jnp.arange(H)
    col = jnp.arange(W)
    vr = (row >= RADIUS + 1) & (row < H - RADIUS)
    vc = (col >= RADIUS + 1) & (col < W - RADIUS)
    border_mask = (vr[:, None] & vc[None, :])[None, None, :, :]
    nms_scores = jnp.where(border_mask, nms_scores, 0.0)

    _, indices_keypoints = jax.lax.top_k(nms_scores.reshape(B, -1), TOP_K)  # [B, TOP_K]

    # unfold: [B, KS*KS, H*W] with zero padding RADIUS, then transpose to [B, H*W, KS*KS]
    padded = jnp.pad(scores_map[:, 0], ((0, 0), (RADIUS, RADIUS), (RADIUS, RADIUS)))
    patch_list = [padded[:, i:i + H, j:j + W] for i in range(KS) for j in range(KS)]
    patches = jnp.stack(patch_list, axis=1).reshape(B, KS * KS, H * W)
    patches_t = jnp.transpose(patches, (0, 2, 1))  # [B, H*W, KS*KS]

    hw_grid = HW_GRID.astype(scores_map.dtype)

    def per_batch(patch_t, indices_kpt, img):
        patch_scores = patch_t[indices_kpt]  # [N, KS*KS]
        max_v = jax.lax.stop_gradient(patch_scores.max(axis=1, keepdims=True))
        x_exp = jnp.exp((patch_scores - max_v) / TEMP)
        denom = x_exp.sum(axis=1, keepdims=True)
        xy_residual = (x_exp @ hw_grid) / denom  # [N, 2]
        diff = (hw_grid[None, :, :] - xy_residual[:, None, :]) / RADIUS
        hw_grid_dist2 = jnp.sum(diff ** 2, axis=-1)  # ||.||^2
        scoredispersity = (x_exp * hw_grid_dist2).sum(axis=1) / denom[:, 0]
        keypoints_xy_nms = jnp.stack([indices_kpt % W, indices_kpt // W], axis=1).astype(scores_map.dtype)
        keypoints_xy = keypoints_xy_nms + xy_residual
        keypoints_xy = keypoints_xy / jnp.array([W - 1, H - 1], dtype=scores_map.dtype) * 2.0 - 1.0
        # grid_sample bilinear align_corners=True: map back to pixel coords
        ix = (keypoints_xy[:, 0] + 1.0) / 2.0 * (W - 1)
        iy = (keypoints_xy[:, 1] + 1.0) / 2.0 * (H - 1)
        kptscore = _bilinear_sample(img, jnp.stack([ix, iy], axis=1), H, W)
        return keypoints_xy, kptscore, scoredispersity

    keypoints, kptscores, scoredispersitys = jax.vmap(per_batch)(patches_t, indices_keypoints, scores_map[:, 0])
    return keypoints, kptscores, scoredispersitys

if __name__ == "__main__":
    import jax
    _d = setup_inputs()
    print(jax.jit(kernel)(*tuple(_d.values())))

</pallas_src>

<mosaic_0001>
#map = affine_map<(d0, d1) -> (0)>
#map1 = affine_map<(d0, d1) -> (0, 0)>
module attributes {stable_mosaic.version = 14 : i64} {
  func.func @kern(%arg0: i32, %arg1: i32, %arg2: memref<98304xf32, #tpu.memory_space<hbm>>, %arg3: memref<98304xi32, #tpu.memory_space<hbm>>, %arg4: memref<4x16xi32, #tpu.memory_space<hbm>>, %arg5: memref<32768xf32, #tpu.memory_space<hbm>>, %arg6: memref<32768xi32, #tpu.memory_space<hbm>>, %arg7: memref<32x16xi32, #tpu.memory_space<hbm>>, %arg8: memref<3072xf32, #tpu.memory_space<vmem>>, %arg9: memref<3072xi32, #tpu.memory_space<vmem>>, %arg10: memref<1040xf32, #tpu.memory_space<vmem>>, %arg11: memref<1040xi32, #tpu.memory_space<vmem>>, %arg12: memref<16xi32, #tpu.memory_space<vmem>>) attributes {dimension_semantics = [#tpu.dimension_semantics<core_parallel>, #tpu.dimension_semantics<subcore_parallel>], iteration_bounds = array<i64: 2, 16>, scalar_prefetch = 0 : i64, scratch_operands = 5 : i64, tpu.core_type = #tpu.core_type<sc_vector_subcore>, window_params = [{transform_indices = #map}, {transform_indices = #map}, {transform_indices = #map1}, {transform_indices = #map}, {transform_indices = #map}, {transform_indices = #map1}]} {
    %mul3A = arith.constant 2 : i32
    %mul3A_0 = arith.muli %arg1, %mul3A : i32
    %add3A = arith.addi %mul3A_0, %arg0 : i32
    %shift_right_arithmetic3A = arith.constant 3 : i32
    %shift_right_arithmetic3A_1 = arith.shrsi %add3A, %shift_right_arithmetic3A : i32
    %broadcast_in_dim3A = arith.constant -1.000000e+00 : f32
    %broadcast_in_dim3A_2 = vector.broadcast %broadcast_in_dim3A : f32 to vector<16xf32>
    %broadcast_in_dim3A_3 = arith.constant 1 : i32
    %broadcast_in_dim3A_4 = vector.broadcast %broadcast_in_dim3A_3 : i32 to vector<16xi32>
    %mul3A_5 = arith.constant 3072 : i32
    %mul3A_6 = arith.muli %add3A, %mul3A_5 : i32
    "tpu.region"() ({
      %run_scoped3A = tpu.sem_alloc : memref<!tpu.dma_semaphore, #tpu.memory_space<semaphore_mem>>
      %dma_start3A = tpu.memref_slice %arg2[%mul3A_6] : memref<98304xf32, #tpu.memory_space<hbm>> -> memref<3072xf32, #tpu.memory_space<hbm>>
      %dma_start3A_35 = tpu.memref_slice %arg2[%mul3A_6] : memref<98304xf32, #tpu.memory_space<hbm>> -> memref<3072xf32, #tpu.memory_space<hbm>>
      tpu.enqueue_dma source(%dma_start3A_35 : memref<3072xf32, #tpu.memory_space<hbm>>) target(%arg8 : memref<3072xf32, #tpu.memory_space<vmem>>) target_semaphore(%run_scoped3A : memref<!tpu.dma_semaphore, #tpu.memory_space<semaphore_mem>>)
      %dma_wait3A = tpu.memref_slice %arg2[%mul3A_6] : memref<98304xf32, #tpu.memory_space<hbm>> -> memref<3072xf32, #tpu.memory_space<hbm>>
      %dma_wait3A_36 = tpu.memref_slice %arg2[%mul3A_6] : memref<98304xf32, #tpu.memory_space<hbm>> -> memref<3072xf32, #tpu.memory_space<hbm>>
      tpu.wait_dma2 semaphore(%run_scoped3A : memref<!tpu.dma_semaphore, #tpu.memory_space<semaphore_mem>>) src(%dma_wait3A_36 : memref<3072xf32, #tpu.memory_space<hbm>>) dst(%arg8 : memref<3072xf32, #tpu.memory_space<vmem>>)
      tpu.yield
    }) : () -> ()
    %mul3A_7 = arith.constant 3072 : i32
    %mul3A_8 = arith.muli %add3A, %mul3A_7 : i32
    "tpu.region"() ({
      %run_scoped3A = tpu.sem_alloc : memref<!tpu.dma_semaphore, #tpu.memory_space<semaphore_mem>>
      %dma_start3A = tpu.memref_slice %arg3[%mul3A_8] : memref<98304xi32, #tpu.memory_space<hbm>> -> memref<3072xi32, #tpu.memory_space<hbm>>
      %dma_start3A_35 = tpu.memref_slice %arg3[%mul3A_8] : memref<98304xi32, #tpu.memory_space<hbm>> -> memref<3072xi32, #tpu.memory_space<hbm>>
      tpu.enqueue_dma source(%dma_start3A_35 : memref<3072xi32, #tpu.memory_space<hbm>>) target(%arg9 : memref<3072xi32, #tpu.memory_space<vmem>>) target_semaphore(%run_scoped3A : memref<!tpu.dma_semaphore, #tpu.memory_space<semaphore_mem>>)
      %dma_wait3A = tpu.memref_slice %arg3[%mul3A_8] : memref<98304xi32, #tpu.memory_space<hbm>> -> memref<3072xi32, #tpu.memory_space<hbm>>
      %dma_wait3A_36 = tpu.memref_slice %arg3[%mul3A_8] : memref<98304xi32, #tpu.memory_space<hbm>> -> memref<3072xi32, #tpu.memory_space<hbm>>
      tpu.wait_dma2 semaphore(%run_scoped3A : memref<!tpu.dma_semaphore, #tpu.memory_space<semaphore_mem>>) src(%dma_wait3A_36 : memref<3072xi32, #tpu.memory_space<hbm>>) dst(%arg9 : memref<3072xi32, #tpu.memory_space<vmem>>)
      tpu.yield
    }) : () -> ()
    "tpu.region"() ({
      %run_scoped3A = tpu.sem_alloc : memref<!tpu.dma_semaphore, #tpu.memory_space<semaphore_mem>>
      %dma_start3A = arith.constant 0 : i32
      %dma_start3A_35 = tpu.memref_slice %arg4[%shift_right_arithmetic3A_1, %dma_start3A] : memref<4x16xi32, #tpu.memory_space<hbm>> -> memref<1x16xi32, #tpu.memory_space<hbm>>
      %dma_start3A_36 = tpu.memref_squeeze %dma_start3A_35 : memref<1x16xi32, #tpu.memory_space<hbm>> -> memref<16xi32, #tpu.memory_space<hbm>>
      %dma_start3A_37 = arith.constant 0 : i32
      %dma_start3A_38 = tpu.memref_slice %arg4[%shift_right_arithmetic3A_1, %dma_start3A_37] : memref<4x16xi32, #tpu.memory_space<hbm>> -> memref<1x16xi32, #tpu.memory_space<hbm>>
      %dma_start3A_39 = tpu.memref_squeeze %dma_start3A_38 : memref<1x16xi32, #tpu.memory_space<hbm>> -> memref<16xi32, #tpu.memory_space<hbm>>
      tpu.enqueue_dma source(%dma_start3A_39 : memref<16xi32, #tpu.memory_space<hbm>>) target(%arg12 : memref<16xi32, #tpu.memory_space<vmem>>) target_semaphore(%run_scoped3A : memref<!tpu.dma_semaphore, #tpu.memory_space<semaphore_mem>>)
      %dma_wait3A = arith.constant 0 : i32
      %dma_wait3A_40 = tpu.memref_slice %arg4[%shift_right_arithmetic3A_1, %dma_wait3A] : memref<4x16xi32, #tpu.memory_space<hbm>> -> memref<1x16xi32, #tpu.memory_space<hbm>>
      %dma_wait3A_41 = tpu.memref_squeeze %dma_wait3A_40 : memref<1x16xi32, #tpu.memory_space<hbm>> -> memref<16xi32, #tpu.memory_space<hbm>>
      %dma_wait3A_42 = arith.constant 0 : i32
      %dma_wait3A_43 = tpu.memref_slice %arg4[%shift_right_arithmetic3A_1, %dma_wait3A_42] : memref<4x16xi32, #tpu.memory_space<hbm>> -> memref<1x16xi32, #tpu.memory_space<hbm>>
      %dma_wait3A_44 = tpu.memref_squeeze %dma_wait3A_43 : memref<1x16xi32, #tpu.memory_space<hbm>> -> memref<16xi32, #tpu.memory_space<hbm>>
      tpu.wait_dma2 semaphore(%run_scoped3A : memref<!tpu.dma_semaphore, #tpu.memory_space<semaphore_mem>>) src(%dma_wait3A_44 : memref<16xi32, #tpu.memory_space<hbm>>) dst(%arg12 : memref<16xi32, #tpu.memory_space<vmem>>)
      tpu.yield
    }) : () -> ()
    %get3A = arith.constant 0 : index
    %get3A_9 = tpu.vector_load %arg12[%get3A] {strides = array<i32>} : memref<16xi32, #tpu.memory_space<vmem>>, vector<16xi32>,
    %reduce_max3A = arith.constant true
    %reduce_max3A_10 = vector.broadcast %reduce_max3A : i1 to vector<16xi1>
    %reduce_max3A_11 = arith.constant -2147483648 : i32
    %reduce_max3A_12 = vector.broadcast %reduce_max3A_11 : i32 to vector<16xi32>
    %reduce_max3A_13 = arith.xori %get3A_9, %reduce_max3A_12 : vector<16xi32>
    %reduce_max3A_14 = tpu.scan <max>, %reduce_max3A_13 masked %reduce_max3A_10 : vector<16xi32>, vector<16xi1> -> vector<16xi32>
    %reduce_max3A_15 = arith.xori %reduce_max3A_14, %reduce_max3A_12 : vector<16xi32>
    %reduce_max3A_16 = vector.extract %reduce_max3A_15[15] : i32 from vector<16xi32>
    %scan3A = arith.constant 0 : i32
    %scan3A_17 = arith.constant 65 : i32
    %scan3A_18 = arith.addi %scan3A, %scan3A_17 : i32
    %scan3A_19 = arith.constant 1 : i32
    scf.for %scan3A_35 = %scan3A to %scan3A_18 step %scan3A_19  : i32 {
      %mul3A_36 = arith.constant 1 : i32
      %mul3A_37 = arith.muli %scan3A_35, %mul3A_36 : i32
      %add3A_38 = arith.constant 0 : i32
      %add3A_39 = arith.addi %add3A_38, %mul3A_37 : i32
      %mul3A_40 = arith.constant 16 : i32
      %mul3A_41 = arith.muli %add3A_39, %mul3A_40 : i32
      %swap3A_42 = arith.index_cast %mul3A_41 : i32 to index
      %swap3A_43 = tpu.vector_load %arg10[%swap3A_42] {strides = array<i32>} : memref<1040xf32, #tpu.memory_space<vmem>>, vector<16xf32>,
      tpu.vector_store %arg10[%swap3A_42], %broadcast_in_dim3A_2 {strides = array<i32>} : memref<1040xf32, #tpu.memory_space<vmem>>, vector<16xf32>,
    }
    %scan3A_20 = arith.constant 65 : i32
    %scan3A_21 = arith.constant 0 : i32
    %scan3A_22 = arith.constant 0 : i32
    %scan3A_23 = arith.constant 192 : i32
    %scan3A_24 = arith.addi %scan3A_22, %scan3A_23 : i32
    %scan3A_25 = arith.constant 1 : i32
    %scan3A_26 = scf.for %scan3A_35 = %scan3A_22 to %scan3A_24 step %scan3A_25 iter_args(%scan3A_36 = %scan3A_21) -> (i32)  : i32 {
      %mul3A_37 = arith.constant 16 : i32
      %mul3A_38 = arith.muli %scan3A_35, %mul3A_37 : i32
      %get3A_39 = arith.index_cast %mul3A_38 : i32 to index
      %get3A_40 = tpu.vector_load %arg8[%get3A_39] {strides = array<i32>} : memref<3072xf32, #tpu.memory_space<vmem>>, vector<16xf32>,
      %mul3A_41 = arith.constant 1.280000e+02 : f32
      %mul3A_42 = vector.broadcast %mul3A_41 : f32 to vector<16xf32>
      %mul3A_43 = arith.mulf %get3A_40, %mul3A_42 : vector<16xf32>
      %convert_element_type3A = arith.fptosi %mul3A_43 : vector<16xf32> to vector<16xi32>
      %min3A = arith.constant 127 : i32
      %min3A_44 = vector.broadcast %min3A : i32 to vector<16xi32>
      %min3A_45 = arith.minsi %convert_element_type3A, %min3A_44 : vector<16xi32>
      %gt3A = arith.constant 0.000000e+00 : f32
      %gt3A_46 = vector.broadcast %gt3A : f32 to vector<16xf32>
      %gt3A_47 = arith.cmpf ogt, %get3A_40, %gt3A_46 : vector<16xf32>
      %ge3A = vector.broadcast %reduce_max3A_16 : i32 to vector<16xi32>
      %ge3A_48 = arith.cmpi sge, %min3A_45, %ge3A : vector<16xi32>
      %and3A = arith.andi %gt3A_47, %ge3A_48 : vector<16xi1>
      %mul3A_49 = arith.constant 16 : i32
      %mul3A_50 = arith.muli %scan3A_35, %mul3A_49 : i32
      %get3A_51 = arith.index_cast %mul3A_50 : i32 to index
      %get3A_52 = tpu.vector_load %arg9[%get3A_51] {strides = array<i32>} : memref<3072xi32, #tpu.memory_space<vmem>>, vector<16xi32>,
      %min3A_53 = arith.constant 1024 : i32
      %min3A_54 = arith.minsi %scan3A_36, %min3A_53 : i32
      %swap3A_55 = arith.index_cast %min3A_54 : i32 to index
      %swap3A_56 = tpu.vector_load %arg10[%swap3A_55] masked %and3A {strides = array<i32>} : memref<1040xf32, #tpu.memory_space<vmem>>, vector<16xf32>, vector<16xi1>
      tpu.vector_store %arg10[%swap3A_55], %get3A_40 masked %and3A {strides = array<i32>} : memref<1040xf32, #tpu.memory_space<vmem>>, vector<16xf32>, vector<16xi1>
      %swap3A_57 = arith.index_cast %min3A_54 : i32 to index
      %swap3A_58 = tpu.vector_load %arg11[%swap3A_57] masked %and3A {strides = array<i32>} : memref<1040xi32, #tpu.memory_space<vmem>>, vector<16xi32>, vector<16xi1>
      tpu.vector_store %arg11[%swap3A_57], %get3A_52 masked %and3A {strides = array<i32>} : memref<1040xi32, #tpu.memory_space<vmem>>, vector<16xi32>, vector<16xi1>
      %all_reduce_population_count3A = tpu.all_reduce %and3A {dim = 0 : i64, kind = #tpu.reduction_kind<sum>} : vector<16xi1> -> vector<16xi32>
      %reduce_max3A_59 = arith.constant true
      %reduce_max3A_60 = vector.broadcast %reduce_max3A_59 : i1 to vector<16xi1>
      %reduce_max3A_61 = arith.constant -2147483648 : i32
      %reduce_max3A_62 = vector.broadcast %reduce_max3A_61 : i32 to vector<16xi32>
      %reduce_max3A_63 = arith.xori %all_reduce_population_count3A, %reduce_max3A_62 : vector<16xi32>
      %reduce_max3A_64 = tpu.scan <max>, %reduce_max3A_63 masked %reduce_max3A_60 : vector<16xi32>, vector<16xi1> -> vector<16xi32>
      %reduce_max3A_65 = arith.xori %reduce_max3A_64, %reduce_max3A_62 : vector<16xi32>
      %reduce_max3A_66 = vector.extract %reduce_max3A_65[15] : i32 from vector<16xi32>
      %add3A_67 = arith.addi %scan3A_36, %reduce_max3A_66 : i32
      scf.yield %add3A_67 : i32
    }
    %scan3A_27 = arith.constant 192 : i32
    %mul3A_28 = vector.broadcast %scan3A_26 : i32 to vector<16xi32>
    %mul3A_29 = arith.muli %broadcast_in_dim3A_4, %mul3A_28 : vector<16xi32>
    %swap3A = arith.constant 0 : index
    %swap3A_30 = tpu.vector_load %arg12[%swap3A] {strides = array<i32>} : memref<16xi32, #tpu.memory_space<vmem>>, vector<16xi32>,
    tpu.vector_store %arg12[%swap3A], %mul3A_29 {strides = array<i32>} : memref<16xi32, #tpu.memory_space<vmem>>, vector<16xi32>,
    %mul3A_31 = arith.constant 1024 : i32
    %mul3A_32 = arith.muli %add3A, %mul3A_31 : i32
    "tpu.region"() ({
      %run_scoped3A = tpu.sem_alloc : memref<!tpu.dma_semaphore, #tpu.memory_space<semaphore_mem>>
      %dma_start3A = arith.constant 0 : i32
      %dma_start3A_35 = tpu.memref_slice %arg10[%dma_start3A] : memref<1040xf32, #tpu.memory_space<vmem>> -> memref<1024xf32, #tpu.memory_space<vmem>>
      %dma_start3A_36 = tpu.memref_slice %arg5[%mul3A_32] : memref<32768xf32, #tpu.memory_space<hbm>> -> memref<1024xf32, #tpu.memory_space<hbm>>
      %dma_start3A_37 = tpu.memref_slice %arg5[%mul3A_32] : memref<32768xf32, #tpu.memory_space<hbm>> -> memref<1024xf32, #tpu.memory_space<hbm>>
      %dma_start3A_38 = arith.constant 0 : i32
      %dma_start3A_39 = tpu.memref_slice %arg10[%dma_start3A_38] : memref<1040xf32, #tpu.memory_space<vmem>> -> memref<1024xf32, #tpu.memory_space<vmem>>
      tpu.enqueue_dma source(%dma_start3A_39 : memref<1024xf32, #tpu.memory_space<vmem>>) target(%dma_start3A_37 : memref<1024xf32, #tpu.memory_space<hbm>>) target_semaphore(%run_scoped3A : memref<!tpu.dma_semaphore, #tpu.memory_space<semaphore_mem>>)
      %dma_wait3A = arith.constant 0 : i32
      %dma_wait3A_40 = tpu.memref_slice %arg10[%dma_wait3A] : memref<1040xf32, #tpu.memory_space<vmem>> -> memref<1024xf32, #tpu.memory_space<vmem>>
      %dma_wait3A_41 = tpu.memref_slice %arg5[%mul3A_32] : memref<32768xf32, #tpu.memory_space<hbm>> -> memref<1024xf32, #tpu.memory_space<hbm>>
      %dma_wait3A_42 = tpu.memref_slice %arg5[%mul3A_32] : memref<32768xf32, #tpu.memory_space<hbm>> -> memref<1024xf32, #tpu.memory_space<hbm>>
      %dma_wait3A_43 = arith.constant 0 : i32
      %dma_wait3A_44 = tpu.memref_slice %arg10[%dma_wait3A_43] : memref<1040xf32, #tpu.memory_space<vmem>> -> memref<1024xf32, #tpu.memory_space<vmem>>
      tpu.wait_dma2 semaphore(%run_scoped3A : memref<!tpu.dma_semaphore, #tpu.memory_space<semaphore_mem>>) src(%dma_wait3A_44 : memref<1024xf32, #tpu.memory_space<vmem>>) dst(%dma_wait3A_42 : memref<1024xf32, #tpu.memory_space<hbm>>)
      tpu.yield
    }) : () -> ()
    %mul3A_33 = arith.constant 1024 : i32
    %mul3A_34 = arith.muli %add3A, %mul3A_33 : i32
    "tpu.region"() ({
      %run_scoped3A = tpu.sem_alloc : memref<!tpu.dma_semaphore, #tpu.memory_space<semaphore_mem>>
      %dma_start3A = arith.constant 0 : i32
      %dma_start3A_35 = tpu.memref_slice %arg11[%dma_start3A] : memref<1040xi32, #tpu.memory_space<vmem>> -> memref<1024xi32, #tpu.memory_space<vmem>>
      %dma_start3A_36 = tpu.memref_slice %arg6[%mul3A_34] : memref<32768xi32, #tpu.memory_space<hbm>> -> memref<1024xi32, #tpu.memory_space<hbm>>
      %dma_start3A_37 = tpu.memref_slice %arg6[%mul3A_34] : memref<32768xi32, #tpu.memory_space<hbm>> -> memref<1024xi32, #tpu.memory_space<hbm>>
      %dma_start3A_38 = arith.constant 0 : i32
      %dma_start3A_39 = tpu.memref_slice %arg11[%dma_start3A_38] : memref<1040xi32, #tpu.memory_space<vmem>> -> memref<1024xi32, #tpu.memory_space<vmem>>
      tpu.enqueue_dma source(%dma_start3A_39 : memref<1024xi32, #tpu.memory_space<vmem>>) target(%dma_start3A_37 : memref<1024xi32, #tpu.memory_space<hbm>>) target_semaphore(%run_scoped3A : memref<!tpu.dma_semaphore, #tpu.memory_space<semaphore_mem>>)
      %dma_wait3A = arith.constant 0 : i32
      %dma_wait3A_40 = tpu.memref_slice %arg11[%dma_wait3A] : memref<1040xi32, #tpu.memory_space<vmem>> -> memref<1024xi32, #tpu.memory_space<vmem>>
      %dma_wait3A_41 = tpu.memref_slice %arg6[%mul3A_34] : memref<32768xi32, #tpu.memory_space<hbm>> -> memref<1024xi32, #tpu.memory_space<hbm>>
      %dma_wait3A_42 = tpu.memref_slice %arg6[%mul3A_34] : memref<32768xi32, #tpu.memory_space<hbm>> -> memref<1024xi32, #tpu.memory_space<hbm>>
      %dma_wait3A_43 = arith.constant 0 : i32
      %dma_wait3A_44 = tpu.memref_slice %arg11[%dma_wait3A_43] : memref<1040xi32, #tpu.memory_space<vmem>> -> memref<1024xi32, #tpu.memory_space<vmem>>
      tpu.wait_dma2 semaphore(%run_scoped3A : memref<!tpu.dma_semaphore, #tpu.memory_space<semaphore_mem>>) src(%dma_wait3A_44 : memref<1024xi32, #tpu.memory_space<vmem>>) dst(%dma_wait3A_42 : memref<1024xi32, #tpu.memory_space<hbm>>)
      tpu.yield
    }) : () -> ()
    "tpu.region"() ({
      %run_scoped3A = tpu.sem_alloc : memref<!tpu.dma_semaphore, #tpu.memory_space<semaphore_mem>>
      %dma_start3A = arith.constant 0 : i32
      %dma_start3A_35 = tpu.memref_slice %arg7[%add3A, %dma_start3A] : memref<32x16xi32, #tpu.memory_space<hbm>> -> memref<1x16xi32, #tpu.memory_space<hbm>>
      %dma_start3A_36 = tpu.memref_squeeze %dma_start3A_35 : memref<1x16xi32, #tpu.memory_space<hbm>> -> memref<16xi32, #tpu.memory_space<hbm>>
      %dma_start3A_37 = arith.constant 0 : i32
      %dma_start3A_38 = tpu.memref_slice %arg7[%add3A, %dma_start3A_37] : memref<32x16xi32, #tpu.memory_space<hbm>> -> memref<1x16xi32, #tpu.memory_space<hbm>>
      %dma_start3A_39 = tpu.memref_squeeze %dma_start3A_38 : memref<1x16xi32, #tpu.memory_space<hbm>> -> memref<16xi32, #tpu.memory_space<hbm>>
      tpu.enqueue_dma source(%arg12 : memref<16xi32, #tpu.memory_space<vmem>>) target(%dma_start3A_39 : memref<16xi32, #tpu.memory_space<hbm>>) target_semaphore(%run_scoped3A : memref<!tpu.dma_semaphore, #tpu.memory_space<semaphore_mem>>)
      %dma_wait3A = arith.constant 0 : i32
      %dma_wait3A_40 = tpu.memref_slice %arg7[%add3A, %dma_wait3A] : memref<32x16xi32, #tpu.memory_space<hbm>> -> memref<1x16xi32, #tpu.memory_space<hbm>>
      %dma_wait3A_41 = tpu.memref_squeeze %dma_wait3A_40 : memref<1x16xi32, #tpu.memory_space<hbm>> -> memref<16xi32, #tpu.memory_space<hbm>>
      %dma_wait3A_42 = arith.constant 0 : i32
      %dma_wait3A_43 = tpu.memref_slice %arg7[%add3A, %dma_wait3A_42] : memref<32x16xi32, #tpu.memory_space<hbm>> -> memref<1x16xi32, #tpu.memory_space<hbm>>
      %dma_wait3A_44 = tpu.memref_squeeze %dma_wait3A_43 : memref<1x16xi32, #tpu.memory_space<hbm>> -> memref<16xi32, #tpu.memory_space<hbm>>
      tpu.wait_dma2 semaphore(%run_scoped3A : memref<!tpu.dma_semaphore, #tpu.memory_space<semaphore_mem>>) src(%arg12 : memref<16xi32, #tpu.memory_space<vmem>>) dst(%dma_wait3A_44 : memref<16xi32, #tpu.memory_space<hbm>>)
      tpu.yield
    }) : () -> ()
    return
  }
}

#map = affine_map<(d0, d1) -> (0, 0)>
#map1 = affine_map<(d0, d1) -> (0)>
module attributes {stable_mosaic.version = 14 : i64} {
  func.func @kern(%arg0: i32, %arg1: i32, %arg2: memref<83200x16xf32, #tpu.memory_space<hbm>>, %arg3: memref<20480xi32, #tpu.memory_space<hbm>>, %arg4: memref<20480xf32, #tpu.memory_space<hbm>>, %arg5: memref<20480xf32, #tpu.memory_space<hbm>>, %arg6: memref<20480xf32, #tpu.memory_space<hbm>>, %arg7: memref<20480xf32, #tpu.memory_space<hbm>>, %arg8: memref<128xi32, #tpu.memory_space<vmem>>, %arg9: memref<1536xi32, #tpu.memory_space<vmem>>, %arg10: memref<1536x16xf32, #tpu.memory_space<vmem>>, %arg11: memref<128xf32, #tpu.memory_space<vmem>>, %arg12: memref<128xf32, #tpu.memory_space<vmem>>, %arg13: memref<128xf32, #tpu.memory_space<vmem>>, %arg14: memref<128xf32, #tpu.memory_space<vmem>>, %arg15: memref<!tpu.dma_semaphore, #tpu.memory_space<semaphore_mem>>) attributes {dimension_semantics = [#tpu.dimension_semantics<core_parallel>, #tpu.dimension_semantics<subcore_parallel>], iteration_bounds = array<i64: 2, 16>, scalar_prefetch = 0 : i64, scratch_operands = 8 : i64, tpu.core_type = #tpu.core_type<sc_vector_subcore>, window_params = [{transform_indices = #map}, {transform_indices = #map1}, {transform_indices = #map1}, {transform_indices = #map1}, {transform_indices = #map1}, {transform_indices = #map1}]} {
    %mul3A = arith.constant 2 : i32
    %mul3A_0 = arith.muli %arg1, %mul3A : i32
    %add3A = arith.addi %mul3A_0, %arg0 : i32
    %iota3A = tpu.iota {dimensions = array<i32: 0>} : vector<16xi32>
    %scan3A = arith.constant 0 : i32
    %scan3A_1 = arith.constant 5 : i32
    %scan3A_2 = arith.addi %scan3A, %scan3A_1 : i32
    %scan3A_3 = arith.constant 1 : i32
    scf.for %scan3A_5 = %scan3A to %scan3A_2 step %scan3A_3  : i32 {
      %mul3A_6 = arith.constant 1 : i32
      %mul3A_7 = arith.muli %scan3A_5, %mul3A_6 : i32
      %add3A_8 = arith.constant 0 : i32
      %add3A_9 = arith.addi %add3A_8, %mul3A_7 : i32
      %mul3A_10 = arith.constant 640 : i32
      %mul3A_11 = arith.muli %add3A, %mul3A_10 : i32
      %mul3A_12 = arith.constant 128 : i32
      %mul3A_13 = arith.muli %add3A_9, %mul3A_12 : i32
      %add3A_14 = arith.addi %mul3A_11, %mul3A_13 : i32
      "tpu.region"() ({
        %run_scoped3A = tpu.sem_alloc : memref<!tpu.dma_semaphore, #tpu.memory_space<semaphore_mem>>
        %dma_start3A_215 = tpu.memref_slice %arg3[%add3A_14] : memref<20480xi32, #tpu.memory_space<hbm>> -> memref<128xi32, #tpu.memory_space<hbm>>
        %dma_start3A_216 = tpu.memref_slice %arg3[%add3A_14] : memref<20480xi32, #tpu.memory_space<hbm>> -> memref<128xi32, #tpu.memory_space<hbm>>
        tpu.enqueue_dma source(%dma_start3A_216 : memref<128xi32, #tpu.memory_space<hbm>>) target(%arg8 : memref<128xi32, #tpu.memory_space<vmem>>) target_semaphore(%run_scoped3A : memref<!tpu.dma_semaphore, #tpu.memory_space<semaphore_mem>>)
        %dma_wait3A_217 = tpu.memref_slice %arg3[%add3A_14] : memref<20480xi32, #tpu.memory_space<hbm>> -> memref<128xi32, #tpu.memory_space<hbm>>
        %dma_wait3A_218 = tpu.memref_slice %arg3[%add3A_14] : memref<20480xi32, #tpu.memory_space<hbm>> -> memref<128xi32, #tpu.memory_space<hbm>>
        tpu.wait_dma2 semaphore(%run_scoped3A : memref<!tpu.dma_semaphore, #tpu.memory_space<semaphore_mem>>) src(%dma_wait3A_218 : memref<128xi32, #tpu.memory_space<hbm>>) dst(%arg8 : memref<128xi32, #tpu.memory_space<vmem>>)
        tpu.yield
      }) : () -> ()
      %scan3A_15 = arith.constant 0 : i32
      %scan3A_16 = arith.constant 8 : i32
      %scan3A_17 = arith.addi %scan3A_15, %scan3A_16 : i32
      %scan3A_18 = arith.constant 1 : i32
      scf.for %scan3A_215 = %scan3A_15 to %scan3A_17 step %scan3A_18  : i32 {
        %mul3A_216 = arith.constant 1 : i32
        %mul3A_217 = arith.muli %scan3A_215, %mul3A_216 : i32
        %add3A_218 = arith.constant 0 : i32
        %add3A_219 = arith.addi %add3A_218, %mul3A_217 : i32
        %mul3A_220 = arith.constant 16 : i32
        %mul3A_221 = arith.muli %add3A_219, %mul3A_220 : i32
        %add3A_222 = vector.broadcast %mul3A_221 : i32 to vector<16xi32>
        %add3A_223 = arith.addi %add3A_222, %iota3A : vector<16xi32>
        %gather3A = tpu.vector_load_idx %arg8[%add3A_223] : memref<128xi32, #tpu.memory_space<vmem>>[vector<16xi32>], vector<16xi32>,
        %shift_right_arithmetic3A = arith.constant 18 : i32
        %shift_right_arithmetic3A_224 = vector.broadcast %shift_right_arithmetic3A : i32 to vector<16xi32>
        %shift_right_arithmetic3A_225 = arith.shrsi %gather3A, %shift_right_arithmetic3A_224 : vector<16xi32>
        %and3A = arith.constant 262143 : i32
        %and3A_226 = vector.broadcast %and3A : i32 to vector<16xi32>
        %and3A_227 = arith.andi %gather3A, %and3A_226 : vector<16xi32>
        %shift_right_arithmetic3A_228 = arith.constant 9 : i32
        %shift_right_arithmetic3A_229 = vector.broadcast %shift_right_arithmetic3A_228 : i32 to vector<16xi32>
        %shift_right_arithmetic3A_230 = arith.shrsi %and3A_227, %shift_right_arithmetic3A_229 : vector<16xi32>
        %and3A_231 = arith.constant 511 : i32
        %and3A_232 = vector.broadcast %and3A_231 : i32 to vector<16xi32>
        %and3A_233 = arith.andi %and3A_227, %and3A_232 : vector<16xi32>
        %add3A_234 = arith.constant 1 : i32
        %add3A_235 = vector.broadcast %add3A_234 : i32 to vector<16xi32>
        %add3A_236 = arith.addi %and3A_233, %add3A_235 : vector<16xi32>
        %shift_right_arithmetic3A_237 = arith.constant 4 : i32
        %shift_right_arithmetic3A_238 = vector.broadcast %shift_right_arithmetic3A_237 : i32 to vector<16xi32>
        %shift_right_arithmetic3A_239 = arith.shrsi %add3A_236, %shift_right_arithmetic3A_238 : vector<16xi32>
        %mul3A_240 = arith.constant 20800 : i32
        %mul3A_241 = vector.broadcast %mul3A_240 : i32 to vector<16xi32>
        %mul3A_242 = arith.muli %shift_right_arithmetic3A_225, %mul3A_241 : vector<16xi32>
        %add3A_243 = arith.constant 1 : i32
        %add3A_244 = vector.broadcast %add3A_243 : i32 to vector<16xi32>
        %add3A_245 = arith.addi %shift_right_arithmetic3A_230, %add3A_244 : vector<16xi32>
        %mul3A_246 = arith.constant 40 : i32
        %mul3A_247 = vector.broadcast %mul3A_246 : i32 to vector<16xi32>
        %mul3A_248 = arith.muli %add3A_245, %mul3A_247 : vector<16xi32>
        %add3A_249 = arith.addi %mul3A_242, %mul3A_248 : vector<16xi32>
        %add3A_250 = arith.addi %add3A_249, %shift_right_arithmetic3A_239 : vector<16xi32>
        %mul3A_251 = arith.constant 12 : i32
        %mul3A_252 = vector.broadcast %mul3A_251 : i32 to vector<16xi32>
        %mul3A_253 = arith.muli %add3A_223, %mul3A_252 : vector<16xi32>
        %add3A_254 = arith.constant 0 : i32
        %add3A_255 = vector.broadcast %add3A_254 : i32 to vector<16xi32>
        %add3A_256 = arith.addi %mul3A_253, %add3A_255 : vector<16xi32>
        %add3A_257 = arith.constant 0 : i32
        %add3A_258 = vector.broadcast %add3A_257 : i32 to vector<16xi32>
        %add3A_259 = arith.addi %add3A_250, %add3A_258 : vector<16xi32>
        %add3A_260 = arith.constant 0 : i32
        %add3A_261 = vector.broadcast %add3A_260 : i32 to vector<16xi32>
        %add3A_262 = arith.addi %add3A_259, %add3A_261 : vector<16xi32>
        tpu.vector_store_idx %arg9[%add3A_256], %add3A_262 : memref<1536xi32, #tpu.memory_space<vmem>>[vector<16xi32>], vector<16xi32>,
        %mul3A_263 = arith.constant 12 : i32
        %mul3A_264 = vector.broadcast %mul3A_263 : i32 to vector<16xi32>
        %mul3A_265 = arith.muli %add3A_223, %mul3A_264 : vector<16xi32>
        %add3A_266 = arith.constant 1 : i32
        %add3A_267 = vector.broadcast %add3A_266 : i32 to vector<16xi32>
        %add3A_268 = arith.addi %mul3A_265, %add3A_267 : vector<16xi32>
        %add3A_269 = arith.constant 0 : i32
        %add3A_270 = vector.broadcast %add3A_269 : i32 to vector<16xi32>
        %add3A_271 = arith.addi %add3A_250, %add3A_270 : vector<16xi32>
        %add3A_272 = arith.constant 1 : i32
        %add3A_273 = vector.broadcast %add3A_272 : i32 to vector<16xi32>
        %add3A_274 = arith.addi %add3A_271, %add3A_273 : vector<16xi32>
        tpu.vector_store_idx %arg9[%add3A_268], %add3A_274 : memref<1536xi32, #tpu.memory_space<vmem>>[vector<16xi32>], vector<16xi32>,
        %mul3A_275 = arith.constant 12 : i32
        %mul3A_276 = vector.broadcast %mul3A_275 : i32 to vector<16xi32>
        %mul3A_277 = arith.muli %add3A_223, %mul3A_276 : vector<16xi32>
        %add3A_278 = arith.constant 2 : i32
        %add3A_279 = vector.broadcast %add3A_278 : i32 to vector<16xi32>
        %add3A_280 = arith.addi %mul3A_277, %add3A_279 : vector<16xi32>
        %add3A_281 = arith.constant 40 : i32
        %add3A_282 = vector.broadcast %add3A_281 : i32 to vector<16xi32>
        %add3A_283 = arith.addi %add3A_250, %add3A_282 : vector<16xi32>
        %add3A_284 = arith.constant 0 : i32
        %add3A_285 = vector.broadcast %add3A_284 : i32 to vector<16xi32>
        %add3A_286 = arith.addi %add3A_283, %add3A_285 : vector<16xi32>
        tpu.vector_store_idx %arg9[%add3A_280], %add3A_286 : memref<1536xi32, #tpu.memory_space<vmem>>[vector<16xi32>], vector<16xi32>,
        %mul3A_287 = arith.constant 12 : i32
        %mul3A_288 = vector.broadcast %mul3A_287 : i32 to vector<16xi32>
        %mul3A_289 = arith.muli %add3A_223, %mul3A_288 : vector<16xi32>
        %add3A_290 = arith.constant 3 : i32
        %add3A_291 = vector.broadcast %add3A_290 : i32 to vector<16xi32>
        %add3A_292 = arith.addi %mul3A_289, %add3A_291 : vector<16xi32>
        %add3A_293 = arith.constant 40 : i32
        %add3A_294 = vector.broadcast %add3A_293 : i32 to vector<16xi32>
        %add3A_295 = arith.addi %add3A_250, %add3A_294 : vector<16xi32>
        %add3A_296 = arith.constant 1 : i32
        %add3A_297 = vector.broadcast %add3A_296 : i32 to vector<16xi32>
        %add3A_298 = arith.addi %add3A_295, %add3A_297 : vector<16xi32>
        tpu.vector_store_idx %arg9[%add3A_292], %add3A_298 : memref<1536xi32, #tpu.memory_space<vmem>>[vector<16xi32>], vector<16xi32>,
        %mul3A_299 = arith.constant 12 : i32
        %mul3A_300 = vector.broadcast %mul3A_299 : i32 to vector<16xi32>
        %mul3A_301 = arith.muli %add3A_223, %mul3A_300 : vector<16xi32>
        %add3A_302 = arith.constant 4 : i32
        %add3A_303 = vector.broadcast %add3A_302 : i32 to vector<16xi32>
        %add3A_304 = arith.addi %mul3A_301, %add3A_303 : vector<16xi32>
        %add3A_305 = arith.constant 80 : i32
        %add3A_306 = vector.broadcast %add3A_305 : i32 to vector<16xi32>
        %add3A_307 = arith.addi %add3A_250, %add3A_306 : vector<16xi32>
        %add3A_308 = arith.constant 0 : i32
        %add3A_309 = vector.broadcast %add3A_308 : i32 to vector<16xi32>
        %add3A_310 = arith.addi %add3A_307, %add3A_309 : vector<16xi32>
        tpu.vector_store_idx %arg9[%add3A_304], %add3A_310 : memref<1536xi32, #tpu.memory_space<vmem>>[vector<16xi32>], vector<16xi32>,
        %mul3A_311 = arith.constant 12 : i32
        %mul3A_312 = vector.broadcast %mul3A_311 : i32 to vector<16xi32>
        %mul3A_313 = arith.muli %add3A_223, %mul3A_312 : vector<16xi32>
        %add3A_314 = arith.constant 5 : i32
        %add3A_315 = vector.broadcast %add3A_314 : i32 to vector<16xi32>
        %add3A_316 = arith.addi %mul3A_313, %add3A_315 : vector<16xi32>
        %add3A_317 = arith.constant 80 : i32
        %add3A_318 = vector.broadcast %add3A_317 : i32 to vector<16xi32>
        %add3A_319 = arith.addi %add3A_250, %add3A_318 : vector<16xi32>
        %add3A_320 = arith.constant 1 : i32
        %add3A_321 = vector.broadcast %add3A_320 : i32 to vector<16xi32>
        %add3A_322 = arith.addi %add3A_319, %add3A_321 : vector<16xi32>
        tpu.vector_store_idx %arg9[%add3A_316], %add3A_322 : memref<1536xi32, #tpu.memory_space<vmem>>[vector<16xi32>], vector<16xi32>,
        %mul3A_323 = arith.constant 12 : i32
        %mul3A_324 = vector.broadcast %mul3A_323 : i32 to vector<16xi32>
        %mul3A_325 = arith.muli %add3A_223, %mul3A_324 : vector<16xi32>
        %add3A_326 = arith.constant 6 : i32
        %add3A_327 = vector.broadcast %add3A_326 : i32 to vector<16xi32>
        %add3A_328 = arith.addi %mul3A_325, %add3A_327 : vector<16xi32>
        %add3A_329 = arith.constant 120 : i32
        %add3A_330 = vector.broadcast %add3A_329 : i32 to vector<16xi32>
        %add3A_331 = arith.addi %add3A_250, %add3A_330 : vector<16xi32>
        %add3A_332 = arith.constant 0 : i32
        %add3A_333 = vector.broadcast %add3A_332 : i32 to vector<16xi32>
        %add3A_334 = arith.addi %add3A_331, %add3A_333 : vector<16xi32>
        tpu.vector_store_idx %arg9[%add3A_328], %add3A_334 : memref<1536xi32, #tpu.memory_space<vmem>>[vector<16xi32>], vector<16xi32>,
        %mul3A_335 = arith.constant 12 : i32
        %mul3A_336 = vector.broadcast %mul3A_335 : i32 to vector<16xi32>
        %mul3A_337 = arith.muli %add3A_223, %mul3A_336 : vector<16xi32>
        %add3A_338 = arith.constant 7 : i32
        %add3A_339 = vector.broadcast %add3A_338 : i32 to vector<16xi32>
        %add3A_340 = arith.addi %mul3A_337, %add3A_339 : vector<16xi32>
        %add3A_341 = arith.constant 120 : i32
        %add3A_342 = vector.broadcast %add3A_341 : i32 to vector<16xi32>
        %add3A_343 = arith.addi %add3A_250, %add3A_342 : vector<16xi32>
        %add3A_344 = arith.constant 1 : i32
        %add3A_345 = vector.broadcast %add3A_344 : i32 to vector<16xi32>
        %add3A_346 = arith.addi %add3A_343, %add3A_345 : vector<16xi32>
        tpu.vector_store_idx %arg9[%add3A_340], %add3A_346 : memref<1536xi32, #tpu.memory_space<vmem>>[vector<16xi32>], vector<16xi32>,
        %mul3A_347 = arith.constant 12 : i32
        %mul3A_348 = vector.broadcast %mul3A_347 : i32 to vector<16xi32>
        %mul3A_349 = arith.muli %add3A_223, %mul3A_348 : vector<16xi32>
        %add3A_350 = arith.constant 8 : i32
        %add3A_351 = vector.broadcast %add3A_350 : i32 to vector<16xi32>
        %add3A_352 = arith.addi %mul3A_349, %add3A_351 : vector<16xi32>
        %add3A_353 = arith.constant 160 : i32
        %add3A_354 = vector.broadcast %add3A_353 : i32 to vector<16xi32>
        %add3A_355 = arith.addi %add3A_250, %add3A_354 : vector<16xi32>
        %add3A_356 = arith.constant 0 : i32
        %add3A_357 = vector.broadcast %add3A_356 : i32 to vector<16xi32>
        %add3A_358 = arith.addi %add3A_355, %add3A_357 : vector<16xi32>
        tpu.vector_store_idx %arg9[%add3A_352], %add3A_358 : memref<1536xi32, #tpu.memory_space<vmem>>[vector<16xi32>], vector<16xi32>,
        %mul3A_359 = arith.constant 12 : i32
        %mul3A_360 = vector.broadcast %mul3A_359 : i32 to vector<16xi32>
        %mul3A_361 = arith.muli %add3A_223, %mul3A_360 : vector<16xi32>
        %add3A_362 = arith.constant 9 : i32
        %add3A_363 = vector.broadcast %add3A_362 : i32 to vector<16xi32>
        %add3A_364 = arith.addi %mul3A_361, %add3A_363 : vector<16xi32>
        %add3A_365 = arith.constant 160 : i32
        %add3A_366 = vector.broadcast %add3A_365 : i32 to vector<16xi32>
        %add3A_367 = arith.addi %add3A_250, %add3A_366 : vector<16xi32>
        %add3A_368 = arith.constant 1 : i32
        %add3A_369 = vector.broadcast %add3A_368 : i32 to vector<16xi32>
        %add3A_370 = arith.addi %add3A_367, %add3A_369 : vector<16xi32>
        tpu.vector_store_idx %arg9[%add3A_364], %add3A_370 : memref<1536xi32, #tpu.memory_space<vmem>>[vector<16xi32>], vector<16xi32>,
        %mul3A_371 = arith.constant 12 : i32
        %mul3A_372 = vector.broadcast %mul3A_371 : i32 to vector<16xi32>
        %mul3A_373 = arith.muli %add3A_223, %mul3A_372 : vector<16xi32>
        %add3A_374 = arith.constant 10 : i32
        %add3A_375 = vector.broadcast %add3A_374 : i32 to vector<16xi32>
        %add3A_376 = arith.addi %mul3A_373, %add3A_375 : vector<16xi32>
        %add3A_377 = arith.constant 200 : i32
        %add3A_378 = vector.broadcast %add3A_377 : i32 to vector<16xi32>
        %add3A_379 = arith.addi %add3A_250, %add3A_378 : vector<16xi32>
        %add3A_380 = arith.constant 0 : i32
        %add3A_381 = vector.broadcast %add3A_380 : i32 to vector<16xi32>
        %add3A_382 = arith.addi %add3A_379, %add3A_381 : vector<16xi32>
        tpu.vector_store_idx %arg9[%add3A_376], %add3A_382 : memref<1536xi32, #tpu.memory_space<vmem>>[vector<16xi32>], vector<16xi32>,
        %mul3A_383 = arith.constant 12 : i32
        %mul3A_384 = vector.broadcast %mul3A_383 : i32 to vector<16xi32>
        %mul3A_385 = arith.muli %add3A_223, %mul3A_384 : vector<16xi32>
        %add3A_386 = arith.constant 11 : i32
        %add3A_387 = vector.broadcast %add3A_386 : i32 to vector<16xi32>
        %add3A_388 = arith.addi %mul3A_385, %add3A_387 : vector<16xi32>
        %add3A_389 = arith.constant 200 : i32
        %add3A_390 = vector.broadcast %add3A_389 : i32 to vector<16xi32>
        %add3A_391 = arith.addi %add3A_250, %add3A_390 : vector<16xi32>
        %add3A_392 = arith.constant 1 : i32
        %add3A_393 = vector.broadcast %add3A_392 : i32 to vector<16xi32>
        %add3A_394 = arith.addi %add3A_391, %add3A_393 : vector<16xi32>
        tpu.vector_store_idx %arg9[%add3A_388], %add3A_394 : memref<1536xi32, #tpu.memory_space<vmem>>[vector<16xi32>], vector<16xi32>,
      }
      %scan3A_19 = arith.constant 8 : i32
      %dma_start3A = arith.constant 0 : i32
      %dma_start3A_20 = arith.constant 0 : i32
      %dma_start3A_21 = tpu.memref_slice %arg10[%dma_start3A, %dma_start3A_20] : memref<1536x16xf32, #tpu.memory_space<vmem>> -> memref<128x16xf32, #tpu.memory_space<vmem>>
      %dma_start3A_22 = arith.constant 0 : i32
      %dma_start3A_23 = tpu.memref_slice %arg9[%dma_start3A_22] : memref<1536xi32, #tpu.memory_space<vmem>> -> memref<128xi32, #tpu.memory_space<vmem>>
      %dma_start3A_24 = arith.constant 0 : i32
      %dma_start3A_25 = arith.constant 0 : i32
      %dma_start3A_26 = tpu.memref_slice %arg2[%dma_start3A_24, %dma_start3A_25] : memref<83200x16xf32, #tpu.memory_space<hbm>> -> memref<83200x16xf32, #tpu.memory_space<hbm>>
      tpu.enqueue_indirect_dma source(%dma_start3A_26 : memref<83200x16xf32, #tpu.memory_space<hbm>>) target(%dma_start3A_21 : memref<128x16xf32, #tpu.memory_space<vmem>>) offsets(%dma_start3A_23 : memref<128xi32, #tpu.memory_space<vmem>>) semaphore(%arg15 : memref<!tpu.dma_semaphore, #tpu.memory_space<semaphore_mem>>)
      %dma_start3A_27 = arith.constant 128 : i32
      %dma_start3A_28 = arith.constant 0 : i32
      %dma_start3A_29 = tpu.memref_slice %arg10[%dma_start3A_27, %dma_start3A_28] : memref<1536x16xf32, #tpu.memory_space<vmem>> -> memref<128x16xf32, #tpu.memory_space<vmem>>
      %dma_start3A_30 = arith.constant 128 : i32
      %dma_start3A_31 = tpu.memref_slice %arg9[%dma_start3A_30] : memref<1536xi32, #tpu.memory_space<vmem>> -> memref<128xi32, #tpu.memory_space<vmem>>
      %dma_start3A_32 = arith.constant 0 : i32
      %dma_start3A_33 = arith.constant 0 : i32
      %dma_start3A_34 = tpu.memref_slice %arg2[%dma_start3A_32, %dma_start3A_33] : memref<83200x16xf32, #tpu.memory_space<hbm>> -> memref<83200x16xf32, #tpu.memory_space<hbm>>
      tpu.enqueue_indirect_dma source(%dma_start3A_34 : memref<83200x16xf32, #tpu.memory_space<hbm>>) target(%dma_start3A_29 : memref<128x16xf32, #tpu.memory_space<vmem>>) offsets(%dma_start3A_31 : memref<128xi32, #tpu.memory_space<vmem>>) semaphore(%arg15 : memref<!tpu.dma_semaphore, #tpu.memory_space<semaphore_mem>>)
      %dma_start3A_35 = arith.constant 256 : i32
      %dma_start3A_36 = arith.constant 0 : i32
      %dma_start3A_37 = tpu.memref_slice %arg10[%dma_start3A_35, %dma_start3A_36] : memref<1536x16xf32, #tpu.memory_space<vmem>> -> memref<128x16xf32, #tpu.memory_space<vmem>>
      %dma_start3A_38 = arith.constant 256 : i32
      %dma_start3A_39 = tpu.memref_slice %arg9[%dma_start3A_38] : memref<1536xi32, #tpu.memory_space<vmem>> -> memref<128xi32, #tpu.memory_space<vmem>>
      %dma_start3A_40 = arith.constant 0 : i32
      %dma_start3A_41 = arith.constant 0 : i32
      %dma_start3A_42 = tpu.memref_slice %arg2[%dma_start3A_40, %dma_start3A_41] : memref<83200x16xf32, #tpu.memory_space<hbm>> -> memref<83200x16xf32, #tpu.memory_space<hbm>>
      tpu.enqueue_indirect_dma source(%dma_start3A_42 : memref<83200x16xf32, #tpu.memory_space<hbm>>) target(%dma_start3A_37 : memref<128x16xf32, #tpu.memory_space<vmem>>) offsets(%dma_start3A_39 : memref<128xi32, #tpu.memory_space<vmem>>) semaphore(%arg15 : memref<!tpu.dma_semaphore, #tpu.memory_space<semaphore_mem>>)
      %dma_start3A_43 = arith.constant 384 : i32
      %dma_start3A_44 = arith.constant 0 : i32
      %dma_start3A_45 = tpu.memref_slice %arg10[%dma_start3A_43, %dma_start3A_44] : memref<1536x16xf32, #tpu.memory_space<vmem>> -> memref<128x16xf32, #tpu.memory_space<vmem>>
      %dma_start3A_46 = arith.constant 384 : i32
      %dma_start3A_47 = tpu.memref_slice %arg9[%dma_start3A_46] : memref<1536xi32, #tpu.memory_space<vmem>> -> memref<128xi32, #tpu.memory_space<vmem>>
      %dma_start3A_48 = arith.constant 0 : i32
      %dma_start3A_49 = arith.constant 0 : i32
      %dma_start3A_50 = tpu.memref_slice %arg2[%dma_start3A_48, %dma_start3A_49] : memref<83200x16xf32, #tpu.memory_space<hbm>> -> memref<83200x16xf32, #tpu.memory_space<hbm>>
      tpu.enqueue_indirect_dma source(%dma_start3A_50 : memref<83200x16xf32, #tpu.memory_space<hbm>>) target(%dma_start3A_45 : memref<128x16xf32, #tpu.memory_space<vmem>>) offsets(%dma_start3A_47 : memref<128xi32, #tpu.memory_space<vmem>>) semaphore(%arg15 : memref<!tpu.dma_semaphore, #tpu.memory_space<semaphore_mem>>)
      %dma_start3A_51 = arith.constant 512 : i32
      %dma_start3A_52 = arith.constant 0 : i32
      %dma_start3A_53 = tpu.memref_slice %arg10[%dma_start3A_51, %dma_start3A_52] : memref<1536x16xf32, #tpu.memory_space<vmem>> -> memref<128x16xf32, #tpu.memory_space<vmem>>
      %dma_start3A_54 = arith.constant 512 : i32
      %dma_start3A_55 = tpu.memref_slice %arg9[%dma_start3A_54] : memref<1536xi32, #tpu.memory_space<vmem>> -> memref<128xi32, #tpu.memory_space<vmem>>
      %dma_start3A_56 = arith.constant 0 : i32
      %dma_start3A_57 = arith.constant 0 : i32
      %dma_start3A_58 = tpu.memref_slice %arg2[%dma_start3A_56, %dma_start3A_57] : memref<83200x16xf32, #tpu.memory_space<hbm>> -> memref<83200x16xf32, #tpu.memory_space<hbm>>
      tpu.enqueue_indirect_dma source(%dma_start3A_58 : memref<83200x16xf32, #tpu.memory_space<hbm>>) target(%dma_start3A_53 : memref<128x16xf32, #tpu.memory_space<vmem>>) offsets(%dma_start3A_55 : memref<128xi32, #tpu.memory_space<vmem>>) semaphore(%arg15 : memref<!tpu.dma_semaphore, #tpu.memory_space<semaphore_mem>>)
      %dma_start3A_59 = arith.constant 640 : i32
      %dma_start3A_60 = arith.constant 0 : i32
      %dma_start3A_61 = tpu.memref_slice %arg10[%dma_start3A_59, %dma_start3A_60] : memref<1536x16xf32, #tpu.memory_space<vmem>> -> memref<128x16xf32, #tpu.memory_space<vmem>>
      %dma_start3A_62 = arith.constant 640 : i32
      %dma_start3A_63 = tpu.memref_slice %arg9[%dma_start3A_62] : memref<1536xi32, #tpu.memory_space<vmem>> -> memref<128xi32, #tpu.memory_space<vmem>>
      %dma_start3A_64 = arith.constant 0 : i32
      %dma_start3A_65 = arith.constant 0 : i32
      %dma_start3A_66 = tpu.memref_slice %arg2[%dma_start3A_64, %dma_start3A_65] : memref<83200x16xf32, #tpu.memory_space<hbm>> -> memref<83200x16xf32, #tpu.memory_space<hbm>>
      tpu.enqueue_indirect_dma source(%dma_start3A_66 : memref<83200x16xf32, #tpu.memory_space<hbm>>) target(%dma_start3A_61 : memref<128x16xf32, #tpu.memory_space<vmem>>) offsets(%dma_start3A_63 : memref<128xi32, #tpu.memory_space<vmem>>) semaphore(%arg15 : memref<!tpu.dma_semaphore, #tpu.memory_space<semaphore_mem>>)
      %dma_start3A_67 = arith.constant 768 : i32
      %dma_start3A_68 = arith.constant 0 : i32
      %dma_start3A_69 = tpu.memref_slice %arg10[%dma_start3A_67, %dma_start3A_68] : memref<1536x16xf32, #tpu.memory_space<vmem>> -> memref<128x16xf32, #tpu.memory_space<vmem>>
      %dma_start3A_70 = arith.constant 768 : i32
      %dma_start3A_71 = tpu.memref_slice %arg9[%dma_start3A_70] : memref<1536xi32, #tpu.memory_space<vmem>> -> memref<128xi32, #tpu.memory_space<vmem>>
      %dma_start3A_72 = arith.constant 0 : i32
      %dma_start3A_73 = arith.constant 0 : i32
      %dma_start3A_74 = tpu.memref_slice %arg2[%dma_start3A_72, %dma_start3A_73] : memref<83200x16xf32, #tpu.memory_space<hbm>> -> memref<83200x16xf32, #tpu.memory_space<hbm>>
      tpu.enqueue_indirect_dma source(%dma_start3A_74 : memref<83200x16xf32, #tpu.memory_space<hbm>>) target(%dma_start3A_69 : memref<128x16xf32, #tpu.memory_space<vmem>>) offsets(%dma_start3A_71 : memref<128xi32, #tpu.memory_space<vmem>>) semaphore(%arg15 : memref<!tpu.dma_semaphore, #tpu.memory_space<semaphore_mem>>)
      %dma_start3A_75 = arith.constant 896 : i32
      %dma_start3A_76 = arith.constant 0 : i32
      %dma_start3A_77 = tpu.memref_slice %arg10[%dma_start3A_75, %dma_start3A_76] : memref<1536x16xf32, #tpu.memory_space<vmem>> -> memref<128x16xf32, #tpu.memory_space<vmem>>
      %dma_start3A_78 = arith.constant 896 : i32
      %dma_start3A_79 = tpu.memref_slice %arg9[%dma_start3A_78] : memref<1536xi32, #tpu.memory_space<vmem>> -> memref<128xi32, #tpu.memory_space<vmem>>
      %dma_start3A_80 = arith.constant 0 : i32
      %dma_start3A_81 = arith.constant 0 : i32
      %dma_start3A_82 = tpu.memref_slice %arg2[%dma_start3A_80, %dma_start3A_81] : memref<83200x16xf32, #tpu.memory_space<hbm>> -> memref<83200x16xf32, #tpu.memory_space<hbm>>
      tpu.enqueue_indirect_dma source(%dma_start3A_82 : memref<83200x16xf32, #tpu.memory_space<hbm>>) target(%dma_start3A_77 : memref<128x16xf32, #tpu.memory_space<vmem>>) offsets(%dma_start3A_79 : memref<128xi32, #tpu.memory_space<vmem>>) semaphore(%arg15 : memref<!tpu.dma_semaphore, #tpu.memory_space<semaphore_mem>>)
      %dma_start3A_83 = arith.constant 1024 : i32
      %dma_start3A_84 = arith.constant 0 : i32
      %dma_start3A_85 = tpu.memref_slice %arg10[%dma_start3A_83, %dma_start3A_84] : memref<1536x16xf32, #tpu.memory_space<vmem>> -> memref<128x16xf32, #tpu.memory_space<vmem>>
      %dma_start3A_86 = arith.constant 1024 : i32
      %dma_start3A_87 = tpu.memref_slice %arg9[%dma_start3A_86] : memref<1536xi32, #tpu.memory_space<vmem>> -> memref<128xi32, #tpu.memory_space<vmem>>
      %dma_start3A_88 = arith.constant 0 : i32
      %dma_start3A_89 = arith.constant 0 : i32
      %dma_start3A_90 = tpu.memref_slice %arg2[%dma_start3A_88, %dma_start3A_89] : memref<83200x16xf32, #tpu.memory_space<hbm>> -> memref<83200x16xf32, #tpu.memory_space<hbm>>
      tpu.enqueue_indirect_dma source(%dma_start3A_90 : memref<83200x16xf32, #tpu.memory_space<hbm>>) target(%dma_start3A_85 : memref<128x16xf32, #tpu.memory_space<vmem>>) offsets(%dma_start3A_87 : memref<128xi32, #tpu.memory_space<vmem>>) semaphore(%arg15 : memref<!tpu.dma_semaphore, #tpu.memory_space<semaphore_mem>>)
      %dma_start3A_91 = arith.constant 1152 : i32
      %dma_start3A_92 = arith.constant 0 : i32
      %dma_start3A_93 = tpu.memref_slice %arg10[%dma_start3A_91, %dma_start3A_92] : memref<1536x16xf32, #tpu.memory_space<vmem>> -> memref<128x16xf32, #tpu.memory_space<vmem>>
      %dma_start3A_94 = arith.constant 1152 : i32
      %dma_start3A_95 = tpu.memref_slice %arg9[%dma_start3A_94] : memref<1536xi32, #tpu.memory_space<vmem>> -> memref<128xi32, #tpu.memory_space<vmem>>
      %dma_start3A_96 = arith.constant 0 : i32
      %dma_start3A_97 = arith.constant 0 : i32
      %dma_start3A_98 = tpu.memref_slice %arg2[%dma_start3A_96, %dma_start3A_97] : memref<83200x16xf32, #tpu.memory_space<hbm>> -> memref<83200x16xf32, #tpu.memory_space<hbm>>
      tpu.enqueue_indirect_dma source(%dma_start3A_98 : memref<83200x16xf32, #tpu.memory_space<hbm>>) target(%dma_start3A_93 : memref<128x16xf32, #tpu.memory_space<vmem>>) offsets(%dma_start3A_95 : memref<128xi32, #tpu.memory_space<vmem>>) semaphore(%arg15 : memref<!tpu.dma_semaphore, #tpu.memory_space<semaphore_mem>>)
      %dma_start3A_99 = arith.constant 1280 : i32
      %dma_start3A_100 = arith.constant 0 : i32
      %dma_start3A_101 = tpu.memref_slice %arg10[%dma_start3A_99, %dma_start3A_100] : memref<1536x16xf32, #tpu.memory_space<vmem>> -> memref<128x16xf32, #tpu.memory_space<vmem>>
      %dma_start3A_102 = arith.constant 1280 : i32
      %dma_start3A_103 = tpu.memref_slice %arg9[%dma_start3A_102] : memref<1536xi32, #tpu.memory_space<vmem>> -> memref<128xi32, #tpu.memory_space<vmem>>
      %dma_start3A_104 = arith.constant 0 : i32
      %dma_start3A_105 = arith.constant 0 : i32
      %dma_start3A_106 = tpu.memref_slice %arg2[%dma_start3A_104, %dma_start3A_105] : memref<83200x16xf32, #tpu.memory_space<hbm>> -> memref<83200x16xf32, #tpu.memory_space<hbm>>
      tpu.enqueue_indirect_dma source(%dma_start3A_106 : memref<83200x16xf32, #tpu.memory_space<hbm>>) target(%dma_start3A_101 : memref<128x16xf32, #tpu.memory_space<vmem>>) offsets(%dma_start3A_103 : memref<128xi32, #tpu.memory_space<vmem>>) semaphore(%arg15 : memref<!tpu.dma_semaphore, #tpu.memory_space<semaphore_mem>>)
      %dma_start3A_107 = arith.constant 1408 : i32
      %dma_start3A_108 = arith.constant 0 : i32
      %dma_start3A_109 = tpu.memref_slice %arg10[%dma_start3A_107, %dma_start3A_108] : memref<1536x16xf32, #tpu.memory_space<vmem>> -> memref<128x16xf32, #tpu.memory_space<vmem>>
      %dma_start3A_110 = arith.constant 1408 : i32
      %dma_start3A_111 = tpu.memref_slice %arg9[%dma_start3A_110] : memref<1536xi32, #tpu.memory_space<vmem>> -> memref<128xi32, #tpu.memory_space<vmem>>
      %dma_start3A_112 = arith.constant 0 : i32
      %dma_start3A_113 = arith.constant 0 : i32
      %dma_start3A_114 = tpu.memref_slice %arg2[%dma_start3A_112, %dma_start3A_113] : memref<83200x16xf32, #tpu.memory_space<hbm>> -> memref<83200x16xf32, #tpu.memory_space<hbm>>
      tpu.enqueue_indirect_dma source(%dma_start3A_114 : memref<83200x16xf32, #tpu.memory_space<hbm>>) target(%dma_start3A_109 : memref<128x16xf32, #tpu.memory_space<vmem>>) offsets(%dma_start3A_111 : memref<128xi32, #tpu.memory_space<vmem>>) semaphore(%arg15 : memref<!tpu.dma_semaphore, #tpu.memory_space<semaphore_mem>>)
      %dma_wait3A = arith.constant 0 : i32
      %dma_wait3A_115 = arith.constant 0 : i32
      %dma_wait3A_116 = tpu.memref_slice %arg10[%dma_wait3A, %dma_wait3A_115] : memref<1536x16xf32, #tpu.memory_space<vmem>> -> memref<128x16xf32, #tpu.memory_space<vmem>>
      %dma_wait3A_117 = arith.constant 0 : i32
      %dma_wait3A_118 = tpu.memref_slice %arg9[%dma_wait3A_117] : memref<1536xi32, #tpu.memory_space<vmem>> -> memref<128xi32, #tpu.memory_space<vmem>>
      %dma_wait3A_119 = arith.constant 0 : i32
      %dma_wait3A_120 = arith.constant 0 : i32
      %dma_wait3A_121 = tpu.memref_slice %arg2[%dma_wait3A_119, %dma_wait3A_120] : memref<83200x16xf32, #tpu.memory_space<hbm>> -> memref<83200x16xf32, #tpu.memory_space<hbm>>
      tpu.wait_indirect_dma semaphore(%arg15 : memref<!tpu.dma_semaphore, #tpu.memory_space<semaphore_mem>>) src(%dma_wait3A_121 : memref<83200x16xf32, #tpu.memory_space<hbm>>) dst(%dma_wait3A_116 : memref<128x16xf32, #tpu.memory_space<vmem>>)
      %dma_wait3A_122 = arith.constant 128 : i32
      %dma_wait3A_123 = arith.constant 0 : i32
      %dma_wait3A_124 = tpu.memref_slice %arg10[%dma_wait3A_122, %dma_wait3A_123] : memref<1536x16xf32, #tpu.memory_space<vmem>> -> memref<128x16xf32, #tpu.memory_space<vmem>>
      %dma_wait3A_125 = arith.constant 128 : i32
      %dma_wait3A_126 = tpu.memref_slice %arg9[%dma_wait3A_125] : memref<1536xi32, #tpu.memory_space<vmem>> -> memref<128xi32, #tpu.memory_space<vmem>>
      %dma_wait3A_127 = arith.constant 0 : i32
      %dma_wait3A_128 = arith.constant 0 : i32
      %dma_wait3A_129 = tpu.memref_slice %arg2[%dma_wait3A_127, %dma_wait3A_128] : memref<83200x16xf32, #tpu.memory_space<hbm>> -> memref<83200x16xf32, #tpu.memory_space<hbm>>
      tpu.wait_indirect_dma semaphore(%arg15 : memref<!tpu.dma_semaphore, #tpu.memory_space<semaphore_mem>>) src(%dma_wait3A_129 : memref<83200x16xf32, #tpu.memory_space<hbm>>) dst(%dma_wait3A_124 : memref<128x16xf32, #tpu.memory_space<vmem>>)
      %dma_wait3A_130 = arith.constant 256 : i32
      %dma_wait3A_131 = arith.constant 0 : i32
      %dma_wait3A_132 = tpu.memref_slice %arg10[%dma_wait3A_130, %dma_wait3A_131] : memref<1536x16xf32, #tpu.memory_space<vmem>> -> memref<128x16xf32, #tpu.memory_space<vmem>>
      %dma_wait3A_133 = arith.constant 256 : i32
      %dma_wait3A_134 = tpu.memref_slice %arg9[%dma_wait3A_133] : memref<1536xi32, #tpu.memory_space<vmem>> -> memref<128xi32, #tpu.memory_space<vmem>>
      %dma_wait3A_135 = arith.constant 0 : i32
      %dma_wait3A_136 = arith.constant 0 : i32
      %dma_wait3A_137 = tpu.memref_slice %arg2[%dma_wait3A_135, %dma_wait3A_136] : memref<83200x16xf32, #tpu.memory_space<hbm>> -> memref<83200x16xf32, #tpu.memory_space<hbm>>
      tpu.wait_indirect_dma semaphore(%arg15 : memref<!tpu.dma_semaphore, #tpu.memory_space<semaphore_mem>>) src(%dma_wait3A_137 : memref<83200x16xf32, #tpu.memory_space<hbm>>) dst(%dma_wait3A_132 : memref<128x16xf32, #tpu.memory_space<vmem>>)
      %dma_wait3A_138 = arith.constant 384 : i32
      %dma_wait3A_139 = arith.constant 0 : i32
      %dma_wait3A_140 = tpu.memref_slice %arg10[%dma_wait3A_138, %dma_wait3A_139] : memref<1536x16xf32, #tpu.memory_space<vmem>> -> memref<128x16xf32, #tpu.memory_space<vmem>>
      %dma_wait3A_141 = arith.constant 384 : i32
      %dma_wait3A_142 = tpu.memref_slice %arg9[%dma_wait3A_141] : memref<1536xi32, #tpu.memory_space<vmem>> -> memref<128xi32, #tpu.memory_space<vmem>>
      %dma_wait3A_143 = arith.constant 0 : i32
      %dma_wait3A_144 = arith.constant 0 : i32
      %dma_wait3A_145 = tpu.memref_slice %arg2[%dma_wait3A_143, %dma_wait3A_144] : memref<83200x16xf32, #tpu.memory_space<hbm>> -> memref<83200x16xf32, #tpu.memory_space<hbm>>
      tpu.wait_indirect_dma semaphore(%arg15 : memref<!tpu.dma_semaphore, #tpu.memory_space<semaphore_mem>>) src(%dma_wait3A_145 : memref<83200x16xf32, #tpu.memory_space<hbm>>) dst(%dma_wait3A_140 : memref<128x16xf32, #tpu.memory_space<vmem>>)
      %dma_wait3A_146 = arith.constant 512 : i32
      %dma_wait3A_147 = arith.constant 0 : i32
      %dma_wait3A_148 = tpu.memref_slice %arg10[%dma_wait3A_146, %dma_wait3A_147] : memref<1536x16xf32, #tpu.memory_space<vmem>> -> memref<128x16xf32, #tpu.memory_space<vmem>>
      %dma_wait3A_149 = arith.constant 512 : i32
      %dma_wait3A_150 = tpu.memref_slice %arg9[%dma_wait3A_149] : memref<1536xi32, #tpu.memory_space<vmem>> -> memref<128xi32, #tpu.memory_space<vmem>>
      %dma_wait3A_151 = arith.constant 0 : i32
      %dma_wait3A_152 = arith.constant 0 : i32
      %dma_wait3A_153 = tpu.memref_slice %arg2[%dma_wait3A_151, %dma_wait3A_152] : memref<83200x16xf32, #tpu.memory_space<hbm>> -> memref<83200x16xf32, #tpu.memory_space<hbm>>
      tpu.wait_indirect_dma semaphore(%arg15 : memref<!tpu.dma_semaphore, #tpu.memory_space<semaphore_mem>>) src(%dma_wait3A_153 : memref<83200x16xf32, #tpu.memory_space<hbm>>) dst(%dma_wait3A_148 : memref<128x16xf32, #tpu.memory_space<vmem>>)
      %dma_wait3A_154 = arith.constant 640 : i32
      %dma_wait3A_155 = arith.constant 0 : i32
      %dma_wait3A_156 = tpu.memref_slice %arg10[%dma_wait3A_154, %dma_wait3A_155] : memref<1536x16xf32, #tpu.memory_space<vmem>> -> memref<128x16xf32, #tpu.memory_space<vmem>>
      %dma_wait3A_157 = arith.constant 640 : i32
      %dma_wait3A_158 = tpu.memref_slice %arg9[%dma_wait3A_157] : memref<1536xi32, #tpu.memory_space<vmem>> -> memref<128xi32, #tpu.memory_space<vmem>>
      %dma_wait3A_159 = arith.constant 0 : i32
      %dma_wait3A_160 = arith.constant 0 : i32
      %dma_wait3A_161 = tpu.memref_slice %arg2[%dma_wait3A_159, %dma_wait3A_160] : memref<83200x16xf32, #tpu.memory_space<hbm>> -> memref<83200x16xf32, #tpu.memory_space<hbm>>
      tpu.wait_indirect_dma semaphore(%arg15 : memref<!tpu.dma_semaphore, #tpu.memory_space<semaphore_mem>>) src(%dma_wait3A_161 : memref<83200x16xf32, #tpu.memory_space<hbm>>) dst(%dma_wait3A_156 : memref<128x16xf32, #tpu.memory_space<vmem>>)
      %dma_wait3A_162 = arith.constant 768 : i32
      %dma_wait3A_163 = arith.constant 0 : i32
      %dma_wait3A_164 = tpu.memref_slice %arg10[%dma_wait3A_162, %dma_wait3A_163] : memref<1536x16xf32, #tpu.memory_space<vmem>> -> memref<128x16xf32, #tpu.memory_space<vmem>>
      %dma_wait3A_165 = arith.constant 768 : i32
      %dma_wait3A_166 = tpu.memref_slice %arg9[%dma_wait3A_165] : memref<1536xi32, #tpu.memory_space<vmem>> -> memref<128xi32, #tpu.memory_space<vmem>>
      %dma_wait3A_167 = arith.constant 0 : i32
      %dma_wait3A_168 = arith.constant 0 : i32
      %dma_wait3A_169 = tpu.memref_slice %arg2[%dma_wait3A_167, %dma_wait3A_168] : memref<83200x16xf32, #tpu.memory_space<hbm>> -> memref<83200x16xf32, #tpu.memory_space<hbm>>
      tpu.wait_indirect_dma semaphore(%arg15 : memref<!tpu.dma_semaphore, #tpu.memory_space<semaphore_mem>>) src(%dma_wait3A_169 : memref<83200x16xf32, #tpu.memory_space<hbm>>) dst(%dma_wait3A_164 : memref<128x16xf32, #tpu.memory_space<vmem>>)
      %dma_wait3A_170 = arith.constant 896 : i32
      %dma_wait3A_171 = arith.constant 0 : i32
      %dma_wait3A_172 = tpu.memref_slice %arg10[%dma_wait3A_170, %dma_wait3A_171] : memref<1536x16xf32, #tpu.memory_space<vmem>> -> memref<128x16xf32, #tpu.memory_space<vmem>>
      %dma_wait3A_173 = arith.constant 896 : i32
      %dma_wait3A_174 = tpu.memref_slice %arg9[%dma_wait3A_173] : memref<1536xi32, #tpu.memory_space<vmem>> -> memref<128xi32, #tpu.memory_space<vmem>>
      %dma_wait3A_175 = arith.constant 0 : i32
      %dma_wait3A_176 = arith.constant 0 : i32
      %dma_wait3A_177 = tpu.memref_slice %arg2[%dma_wait3A_175, %dma_wait3A_176] : memref<83200x16xf32, #tpu.memory_space<hbm>> -> memref<83200x16xf32, #tpu.memory_space<hbm>>
      tpu.wait_indirect_dma semaphore(%arg15 : memref<!tpu.dma_semaphore, #tpu.memory_space<semaphore_mem>>) src(%dma_wait3A_177 : memref<83200x16xf32, #tpu.memory_space<hbm>>) dst(%dma_wait3A_172 : memref<128x16xf32, #tpu.memory_space<vmem>>)
      %dma_wait3A_178 = arith.constant 1024 : i32
      %dma_wait3A_179 = arith.constant 0 : i32
      %dma_wait3A_180 = tpu.memref_slice %arg10[%dma_wait3A_178, %dma_wait3A_179] : memref<1536x16xf32, #tpu.memory_space<vmem>> -> memref<128x16xf32, #tpu.memory_space<vmem>>
      %dma_wait3A_181 = arith.constant 1024 : i32
      %dma_wait3A_182 = tpu.memref_slice %arg9[%dma_wait3A_181] : memref<1536xi32, #tpu.memory_space<vmem>> -> memref<128xi32, #tpu.memory_space<vmem>>
      %dma_wait3A_183 = arith.constant 0 : i32
      %dma_wait3A_184 = arith.constant 0 : i32
      %dma_wait3A_185 = tpu.memref_slice %arg2[%dma_wait3A_183, %dma_wait3A_184] : memref<83200x16xf32, #tpu.memory_space<hbm>> -> memref<83200x16xf32, #tpu.memory_space<hbm>>
      tpu.wait_indirect_dma semaphore(%arg15 : memref<!tpu.dma_semaphore, #tpu.memory_space<semaphore_mem>>) src(%dma_wait3A_185 : memref<83200x16xf32, #tpu.memory_space<hbm>>) dst(%dma_wait3A_180 : memref<128x16xf32, #tpu.memory_space<vmem>>)
      %dma_wait3A_186 = arith.constant 1152 : i32
      %dma_wait3A_187 = arith.constant 0 : i32
      %dma_wait3A_188 = tpu.memref_slice %arg10[%dma_wait3A_186, %dma_wait3A_187] : memref<1536x16xf32, #tpu.memory_space<vmem>> -> memref<128x16xf32, #tpu.memory_space<vmem>>
      %dma_wait3A_189 = arith.constant 1152 : i32
      %dma_wait3A_190 = tpu.memref_slice %arg9[%dma_wait3A_189] : memref<1536xi32, #tpu.memory_space<vmem>> -> memref<128xi32, #tpu.memory_space<vmem>>
      %dma_wait3A_191 = arith.constant 0 : i32
      %dma_wait3A_192 = arith.constant 0 : i32
      %dma_wait3A_193 = tpu.memref_slice %arg2[%dma_wait3A_191, %dma_wait3A_192] : memref<83200x16xf32, #tpu.memory_space<hbm>> -> memref<83200x16xf32, #tpu.memory_space<hbm>>
      tpu.wait_indirect_dma semaphore(%arg15 : memref<!tpu.dma_semaphore, #tpu.memory_space<semaphore_mem>>) src(%dma_wait3A_193 : memref<83200x16xf32, #tpu.memory_space<hbm>>) dst(%dma_wait3A_188 : memref<128x16xf32, #tpu.memory_space<vmem>>)
      %dma_wait3A_194 = arith.constant 1280 : i32
      %dma_wait3A_195 = arith.constant 0 : i32
      %dma_wait3A_196 = tpu.memref_slice %arg10[%dma_wait3A_194, %dma_wait3A_195] : memref<1536x16xf32, #tpu.memory_space<vmem>> -> memref<128x16xf32, #tpu.memory_space<vmem>>
      %dma_wait3A_197 = arith.constant 1280 : i32
      %dma_wait3A_198 = tpu.memref_slice %arg9[%dma_wait3A_197] : memref<1536xi32, #tpu.memory_space<vmem>> -> memref<128xi32, #tpu.memory_space<vmem>>
      %dma_wait3A_199 = arith.constant 0 : i32
      %dma_wait3A_200 = arith.constant 0 : i32
      %dma_wait3A_201 = tpu.memref_slice %arg2[%dma_wait3A_199, %dma_wait3A_200] : memref<83200x16xf32, #tpu.memory_space<hbm>> -> memref<83200x16xf32, #tpu.memory_space<hbm>>
      tpu.wait_indirect_dma semaphore(%arg15 : memref<!tpu.dma_semaphore, #tpu.memory_space<semaphore_mem>>) src(%dma_wait3A_201 : memref<83200x16xf32, #tpu.memory_space<hbm>>) dst(%dma_wait3A_196 : memref<128x16xf32, #tpu.memory_space<vmem>>)
      %dma_wait3A_202 = arith.constant 1408 : i32
      %dma_wait3A_203 = arith.constant 0 : i32
      %dma_wait3A_204 = tpu.memref_slice %arg10[%dma_wait3A_202, %dma_wait3A_203] : memref<1536x16xf32, #tpu.memory_space<vmem>> -> memref<128x16xf32, #tpu.memory_space<vmem>>
      %dma_wait3A_205 = arith.constant 1408 : i32
      %dma_wait3A_206 = tpu.memref_slice %arg9[%dma_wait3A_205] : memref<1536xi32, #tpu.memory_space<vmem>> -> memref<128xi32, #tpu.memory_space<vmem>>
      %dma_wait3A_207 = arith.constant 0 : i32
      %dma_wait3A_208 = arith.constant 0 : i32
      %dma_wait3A_209 = tpu.memref_slice %arg2[%dma_wait3A_207, %dma_wait3A_208] : memref<83200x16xf32, #tpu.memory_space<hbm>> -> memref<83200x16xf32, #tpu.memory_space<hbm>>
      tpu.wait_indirect_dma semaphore(%arg15 : memref<!tpu.dma_semaphore, #tpu.memory_space<semaphore_mem>>) src(%dma_wait3A_209 : memref<83200x16xf32, #tpu.memory_space<hbm>>) dst(%dma_wait3A_204 : memref<128x16xf32, #tpu.memory_space<vmem>>)
      %scan3A_210 = arith.constant 0 : i32
      %scan3A_211 = arith.constant 8 : i32
      %scan3A_212 = arith.addi %scan3A_210, %scan3A_211 : i32
      %scan3A_213 = arith.constant 1 : i32
      scf.for %scan3A_215 = %scan3A_210 to %scan3A_212 step %scan3A_213  : i32 {
        %mul3A_216 = arith.constant 1 : i32
        %mul3A_217 = arith.muli %scan3A_215, %mul3A_216 : i32
        %add3A_218 = arith.constant 0 : i32
        %add3A_219 = arith.addi %add3A_218, %mul3A_217 : i32
        %mul3A_220 = arith.constant 16 : i32
        %mul3A_221 = arith.muli %add3A_219, %mul3A_220 : i32
        %add3A_222 = vector.broadcast %mul3A_221 : i32 to vector<16xi32>
        %add3A_223 = arith.addi %add3A_222, %iota3A : vector<16xi32>
        %gather3A = tpu.vector_load_idx %arg8[%add3A_223] : memref<128xi32, #tpu.memory_space<vmem>>[vector<16xi32>], vector<16xi32>,
        %and3A = arith.constant 262143 : i32
        %and3A_224 = vector.broadcast %and3A : i32 to vector<16xi32>
        %and3A_225 = arith.andi %gather3A, %and3A_224 : vector<16xi32>
        %shift_right_arithmetic3A = arith.constant 9 : i32
        %shift_right_arithmetic3A_226 = vector.broadcast %shift_right_arithmetic3A : i32 to vector<16xi32>
        %shift_right_arithmetic3A_227 = arith.shrsi %and3A_225, %shift_right_arithmetic3A_226 : vector<16xi32>
        %and3A_228 = arith.constant 511 : i32
        %and3A_229 = vector.broadcast %and3A_228 : i32 to vector<16xi32>
        %and3A_230 = arith.andi %and3A_225, %and3A_229 : vector<16xi32>
        %add3A_231 = arith.constant 1 : i32
        %add3A_232 = vector.broadcast %add3A_231 : i32 to vector<16xi32>
        %add3A_233 = arith.addi %and3A_230, %add3A_232 : vector<16xi32>
        %and3A_234 = arith.constant 15 : i32
        %and3A_235 = vector.broadcast %and3A_234 : i32 to vector<16xi32>
        %and3A_236 = arith.andi %add3A_233, %and3A_235 : vector<16xi32>
        %mul3A_237 = arith.constant 192 : i32
        %mul3A_238 = vector.broadcast %mul3A_237 : i32 to vector<16xi32>
        %mul3A_239 = arith.muli %add3A_223, %mul3A_238 : vector<16xi32>
        %add3A_240 = arith.addi %mul3A_239, %and3A_236 : vector<16xi32>
        %add3A_241 = arith.constant 0 : i32
        %add3A_242 = vector.broadcast %add3A_241 : i32 to vector<16xi32>
        %add3A_243 = arith.addi %add3A_240, %add3A_242 : vector<16xi32>
        %shift_right_arithmetic3A_244 = arith.constant 4 : i32
        %shift_right_arithmetic3A_245 = vector.broadcast %shift_right_arithmetic3A_244 : i32 to vector<16xi32>
        %shift_right_arithmetic3A_246 = arith.shrsi %add3A_243, %shift_right_arithmetic3A_245 : vector<16xi32>
        %and3A_247 = arith.constant 15 : i32
        %and3A_248 = vector.broadcast %and3A_247 : i32 to vector<16xi32>
        %and3A_249 = arith.andi %add3A_243, %and3A_248 : vector<16xi32>
        %gather3A_250 = tpu.vector_load_idx %arg10[%shift_right_arithmetic3A_246, %and3A_249] : memref<1536x16xf32, #tpu.memory_space<vmem>>[vector<16xi32>, vector<16xi32>], vector<16xf32>,
        %add3A_251 = arith.constant 1 : i32
        %add3A_252 = vector.broadcast %add3A_251 : i32 to vector<16xi32>
        %add3A_253 = arith.addi %add3A_240, %add3A_252 : vector<16xi32>
        %shift_right_arithmetic3A_254 = arith.constant 4 : i32
        %shift_right_arithmetic3A_255 = vector.broadcast %shift_right_arithmetic3A_254 : i32 to vector<16xi32>
        %shift_right_arithmetic3A_256 = arith.shrsi %add3A_253, %shift_right_arithmetic3A_255 : vector<16xi32>
        %and3A_257 = arith.constant 15 : i32
        %and3A_258 = vector.broadcast %and3A_257 : i32 to vector<16xi32>
        %and3A_259 = arith.andi %add3A_253, %and3A_258 : vector<16xi32>
        %gather3A_260 = tpu.vector_load_idx %arg10[%shift_right_arithmetic3A_256, %and3A_259] : memref<1536x16xf32, #tpu.memory_space<vmem>>[vector<16xi32>, vector<16xi32>], vector<16xf32>,
        %add3A_261 = arith.constant 2 : i32
        %add3A_262 = vector.broadcast %add3A_261 : i32 to vector<16xi32>
        %add3A_263 = arith.addi %add3A_240, %add3A_262 : vector<16xi32>
        %shift_right_arithmetic3A_264 = arith.constant 4 : i32
        %shift_right_arithmetic3A_265 = vector.broadcast %shift_right_arithmetic3A_264 : i32 to vector<16xi32>
        %shift_right_arithmetic3A_266 = arith.shrsi %add3A_263, %shift_right_arithmetic3A_265 : vector<16xi32>
        %and3A_267 = arith.constant 15 : i32
        %and3A_268 = vector.broadcast %and3A_267 : i32 to vector<16xi32>
        %and3A_269 = arith.andi %add3A_263, %and3A_268 : vector<16xi32>
        %gather3A_270 = tpu.vector_load_idx %arg10[%shift_right_arithmetic3A_266, %and3A_269] : memref<1536x16xf32, #tpu.memory_space<vmem>>[vector<16xi32>, vector<16xi32>], vector<16xf32>,
        %add3A_271 = arith.constant 3 : i32
        %add3A_272 = vector.broadcast %add3A_271 : i32 to vector<16xi32>
        %add3A_273 = arith.addi %add3A_240, %add3A_272 : vector<16xi32>
        %shift_right_arithmetic3A_274 = arith.constant 4 : i32
        %shift_right_arithmetic3A_275 = vector.broadcast %shift_right_arithmetic3A_274 : i32 to vector<16xi32>
        %shift_right_arithmetic3A_276 = arith.shrsi %add3A_273, %shift_right_arithmetic3A_275 : vector<16xi32>
        %and3A_277 = arith.constant 15 : i32
        %and3A_278 = vector.broadcast %and3A_277 : i32 to vector<16xi32>
        %and3A_279 = arith.andi %add3A_273, %and3A_278 : vector<16xi32>
        %gather3A_280 = tpu.vector_load_idx %arg10[%shift_right_arithmetic3A_276, %and3A_279] : memref<1536x16xf32, #tpu.memory_space<vmem>>[vector<16xi32>, vector<16xi32>], vector<16xf32>,
        %add3A_281 = arith.constant 4 : i32
        %add3A_282 = vector.broadcast %add3A_281 : i32 to vector<16xi32>
        %add3A_283 = arith.addi %add3A_240, %add3A_282 : vector<16xi32>
        %shift_right_arithmetic3A_284 = arith.constant 4 : i32
        %shift_right_arithmetic3A_285 = vector.broadcast %shift_right_arithmetic3A_284 : i32 to vector<16xi32>
        %shift_right_arithmetic3A_286 = arith.shrsi %add3A_283, %shift_right_arithmetic3A_285 : vector<16xi32>
        %and3A_287 = arith.constant 15 : i32
        %and3A_288 = vector.broadcast %and3A_287 : i32 to vector<16xi32>
        %and3A_289 = arith.andi %add3A_283, %and3A_288 : vector<16xi32>
        %gather3A_290 = tpu.vector_load_idx %arg10[%shift_right_arithmetic3A_286, %and3A_289] : memref<1536x16xf32, #tpu.memory_space<vmem>>[vector<16xi32>, vector<16xi32>], vector<16xf32>,
        %add3A_291 = arith.constant 5 : i32
        %add3A_292 = vector.broadcast %add3A_291 : i32 to vector<16xi32>
        %add3A_293 = arith.addi %add3A_240, %add3A_292 : vector<16xi32>
        %shift_right_arithmetic3A_294 = arith.constant 4 : i32
        %shift_right_arithmetic3A_295 = vector.broadcast %shift_right_arithmetic3A_294 : i32 to vector<16xi32>
        %shift_right_arithmetic3A_296 = arith.shrsi %add3A_293, %shift_right_arithmetic3A_295 : vector<16xi32>
        %and3A_297 = arith.constant 15 : i32
        %and3A_298 = vector.broadcast %and3A_297 : i32 to vector<16xi32>
        %and3A_299 = arith.andi %add3A_293, %and3A_298 : vector<16xi32>
        %gather3A_300 = tpu.vector_load_idx %arg10[%shift_right_arithmetic3A_296, %and3A_299] : memref<1536x16xf32, #tpu.memory_space<vmem>>[vector<16xi32>, vector<16xi32>], vector<16xf32>,
        %add3A_301 = arith.constant 32 : i32
        %add3A_302 = vector.broadcast %add3A_301 : i32 to vector<16xi32>
        %add3A_303 = arith.addi %add3A_240, %add3A_302 : vector<16xi32>
        %shift_right_arithmetic3A_304 = arith.constant 4 : i32
        %shift_right_arithmetic3A_305 = vector.broadcast %shift_right_arithmetic3A_304 : i32 to vector<16xi32>
        %shift_right_arithmetic3A_306 = arith.shrsi %add3A_303, %shift_right_arithmetic3A_305 : vector<16xi32>
        %and3A_307 = arith.constant 15 : i32
        %and3A_308 = vector.broadcast %and3A_307 : i32 to vector<16xi32>
        %and3A_309 = arith.andi %add3A_303, %and3A_308 : vector<16xi32>
        %gather3A_310 = tpu.vector_load_idx %arg10[%shift_right_arithmetic3A_306, %and3A_309] : memref<1536x16xf32, #tpu.memory_space<vmem>>[vector<16xi32>, vector<16xi32>], vector<16xf32>,
        %add3A_311 = arith.constant 33 : i32
        %add3A_312 = vector.broadcast %add3A_311 : i32 to vector<16xi32>
        %add3A_313 = arith.addi %add3A_240, %add3A_312 : vector<16xi32>
        %shift_right_arithmetic3A_314 = arith.constant 4 : i32
        %shift_right_arithmetic3A_315 = vector.broadcast %shift_right_arithmetic3A_314 : i32 to vector<16xi32>
        %shift_right_arithmetic3A_316 = arith.shrsi %add3A_313, %shift_right_arithmetic3A_315 : vector<16xi32>
        %and3A_317 = arith.constant 15 : i32
        %and3A_318 = vector.broadcast %and3A_317 : i32 to vector<16xi32>
        %and3A_319 = arith.andi %add3A_313, %and3A_318 : vector<16xi32>
        %gather3A_320 = tpu.vector_load_idx %arg10[%shift_right_arithmetic3A_316, %and3A_319] : memref<1536x16xf32, #tpu.memory_space<vmem>>[vector<16xi32>, vector<16xi32>], vector<16xf32>,
        %add3A_321 = arith.constant 34 : i32
        %add3A_322 = vector.broadcast %add3A_321 : i32 to vector<16xi32>
        %add3A_323 = arith.addi %add3A_240, %add3A_322 : vector<16xi32>
        %shift_right_arithmetic3A_324 = arith.constant 4 : i32
        %shift_right_arithmetic3A_325 = vector.broadcast %shift_right_arithmetic3A_324 : i32 to vector<16xi32>
        %shift_right_arithmetic3A_326 = arith.shrsi %add3A_323, %shift_right_arithmetic3A_325 : vector<16xi32>
        %and3A_327 = arith.constant 15 : i32
        %and3A_328 = vector.broadcast %and3A_327 : i32 to vector<16xi32>
        %and3A_329 = arith.andi %add3A_323, %and3A_328 : vector<16xi32>
        %gather3A_330 = tpu.vector_load_idx %arg10[%shift_right_arithmetic3A_326, %and3A_329] : memref<1536x16xf32, #tpu.memory_space<vmem>>[vector<16xi32>, vector<16xi32>], vector<16xf32>,
        %add3A_331 = arith.constant 35 : i32
        %add3A_332 = vector.broadcast %add3A_331 : i32 to vector<16xi32>
        %add3A_333 = arith.addi %add3A_240, %add3A_332 : vector<16xi32>
        %shift_right_arithmetic3A_334 = arith.constant 4 : i32
        %shift_right_arithmetic3A_335 = vector.broadcast %shift_right_arithmetic3A_334 : i32 to vector<16xi32>
        %shift_right_arithmetic3A_336 = arith.shrsi %add3A_333, %shift_right_arithmetic3A_335 : vector<16xi32>
        %and3A_337 = arith.constant 15 : i32
        %and3A_338 = vector.broadcast %and3A_337 : i32 to vector<16xi32>
        %and3A_339 = arith.andi %add3A_333, %and3A_338 : vector<16xi32>
        %gather3A_340 = tpu.vector_load_idx %arg10[%shift_right_arithmetic3A_336, %and3A_339] : memref<1536x16xf32, #tpu.memory_space<vmem>>[vector<16xi32>, vector<16xi32>], vector<16xf32>,
        %add3A_341 = arith.constant 36 : i32
        %add3A_342 = vector.broadcast %add3A_341 : i32 to vector<16xi32>
        %add3A_343 = arith.addi %add3A_240, %add3A_342 : vector<16xi32>
        %shift_right_arithmetic3A_344 = arith.constant 4 : i32
        %shift_right_arithmetic3A_345 = vector.broadcast %shift_right_arithmetic3A_344 : i32 to vector<16xi32>
        %shift_right_arithmetic3A_346 = arith.shrsi %add3A_343, %shift_right_arithmetic3A_345 : vector<16xi32>
        %and3A_347 = arith.constant 15 : i32
        %and3A_348 = vector.broadcast %and3A_347 : i32 to vector<16xi32>
        %and3A_349 = arith.andi %add3A_343, %and3A_348 : vector<16xi32>
        %gather3A_350 = tpu.vector_load_idx %arg10[%shift_right_arithmetic3A_346, %and3A_349] : memref<1536x16xf32, #tpu.memory_space<vmem>>[vector<16xi32>, vector<16xi32>], vector<16xf32>,
        %add3A_351 = arith.constant 37 : i32
        %add3A_352 = vector.broadcast %add3A_351 : i32 to vector<16xi32>
        %add3A_353 = arith.addi %add3A_240, %add3A_352 : vector<16xi32>
        %shift_right_arithmetic3A_354 = arith.constant 4 : i32
        %shift_right_arithmetic3A_355 = vector.broadcast %shift_right_arithmetic3A_354 : i32 to vector<16xi32>
        %shift_right_arithmetic3A_356 = arith.shrsi %add3A_353, %shift_right_arithmetic3A_355 : vector<16xi32>
        %and3A_357 = arith.constant 15 : i32
        %and3A_358 = vector.broadcast %and3A_357 : i32 to vector<16xi32>
        %and3A_359 = arith.andi %add3A_353, %and3A_358 : vector<16xi32>
        %gather3A_360 = tpu.vector_load_idx %arg10[%shift_right_arithmetic3A_356, %and3A_359] : memref<1536x16xf32, #tpu.memory_space<vmem>>[vector<16xi32>, vector<16xi32>], vector<16xf32>,
        %add3A_361 = arith.constant 64 : i32
        %add3A_362 = vector.broadcast %add3A_361 : i32 to vector<16xi32>
        %add3A_363 = arith.addi %add3A_240, %add3A_362 : vector<16xi32>
        %shift_right_arithmetic3A_364 = arith.constant 4 : i32
        %shift_right_arithmetic3A_365 = vector.broadcast %shift_right_arithmetic3A_364 : i32 to vector<16xi32>
        %shift_right_arithmetic3A_366 = arith.shrsi %add3A_363, %shift_right_arithmetic3A_365 : vector<16xi32>
        %and3A_367 = arith.constant 15 : i32
        %and3A_368 = vector.broadcast %and3A_367 : i32 to vector<16xi32>
        %and3A_369 = arith.andi %add3A_363, %and3A_368 : vector<16xi32>
        %gather3A_370 = tpu.vector_load_idx %arg10[%shift_right_arithmetic3A_366, %and3A_369] : memref<1536x16xf32, #tpu.memory_space<vmem>>[vector<16xi32>, vector<16xi32>], vector<16xf32>,
        %add3A_371 = arith.constant 65 : i32
        %add3A_372 = vector.broadcast %add3A_371 : i32 to vector<16xi32>
        %add3A_373 = arith.addi %add3A_240, %add3A_372 : vector<16xi32>
        %shift_right_arithmetic3A_374 = arith.constant 4 : i32
        %shift_right_arithmetic3A_375 = vector.broadcast %shift_right_arithmetic3A_374 : i32 to vector<16xi32>
        %shift_right_arithmetic3A_376 = arith.shrsi %add3A_373, %shift_right_arithmetic3A_375 : vector<16xi32>
        %and3A_377 = arith.constant 15 : i32
        %and3A_378 = vector.broadcast %and3A_377 : i32 to vector<16xi32>
        %and3A_379 = arith.andi %add3A_373, %and3A_378 : vector<16xi32>
        %gather3A_380 = tpu.vector_load_idx %arg10[%shift_right_arithmetic3A_376, %and3A_379] : memref<1536x16xf32, #tpu.memory_space<vmem>>[vector<16xi32>, vector<16xi32>], vector<16xf32>,
        %add3A_381 = arith.constant 66 : i32
        %add3A_382 = vector.broadcast %add3A_381 : i32 to vector<16xi32>
        %add3A_383 = arith.addi %add3A_240, %add3A_382 : vector<16xi32>
        %shift_right_arithmetic3A_384 = arith.constant 4 : i32
        %shift_right_arithmetic3A_385 = vector.broadcast %shift_right_arithmetic3A_384 : i32 to vector<16xi32>
        %shift_right_arithmetic3A_386 = arith.shrsi %add3A_383, %shift_right_arithmetic3A_385 : vector<16xi32>
        %and3A_387 = arith.constant 15 : i32
        %and3A_388 = vector.broadcast %and3A_387 : i32 to vector<16xi32>
        %and3A_389 = arith.andi %add3A_383, %and3A_388 : vector<16xi32>
        %gather3A_390 = tpu.vector_load_idx %arg10[%shift_right_arithmetic3A_386, %and3A_389] : memref<1536x16xf32, #tpu.memory_space<vmem>>[vector<16xi32>, vector<16xi32>], vector<16xf32>,
        %add3A_391 = arith.constant 67 : i32
        %add3A_392 = vector.broadcast %add3A_391 : i32 to vector<16xi32>
        %add3A_393 = arith.addi %add3A_240, %add3A_392 : vector<16xi32>
        %shift_right_arithmetic3A_394 = arith.constant 4 : i32
        %shift_right_arithmetic3A_395 = vector.broadcast %shift_right_arithmetic3A_394 : i32 to vector<16xi32>
        %shift_right_arithmetic3A_396 = arith.shrsi %add3A_393, %shift_right_arithmetic3A_395 : vector<16xi32>
        %and3A_397 = arith.constant 15 : i32
        %and3A_398 = vector.broadcast %and3A_397 : i32 to vector<16xi32>
        %and3A_399 = arith.andi %add3A_393, %and3A_398 : vector<16xi32>
        %gather3A_400 = tpu.vector_load_idx %arg10[%shift_right_arithmetic3A_396, %and3A_399] : memref<1536x16xf32, #tpu.memory_space<vmem>>[vector<16xi32>, vector<16xi32>], vector<16xf32>,
        %add3A_401 = arith.constant 68 : i32
        %add3A_402 = vector.broadcast %add3A_401 : i32 to vector<16xi32>
        %add3A_403 = arith.addi %add3A_240, %add3A_402 : vector<16xi32>
        %shift_right_arithmetic3A_404 = arith.constant 4 : i32
        %shift_right_arithmetic3A_405 = vector.broadcast %shift_right_arithmetic3A_404 : i32 to vector<16xi32>
        %shift_right_arithmetic3A_406 = arith.shrsi %add3A_403, %shift_right_arithmetic3A_405 : vector<16xi32>
        %and3A_407 = arith.constant 15 : i32
        %and3A_408 = vector.broadcast %and3A_407 : i32 to vector<16xi32>
        %and3A_409 = arith.andi %add3A_403, %and3A_408 : vector<16xi32>
        %gather3A_410 = tpu.vector_load_idx %arg10[%shift_right_arithmetic3A_406, %and3A_409] : memref<1536x16xf32, #tpu.memory_space<vmem>>[vector<16xi32>, vector<16xi32>], vector<16xf32>,
        %add3A_411 = arith.constant 69 : i32
        %add3A_412 = vector.broadcast %add3A_411 : i32 to vector<16xi32>
        %add3A_413 = arith.addi %add3A_240, %add3A_412 : vector<16xi32>
        %shift_right_arithmetic3A_414 = arith.constant 4 : i32
        %shift_right_arithmetic3A_415 = vector.broadcast %shift_right_arithmetic3A_414 : i32 to vector<16xi32>
        %shift_right_arithmetic3A_416 = arith.shrsi %add3A_413, %shift_right_arithmetic3A_415 : vector<16xi32>
        %and3A_417 = arith.constant 15 : i32
        %and3A_418 = vector.broadcast %and3A_417 : i32 to vector<16xi32>
        %and3A_419 = arith.andi %add3A_413, %and3A_418 : vector<16xi32>
        %gather3A_420 = tpu.vector_load_idx %arg10[%shift_right_arithmetic3A_416, %and3A_419] : memref<1536x16xf32, #tpu.memory_space<vmem>>[vector<16xi32>, vector<16xi32>], vector<16xf32>,
        %add3A_421 = arith.constant 96 : i32
        %add3A_422 = vector.broadcast %add3A_421 : i32 to vector<16xi32>
        %add3A_423 = arith.addi %add3A_240, %add3A_422 : vector<16xi32>
        %shift_right_arithmetic3A_424 = arith.constant 4 : i32
        %shift_right_arithmetic3A_425 = vector.broadcast %shift_right_arithmetic3A_424 : i32 to vector<16xi32>
        %shift_right_arithmetic3A_426 = arith.shrsi %add3A_423, %shift_right_arithmetic3A_425 : vector<16xi32>
        %and3A_427 = arith.constant 15 : i32
        %and3A_428 = vector.broadcast %and3A_427 : i32 to vector<16xi32>
        %and3A_429 = arith.andi %add3A_423, %and3A_428 : vector<16xi32>
        %gather3A_430 = tpu.vector_load_idx %arg10[%shift_right_arithmetic3A_426, %and3A_429] : memref<1536x16xf32, #tpu.memory_space<vmem>>[vector<16xi32>, vector<16xi32>], vector<16xf32>,
        %add3A_431 = arith.constant 97 : i32
        %add3A_432 = vector.broadcast %add3A_431 : i32 to vector<16xi32>
        %add3A_433 = arith.addi %add3A_240, %add3A_432 : vector<16xi32>
        %shift_right_arithmetic3A_434 = arith.constant 4 : i32
        %shift_right_arithmetic3A_435 = vector.broadcast %shift_right_arithmetic3A_434 : i32 to vector<16xi32>
        %shift_right_arithmetic3A_436 = arith.shrsi %add3A_433, %shift_right_arithmetic3A_435 : vector<16xi32>
        %and3A_437 = arith.constant 15 : i32
        %and3A_438 = vector.broadcast %and3A_437 : i32 to vector<16xi32>
        %and3A_439 = arith.andi %add3A_433, %and3A_438 : vector<16xi32>
        %gather3A_440 = tpu.vector_load_idx %arg10[%shift_right_arithmetic3A_436, %and3A_439] : memref<1536x16xf32, #tpu.memory_space<vmem>>[vector<16xi32>, vector<16xi32>], vector<16xf32>,
        %add3A_441 = arith.constant 98 : i32
        %add3A_442 = vector.broadcast %add3A_441 : i32 to vector<16xi32>
        %add3A_443 = arith.addi %add3A_240, %add3A_442 : vector<16xi32>
        %shift_right_arithmetic3A_444 = arith.constant 4 : i32
        %shift_right_arithmetic3A_445 = vector.broadcast %shift_right_arithmetic3A_444 : i32 to vector<16xi32>
        %shift_right_arithmetic3A_446 = arith.shrsi %add3A_443, %shift_right_arithmetic3A_445 : vector<16xi32>
        %and3A_447 = arith.constant 15 : i32
        %and3A_448 = vector.broadcast %and3A_447 : i32 to vector<16xi32>
        %and3A_449 = arith.andi %add3A_443, %and3A_448 : vector<16xi32>
        %gather3A_450 = tpu.vector_load_idx %arg10[%shift_right_arithmetic3A_446, %and3A_449] : memref<1536x16xf32, #tpu.memory_space<vmem>>[vector<16xi32>, vector<16xi32>], vector<16xf32>,
        %add3A_451 = arith.constant 99 : i32
        %add3A_452 = vector.broadcast %add3A_451 : i32 to vector<16xi32>
        %add3A_453 = arith.addi %add3A_240, %add3A_452 : vector<16xi32>
        %shift_right_arithmetic3A_454 = arith.constant 4 : i32
        %shift_right_arithmetic3A_455 = vector.broadcast %shift_right_arithmetic3A_454 : i32 to vector<16xi32>
        %shift_right_arithmetic3A_456 = arith.shrsi %add3A_453, %shift_right_arithmetic3A_455 : vector<16xi32>
        %and3A_457 = arith.constant 15 : i32
        %and3A_458 = vector.broadcast %and3A_457 : i32 to vector<16xi32>
        %and3A_459 = arith.andi %add3A_453, %and3A_458 : vector<16xi32>
        %gather3A_460 = tpu.vector_load_idx %arg10[%shift_right_arithmetic3A_456, %and3A_459] : memref<1536x16xf32, #tpu.memory_space<vmem>>[vector<16xi32>, vector<16xi32>], vector<16xf32>,
        %add3A_461 = arith.constant 100 : i32
        %add3A_462 = vector.broadcast %add3A_461 : i32 to vector<16xi32>
        %add3A_463 = arith.addi %add3A_240, %add3A_462 : vector<16xi32>
        %shift_right_arithmetic3A_464 = arith.constant 4 : i32
        %shift_right_arithmetic3A_465 = vector.broadcast %shift_right_arithmetic3A_464 : i32 to vector<16xi32>
        %shift_right_arithmetic3A_466 = arith.shrsi %add3A_463, %shift_right_arithmetic3A_465 : vector<16xi32>
        %and3A_467 = arith.constant 15 : i32
        %and3A_468 = vector.broadcast %and3A_467 : i32 to vector<16xi32>
        %and3A_469 = arith.andi %add3A_463, %and3A_468 : vector<16xi32>
        %gather3A_470 = tpu.vector_load_idx %arg10[%shift_right_arithmetic3A_466, %and3A_469] : memref<1536x16xf32, #tpu.memory_space<vmem>>[vector<16xi32>, vector<16xi32>], vector<16xf32>,
        %add3A_471 = arith.constant 101 : i32
        %add3A_472 = vector.broadcast %add3A_471 : i32 to vector<16xi32>
        %add3A_473 = arith.addi %add3A_240, %add3A_472 : vector<16xi32>
        %shift_right_arithmetic3A_474 = arith.constant 4 : i32
        %shift_right_arithmetic3A_475 = vector.broadcast %shift_right_arithmetic3A_474 : i32 to vector<16xi32>
        %shift_right_arithmetic3A_476 = arith.shrsi %add3A_473, %shift_right_arithmetic3A_475 : vector<16xi32>
        %and3A_477 = arith.constant 15 : i32
        %and3A_478 = vector.broadcast %and3A_477 : i32 to vector<16xi32>
        %and3A_479 = arith.andi %add3A_473, %and3A_478 : vector<16xi32>
        %gather3A_480 = tpu.vector_load_idx %arg10[%shift_right_arithmetic3A_476, %and3A_479] : memref<1536x16xf32, #tpu.memory_space<vmem>>[vector<16xi32>, vector<16xi32>], vector<16xf32>,
        %add3A_481 = arith.constant 128 : i32
        %add3A_482 = vector.broadcast %add3A_481 : i32 to vector<16xi32>
        %add3A_483 = arith.addi %add3A_240, %add3A_482 : vector<16xi32>
        %shift_right_arithmetic3A_484 = arith.constant 4 : i32
        %shift_right_arithmetic3A_485 = vector.broadcast %shift_right_arithmetic3A_484 : i32 to vector<16xi32>
        %shift_right_arithmetic3A_486 = arith.shrsi %add3A_483, %shift_right_arithmetic3A_485 : vector<16xi32>
        %and3A_487 = arith.constant 15 : i32
        %and3A_488 = vector.broadcast %and3A_487 : i32 to vector<16xi32>
        %and3A_489 = arith.andi %add3A_483, %and3A_488 : vector<16xi32>
        %gather3A_490 = tpu.vector_load_idx %arg10[%shift_right_arithmetic3A_486, %and3A_489] : memref<1536x16xf32, #tpu.memory_space<vmem>>[vector<16xi32>, vector<16xi32>], vector<16xf32>,
        %add3A_491 = arith.constant 129 : i32
        %add3A_492 = vector.broadcast %add3A_491 : i32 to vector<16xi32>
        %add3A_493 = arith.addi %add3A_240, %add3A_492 : vector<16xi32>
        %shift_right_arithmetic3A_494 = arith.constant 4 : i32
        %shift_right_arithmetic3A_495 = vector.broadcast %shift_right_arithmetic3A_494 : i32 to vector<16xi32>
        %shift_right_arithmetic3A_496 = arith.shrsi %add3A_493, %shift_right_arithmetic3A_495 : vector<16xi32>
        %and3A_497 = arith.constant 15 : i32
        %and3A_498 = vector.broadcast %and3A_497 : i32 to vector<16xi32>
        %and3A_499 = arith.andi %add3A_493, %and3A_498 : vector<16xi32>
        %gather3A_500 = tpu.vector_load_idx %arg10[%shift_right_arithmetic3A_496, %and3A_499] : memref<1536x16xf32, #tpu.memory_space<vmem>>[vector<16xi32>, vector<16xi32>], vector<16xf32>,
        %add3A_501 = arith.constant 130 : i32
        %add3A_502 = vector.broadcast %add3A_501 : i32 to vector<16xi32>
        %add3A_503 = arith.addi %add3A_240, %add3A_502 : vector<16xi32>
        %shift_right_arithmetic3A_504 = arith.constant 4 : i32
        %shift_right_arithmetic3A_505 = vector.broadcast %shift_right_arithmetic3A_504 : i32 to vector<16xi32>
        %shift_right_arithmetic3A_506 = arith.shrsi %add3A_503, %shift_right_arithmetic3A_505 : vector<16xi32>
        %and3A_507 = arith.constant 15 : i32
        %and3A_508 = vector.broadcast %and3A_507 : i32 to vector<16xi32>
        %and3A_509 = arith.andi %add3A_503, %and3A_508 : vector<16xi32>
        %gather3A_510 = tpu.vector_load_idx %arg10[%shift_right_arithmetic3A_506, %and3A_509] : memref<1536x16xf32, #tpu.memory_space<vmem>>[vector<16xi32>, vector<16xi32>], vector<16xf32>,
        %add3A_511 = arith.constant 131 : i32
        %add3A_512 = vector.broadcast %add3A_511 : i32 to vector<16xi32>
        %add3A_513 = arith.addi %add3A_240, %add3A_512 : vector<16xi32>
        %shift_right_arithmetic3A_514 = arith.constant 4 : i32
        %shift_right_arithmetic3A_515 = vector.broadcast %shift_right_arithmetic3A_514 : i32 to vector<16xi32>
        %shift_right_arithmetic3A_516 = arith.shrsi %add3A_513, %shift_right_arithmetic3A_515 : vector<16xi32>
        %and3A_517 = arith.constant 15 : i32
        %and3A_518 = vector.broadcast %and3A_517 : i32 to vector<16xi32>
        %and3A_519 = arith.andi %add3A_513, %and3A_518 : vector<16xi32>
        %gather3A_520 = tpu.vector_load_idx %arg10[%shift_right_arithmetic3A_516, %and3A_519] : memref<1536x16xf32, #tpu.memory_space<vmem>>[vector<16xi32>, vector<16xi32>], vector<16xf32>,
        %add3A_521 = arith.constant 132 : i32
        %add3A_522 = vector.broadcast %add3A_521 : i32 to vector<16xi32>
        %add3A_523 = arith.addi %add3A_240, %add3A_522 : vector<16xi32>
        %shift_right_arithmetic3A_524 = arith.constant 4 : i32
        %shift_right_arithmetic3A_525 = vector.broadcast %shift_right_arithmetic3A_524 : i32 to vector<16xi32>
        %shift_right_arithmetic3A_526 = arith.shrsi %add3A_523, %shift_right_arithmetic3A_525 : vector<16xi32>
        %and3A_527 = arith.constant 15 : i32
        %and3A_528 = vector.broadcast %and3A_527 : i32 to vector<16xi32>
        %and3A_529 = arith.andi %add3A_523, %and3A_528 : vector<16xi32>
        %gather3A_530 = tpu.vector_load_idx %arg10[%shift_right_arithmetic3A_526, %and3A_529] : memref<1536x16xf32, #tpu.memory_space<vmem>>[vector<16xi32>, vector<16xi32>], vector<16xf32>,
        %add3A_531 = arith.constant 133 : i32
        %add3A_532 = vector.broadcast %add3A_531 : i32 to vector<16xi32>
        %add3A_533 = arith.addi %add3A_240, %add3A_532 : vector<16xi32>
        %shift_right_arithmetic3A_534 = arith.constant 4 : i32
        %shift_right_arithmetic3A_535 = vector.broadcast %shift_right_arithmetic3A_534 : i32 to vector<16xi32>
        %shift_right_arithmetic3A_536 = arith.shrsi %add3A_533, %shift_right_arithmetic3A_535 : vector<16xi32>
        %and3A_537 = arith.constant 15 : i32
        %and3A_538 = vector.broadcast %and3A_537 : i32 to vector<16xi32>
        %and3A_539 = arith.andi %add3A_533, %and3A_538 : vector<16xi32>
        %gather3A_540 = tpu.vector_load_idx %arg10[%shift_right_arithmetic3A_536, %and3A_539] : memref<1536x16xf32, #tpu.memory_space<vmem>>[vector<16xi32>, vector<16xi32>], vector<16xf32>,
        %add3A_541 = arith.constant 160 : i32
        %add3A_542 = vector.broadcast %add3A_541 : i32 to vector<16xi32>
        %add3A_543 = arith.addi %add3A_240, %add3A_542 : vector<16xi32>
        %shift_right_arithmetic3A_544 = arith.constant 4 : i32
        %shift_right_arithmetic3A_545 = vector.broadcast %shift_right_arithmetic3A_544 : i32 to vector<16xi32>
        %shift_right_arithmetic3A_546 = arith.shrsi %add3A_543, %shift_right_arithmetic3A_545 : vector<16xi32>
        %and3A_547 = arith.constant 15 : i32
        %and3A_548 = vector.broadcast %and3A_547 : i32 to vector<16xi32>
        %and3A_549 = arith.andi %add3A_543, %and3A_548 : vector<16xi32>
        %gather3A_550 = tpu.vector_load_idx %arg10[%shift_right_arithmetic3A_546, %and3A_549] : memref<1536x16xf32, #tpu.memory_space<vmem>>[vector<16xi32>, vector<16xi32>], vector<16xf32>,
        %add3A_551 = arith.constant 161 : i32
        %add3A_552 = vector.broadcast %add3A_551 : i32 to vector<16xi32>
        %add3A_553 = arith.addi %add3A_240, %add3A_552 : vector<16xi32>
        %shift_right_arithmetic3A_554 = arith.constant 4 : i32
        %shift_right_arithmetic3A_555 = vector.broadcast %shift_right_arithmetic3A_554 : i32 to vector<16xi32>
        %shift_right_arithmetic3A_556 = arith.shrsi %add3A_553, %shift_right_arithmetic3A_555 : vector<16xi32>
        %and3A_557 = arith.constant 15 : i32
        %and3A_558 = vector.broadcast %and3A_557 : i32 to vector<16xi32>
        %and3A_559 = arith.andi %add3A_553, %and3A_558 : vector<16xi32>
        %gather3A_560 = tpu.vector_load_idx %arg10[%shift_right_arithmetic3A_556, %and3A_559] : memref<1536x16xf32, #tpu.memory_space<vmem>>[vector<16xi32>, vector<16xi32>], vector<16xf32>,
        %add3A_561 = arith.constant 162 : i32
        %add3A_562 = vector.broadcast %add3A_561 : i32 to vector<16xi32>
        %add3A_563 = arith.addi %add3A_240, %add3A_562 : vector<16xi32>
        %shift_right_arithmetic3A_564 = arith.constant 4 : i32
        %shift_right_arithmetic3A_565 = vector.broadcast %shift_right_arithmetic3A_564 : i32 to vector<16xi32>
        %shift_right_arithmetic3A_566 = arith.shrsi %add3A_563, %shift_right_arithmetic3A_565 : vector<16xi32>
        %and3A_567 = arith.constant 15 : i32
        %and3A_568 = vector.broadcast %and3A_567 : i32 to vector<16xi32>
        %and3A_569 = arith.andi %add3A_563, %and3A_568 : vector<16xi32>
        %gather3A_570 = tpu.vector_load_idx %arg10[%shift_right_arithmetic3A_566, %and3A_569] : memref<1536x16xf32, #tpu.memory_space<vmem>>[vector<16xi32>, vector<16xi32>], vector<16xf32>,
        %add3A_571 = arith.constant 163 : i32
        %add3A_572 = vector.broadcast %add3A_571 : i32 to vector<16xi32>
        %add3A_573 = arith.addi %add3A_240, %add3A_572 : vector<16xi32>
        %shift_right_arithmetic3A_574 = arith.constant 4 : i32
        %shift_right_arithmetic3A_575 = vector.broadcast %shift_right_arithmetic3A_574 : i32 to vector<16xi32>
        %shift_right_arithmetic3A_576 = arith.shrsi %add3A_573, %shift_right_arithmetic3A_575 : vector<16xi32>
        %and3A_577 = arith.constant 15 : i32
        %and3A_578 = vector.broadcast %and3A_577 : i32 to vector<16xi32>
        %and3A_579 = arith.andi %add3A_573, %and3A_578 : vector<16xi32>
        %gather3A_580 = tpu.vector_load_idx %arg10[%shift_right_arithmetic3A_576, %and3A_579] : memref<1536x16xf32, #tpu.memory_space<vmem>>[vector<16xi32>, vector<16xi32>], vector<16xf32>,
        %add3A_581 = arith.constant 164 : i32
        %add3A_582 = vector.broadcast %add3A_581 : i32 to vector<16xi32>
        %add3A_583 = arith.addi %add3A_240, %add3A_582 : vector<16xi32>
        %shift_right_arithmetic3A_584 = arith.constant 4 : i32
        %shift_right_arithmetic3A_585 = vector.broadcast %shift_right_arithmetic3A_584 : i32 to vector<16xi32>
        %shift_right_arithmetic3A_586 = arith.shrsi %add3A_583, %shift_right_arithmetic3A_585 : vector<16xi32>
        %and3A_587 = arith.constant 15 : i32
        %and3A_588 = vector.broadcast %and3A_587 : i32 to vector<16xi32>
        %and3A_589 = arith.andi %add3A_583, %and3A_588 : vector<16xi32>
        %gather3A_590 = tpu.vector_load_idx %arg10[%shift_right_arithmetic3A_586, %and3A_589] : memref<1536x16xf32, #tpu.memory_space<vmem>>[vector<16xi32>, vector<16xi32>], vector<16xf32>,
        %add3A_591 = arith.constant 165 : i32
        %add3A_592 = vector.broadcast %add3A_591 : i32 to vector<16xi32>
        %add3A_593 = arith.addi %add3A_240, %add3A_592 : vector<16xi32>
        %shift_right_arithmetic3A_594 = arith.constant 4 : i32
        %shift_right_arithmetic3A_595 = vector.broadcast %shift_right_arithmetic3A_594 : i32 to vector<16xi32>
        %shift_right_arithmetic3A_596 = arith.shrsi %add3A_593, %shift_right_arithmetic3A_595 : vector<16xi32>
        %and3A_597 = arith.constant 15 : i32
        %and3A_598 = vector.broadcast %and3A_597 : i32 to vector<16xi32>
        %and3A_599 = arith.andi %add3A_593, %and3A_598 : vector<16xi32>
        %gather3A_600 = tpu.vector_load_idx %arg10[%shift_right_arithmetic3A_596, %and3A_599] : memref<1536x16xf32, #tpu.memory_space<vmem>>[vector<16xi32>, vector<16xi32>], vector<16xf32>,
        %max3A = arith.maximumf %gather3A_250, %gather3A_260 : vector<16xf32>
        %max3A_601 = arith.maximumf %max3A, %gather3A_270 : vector<16xf32>
        %max3A_602 = arith.maximumf %max3A_601, %gather3A_280 : vector<16xf32>
        %max3A_603 = arith.maximumf %max3A_602, %gather3A_290 : vector<16xf32>
        %max3A_604 = arith.maximumf %max3A_603, %gather3A_310 : vector<16xf32>
        %max3A_605 = arith.maximumf %max3A_604, %gather3A_320 : vector<16xf32>
        %max3A_606 = arith.maximumf %max3A_605, %gather3A_330 : vector<16xf32>
        %max3A_607 = arith.maximumf %max3A_606, %gather3A_340 : vector<16xf32>
        %max3A_608 = arith.maximumf %max3A_607, %gather3A_350 : vector<16xf32>
        %max3A_609 = arith.maximumf %max3A_608, %gather3A_370 : vector<16xf32>
        %max3A_610 = arith.maximumf %max3A_609, %gather3A_380 : vector<16xf32>
        %max3A_611 = arith.maximumf %max3A_610, %gather3A_390 : vector<16xf32>
        %max3A_612 = arith.maximumf %max3A_611, %gather3A_400 : vector<16xf32>
        %max3A_613 = arith.maximumf %max3A_612, %gather3A_410 : vector<16xf32>
        %max3A_614 = arith.maximumf %max3A_613, %gather3A_430 : vector<16xf32>
        %max3A_615 = arith.maximumf %max3A_614, %gather3A_440 : vector<16xf32>
        %max3A_616 = arith.maximumf %max3A_615, %gather3A_450 : vector<16xf32>
        %max3A_617 = arith.maximumf %max3A_616, %gather3A_460 : vector<16xf32>
        %max3A_618 = arith.maximumf %max3A_617, %gather3A_470 : vector<16xf32>
        %max3A_619 = arith.maximumf %max3A_618, %gather3A_490 : vector<16xf32>
        %max3A_620 = arith.maximumf %max3A_619, %gather3A_500 : vector<16xf32>
        %max3A_621 = arith.maximumf %max3A_620, %gather3A_510 : vector<16xf32>
        %max3A_622 = arith.maximumf %max3A_621, %gather3A_520 : vector<16xf32>
        %max3A_623 = arith.maximumf %max3A_622, %gather3A_530 : vector<16xf32>
        %broadcast_in_dim3A = arith.constant 0.000000e+00 : f32
        %broadcast_in_dim3A_624 = vector.broadcast %broadcast_in_dim3A : f32 to vector<16xf32>
        %broadcast_in_dim3A_625 = arith.constant 0.000000e+00 : f32
        %broadcast_in_dim3A_626 = vector.broadcast %broadcast_in_dim3A_625 : f32 to vector<16xf32>
        %broadcast_in_dim3A_627 = arith.constant 0.000000e+00 : f32
        %broadcast_in_dim3A_628 = vector.broadcast %broadcast_in_dim3A_627 : f32 to vector<16xf32>
        %sub3A = arith.subf %gather3A_250, %max3A_623 : vector<16xf32>
        %div3A = arith.constant 1.000000e-01 : f32
        %div3A_629 = vector.broadcast %div3A : f32 to vector<16xf32>
        %div3A_630 = arith.divf %sub3A, %div3A_629 : vector<16xf32>
        %exp3A = math.exp %div3A_630 : vector<16xf32>
        %add3A_631 = arith.addf %broadcast_in_dim3A_624, %exp3A : vector<16xf32>
        %mul3A_632 = arith.constant -2.000000e+00 : f32
        %mul3A_633 = vector.broadcast %mul3A_632 : f32 to vector<16xf32>
        %mul3A_634 = arith.mulf %exp3A, %mul3A_633 : vector<16xf32>
        %add3A_635 = arith.addf %broadcast_in_dim3A_626, %mul3A_634 : vector<16xf32>
        %mul3A_636 = arith.constant -2.000000e+00 : f32
        %mul3A_637 = vector.broadcast %mul3A_636 : f32 to vector<16xf32>
        %mul3A_638 = arith.mulf %exp3A, %mul3A_637 : vector<16xf32>
        %add3A_639 = arith.addf %broadcast_in_dim3A_628, %mul3A_638 : vector<16xf32>
        %sub3A_640 = arith.subf %gather3A_260, %max3A_623 : vector<16xf32>
        %div3A_641 = arith.constant 1.000000e-01 : f32
        %div3A_642 = vector.broadcast %div3A_641 : f32 to vector<16xf32>
        %div3A_643 = arith.divf %sub3A_640, %div3A_642 : vector<16xf32>
        %exp3A_644 = math.exp %div3A_643 : vector<16xf32>
        %add3A_645 = arith.addf %add3A_631, %exp3A_644 : vector<16xf32>
        %mul3A_646 = arith.constant -1.000000e+00 : f32
        %mul3A_647 = vector.broadcast %mul3A_646 : f32 to vector<16xf32>
        %mul3A_648 = arith.mulf %exp3A_644, %mul3A_647 : vector<16xf32>
        %add3A_649 = arith.addf %add3A_635, %mul3A_648 : vector<16xf32>
        %mul3A_650 = arith.constant -2.000000e+00 : f32
        %mul3A_651 = vector.broadcast %mul3A_650 : f32 to vector<16xf32>
        %mul3A_652 = arith.mulf %exp3A_644, %mul3A_651 : vector<16xf32>
        %add3A_653 = arith.addf %add3A_639, %mul3A_652 : vector<16xf32>
        %sub3A_654 = arith.subf %gather3A_270, %max3A_623 : vector<16xf32>
        %div3A_655 = arith.constant 1.000000e-01 : f32
        %div3A_656 = vector.broadcast %div3A_655 : f32 to vector<16xf32>
        %div3A_657 = arith.divf %sub3A_654, %div3A_656 : vector<16xf32>
        %exp3A_658 = math.exp %div3A_657 : vector<16xf32>
        %add3A_659 = arith.addf %add3A_645, %exp3A_658 : vector<16xf32>
        %mul3A_660 = arith.constant 0.000000e+00 : f32
        %mul3A_661 = vector.broadcast %mul3A_660 : f32 to vector<16xf32>
        %mul3A_662 = arith.mulf %exp3A_658, %mul3A_661 : vector<16xf32>
        %add3A_663 = arith.addf %add3A_649, %mul3A_662 : vector<16xf32>
        %mul3A_664 = arith.constant -2.000000e+00 : f32
        %mul3A_665 = vector.broadcast %mul3A_664 : f32 to vector<16xf32>
        %mul3A_666 = arith.mulf %exp3A_658, %mul3A_665 : vector<16xf32>
        %add3A_667 = arith.addf %add3A_653, %mul3A_666 : vector<16xf32>
        %sub3A_668 = arith.subf %gather3A_280, %max3A_623 : vector<16xf32>
        %div3A_669 = arith.constant 1.000000e-01 : f32
        %div3A_670 = vector.broadcast %div3A_669 : f32 to vector<16xf32>
        %div3A_671 = arith.divf %sub3A_668, %div3A_670 : vector<16xf32>
        %exp3A_672 = math.exp %div3A_671 : vector<16xf32>
        %add3A_673 = arith.addf %add3A_659, %exp3A_672 : vector<16xf32>
        %mul3A_674 = arith.constant 1.000000e+00 : f32
        %mul3A_675 = vector.broadcast %mul3A_674 : f32 to vector<16xf32>
        %mul3A_676 = arith.mulf %exp3A_672, %mul3A_675 : vector<16xf32>
        %add3A_677 = arith.addf %add3A_663, %mul3A_676 : vector<16xf32>
        %mul3A_678 = arith.constant -2.000000e+00 : f32
        %mul3A_679 = vector.broadcast %mul3A_678 : f32 to vector<16xf32>
        %mul3A_680 = arith.mulf %exp3A_672, %mul3A_679 : vector<16xf32>
        %add3A_681 = arith.addf %add3A_667, %mul3A_680 : vector<16xf32>
        %sub3A_682 = arith.subf %gather3A_290, %max3A_623 : vector<16xf32>
        %div3A_683 = arith.constant 1.000000e-01 : f32
        %div3A_684 = vector.broadcast %div3A_683 : f32 to vector<16xf32>
        %div3A_685 = arith.divf %sub3A_682, %div3A_684 : vector<16xf32>
        %exp3A_686 = math.exp %div3A_685 : vector<16xf32>
        %add3A_687 = arith.addf %add3A_673, %exp3A_686 : vector<16xf32>
        %mul3A_688 = arith.constant 2.000000e+00 : f32
        %mul3A_689 = vector.broadcast %mul3A_688 : f32 to vector<16xf32>
        %mul3A_690 = arith.mulf %exp3A_686, %mul3A_689 : vector<16xf32>
        %add3A_691 = arith.addf %add3A_677, %mul3A_690 : vector<16xf32>
        %mul3A_692 = arith.constant -2.000000e+00 : f32
        %mul3A_693 = vector.broadcast %mul3A_692 : f32 to vector<16xf32>
        %mul3A_694 = arith.mulf %exp3A_686, %mul3A_693 : vector<16xf32>
        %add3A_695 = arith.addf %add3A_681, %mul3A_694 : vector<16xf32>
        %sub3A_696 = arith.subf %gather3A_310, %max3A_623 : vector<16xf32>
        %div3A_697 = arith.constant 1.000000e-01 : f32
        %div3A_698 = vector.broadcast %div3A_697 : f32 to vector<16xf32>
        %div3A_699 = arith.divf %sub3A_696, %div3A_698 : vector<16xf32>
        %exp3A_700 = math.exp %div3A_699 : vector<16xf32>
        %add3A_701 = arith.addf %add3A_687, %exp3A_700 : vector<16xf32>
        %mul3A_702 = arith.constant -2.000000e+00 : f32
        %mul3A_703 = vector.broadcast %mul3A_702 : f32 to vector<16xf32>
        %mul3A_704 = arith.mulf %exp3A_700, %mul3A_703 : vector<16xf32>
        %add3A_705 = arith.addf %add3A_691, %mul3A_704 : vector<16xf32>
        %mul3A_706 = arith.constant -1.000000e+00 : f32
        %mul3A_707 = vector.broadcast %mul3A_706 : f32 to vector<16xf32>
        %mul3A_708 = arith.mulf %exp3A_700, %mul3A_707 : vector<16xf32>
        %add3A_709 = arith.addf %add3A_695, %mul3A_708 : vector<16xf32>
        %sub3A_710 = arith.subf %gather3A_320, %max3A_623 : vector<16xf32>
        %div3A_711 = arith.constant 1.000000e-01 : f32
        %div3A_712 = vector.broadcast %div3A_711 : f32 to vector<16xf32>
        %div3A_713 = arith.divf %sub3A_710, %div3A_712 : vector<16xf32>
        %exp3A_714 = math.exp %div3A_713 : vector<16xf32>
        %add3A_715 = arith.addf %add3A_701, %exp3A_714 : vector<16xf32>
        %mul3A_716 = arith.constant -1.000000e+00 : f32
        %mul3A_717 = vector.broadcast %mul3A_716 : f32 to vector<16xf32>
        %mul3A_718 = arith.mulf %exp3A_714, %mul3A_717 : vector<16xf32>
        %add3A_719 = arith.addf %add3A_705, %mul3A_718 : vector<16xf32>
        %mul3A_720 = arith.constant -1.000000e+00 : f32
        %mul3A_721 = vector.broadcast %mul3A_720 : f32 to vector<16xf32>
        %mul3A_722 = arith.mulf %exp3A_714, %mul3A_721 : vector<16xf32>
        %add3A_723 = arith.addf %add3A_709, %mul3A_722 : vector<16xf32>
        %sub3A_724 = arith.subf %gather3A_330, %max3A_623 : vector<16xf32>
        %div3A_725 = arith.constant 1.000000e-01 : f32
        %div3A_726 = vector.broadcast %div3A_725 : f32 to vector<16xf32>
        %div3A_727 = arith.divf %sub3A_724, %div3A_726 : vector<16xf32>
        %exp3A_728 = math.exp %div3A_727 : vector<16xf32>
        %add3A_729 = arith.addf %add3A_715, %exp3A_728 : vector<16xf32>
        %mul3A_730 = arith.constant 0.000000e+00 : f32
        %mul3A_731 = vector.broadcast %mul3A_730 : f32 to vector<16xf32>
        %mul3A_732 = arith.mulf %exp3A_728, %mul3A_731 : vector<16xf32>
        %add3A_733 = arith.addf %add3A_719, %mul3A_732 : vector<16xf32>
        %mul3A_734 = arith.constant -1.000000e+00 : f32
        %mul3A_735 = vector.broadcast %mul3A_734 : f32 to vector<16xf32>
        %mul3A_736 = arith.mulf %exp3A_728, %mul3A_735 : vector<16xf32>
        %add3A_737 = arith.addf %add3A_723, %mul3A_736 : vector<16xf32>
        %sub3A_738 = arith.subf %gather3A_340, %max3A_623 : vector<16xf32>
        %div3A_739 = arith.constant 1.000000e-01 : f32
        %div3A_740 = vector.broadcast %div3A_739 : f32 to vector<16xf32>
        %div3A_741 = arith.divf %sub3A_738, %div3A_740 : vector<16xf32>
        %exp3A_742 = math.exp %div3A_741 : vector<16xf32>
        %add3A_743 = arith.addf %add3A_729, %exp3A_742 : vector<16xf32>
        %mul3A_744 = arith.constant 1.000000e+00 : f32
        %mul3A_745 = vector.broadcast %mul3A_744 : f32 to vector<16xf32>
        %mul3A_746 = arith.mulf %exp3A_742, %mul3A_745 : vector<16xf32>
        %add3A_747 = arith.addf %add3A_733, %mul3A_746 : vector<16xf32>
        %mul3A_748 = arith.constant -1.000000e+00 : f32
        %mul3A_749 = vector.broadcast %mul3A_748 : f32 to vector<16xf32>
        %mul3A_750 = arith.mulf %exp3A_742, %mul3A_749 : vector<16xf32>
        %add3A_751 = arith.addf %add3A_737, %mul3A_750 : vector<16xf32>
        %sub3A_752 = arith.subf %gather3A_350, %max3A_623 : vector<16xf32>
        %div3A_753 = arith.constant 1.000000e-01 : f32
        %div3A_754 = vector.broadcast %div3A_753 : f32 to vector<16xf32>
        %div3A_755 = arith.divf %sub3A_752, %div3A_754 : vector<16xf32>
        %exp3A_756 = math.exp %div3A_755 : vector<16xf32>
        %add3A_757 = arith.addf %add3A_743, %exp3A_756 : vector<16xf32>
        %mul3A_758 = arith.constant 2.000000e+00 : f32
        %mul3A_759 = vector.broadcast %mul3A_758 : f32 to vector<16xf32>
        %mul3A_760 = arith.mulf %exp3A_756, %mul3A_759 : vector<16xf32>
        %add3A_761 = arith.addf %add3A_747, %mul3A_760 : vector<16xf32>
        %mul3A_762 = arith.constant -1.000000e+00 : f32
        %mul3A_763 = vector.broadcast %mul3A_762 : f32 to vector<16xf32>
        %mul3A_764 = arith.mulf %exp3A_756, %mul3A_763 : vector<16xf32>
        %add3A_765 = arith.addf %add3A_751, %mul3A_764 : vector<16xf32>
        %sub3A_766 = arith.subf %gather3A_370, %max3A_623 : vector<16xf32>
        %div3A_767 = arith.constant 1.000000e-01 : f32
        %div3A_768 = vector.broadcast %div3A_767 : f32 to vector<16xf32>
        %div3A_769 = arith.divf %sub3A_766, %div3A_768 : vector<16xf32>
        %exp3A_770 = math.exp %div3A_769 : vector<16xf32>
        %add3A_771 = arith.addf %add3A_757, %exp3A_770 : vector<16xf32>
        %mul3A_772 = arith.constant -2.000000e+00 : f32
        %mul3A_773 = vector.broadcast %mul3A_772 : f32 to vector<16xf32>
        %mul3A_774 = arith.mulf %exp3A_770, %mul3A_773 : vector<16xf32>
        %add3A_775 = arith.addf %add3A_761, %mul3A_774 : vector<16xf32>
        %mul3A_776 = arith.constant 0.000000e+00 : f32
        %mul3A_777 = vector.broadcast %mul3A_776 : f32 to vector<16xf32>
        %mul3A_778 = arith.mulf %exp3A_770, %mul3A_777 : vector<16xf32>
        %add3A_779 = arith.addf %add3A_765, %mul3A_778 : vector<16xf32>
        %sub3A_780 = arith.subf %gather3A_380, %max3A_623 : vector<16xf32>
        %div3A_781 = arith.constant 1.000000e-01 : f32
        %div3A_782 = vector.broadcast %div3A_781 : f32 to vector<16xf32>
        %div3A_783 = arith.divf %sub3A_780, %div3A_782 : vector<16xf32>
        %exp3A_784 = math.exp %div3A_783 : vector<16xf32>
        %add3A_785 = arith.addf %add3A_771, %exp3A_784 : vector<16xf32>
        %mul3A_786 = arith.constant -1.000000e+00 : f32
        %mul3A_787 = vector.broadcast %mul3A_786 : f32 to vector<16xf32>
        %mul3A_788 = arith.mulf %exp3A_784, %mul3A_787 : vector<16xf32>
        %add3A_789 = arith.addf %add3A_775, %mul3A_788 : vector<16xf32>
        %mul3A_790 = arith.constant 0.000000e+00 : f32
        %mul3A_791 = vector.broadcast %mul3A_790 : f32 to vector<16xf32>
        %mul3A_792 = arith.mulf %exp3A_784, %mul3A_791 : vector<16xf32>
        %add3A_793 = arith.addf %add3A_779, %mul3A_792 : vector<16xf32>
        %sub3A_794 = arith.subf %gather3A_390, %max3A_623 : vector<16xf32>
        %div3A_795 = arith.constant 1.000000e-01 : f32
        %div3A_796 = vector.broadcast %div3A_795 : f32 to vector<16xf32>
        %div3A_797 = arith.divf %sub3A_794, %div3A_796 : vector<16xf32>
        %exp3A_798 = math.exp %div3A_797 : vector<16xf32>
        %add3A_799 = arith.addf %add3A_785, %exp3A_798 : vector<16xf32>
        %mul3A_800 = arith.constant 0.000000e+00 : f32
        %mul3A_801 = vector.broadcast %mul3A_800 : f32 to vector<16xf32>
        %mul3A_802 = arith.mulf %exp3A_798, %mul3A_801 : vector<16xf32>
        %add3A_803 = arith.addf %add3A_789, %mul3A_802 : vector<16xf32>
        %mul3A_804 = arith.constant 0.000000e+00 : f32
        %mul3A_805 = vector.broadcast %mul3A_804 : f32 to vector<16xf32>
        %mul3A_806 = arith.mulf %exp3A_798, %mul3A_805 : vector<16xf32>
        %add3A_807 = arith.addf %add3A_793, %mul3A_806 : vector<16xf32>
        %sub3A_808 = arith.subf %gather3A_400, %max3A_623 : vector<16xf32>
        %div3A_809 = arith.constant 1.000000e-01 : f32
        %div3A_810 = vector.broadcast %div3A_809 : f32 to vector<16xf32>
        %div3A_811 = arith.divf %sub3A_808, %div3A_810 : vector<16xf32>
        %exp3A_812 = math.exp %div3A_811 : vector<16xf32>
        %add3A_813 = arith.addf %add3A_799, %exp3A_812 : vector<16xf32>
        %mul3A_814 = arith.constant 1.000000e+00 : f32
        %mul3A_815 = vector.broadcast %mul3A_814 : f32 to vector<16xf32>
        %mul3A_816 = arith.mulf %exp3A_812, %mul3A_815 : vector<16xf32>
        %add3A_817 = arith.addf %add3A_803, %mul3A_816 : vector<16xf32>
        %mul3A_818 = arith.constant 0.000000e+00 : f32
        %mul3A_819 = vector.broadcast %mul3A_818 : f32 to vector<16xf32>
        %mul3A_820 = arith.mulf %exp3A_812, %mul3A_819 : vector<16xf32>
        %add3A_821 = arith.addf %add3A_807, %mul3A_820 : vector<16xf32>
        %sub3A_822 = arith.subf %gather3A_410, %max3A_623 : vector<16xf32>
        %div3A_823 = arith.constant 1.000000e-01 : f32
        %div3A_824 = vector.broadcast %div3A_823 : f32 to vector<16xf32>
        %div3A_825 = arith.divf %sub3A_822, %div3A_824 : vector<16xf32>
        %exp3A_826 = math.exp %div3A_825 : vector<16xf32>
        %add3A_827 = arith.addf %add3A_813, %exp3A_826 : vector<16xf32>
        %mul3A_828 = arith.constant 2.000000e+00 : f32
        %mul3A_829 = vector.broadcast %mul3A_828 : f32 to vector<16xf32>
        %mul3A_830 = arith.mulf %exp3A_826, %mul3A_829 : vector<16xf32>
        %add3A_831 = arith.addf %add3A_817, %mul3A_830 : vector<16xf32>
        %mul3A_832 = arith.constant 0.000000e+00 : f32
        %mul3A_833 = vector.broadcast %mul3A_832 : f32 to vector<16xf32>
        %mul3A_834 = arith.mulf %exp3A_826, %mul3A_833 : vector<16xf32>
        %add3A_835 = arith.addf %add3A_821, %mul3A_834 : vector<16xf32>
        %sub3A_836 = arith.subf %gather3A_430, %max3A_623 : vector<16xf32>
        %div3A_837 = arith.constant 1.000000e-01 : f32
        %div3A_838 = vector.broadcast %div3A_837 : f32 to vector<16xf32>
        %div3A_839 = arith.divf %sub3A_836, %div3A_838 : vector<16xf32>
        %exp3A_840 = math.exp %div3A_839 : vector<16xf32>
        %add3A_841 = arith.addf %add3A_827, %exp3A_840 : vector<16xf32>
        %mul3A_842 = arith.constant -2.000000e+00 : f32
        %mul3A_843 = vector.broadcast %mul3A_842 : f32 to vector<16xf32>
        %mul3A_844 = arith.mulf %exp3A_840, %mul3A_843 : vector<16xf32>
        %add3A_845 = arith.addf %add3A_831, %mul3A_844 : vector<16xf32>
        %mul3A_846 = arith.constant 1.000000e+00 : f32
        %mul3A_847 = vector.broadcast %mul3A_846 : f32 to vector<16xf32>
        %mul3A_848 = arith.mulf %exp3A_840, %mul3A_847 : vector<16xf32>
        %add3A_849 = arith.addf %add3A_835, %mul3A_848 : vector<16xf32>
        %sub3A_850 = arith.subf %gather3A_440, %max3A_623 : vector<16xf32>
        %div3A_851 = arith.constant 1.000000e-01 : f32
        %div3A_852 = vector.broadcast %div3A_851 : f32 to vector<16xf32>
        %div3A_853 = arith.divf %sub3A_850, %div3A_852 : vector<16xf32>
        %exp3A_854 = math.exp %div3A_853 : vector<16xf32>
        %add3A_855 = arith.addf %add3A_841, %exp3A_854 : vector<16xf32>
        %mul3A_856 = arith.constant -1.000000e+00 : f32
        %mul3A_857 = vector.broadcast %mul3A_856 : f32 to vector<16xf32>
        %mul3A_858 = arith.mulf %exp3A_854, %mul3A_857 : vector<16xf32>
        %add3A_859 = arith.addf %add3A_845, %mul3A_858 : vector<16xf32>
        %mul3A_860 = arith.constant 1.000000e+00 : f32
        %mul3A_861 = vector.broadcast %mul3A_860 : f32 to vector<16xf32>
        %mul3A_862 = arith.mulf %exp3A_854, %mul3A_861 : vector<16xf32>
        %add3A_863 = arith.addf %add3A_849, %mul3A_862 : vector<16xf32>
        %sub3A_864 = arith.subf %gather3A_450, %max3A_623 : vector<16xf32>
        %div3A_865 = arith.constant 1.000000e-01 : f32
        %div3A_866 = vector.broadcast %div3A_865 : f32 to vector<16xf32>
        %div3A_867 = arith.divf %sub3A_864, %div3A_866 : vector<16xf32>
        %exp3A_868 = math.exp %div3A_867 : vector<16xf32>
        %add3A_869 = arith.addf %add3A_855, %exp3A_868 : vector<16xf32>
        %mul3A_870 = arith.constant 0.000000e+00 : f32
        %mul3A_871 = vector.broadcast %mul3A_870 : f32 to vector<16xf32>
        %mul3A_872 = arith.mulf %exp3A_868, %mul3A_871 : vector<16xf32>
        %add3A_873 = arith.addf %add3A_859, %mul3A_872 : vector<16xf32>
        %mul3A_874 = arith.constant 1.000000e+00 : f32
        %mul3A_875 = vector.broadcast %mul3A_874 : f32 to vector<16xf32>
        %mul3A_876 = arith.mulf %exp3A_868, %mul3A_875 : vector<16xf32>
        %add3A_877 = arith.addf %add3A_863, %mul3A_876 : vector<16xf32>
        %sub3A_878 = arith.subf %gather3A_460, %max3A_623 : vector<16xf32>
        %div3A_879 = arith.constant 1.000000e-01 : f32
        %div3A_880 = vector.broadcast %div3A_879 : f32 to vector<16xf32>
        %div3A_881 = arith.divf %sub3A_878, %div3A_880 : vector<16xf32>
        %exp3A_882 = math.exp %div3A_881 : vector<16xf32>
        %add3A_883 = arith.addf %add3A_869, %exp3A_882 : vector<16xf32>
        %mul3A_884 = arith.constant 1.000000e+00 : f32
        %mul3A_885 = vector.broadcast %mul3A_884 : f32 to vector<16xf32>
        %mul3A_886 = arith.mulf %exp3A_882, %mul3A_885 : vector<16xf32>
        %add3A_887 = arith.addf %add3A_873, %mul3A_886 : vector<16xf32>
        %mul3A_888 = arith.constant 1.000000e+00 : f32
        %mul3A_889 = vector.broadcast %mul3A_888 : f32 to vector<16xf32>
        %mul3A_890 = arith.mulf %exp3A_882, %mul3A_889 : vector<16xf32>
        %add3A_891 = arith.addf %add3A_877, %mul3A_890 : vector<16xf32>
        %sub3A_892 = arith.subf %gather3A_470, %max3A_623 : vector<16xf32>
        %div3A_893 = arith.constant 1.000000e-01 : f32
        %div3A_894 = vector.broadcast %div3A_893 : f32 to vector<16xf32>
        %div3A_895 = arith.divf %sub3A_892, %div3A_894 : vector<16xf32>
        %exp3A_896 = math.exp %div3A_895 : vector<16xf32>
        %add3A_897 = arith.addf %add3A_883, %exp3A_896 : vector<16xf32>
        %mul3A_898 = arith.constant 2.000000e+00 : f32
        %mul3A_899 = vector.broadcast %mul3A_898 : f32 to vector<16xf32>
        %mul3A_900 = arith.mulf %exp3A_896, %mul3A_899 : vector<16xf32>
        %add3A_901 = arith.addf %add3A_887, %mul3A_900 : vector<16xf32>
        %mul3A_902 = arith.constant 1.000000e+00 : f32
        %mul3A_903 = vector.broadcast %mul3A_902 : f32 to vector<16xf32>
        %mul3A_904 = arith.mulf %exp3A_896, %mul3A_903 : vector<16xf32>
        %add3A_905 = arith.addf %add3A_891, %mul3A_904 : vector<16xf32>
        %sub3A_906 = arith.subf %gather3A_490, %max3A_623 : vector<16xf32>
        %div3A_907 = arith.constant 1.000000e-01 : f32
        %div3A_908 = vector.broadcast %div3A_907 : f32 to vector<16xf32>
        %div3A_909 = arith.divf %sub3A_906, %div3A_908 : vector<16xf32>
        %exp3A_910 = math.exp %div3A_909 : vector<16xf32>
        %add3A_911 = arith.addf %add3A_897, %exp3A_910 : vector<16xf32>
        %mul3A_912 = arith.constant -2.000000e+00 : f32
        %mul3A_913 = vector.broadcast %mul3A_912 : f32 to vector<16xf32>
        %mul3A_914 = arith.mulf %exp3A_910, %mul3A_913 : vector<16xf32>
        %add3A_915 = arith.addf %add3A_901, %mul3A_914 : vector<16xf32>
        %mul3A_916 = arith.constant 2.000000e+00 : f32
        %mul3A_917 = vector.broadcast %mul3A_916 : f32 to vector<16xf32>
        %mul3A_918 = arith.mulf %exp3A_910, %mul3A_917 : vector<16xf32>
        %add3A_919 = arith.addf %add3A_905, %mul3A_918 : vector<16xf32>
        %sub3A_920 = arith.subf %gather3A_500, %max3A_623 : vector<16xf32>
        %div3A_921 = arith.constant 1.000000e-01 : f32
        %div3A_922 = vector.broadcast %div3A_921 : f32 to vector<16xf32>
        %div3A_923 = arith.divf %sub3A_920, %div3A_922 : vector<16xf32>
        %exp3A_924 = math.exp %div3A_923 : vector<16xf32>
        %add3A_925 = arith.addf %add3A_911, %exp3A_924 : vector<16xf32>
        %mul3A_926 = arith.constant -1.000000e+00 : f32
        %mul3A_927 = vector.broadcast %mul3A_926 : f32 to vector<16xf32>
        %mul3A_928 = arith.mulf %exp3A_924, %mul3A_927 : vector<16xf32>
        %add3A_929 = arith.addf %add3A_915, %mul3A_928 : vector<16xf32>
        %mul3A_930 = arith.constant 2.000000e+00 : f32
        %mul3A_931 = vector.broadcast %mul3A_930 : f32 to vector<16xf32>
        %mul3A_932 = arith.mulf %exp3A_924, %mul3A_931 : vector<16xf32>
        %add3A_933 = arith.addf %add3A_919, %mul3A_932 : vector<16xf32>
        %sub3A_934 = arith.subf %gather3A_510, %max3A_623 : vector<16xf32>
        %div3A_935 = arith.constant 1.000000e-01 : f32
        %div3A_936 = vector.broadcast %div3A_935 : f32 to vector<16xf32>
        %div3A_937 = arith.divf %sub3A_934, %div3A_936 : vector<16xf32>
        %exp3A_938 = math.exp %div3A_937 : vector<16xf32>
        %add3A_939 = arith.addf %add3A_925, %exp3A_938 : vector<16xf32>
        %mul3A_940 = arith.constant 0.000000e+00 : f32
        %mul3A_941 = vector.broadcast %mul3A_940 : f32 to vector<16xf32>
        %mul3A_942 = arith.mulf %exp3A_938, %mul3A_941 : vector<16xf32>
        %add3A_943 = arith.addf %add3A_929, %mul3A_942 : vector<16xf32>
        %mul3A_944 = arith.constant 2.000000e+00 : f32
        %mul3A_945 = vector.broadcast %mul3A_944 : f32 to vector<16xf32>
        %mul3A_946 = arith.mulf %exp3A_938, %mul3A_945 : vector<16xf32>
        %add3A_947 = arith.addf %add3A_933, %mul3A_946 : vector<16xf32>
        %sub3A_948 = arith.subf %gather3A_520, %max3A_623 : vector<16xf32>
        %div3A_949 = arith.constant 1.000000e-01 : f32
        %div3A_950 = vector.broadcast %div3A_949 : f32 to vector<16xf32>
        %div3A_951 = arith.divf %sub3A_948, %div3A_950 : vector<16xf32>
        %exp3A_952 = math.exp %div3A_951 : vector<16xf32>
        %add3A_953 = arith.addf %add3A_939, %exp3A_952 : vector<16xf32>
        %mul3A_954 = arith.constant 1.000000e+00 : f32
        %mul3A_955 = vector.broadcast %mul3A_954 : f32 to vector<16xf32>
        %mul3A_956 = arith.mulf %exp3A_952, %mul3A_955 : vector<16xf32>
        %add3A_957 = arith.addf %add3A_943, %mul3A_956 : vector<16xf32>
        %mul3A_958 = arith.constant 2.000000e+00 : f32
        %mul3A_959 = vector.broadcast %mul3A_958 : f32 to vector<16xf32>
        %mul3A_960 = arith.mulf %exp3A_952, %mul3A_959 : vector<16xf32>
        %add3A_961 = arith.addf %add3A_947, %mul3A_960 : vector<16xf32>
        %sub3A_962 = arith.subf %gather3A_530, %max3A_623 : vector<16xf32>
        %div3A_963 = arith.constant 1.000000e-01 : f32
        %div3A_964 = vector.broadcast %div3A_963 : f32 to vector<16xf32>
        %div3A_965 = arith.divf %sub3A_962, %div3A_964 : vector<16xf32>
        %exp3A_966 = math.exp %div3A_965 : vector<16xf32>
        %add3A_967 = arith.addf %add3A_953, %exp3A_966 : vector<16xf32>
        %mul3A_968 = arith.constant 2.000000e+00 : f32
        %mul3A_969 = vector.broadcast %mul3A_968 : f32 to vector<16xf32>
        %mul3A_970 = arith.mulf %exp3A_966, %mul3A_969 : vector<16xf32>
        %add3A_971 = arith.addf %add3A_957, %mul3A_970 : vector<16xf32>
        %mul3A_972 = arith.constant 2.000000e+00 : f32
        %mul3A_973 = vector.broadcast %mul3A_972 : f32 to vector<16xf32>
        %mul3A_974 = arith.mulf %exp3A_966, %mul3A_973 : vector<16xf32>
        %add3A_975 = arith.addf %add3A_961, %mul3A_974 : vector<16xf32>
        %div3A_976 = arith.divf %add3A_971, %add3A_967 : vector<16xf32>
        %div3A_977 = arith.divf %add3A_975, %add3A_967 : vector<16xf32>
        %broadcast_in_dim3A_978 = arith.constant 0.000000e+00 : f32
        %broadcast_in_dim3A_979 = vector.broadcast %broadcast_in_dim3A_978 : f32 to vector<16xf32>
        %sub3A_980 = arith.constant -2.000000e+00 : f32
        %sub3A_981 = vector.broadcast %sub3A_980 : f32 to vector<16xf32>
        %sub3A_982 = arith.subf %sub3A_981, %div3A_976 : vector<16xf32>
        %div3A_983 = arith.constant 2.000000e+00 : f32
        %div3A_984 = vector.broadcast %div3A_983 : f32 to vector<16xf32>
        %div3A_985 = arith.divf %sub3A_982, %div3A_984 : vector<16xf32>
        %sub3A_986 = arith.constant -2.000000e+00 : f32
        %sub3A_987 = vector.broadcast %sub3A_986 : f32 to vector<16xf32>
        %sub3A_988 = arith.subf %sub3A_987, %div3A_977 : vector<16xf32>
        %div3A_989 = arith.constant 2.000000e+00 : f32
        %div3A_990 = vector.broadcast %div3A_989 : f32 to vector<16xf32>
        %div3A_991 = arith.divf %sub3A_988, %div3A_990 : vector<16xf32>
        %mul3A_992 = arith.mulf %div3A_985, %div3A_985 : vector<16xf32>
        %mul3A_993 = arith.mulf %div3A_991, %div3A_991 : vector<16xf32>
        %add3A_994 = arith.addf %mul3A_992, %mul3A_993 : vector<16xf32>
        %mul3A_995 = arith.mulf %exp3A, %add3A_994 : vector<16xf32>
        %add3A_996 = arith.addf %broadcast_in_dim3A_979, %mul3A_995 : vector<16xf32>
        %sub3A_997 = arith.constant -1.000000e+00 : f32
        %sub3A_998 = vector.broadcast %sub3A_997 : f32 to vector<16xf32>
        %sub3A_999 = arith.subf %sub3A_998, %div3A_976 : vector<16xf32>
        %div3A_1000 = arith.constant 2.000000e+00 : f32
        %div3A_1001 = vector.broadcast %div3A_1000 : f32 to vector<16xf32>
        %div3A_1002 = arith.divf %sub3A_999, %div3A_1001 : vector<16xf32>
        %sub3A_1003 = arith.constant -2.000000e+00 : f32
        %sub3A_1004 = vector.broadcast %sub3A_1003 : f32 to vector<16xf32>
        %sub3A_1005 = arith.subf %sub3A_1004, %div3A_977 : vector<16xf32>
        %div3A_1006 = arith.constant 2.000000e+00 : f32
        %div3A_1007 = vector.broadcast %div3A_1006 : f32 to vector<16xf32>
        %div3A_1008 = arith.divf %sub3A_1005, %div3A_1007 : vector<16xf32>
        %mul3A_1009 = arith.mulf %div3A_1002, %div3A_1002 : vector<16xf32>
        %mul3A_1010 = arith.mulf %div3A_1008, %div3A_1008 : vector<16xf32>
        %add3A_1011 = arith.addf %mul3A_1009, %mul3A_1010 : vector<16xf32>
        %mul3A_1012 = arith.mulf %exp3A_644, %add3A_1011 : vector<16xf32>
        %add3A_1013 = arith.addf %add3A_996, %mul3A_1012 : vector<16xf32>
        %sub3A_1014 = arith.constant 0.000000e+00 : f32
        %sub3A_1015 = vector.broadcast %sub3A_1014 : f32 to vector<16xf32>
        %sub3A_1016 = arith.subf %sub3A_1015, %div3A_976 : vector<16xf32>
        %div3A_1017 = arith.constant 2.000000e+00 : f32
        %div3A_1018 = vector.broadcast %div3A_1017 : f32 to vector<16xf32>
        %div3A_1019 = arith.divf %sub3A_1016, %div3A_1018 : vector<16xf32>
        %sub3A_1020 = arith.constant -2.000000e+00 : f32
        %sub3A_1021 = vector.broadcast %sub3A_1020 : f32 to vector<16xf32>
        %sub3A_1022 = arith.subf %sub3A_1021, %div3A_977 : vector<16xf32>
        %div3A_1023 = arith.constant 2.000000e+00 : f32
        %div3A_1024 = vector.broadcast %div3A_1023 : f32 to vector<16xf32>
        %div3A_1025 = arith.divf %sub3A_1022, %div3A_1024 : vector<16xf32>
        %mul3A_1026 = arith.mulf %div3A_1019, %div3A_1019 : vector<16xf32>
        %mul3A_1027 = arith.mulf %div3A_1025, %div3A_1025 : vector<16xf32>
        %add3A_1028 = arith.addf %mul3A_1026, %mul3A_1027 : vector<16xf32>
        %mul3A_1029 = arith.mulf %exp3A_658, %add3A_1028 : vector<16xf32>
        %add3A_1030 = arith.addf %add3A_1013, %mul3A_1029 : vector<16xf32>
        %sub3A_1031 = arith.constant 1.000000e+00 : f32
        %sub3A_1032 = vector.broadcast %sub3A_1031 : f32 to vector<16xf32>
        %sub3A_1033 = arith.subf %sub3A_1032, %div3A_976 : vector<16xf32>
        %div3A_1034 = arith.constant 2.000000e+00 : f32
        %div3A_1035 = vector.broadcast %div3A_1034 : f32 to vector<16xf32>
        %div3A_1036 = arith.divf %sub3A_1033, %div3A_1035 : vector<16xf32>
        %sub3A_1037 = arith.constant -2.000000e+00 : f32
        %sub3A_1038 = vector.broadcast %sub3A_1037 : f32 to vector<16xf32>
        %sub3A_1039 = arith.subf %sub3A_1038, %div3A_977 : vector<16xf32>
        %div3A_1040 = arith.constant 2.000000e+00 : f32
        %div3A_1041 = vector.broadcast %div3A_1040 : f32 to vector<16xf32>
        %div3A_1042 = arith.divf %sub3A_1039, %div3A_1041 : vector<16xf32>
        %mul3A_1043 = arith.mulf %div3A_1036, %div3A_1036 : vector<16xf32>
        %mul3A_1044 = arith.mulf %div3A_1042, %div3A_1042 : vector<16xf32>
        %add3A_1045 = arith.addf %mul3A_1043, %mul3A_1044 : vector<16xf32>
        %mul3A_1046 = arith.mulf %exp3A_672, %add3A_1045 : vector<16xf32>
        %add3A_1047 = arith.addf %add3A_1030, %mul3A_1046 : vector<16xf32>
        %sub3A_1048 = arith.constant 2.000000e+00 : f32
        %sub3A_1049 = vector.broadcast %sub3A_1048 : f32 to vector<16xf32>
        %sub3A_1050 = arith.subf %sub3A_1049, %div3A_976 : vector<16xf32>
        %div3A_1051 = arith.constant 2.000000e+00 : f32
        %div3A_1052 = vector.broadcast %div3A_1051 : f32 to vector<16xf32>
        %div3A_1053 = arith.divf %sub3A_1050, %div3A_1052 : vector<16xf32>
        %sub3A_1054 = arith.constant -2.000000e+00 : f32
        %sub3A_1055 = vector.broadcast %sub3A_1054 : f32 to vector<16xf32>
        %sub3A_1056 = arith.subf %sub3A_1055, %div3A_977 : vector<16xf32>
        %div3A_1057 = arith.constant 2.000000e+00 : f32
        %div3A_1058 = vector.broadcast %div3A_1057 : f32 to vector<16xf32>
        %div3A_1059 = arith.divf %sub3A_1056, %div3A_1058 : vector<16xf32>
        %mul3A_1060 = arith.mulf %div3A_1053, %div3A_1053 : vector<16xf32>
        %mul3A_1061 = arith.mulf %div3A_1059, %div3A_1059 : vector<16xf32>
        %add3A_1062 = arith.addf %mul3A_1060, %mul3A_1061 : vector<16xf32>
        %mul3A_1063 = arith.mulf %exp3A_686, %add3A_1062 : vector<16xf32>
        %add3A_1064 = arith.addf %add3A_1047, %mul3A_1063 : vector<16xf32>
        %sub3A_1065 = arith.constant -2.000000e+00 : f32
        %sub3A_1066 = vector.broadcast %sub3A_1065 : f32 to vector<16xf32>
        %sub3A_1067 = arith.subf %sub3A_1066, %div3A_976 : vector<16xf32>
        %div3A_1068 = arith.constant 2.000000e+00 : f32
        %div3A_1069 = vector.broadcast %div3A_1068 : f32 to vector<16xf32>
        %div3A_1070 = arith.divf %sub3A_1067, %div3A_1069 : vector<16xf32>
        %sub3A_1071 = arith.constant -1.000000e+00 : f32
        %sub3A_1072 = vector.broadcast %sub3A_1071 : f32 to vector<16xf32>
        %sub3A_1073 = arith.subf %sub3A_1072, %div3A_977 : vector<16xf32>
        %div3A_1074 = arith.constant 2.000000e+00 : f32
        %div3A_1075 = vector.broadcast %div3A_1074 : f32 to vector<16xf32>
        %div3A_1076 = arith.divf %sub3A_1073, %div3A_1075 : vector<16xf32>
        %mul3A_1077 = arith.mulf %div3A_1070, %div3A_1070 : vector<16xf32>
        %mul3A_1078 = arith.mulf %div3A_1076, %div3A_1076 : vector<16xf32>
        %add3A_1079 = arith.addf %mul3A_1077, %mul3A_1078 : vector<16xf32>
        %mul3A_1080 = arith.mulf %exp3A_700, %add3A_1079 : vector<16xf32>
        %add3A_1081 = arith.addf %add3A_1064, %mul3A_1080 : vector<16xf32>
        %sub3A_1082 = arith.constant -1.000000e+00 : f32
        %sub3A_1083 = vector.broadcast %sub3A_1082 : f32 to vector<16xf32>
        %sub3A_1084 = arith.subf %sub3A_1083, %div3A_976 : vector<16xf32>
        %div3A_1085 = arith.constant 2.000000e+00 : f32
        %div3A_1086 = vector.broadcast %div3A_1085 : f32 to vector<16xf32>
        %div3A_1087 = arith.divf %sub3A_1084, %div3A_1086 : vector<16xf32>
        %sub3A_1088 = arith.constant -1.000000e+00 : f32
        %sub3A_1089 = vector.broadcast %sub3A_1088 : f32 to vector<16xf32>
        %sub3A_1090 = arith.subf %sub3A_1089, %div3A_977 : vector<16xf32>
        %div3A_1091 = arith.constant 2.000000e+00 : f32
        %div3A_1092 = vector.broadcast %div3A_1091 : f32 to vector<16xf32>
        %div3A_1093 = arith.divf %sub3A_1090, %div3A_1092 : vector<16xf32>
        %mul3A_1094 = arith.mulf %div3A_1087, %div3A_1087 : vector<16xf32>
        %mul3A_1095 = arith.mulf %div3A_1093, %div3A_1093 : vector<16xf32>
        %add3A_1096 = arith.addf %mul3A_1094, %mul3A_1095 : vector<16xf32>
        %mul3A_1097 = arith.mulf %exp3A_714, %add3A_1096 : vector<16xf32>
        %add3A_1098 = arith.addf %add3A_1081, %mul3A_1097 : vector<16xf32>
        %sub3A_1099 = arith.constant 0.000000e+00 : f32
        %sub3A_1100 = vector.broadcast %sub3A_1099 : f32 to vector<16xf32>
        %sub3A_1101 = arith.subf %sub3A_1100, %div3A_976 : vector<16xf32>
        %div3A_1102 = arith.constant 2.000000e+00 : f32
        %div3A_1103 = vector.broadcast %div3A_1102 : f32 to vector<16xf32>
        %div3A_1104 = arith.divf %sub3A_1101, %div3A_1103 : vector<16xf32>
        %sub3A_1105 = arith.constant -1.000000e+00 : f32
        %sub3A_1106 = vector.broadcast %sub3A_1105 : f32 to vector<16xf32>
        %sub3A_1107 = arith.subf %sub3A_1106, %div3A_977 : vector<16xf32>
        %div3A_1108 = arith.constant 2.000000e+00 : f32
        %div3A_1109 = vector.broadcast %div3A_1108 : f32 to vector<16xf32>
        %div3A_1110 = arith.divf %sub3A_1107, %div3A_1109 : vector<16xf32>
        %mul3A_1111 = arith.mulf %div3A_1104, %div3A_1104 : vector<16xf32>
        %mul3A_1112 = arith.mulf %div3A_1110, %div3A_1110 : vector<16xf32>
        %add3A_1113 = arith.addf %mul3A_1111, %mul3A_1112 : vector<16xf32>
        %mul3A_1114 = arith.mulf %exp3A_728, %add3A_1113 : vector<16xf32>
        %add3A_1115 = arith.addf %add3A_1098, %mul3A_1114 : vector<16xf32>
        %sub3A_1116 = arith.constant 1.000000e+00 : f32
        %sub3A_1117 = vector.broadcast %sub3A_1116 : f32 to vector<16xf32>
        %sub3A_1118 = arith.subf %sub3A_1117, %div3A_976 : vector<16xf32>
        %div3A_1119 = arith.constant 2.000000e+00 : f32
        %div3A_1120 = vector.broadcast %div3A_1119 : f32 to vector<16xf32>
        %div3A_1121 = arith.divf %sub3A_1118, %div3A_1120 : vector<16xf32>
        %sub3A_1122 = arith.constant -1.000000e+00 : f32
        %sub3A_1123 = vector.broadcast %sub3A_1122 : f32 to vector<16xf32>
        %sub3A_1124 = arith.subf %sub3A_1123, %div3A_977 : vector<16xf32>
        %div3A_1125 = arith.constant 2.000000e+00 : f32
        %div3A_1126 = vector.broadcast %div3A_1125 : f32 to vector<16xf32>
        %div3A_1127 = arith.divf %sub3A_1124, %div3A_1126 : vector<16xf32>
        %mul3A_1128 = arith.mulf %div3A_1121, %div3A_1121 : vector<16xf32>
        %mul3A_1129 = arith.mulf %div3A_1127, %div3A_1127 : vector<16xf32>
        %add3A_1130 = arith.addf %mul3A_1128, %mul3A_1129 : vector<16xf32>
        %mul3A_1131 = arith.mulf %exp3A_742, %add3A_1130 : vector<16xf32>
        %add3A_1132 = arith.addf %add3A_1115, %mul3A_1131 : vector<16xf32>
        %sub3A_1133 = arith.constant 2.000000e+00 : f32
        %sub3A_1134 = vector.broadcast %sub3A_1133 : f32 to vector<16xf32>
        %sub3A_1135 = arith.subf %sub3A_1134, %div3A_976 : vector<16xf32>
        %div3A_1136 = arith.constant 2.000000e+00 : f32
        %div3A_1137 = vector.broadcast %div3A_1136 : f32 to vector<16xf32>
        %div3A_1138 = arith.divf %sub3A_1135, %div3A_1137 : vector<16xf32>
        %sub3A_1139 = arith.constant -1.000000e+00 : f32
        %sub3A_1140 = vector.broadcast %sub3A_1139 : f32 to vector<16xf32>
        %sub3A_1141 = arith.subf %sub3A_1140, %div3A_977 : vector<16xf32>
        %div3A_1142 = arith.constant 2.000000e+00 : f32
        %div3A_1143 = vector.broadcast %div3A_1142 : f32 to vector<16xf32>
        %div3A_1144 = arith.divf %sub3A_1141, %div3A_1143 : vector<16xf32>
        %mul3A_1145 = arith.mulf %div3A_1138, %div3A_1138 : vector<16xf32>
        %mul3A_1146 = arith.mulf %div3A_1144, %div3A_1144 : vector<16xf32>
        %add3A_1147 = arith.addf %mul3A_1145, %mul3A_1146 : vector<16xf32>
        %mul3A_1148 = arith.mulf %exp3A_756, %add3A_1147 : vector<16xf32>
        %add3A_1149 = arith.addf %add3A_1132, %mul3A_1148 : vector<16xf32>
        %sub3A_1150 = arith.constant -2.000000e+00 : f32
        %sub3A_1151 = vector.broadcast %sub3A_1150 : f32 to vector<16xf32>
        %sub3A_1152 = arith.subf %sub3A_1151, %div3A_976 : vector<16xf32>
        %div3A_1153 = arith.constant 2.000000e+00 : f32
        %div3A_1154 = vector.broadcast %div3A_1153 : f32 to vector<16xf32>
        %div3A_1155 = arith.divf %sub3A_1152, %div3A_1154 : vector<16xf32>
        %sub3A_1156 = arith.constant 0.000000e+00 : f32
        %sub3A_1157 = vector.broadcast %sub3A_1156 : f32 to vector<16xf32>
        %sub3A_1158 = arith.subf %sub3A_1157, %div3A_977 : vector<16xf32>
        %div3A_1159 = arith.constant 2.000000e+00 : f32
        %div3A_1160 = vector.broadcast %div3A_1159 : f32 to vector<16xf32>
        %div3A_1161 = arith.divf %sub3A_1158, %div3A_1160 : vector<16xf32>
        %mul3A_1162 = arith.mulf %div3A_1155, %div3A_1155 : vector<16xf32>
        %mul3A_1163 = arith.mulf %div3A_1161, %div3A_1161 : vector<16xf32>
        %add3A_1164 = arith.addf %mul3A_1162, %mul3A_1163 : vector<16xf32>
        %mul3A_1165 = arith.mulf %exp3A_770, %add3A_1164 : vector<16xf32>
        %add3A_1166 = arith.addf %add3A_1149, %mul3A_1165 : vector<16xf32>
        %sub3A_1167 = arith.constant -1.000000e+00 : f32
        %sub3A_1168 = vector.broadcast %sub3A_1167 : f32 to vector<16xf32>
        %sub3A_1169 = arith.subf %sub3A_1168, %div3A_976 : vector<16xf32>
        %div3A_1170 = arith.constant 2.000000e+00 : f32
        %div3A_1171 = vector.broadcast %div3A_1170 : f32 to vector<16xf32>
        %div3A_1172 = arith.divf %sub3A_1169, %div3A_1171 : vector<16xf32>
        %sub3A_1173 = arith.constant 0.000000e+00 : f32
        %sub3A_1174 = vector.broadcast %sub3A_1173 : f32 to vector<16xf32>
        %sub3A_1175 = arith.subf %sub3A_1174, %div3A_977 : vector<16xf32>
        %div3A_1176 = arith.constant 2.000000e+00 : f32
        %div3A_1177 = vector.broadcast %div3A_1176 : f32 to vector<16xf32>
        %div3A_1178 = arith.divf %sub3A_1175, %div3A_1177 : vector<16xf32>
        %mul3A_1179 = arith.mulf %div3A_1172, %div3A_1172 : vector<16xf32>
        %mul3A_1180 = arith.mulf %div3A_1178, %div3A_1178 : vector<16xf32>
        %add3A_1181 = arith.addf %mul3A_1179, %mul3A_1180 : vector<16xf32>
        %mul3A_1182 = arith.mulf %exp3A_784, %add3A_1181 : vector<16xf32>
        %add3A_1183 = arith.addf %add3A_1166, %mul3A_1182 : vector<16xf32>
        %sub3A_1184 = arith.constant 0.000000e+00 : f32
        %sub3A_1185 = vector.broadcast %sub3A_1184 : f32 to vector<16xf32>
        %sub3A_1186 = arith.subf %sub3A_1185, %div3A_976 : vector<16xf32>
        %div3A_1187 = arith.constant 2.000000e+00 : f32
        %div3A_1188 = vector.broadcast %div3A_1187 : f32 to vector<16xf32>
        %div3A_1189 = arith.divf %sub3A_1186, %div3A_1188 : vector<16xf32>
        %sub3A_1190 = arith.constant 0.000000e+00 : f32
        %sub3A_1191 = vector.broadcast %sub3A_1190 : f32 to vector<16xf32>
        %sub3A_1192 = arith.subf %sub3A_1191, %div3A_977 : vector<16xf32>
        %div3A_1193 = arith.constant 2.000000e+00 : f32
        %div3A_1194 = vector.broadcast %div3A_1193 : f32 to vector<16xf32>
        %div3A_1195 = arith.divf %sub3A_1192, %div3A_1194 : vector<16xf32>
        %mul3A_1196 = arith.mulf %div3A_1189, %div3A_1189 : vector<16xf32>
        %mul3A_1197 = arith.mulf %div3A_1195, %div3A_1195 : vector<16xf32>
        %add3A_1198 = arith.addf %mul3A_1196, %mul3A_1197 : vector<16xf32>
        %mul3A_1199 = arith.mulf %exp3A_798, %add3A_1198 : vector<16xf32>
        %add3A_1200 = arith.addf %add3A_1183, %mul3A_1199 : vector<16xf32>
        %sub3A_1201 = arith.constant 1.000000e+00 : f32
        %sub3A_1202 = vector.broadcast %sub3A_1201 : f32 to vector<16xf32>
        %sub3A_1203 = arith.subf %sub3A_1202, %div3A_976 : vector<16xf32>
        %div3A_1204 = arith.constant 2.000000e+00 : f32
        %div3A_1205 = vector.broadcast %div3A_1204 : f32 to vector<16xf32>
        %div3A_1206 = arith.divf %sub3A_1203, %div3A_1205 : vector<16xf32>
        %sub3A_1207 = arith.constant 0.000000e+00 : f32
        %sub3A_1208 = vector.broadcast %sub3A_1207 : f32 to vector<16xf32>
        %sub3A_1209 = arith.subf %sub3A_1208, %div3A_977 : vector<16xf32>
        %div3A_1210 = arith.constant 2.000000e+00 : f32
        %div3A_1211 = vector.broadcast %div3A_1210 : f32 to vector<16xf32>
        %div3A_1212 = arith.divf %sub3A_1209, %div3A_1211 : vector<16xf32>
        %mul3A_1213 = arith.mulf %div3A_1206, %div3A_1206 : vector<16xf32>
        %mul3A_1214 = arith.mulf %div3A_1212, %div3A_1212 : vector<16xf32>
        %add3A_1215 = arith.addf %mul3A_1213, %mul3A_1214 : vector<16xf32>
        %mul3A_1216 = arith.mulf %exp3A_812, %add3A_1215 : vector<16xf32>
        %add3A_1217 = arith.addf %add3A_1200, %mul3A_1216 : vector<16xf32>
        %sub3A_1218 = arith.constant 2.000000e+00 : f32
        %sub3A_1219 = vector.broadcast %sub3A_1218 : f32 to vector<16xf32>
        %sub3A_1220 = arith.subf %sub3A_1219, %div3A_976 : vector<16xf32>
        %div3A_1221 = arith.constant 2.000000e+00 : f32
        %div3A_1222 = vector.broadcast %div3A_1221 : f32 to vector<16xf32>
        %div3A_1223 = arith.divf %sub3A_1220, %div3A_1222 : vector<16xf32>
        %sub3A_1224 = arith.constant 0.000000e+00 : f32
        %sub3A_1225 = vector.broadcast %sub3A_1224 : f32 to vector<16xf32>
        %sub3A_1226 = arith.subf %sub3A_1225, %div3A_977 : vector<16xf32>
        %div3A_1227 = arith.constant 2.000000e+00 : f32
        %div3A_1228 = vector.broadcast %div3A_1227 : f32 to vector<16xf32>
        %div3A_1229 = arith.divf %sub3A_1226, %div3A_1228 : vector<16xf32>
        %mul3A_1230 = arith.mulf %div3A_1223, %div3A_1223 : vector<16xf32>
        %mul3A_1231 = arith.mulf %div3A_1229, %div3A_1229 : vector<16xf32>
        %add3A_1232 = arith.addf %mul3A_1230, %mul3A_1231 : vector<16xf32>
        %mul3A_1233 = arith.mulf %exp3A_826, %add3A_1232 : vector<16xf32>
        %add3A_1234 = arith.addf %add3A_1217, %mul3A_1233 : vector<16xf32>
        %sub3A_1235 = arith.constant -2.000000e+00 : f32
        %sub3A_1236 = vector.broadcast %sub3A_1235 : f32 to vector<16xf32>
        %sub3A_1237 = arith.subf %sub3A_1236, %div3A_976 : vector<16xf32>
        %div3A_1238 = arith.constant 2.000000e+00 : f32
        %div3A_1239 = vector.broadcast %div3A_1238 : f32 to vector<16xf32>
        %div3A_1240 = arith.divf %sub3A_1237, %div3A_1239 : vector<16xf32>
        %sub3A_1241 = arith.constant 1.000000e+00 : f32
        %sub3A_1242 = vector.broadcast %sub3A_1241 : f32 to vector<16xf32>
        %sub3A_1243 = arith.subf %sub3A_1242, %div3A_977 : vector<16xf32>
        %div3A_1244 = arith.constant 2.000000e+00 : f32
        %div3A_1245 = vector.broadcast %div3A_1244 : f32 to vector<16xf32>
        %div3A_1246 = arith.divf %sub3A_1243, %div3A_1245 : vector<16xf32>
        %mul3A_1247 = arith.mulf %div3A_1240, %div3A_1240 : vector<16xf32>
        %mul3A_1248 = arith.mulf %div3A_1246, %div3A_1246 : vector<16xf32>
        %add3A_1249 = arith.addf %mul3A_1247, %mul3A_1248 : vector<16xf32>
        %mul3A_1250 = arith.mulf %exp3A_840, %add3A_1249 : vector<16xf32>
        %add3A_1251 = arith.addf %add3A_1234, %mul3A_1250 : vector<16xf32>
        %sub3A_1252 = arith.constant -1.000000e+00 : f32
        %sub3A_1253 = vector.broadcast %sub3A_1252 : f32 to vector<16xf32>
        %sub3A_1254 = arith.subf %sub3A_1253, %div3A_976 : vector<16xf32>
        %div3A_1255 = arith.constant 2.000000e+00 : f32
        %div3A_1256 = vector.broadcast %div3A_1255 : f32 to vector<16xf32>
        %div3A_1257 = arith.divf %sub3A_1254, %div3A_1256 : vector<16xf32>
        %sub3A_1258 = arith.constant 1.000000e+00 : f32
        %sub3A_1259 = vector.broadcast %sub3A_1258 : f32 to vector<16xf32>
        %sub3A_1260 = arith.subf %sub3A_1259, %div3A_977 : vector<16xf32>
        %div3A_1261 = arith.constant 2.000000e+00 : f32
        %div3A_1262 = vector.broadcast %div3A_1261 : f32 to vector<16xf32>
        %div3A_1263 = arith.divf %sub3A_1260, %div3A_1262 : vector<16xf32>
        %mul3A_1264 = arith.mulf %div3A_1257, %div3A_1257 : vector<16xf32>
        %mul3A_1265 = arith.mulf %div3A_1263, %div3A_1263 : vector<16xf32>
        %add3A_1266 = arith.addf %mul3A_1264, %mul3A_1265 : vector<16xf32>
        %mul3A_1267 = arith.mulf %exp3A_854, %add3A_1266 : vector<16xf32>
        %add3A_1268 = arith.addf %add3A_1251, %mul3A_1267 : vector<16xf32>
        %sub3A_1269 = arith.constant 0.000000e+00 : f32
        %sub3A_1270 = vector.broadcast %sub3A_1269 : f32 to vector<16xf32>
        %sub3A_1271 = arith.subf %sub3A_1270, %div3A_976 : vector<16xf32>
        %div3A_1272 = arith.constant 2.000000e+00 : f32
        %div3A_1273 = vector.broadcast %div3A_1272 : f32 to vector<16xf32>
        %div3A_1274 = arith.divf %sub3A_1271, %div3A_1273 : vector<16xf32>
        %sub3A_1275 = arith.constant 1.000000e+00 : f32
        %sub3A_1276 = vector.broadcast %sub3A_1275 : f32 to vector<16xf32>
        %sub3A_1277 = arith.subf %sub3A_1276, %div3A_977 : vector<16xf32>
        %div3A_1278 = arith.constant 2.000000e+00 : f32
        %div3A_1279 = vector.broadcast %div3A_1278 : f32 to vector<16xf32>
        %div3A_1280 = arith.divf %sub3A_1277, %div3A_1279 : vector<16xf32>
        %mul3A_1281 = arith.mulf %div3A_1274, %div3A_1274 : vector<16xf32>
        %mul3A_1282 = arith.mulf %div3A_1280, %div3A_1280 : vector<16xf32>
        %add3A_1283 = arith.addf %mul3A_1281, %mul3A_1282 : vector<16xf32>
        %mul3A_1284 = arith.mulf %exp3A_868, %add3A_1283 : vector<16xf32>
        %add3A_1285 = arith.addf %add3A_1268, %mul3A_1284 : vector<16xf32>
        %sub3A_1286 = arith.constant 1.000000e+00 : f32
        %sub3A_1287 = vector.broadcast %sub3A_1286 : f32 to vector<16xf32>
        %sub3A_1288 = arith.subf %sub3A_1287, %div3A_976 : vector<16xf32>
        %div3A_1289 = arith.constant 2.000000e+00 : f32
        %div3A_1290 = vector.broadcast %div3A_1289 : f32 to vector<16xf32>
        %div3A_1291 = arith.divf %sub3A_1288, %div3A_1290 : vector<16xf32>
        %sub3A_1292 = arith.constant 1.000000e+00 : f32
        %sub3A_1293 = vector.broadcast %sub3A_1292 : f32 to vector<16xf32>
        %sub3A_1294 = arith.subf %sub3A_1293, %div3A_977 : vector<16xf32>
        %div3A_1295 = arith.constant 2.000000e+00 : f32
        %div3A_1296 = vector.broadcast %div3A_1295 : f32 to vector<16xf32>
        %div3A_1297 = arith.divf %sub3A_1294, %div3A_1296 : vector<16xf32>
        %mul3A_1298 = arith.mulf %div3A_1291, %div3A_1291 : vector<16xf32>
        %mul3A_1299 = arith.mulf %div3A_1297, %div3A_1297 : vector<16xf32>
        %add3A_1300 = arith.addf %mul3A_1298, %mul3A_1299 : vector<16xf32>
        %mul3A_1301 = arith.mulf %exp3A_882, %add3A_1300 : vector<16xf32>
        %add3A_1302 = arith.addf %add3A_1285, %mul3A_1301 : vector<16xf32>
        %sub3A_1303 = arith.constant 2.000000e+00 : f32
        %sub3A_1304 = vector.broadcast %sub3A_1303 : f32 to vector<16xf32>
        %sub3A_1305 = arith.subf %sub3A_1304, %div3A_976 : vector<16xf32>
        %div3A_1306 = arith.constant 2.000000e+00 : f32
        %div3A_1307 = vector.broadcast %div3A_1306 : f32 to vector<16xf32>
        %div3A_1308 = arith.divf %sub3A_1305, %div3A_1307 : vector<16xf32>
        %sub3A_1309 = arith.constant 1.000000e+00 : f32
        %sub3A_1310 = vector.broadcast %sub3A_1309 : f32 to vector<16xf32>
        %sub3A_1311 = arith.subf %sub3A_1310, %div3A_977 : vector<16xf32>
        %div3A_1312 = arith.constant 2.000000e+00 : f32
        %div3A_1313 = vector.broadcast %div3A_1312 : f32 to vector<16xf32>
        %div3A_1314 = arith.divf %sub3A_1311, %div3A_1313 : vector<16xf32>
        %mul3A_1315 = arith.mulf %div3A_1308, %div3A_1308 : vector<16xf32>
        %mul3A_1316 = arith.mulf %div3A_1314, %div3A_1314 : vector<16xf32>
        %add3A_1317 = arith.addf %mul3A_1315, %mul3A_1316 : vector<16xf32>
        %mul3A_1318 = arith.mulf %exp3A_896, %add3A_1317 : vector<16xf32>
        %add3A_1319 = arith.addf %add3A_1302, %mul3A_1318 : vector<16xf32>
        %sub3A_1320 = arith.constant -2.000000e+00 : f32
        %sub3A_1321 = vector.broadcast %sub3A_1320 : f32 to vector<16xf32>
        %sub3A_1322 = arith.subf %sub3A_1321, %div3A_976 : vector<16xf32>
        %div3A_1323 = arith.constant 2.000000e+00 : f32
        %div3A_1324 = vector.broadcast %div3A_1323 : f32 to vector<16xf32>
        %div3A_1325 = arith.divf %sub3A_1322, %div3A_1324 : vector<16xf32>
        %sub3A_1326 = arith.constant 2.000000e+00 : f32
        %sub3A_1327 = vector.broadcast %sub3A_1326 : f32 to vector<16xf32>
        %sub3A_1328 = arith.subf %sub3A_1327, %div3A_977 : vector<16xf32>
        %div3A_1329 = arith.constant 2.000000e+00 : f32
        %div3A_1330 = vector.broadcast %div3A_1329 : f32 to vector<16xf32>
        %div3A_1331 = arith.divf %sub3A_1328, %div3A_1330 : vector<16xf32>
        %mul3A_1332 = arith.mulf %div3A_1325, %div3A_1325 : vector<16xf32>
        %mul3A_1333 = arith.mulf %div3A_1331, %div3A_1331 : vector<16xf32>
        %add3A_1334 = arith.addf %mul3A_1332, %mul3A_1333 : vector<16xf32>
        %mul3A_1335 = arith.mulf %exp3A_910, %add3A_1334 : vector<16xf32>
        %add3A_1336 = arith.addf %add3A_1319, %mul3A_1335 : vector<16xf32>
        %sub3A_1337 = arith.constant -1.000000e+00 : f32
        %sub3A_1338 = vector.broadcast %sub3A_1337 : f32 to vector<16xf32>
        %sub3A_1339 = arith.subf %sub3A_1338, %div3A_976 : vector<16xf32>
        %div3A_1340 = arith.constant 2.000000e+00 : f32
        %div3A_1341 = vector.broadcast %div3A_1340 : f32 to vector<16xf32>
        %div3A_1342 = arith.divf %sub3A_1339, %div3A_1341 : vector<16xf32>
        %sub3A_1343 = arith.constant 2.000000e+00 : f32
        %sub3A_1344 = vector.broadcast %sub3A_1343 : f32 to vector<16xf32>
        %sub3A_1345 = arith.subf %sub3A_1344, %div3A_977 : vector<16xf32>
        %div3A_1346 = arith.constant 2.000000e+00 : f32
        %div3A_1347 = vector.broadcast %div3A_1346 : f32 to vector<16xf32>
        %div3A_1348 = arith.divf %sub3A_1345, %div3A_1347 : vector<16xf32>
        %mul3A_1349 = arith.mulf %div3A_1342, %div3A_1342 : vector<16xf32>
        %mul3A_1350 = arith.mulf %div3A_1348, %div3A_1348 : vector<16xf32>
        %add3A_1351 = arith.addf %mul3A_1349, %mul3A_1350 : vector<16xf32>
        %mul3A_1352 = arith.mulf %exp3A_924, %add3A_1351 : vector<16xf32>
        %add3A_1353 = arith.addf %add3A_1336, %mul3A_1352 : vector<16xf32>
        %sub3A_1354 = arith.constant 0.000000e+00 : f32
        %sub3A_1355 = vector.broadcast %sub3A_1354 : f32 to vector<16xf32>
        %sub3A_1356 = arith.subf %sub3A_1355, %div3A_976 : vector<16xf32>
        %div3A_1357 = arith.constant 2.000000e+00 : f32
        %div3A_1358 = vector.broadcast %div3A_1357 : f32 to vector<16xf32>
        %div3A_1359 = arith.divf %sub3A_1356, %div3A_1358 : vector<16xf32>
        %sub3A_1360 = arith.constant 2.000000e+00 : f32
        %sub3A_1361 = vector.broadcast %sub3A_1360 : f32 to vector<16xf32>
        %sub3A_1362 = arith.subf %sub3A_1361, %div3A_977 : vector<16xf32>
        %div3A_1363 = arith.constant 2.000000e+00 : f32
        %div3A_1364 = vector.broadcast %div3A_1363 : f32 to vector<16xf32>
        %div3A_1365 = arith.divf %sub3A_1362, %div3A_1364 : vector<16xf32>
        %mul3A_1366 = arith.mulf %div3A_1359, %div3A_1359 : vector<16xf32>
        %mul3A_1367 = arith.mulf %div3A_1365, %div3A_1365 : vector<16xf32>
        %add3A_1368 = arith.addf %mul3A_1366, %mul3A_1367 : vector<16xf32>
        %mul3A_1369 = arith.mulf %exp3A_938, %add3A_1368 : vector<16xf32>
        %add3A_1370 = arith.addf %add3A_1353, %mul3A_1369 : vector<16xf32>
        %sub3A_1371 = arith.constant 1.000000e+00 : f32
        %sub3A_1372 = vector.broadcast %sub3A_1371 : f32 to vector<16xf32>
        %sub3A_1373 = arith.subf %sub3A_1372, %div3A_976 : vector<16xf32>
        %div3A_1374 = arith.constant 2.000000e+00 : f32
        %div3A_1375 = vector.broadcast %div3A_1374 : f32 to vector<16xf32>
        %div3A_1376 = arith.divf %sub3A_1373, %div3A_1375 : vector<16xf32>
        %sub3A_1377 = arith.constant 2.000000e+00 : f32
        %sub3A_1378 = vector.broadcast %sub3A_1377 : f32 to vector<16xf32>
        %sub3A_1379 = arith.subf %sub3A_1378, %div3A_977 : vector<16xf32>
        %div3A_1380 = arith.constant 2.000000e+00 : f32
        %div3A_1381 = vector.broadcast %div3A_1380 : f32 to vector<16xf32>
        %div3A_1382 = arith.divf %sub3A_1379, %div3A_1381 : vector<16xf32>
        %mul3A_1383 = arith.mulf %div3A_1376, %div3A_1376 : vector<16xf32>
        %mul3A_1384 = arith.mulf %div3A_1382, %div3A_1382 : vector<16xf32>
        %add3A_1385 = arith.addf %mul3A_1383, %mul3A_1384 : vector<16xf32>
        %mul3A_1386 = arith.mulf %exp3A_952, %add3A_1385 : vector<16xf32>
        %add3A_1387 = arith.addf %add3A_1370, %mul3A_1386 : vector<16xf32>
        %sub3A_1388 = arith.constant 2.000000e+00 : f32
        %sub3A_1389 = vector.broadcast %sub3A_1388 : f32 to vector<16xf32>
        %sub3A_1390 = arith.subf %sub3A_1389, %div3A_976 : vector<16xf32>
        %div3A_1391 = arith.constant 2.000000e+00 : f32
        %div3A_1392 = vector.broadcast %div3A_1391 : f32 to vector<16xf32>
        %div3A_1393 = arith.divf %sub3A_1390, %div3A_1392 : vector<16xf32>
        %sub3A_1394 = arith.constant 2.000000e+00 : f32
        %sub3A_1395 = vector.broadcast %sub3A_1394 : f32 to vector<16xf32>
        %sub3A_1396 = arith.subf %sub3A_1395, %div3A_977 : vector<16xf32>
        %div3A_1397 = arith.constant 2.000000e+00 : f32
        %div3A_1398 = vector.broadcast %div3A_1397 : f32 to vector<16xf32>
        %div3A_1399 = arith.divf %sub3A_1396, %div3A_1398 : vector<16xf32>
        %mul3A_1400 = arith.mulf %div3A_1393, %div3A_1393 : vector<16xf32>
        %mul3A_1401 = arith.mulf %div3A_1399, %div3A_1399 : vector<16xf32>
        %add3A_1402 = arith.addf %mul3A_1400, %mul3A_1401 : vector<16xf32>
        %mul3A_1403 = arith.mulf %exp3A_966, %add3A_1402 : vector<16xf32>
        %add3A_1404 = arith.addf %add3A_1387, %mul3A_1403 : vector<16xf32>
        %div3A_1405 = arith.divf %add3A_1404, %add3A_967 : vector<16xf32>
        %convert_element_type3A = arith.sitofp %and3A_230 : vector<16xi32> to vector<16xf32>
        %convert_element_type3A_1406 = arith.sitofp %shift_right_arithmetic3A_227 : vector<16xi32> to vector<16xf32>
        %add3A_1407 = arith.addf %convert_element_type3A, %div3A_976 : vector<16xf32>
        %div3A_1408 = arith.constant 5.110000e+02 : f32
        %div3A_1409 = vector.broadcast %div3A_1408 : f32 to vector<16xf32>
        %div3A_1410 = arith.divf %add3A_1407, %div3A_1409 : vector<16xf32>
        %mul3A_1411 = arith.constant 2.000000e+00 : f32
        %mul3A_1412 = vector.broadcast %mul3A_1411 : f32 to vector<16xf32>
        %mul3A_1413 = arith.mulf %div3A_1410, %mul3A_1412 : vector<16xf32>
        %sub3A_1414 = arith.constant 1.000000e+00 : f32
        %sub3A_1415 = vector.broadcast %sub3A_1414 : f32 to vector<16xf32>
        %sub3A_1416 = arith.subf %mul3A_1413, %sub3A_1415 : vector<16xf32>
        %add3A_1417 = arith.addf %convert_element_type3A_1406, %div3A_977 : vector<16xf32>
        %div3A_1418 = arith.constant 5.110000e+02 : f32
        %div3A_1419 = vector.broadcast %div3A_1418 : f32 to vector<16xf32>
        %div3A_1420 = arith.divf %add3A_1417, %div3A_1419 : vector<16xf32>
        %mul3A_1421 = arith.constant 2.000000e+00 : f32
        %mul3A_1422 = vector.broadcast %mul3A_1421 : f32 to vector<16xf32>
        %mul3A_1423 = arith.mulf %div3A_1420, %mul3A_1422 : vector<16xf32>
        %sub3A_1424 = arith.constant 1.000000e+00 : f32
        %sub3A_1425 = vector.broadcast %sub3A_1424 : f32 to vector<16xf32>
        %sub3A_1426 = arith.subf %mul3A_1423, %sub3A_1425 : vector<16xf32>
        %add3A_1427 = arith.constant 1.000000e+00 : f32
        %add3A_1428 = vector.broadcast %add3A_1427 : f32 to vector<16xf32>
        %add3A_1429 = arith.addf %sub3A_1416, %add3A_1428 : vector<16xf32>
        %div3A_1430 = arith.constant 2.000000e+00 : f32
        %div3A_1431 = vector.broadcast %div3A_1430 : f32 to vector<16xf32>
        %div3A_1432 = arith.divf %add3A_1429, %div3A_1431 : vector<16xf32>
        %mul3A_1433 = arith.constant 5.110000e+02 : f32
        %mul3A_1434 = vector.broadcast %mul3A_1433 : f32 to vector<16xf32>
        %mul3A_1435 = arith.mulf %div3A_1432, %mul3A_1434 : vector<16xf32>
        %add3A_1436 = arith.constant 1.000000e+00 : f32
        %add3A_1437 = vector.broadcast %add3A_1436 : f32 to vector<16xf32>
        %add3A_1438 = arith.addf %sub3A_1426, %add3A_1437 : vector<16xf32>
        %div3A_1439 = arith.constant 2.000000e+00 : f32
        %div3A_1440 = vector.broadcast %div3A_1439 : f32 to vector<16xf32>
        %div3A_1441 = arith.divf %add3A_1438, %div3A_1440 : vector<16xf32>
        %mul3A_1442 = arith.constant 5.110000e+02 : f32
        %mul3A_1443 = vector.broadcast %mul3A_1442 : f32 to vector<16xf32>
        %mul3A_1444 = arith.mulf %div3A_1441, %mul3A_1443 : vector<16xf32>
        %broadcast_in_dim3A_1445 = arith.constant 0.000000e+00 : f32
        %broadcast_in_dim3A_1446 = vector.broadcast %broadcast_in_dim3A_1445 : f32 to vector<16xf32>
        %add3A_1447 = arith.constant -2.000000e+00 : f32
        %add3A_1448 = vector.broadcast %add3A_1447 : f32 to vector<16xf32>
        %add3A_1449 = arith.addf %convert_element_type3A_1406, %add3A_1448 : vector<16xf32>
        %sub3A_1450 = arith.subf %mul3A_1444, %add3A_1449 : vector<16xf32>
        %abs3A = math.absf %sub3A_1450 : vector<16xf32>
        %sub3A_1451 = arith.constant 1.000000e+00 : f32
        %sub3A_1452 = vector.broadcast %sub3A_1451 : f32 to vector<16xf32>
        %sub3A_1453 = arith.subf %sub3A_1452, %abs3A : vector<16xf32>
        %max3A_1454 = arith.constant 0.000000e+00 : f32
        %max3A_1455 = vector.broadcast %max3A_1454 : f32 to vector<16xf32>
        %max3A_1456 = arith.maximumf %max3A_1455, %sub3A_1453 : vector<16xf32>
        %add3A_1457 = arith.constant -2.000000e+00 : f32
        %add3A_1458 = vector.broadcast %add3A_1457 : f32 to vector<16xf32>
        %add3A_1459 = arith.addf %convert_element_type3A, %add3A_1458 : vector<16xf32>
        %sub3A_1460 = arith.subf %mul3A_1435, %add3A_1459 : vector<16xf32>
        %abs3A_1461 = math.absf %sub3A_1460 : vector<16xf32>
        %sub3A_1462 = arith.constant 1.000000e+00 : f32
        %sub3A_1463 = vector.broadcast %sub3A_1462 : f32 to vector<16xf32>
        %sub3A_1464 = arith.subf %sub3A_1463, %abs3A_1461 : vector<16xf32>
        %max3A_1465 = arith.constant 0.000000e+00 : f32
        %max3A_1466 = vector.broadcast %max3A_1465 : f32 to vector<16xf32>
        %max3A_1467 = arith.maximumf %max3A_1466, %sub3A_1464 : vector<16xf32>
        %mul3A_1468 = arith.mulf %gather3A_250, %max3A_1467 : vector<16xf32>
        %mul3A_1469 = arith.mulf %mul3A_1468, %max3A_1456 : vector<16xf32>
        %add3A_1470 = arith.addf %broadcast_in_dim3A_1446, %mul3A_1469 : vector<16xf32>
        %add3A_1471 = arith.constant -1.000000e+00 : f32
        %add3A_1472 = vector.broadcast %add3A_1471 : f32 to vector<16xf32>
        %add3A_1473 = arith.addf %convert_element_type3A, %add3A_1472 : vector<16xf32>
        %sub3A_1474 = arith.subf %mul3A_1435, %add3A_1473 : vector<16xf32>
        %abs3A_1475 = math.absf %sub3A_1474 : vector<16xf32>
        %sub3A_1476 = arith.constant 1.000000e+00 : f32
        %sub3A_1477 = vector.broadcast %sub3A_1476 : f32 to vector<16xf32>
        %sub3A_1478 = arith.subf %sub3A_1477, %abs3A_1475 : vector<16xf32>
        %max3A_1479 = arith.constant 0.000000e+00 : f32
        %max3A_1480 = vector.broadcast %max3A_1479 : f32 to vector<16xf32>
        %max3A_1481 = arith.maximumf %max3A_1480, %sub3A_1478 : vector<16xf32>
        %mul3A_1482 = arith.mulf %gather3A_260, %max3A_1481 : vector<16xf32>
        %mul3A_1483 = arith.mulf %mul3A_1482, %max3A_1456 : vector<16xf32>
        %add3A_1484 = arith.addf %add3A_1470, %mul3A_1483 : vector<16xf32>
        %add3A_1485 = arith.constant 0.000000e+00 : f32
        %add3A_1486 = vector.broadcast %add3A_1485 : f32 to vector<16xf32>
        %add3A_1487 = arith.addf %convert_element_type3A, %add3A_1486 : vector<16xf32>
        %sub3A_1488 = arith.subf %mul3A_1435, %add3A_1487 : vector<16xf32>
        %abs3A_1489 = math.absf %sub3A_1488 : vector<16xf32>
        %sub3A_1490 = arith.constant 1.000000e+00 : f32
        %sub3A_1491 = vector.broadcast %sub3A_1490 : f32 to vector<16xf32>
        %sub3A_1492 = arith.subf %sub3A_1491, %abs3A_1489 : vector<16xf32>
        %max3A_1493 = arith.constant 0.000000e+00 : f32
        %max3A_1494 = vector.broadcast %max3A_1493 : f32 to vector<16xf32>
        %max3A_1495 = arith.maximumf %max3A_1494, %sub3A_1492 : vector<16xf32>
        %mul3A_1496 = arith.mulf %gather3A_270, %max3A_1495 : vector<16xf32>
        %mul3A_1497 = arith.mulf %mul3A_1496, %max3A_1456 : vector<16xf32>
        %add3A_1498 = arith.addf %add3A_1484, %mul3A_1497 : vector<16xf32>
        %add3A_1499 = arith.constant 1.000000e+00 : f32
        %add3A_1500 = vector.broadcast %add3A_1499 : f32 to vector<16xf32>
        %add3A_1501 = arith.addf %convert_element_type3A, %add3A_1500 : vector<16xf32>
        %sub3A_1502 = arith.subf %mul3A_1435, %add3A_1501 : vector<16xf32>
        %abs3A_1503 = math.absf %sub3A_1502 : vector<16xf32>
        %sub3A_1504 = arith.constant 1.000000e+00 : f32
        %sub3A_1505 = vector.broadcast %sub3A_1504 : f32 to vector<16xf32>
        %sub3A_1506 = arith.subf %sub3A_1505, %abs3A_1503 : vector<16xf32>
        %max3A_1507 = arith.constant 0.000000e+00 : f32
        %max3A_1508 = vector.broadcast %max3A_1507 : f32 to vector<16xf32>
        %max3A_1509 = arith.maximumf %max3A_1508, %sub3A_1506 : vector<16xf32>
        %mul3A_1510 = arith.mulf %gather3A_280, %max3A_1509 : vector<16xf32>
        %mul3A_1511 = arith.mulf %mul3A_1510, %max3A_1456 : vector<16xf32>
        %add3A_1512 = arith.addf %add3A_1498, %mul3A_1511 : vector<16xf32>
        %add3A_1513 = arith.constant 2.000000e+00 : f32
        %add3A_1514 = vector.broadcast %add3A_1513 : f32 to vector<16xf32>
        %add3A_1515 = arith.addf %convert_element_type3A, %add3A_1514 : vector<16xf32>
        %sub3A_1516 = arith.subf %mul3A_1435, %add3A_1515 : vector<16xf32>
        %abs3A_1517 = math.absf %sub3A_1516 : vector<16xf32>
        %sub3A_1518 = arith.constant 1.000000e+00 : f32
        %sub3A_1519 = vector.broadcast %sub3A_1518 : f32 to vector<16xf32>
        %sub3A_1520 = arith.subf %sub3A_1519, %abs3A_1517 : vector<16xf32>
        %max3A_1521 = arith.constant 0.000000e+00 : f32
        %max3A_1522 = vector.broadcast %max3A_1521 : f32 to vector<16xf32>
        %max3A_1523 = arith.maximumf %max3A_1522, %sub3A_1520 : vector<16xf32>
        %mul3A_1524 = arith.mulf %gather3A_290, %max3A_1523 : vector<16xf32>
        %mul3A_1525 = arith.mulf %mul3A_1524, %max3A_1456 : vector<16xf32>
        %add3A_1526 = arith.addf %add3A_1512, %mul3A_1525 : vector<16xf32>
        %add3A_1527 = arith.constant 3.000000e+00 : f32
        %add3A_1528 = vector.broadcast %add3A_1527 : f32 to vector<16xf32>
        %add3A_1529 = arith.addf %convert_element_type3A, %add3A_1528 : vector<16xf32>
        %sub3A_1530 = arith.subf %mul3A_1435, %add3A_1529 : vector<16xf32>
        %abs3A_1531 = math.absf %sub3A_1530 : vector<16xf32>
        %sub3A_1532 = arith.constant 1.000000e+00 : f32
        %sub3A_1533 = vector.broadcast %sub3A_1532 : f32 to vector<16xf32>
        %sub3A_1534 = arith.subf %sub3A_1533, %abs3A_1531 : vector<16xf32>
        %max3A_1535 = arith.constant 0.000000e+00 : f32
        %max3A_1536 = vector.broadcast %max3A_1535 : f32 to vector<16xf32>
        %max3A_1537 = arith.maximumf %max3A_1536, %sub3A_1534 : vector<16xf32>
        %mul3A_1538 = arith.mulf %gather3A_300, %max3A_1537 : vector<16xf32>
        %mul3A_1539 = arith.mulf %mul3A_1538, %max3A_1456 : vector<16xf32>
        %add3A_1540 = arith.addf %add3A_1526, %mul3A_1539 : vector<16xf32>
        %add3A_1541 = arith.constant -1.000000e+00 : f32
        %add3A_1542 = vector.broadcast %add3A_1541 : f32 to vector<16xf32>
        %add3A_1543 = arith.addf %convert_element_type3A_1406, %add3A_1542 : vector<16xf32>
        %sub3A_1544 = arith.subf %mul3A_1444, %add3A_1543 : vector<16xf32>
        %abs3A_1545 = math.absf %sub3A_1544 : vector<16xf32>
        %sub3A_1546 = arith.constant 1.000000e+00 : f32
        %sub3A_1547 = vector.broadcast %sub3A_1546 : f32 to vector<16xf32>
        %sub3A_1548 = arith.subf %sub3A_1547, %abs3A_1545 : vector<16xf32>
        %max3A_1549 = arith.constant 0.000000e+00 : f32
        %max3A_1550 = vector.broadcast %max3A_1549 : f32 to vector<16xf32>
        %max3A_1551 = arith.maximumf %max3A_1550, %sub3A_1548 : vector<16xf32>
        %add3A_1552 = arith.constant -2.000000e+00 : f32
        %add3A_1553 = vector.broadcast %add3A_1552 : f32 to vector<16xf32>
        %add3A_1554 = arith.addf %convert_element_type3A, %add3A_1553 : vector<16xf32>
        %sub3A_1555 = arith.subf %mul3A_1435, %add3A_1554 : vector<16xf32>
        %abs3A_1556 = math.absf %sub3A_1555 : vector<16xf32>
        %sub3A_1557 = arith.constant 1.000000e+00 : f32
        %sub3A_1558 = vector.broadcast %sub3A_1557 : f32 to vector<16xf32>
        %sub3A_1559 = arith.subf %sub3A_1558, %abs3A_1556 : vector<16xf32>
        %max3A_1560 = arith.constant 0.000000e+00 : f32
        %max3A_1561 = vector.broadcast %max3A_1560 : f32 to vector<16xf32>
        %max3A_1562 = arith.maximumf %max3A_1561, %sub3A_1559 : vector<16xf32>
        %mul3A_1563 = arith.mulf %gather3A_310, %max3A_1562 : vector<16xf32>
        %mul3A_1564 = arith.mulf %mul3A_1563, %max3A_1551 : vector<16xf32>
        %add3A_1565 = arith.addf %add3A_1540, %mul3A_1564 : vector<16xf32>
        %add3A_1566 = arith.constant -1.000000e+00 : f32
        %add3A_1567 = vector.broadcast %add3A_1566 : f32 to vector<16xf32>
        %add3A_1568 = arith.addf %convert_element_type3A, %add3A_1567 : vector<16xf32>
        %sub3A_1569 = arith.subf %mul3A_1435, %add3A_1568 : vector<16xf32>
        %abs3A_1570 = math.absf %sub3A_1569 : vector<16xf32>
        %sub3A_1571 = arith.constant 1.000000e+00 : f32
        %sub3A_1572 = vector.broadcast %sub3A_1571 : f32 to vector<16xf32>
        %sub3A_1573 = arith.subf %sub3A_1572, %abs3A_1570 : vector<16xf32>
        %max3A_1574 = arith.constant 0.000000e+00 : f32
        %max3A_1575 = vector.broadcast %max3A_1574 : f32 to vector<16xf32>
        %max3A_1576 = arith.maximumf %max3A_1575, %sub3A_1573 : vector<16xf32>
        %mul3A_1577 = arith.mulf %gather3A_320, %max3A_1576 : vector<16xf32>
        %mul3A_1578 = arith.mulf %mul3A_1577, %max3A_1551 : vector<16xf32>
        %add3A_1579 = arith.addf %add3A_1565, %mul3A_1578 : vector<16xf32>
        %add3A_1580 = arith.constant 0.000000e+00 : f32
        %add3A_1581 = vector.broadcast %add3A_1580 : f32 to vector<16xf32>
        %add3A_1582 = arith.addf %convert_element_type3A, %add3A_1581 : vector<16xf32>
        %sub3A_1583 = arith.subf %mul3A_1435, %add3A_1582 : vector<16xf32>
        %abs3A_1584 = math.absf %sub3A_1583 : vector<16xf32>
        %sub3A_1585 = arith.constant 1.000000e+00 : f32
        %sub3A_1586 = vector.broadcast %sub3A_1585 : f32 to vector<16xf32>
        %sub3A_1587 = arith.subf %sub3A_1586, %abs3A_1584 : vector<16xf32>
        %max3A_1588 = arith.constant 0.000000e+00 : f32
        %max3A_1589 = vector.broadcast %max3A_1588 : f32 to vector<16xf32>
        %max3A_1590 = arith.maximumf %max3A_1589, %sub3A_1587 : vector<16xf32>
        %mul3A_1591 = arith.mulf %gather3A_330, %max3A_1590 : vector<16xf32>
        %mul3A_1592 = arith.mulf %mul3A_1591, %max3A_1551 : vector<16xf32>
        %add3A_1593 = arith.addf %add3A_1579, %mul3A_1592 : vector<16xf32>
        %add3A_1594 = arith.constant 1.000000e+00 : f32
        %add3A_1595 = vector.broadcast %add3A_1594 : f32 to vector<16xf32>
        %add3A_1596 = arith.addf %convert_element_type3A, %add3A_1595 : vector<16xf32>
        %sub3A_1597 = arith.subf %mul3A_1435, %add3A_1596 : vector<16xf32>
        %abs3A_1598 = math.absf %sub3A_1597 : vector<16xf32>
        %sub3A_1599 = arith.constant 1.000000e+00 : f32
        %sub3A_1600 = vector.broadcast %sub3A_1599 : f32 to vector<16xf32>
        %sub3A_1601 = arith.subf %sub3A_1600, %abs3A_1598 : vector<16xf32>
        %max3A_1602 = arith.constant 0.000000e+00 : f32
        %max3A_1603 = vector.broadcast %max3A_1602 : f32 to vector<16xf32>
        %max3A_1604 = arith.maximumf %max3A_1603, %sub3A_1601 : vector<16xf32>
        %mul3A_1605 = arith.mulf %gather3A_340, %max3A_1604 : vector<16xf32>
        %mul3A_1606 = arith.mulf %mul3A_1605, %max3A_1551 : vector<16xf32>
        %add3A_1607 = arith.addf %add3A_1593, %mul3A_1606 : vector<16xf32>
        %add3A_1608 = arith.constant 2.000000e+00 : f32
        %add3A_1609 = vector.broadcast %add3A_1608 : f32 to vector<16xf32>
        %add3A_1610 = arith.addf %convert_element_type3A, %add3A_1609 : vector<16xf32>
        %sub3A_1611 = arith.subf %mul3A_1435, %add3A_1610 : vector<16xf32>
        %abs3A_1612 = math.absf %sub3A_1611 : vector<16xf32>
        %sub3A_1613 = arith.constant 1.000000e+00 : f32
        %sub3A_1614 = vector.broadcast %sub3A_1613 : f32 to vector<16xf32>
        %sub3A_1615 = arith.subf %sub3A_1614, %abs3A_1612 : vector<16xf32>
        %max3A_1616 = arith.constant 0.000000e+00 : f32
        %max3A_1617 = vector.broadcast %max3A_1616 : f32 to vector<16xf32>
        %max3A_1618 = arith.maximumf %max3A_1617, %sub3A_1615 : vector<16xf32>
        %mul3A_1619 = arith.mulf %gather3A_350, %max3A_1618 : vector<16xf32>
        %mul3A_1620 = arith.mulf %mul3A_1619, %max3A_1551 : vector<16xf32>
        %add3A_1621 = arith.addf %add3A_1607, %mul3A_1620 : vector<16xf32>
        %add3A_1622 = arith.constant 3.000000e+00 : f32
        %add3A_1623 = vector.broadcast %add3A_1622 : f32 to vector<16xf32>
        %add3A_1624 = arith.addf %convert_element_type3A, %add3A_1623 : vector<16xf32>
        %sub3A_1625 = arith.subf %mul3A_1435, %add3A_1624 : vector<16xf32>
        %abs3A_1626 = math.absf %sub3A_1625 : vector<16xf32>
        %sub3A_1627 = arith.constant 1.000000e+00 : f32
        %sub3A_1628 = vector.broadcast %sub3A_1627 : f32 to vector<16xf32>
        %sub3A_1629 = arith.subf %sub3A_1628, %abs3A_1626 : vector<16xf32>
        %max3A_1630 = arith.constant 0.000000e+00 : f32
        %max3A_1631 = vector.broadcast %max3A_1630 : f32 to vector<16xf32>
        %max3A_1632 = arith.maximumf %max3A_1631, %sub3A_1629 : vector<16xf32>
        %mul3A_1633 = arith.mulf %gather3A_360, %max3A_1632 : vector<16xf32>
        %mul3A_1634 = arith.mulf %mul3A_1633, %max3A_1551 : vector<16xf32>
        %add3A_1635 = arith.addf %add3A_1621, %mul3A_1634 : vector<16xf32>
        %add3A_1636 = arith.constant 0.000000e+00 : f32
        %add3A_1637 = vector.broadcast %add3A_1636 : f32 to vector<16xf32>
        %add3A_1638 = arith.addf %convert_element_type3A_1406, %add3A_1637 : vector<16xf32>
        %sub3A_1639 = arith.subf %mul3A_1444, %add3A_1638 : vector<16xf32>
        %abs3A_1640 = math.absf %sub3A_1639 : vector<16xf32>
        %sub3A_1641 = arith.constant 1.000000e+00 : f32
        %sub3A_1642 = vector.broadcast %sub3A_1641 : f32 to vector<16xf32>
        %sub3A_1643 = arith.subf %sub3A_1642, %abs3A_1640 : vector<16xf32>
        %max3A_1644 = arith.constant 0.000000e+00 : f32
        %max3A_1645 = vector.broadcast %max3A_1644 : f32 to vector<16xf32>
        %max3A_1646 = arith.maximumf %max3A_1645, %sub3A_1643 : vector<16xf32>
        %add3A_1647 = arith.constant -2.000000e+00 : f32
        %add3A_1648 = vector.broadcast %add3A_1647 : f32 to vector<16xf32>
        %add3A_1649 = arith.addf %convert_element_type3A, %add3A_1648 : vector<16xf32>
        %sub3A_1650 = arith.subf %mul3A_1435, %add3A_1649 : vector<16xf32>
        %abs3A_1651 = math.absf %sub3A_1650 : vector<16xf32>
        %sub3A_1652 = arith.constant 1.000000e+00 : f32
        %sub3A_1653 = vector.broadcast %sub3A_1652 : f32 to vector<16xf32>
        %sub3A_1654 = arith.subf %sub3A_1653, %abs3A_1651 : vector<16xf32>
        %max3A_1655 = arith.constant 0.000000e+00 : f32
        %max3A_1656 = vector.broadcast %max3A_1655 : f32 to vector<16xf32>
        %max3A_1657 = arith.maximumf %max3A_1656, %sub3A_1654 : vector<16xf32>
        %mul3A_1658 = arith.mulf %gather3A_370, %max3A_1657 : vector<16xf32>
        %mul3A_1659 = arith.mulf %mul3A_1658, %max3A_1646 : vector<16xf32>
        %add3A_1660 = arith.addf %add3A_1635, %mul3A_1659 : vector<16xf32>
        %add3A_1661 = arith.constant -1.000000e+00 : f32
        %add3A_1662 = vector.broadcast %add3A_1661 : f32 to vector<16xf32>
        %add3A_1663 = arith.addf %convert_element_type3A, %add3A_1662 : vector<16xf32>
        %sub3A_1664 = arith.subf %mul3A_1435, %add3A_1663 : vector<16xf32>
        %abs3A_1665 = math.absf %sub3A_1664 : vector<16xf32>
        %sub3A_1666 = arith.constant 1.000000e+00 : f32
        %sub3A_1667 = vector.broadcast %sub3A_1666 : f32 to vector<16xf32>
        %sub3A_1668 = arith.subf %sub3A_1667, %abs3A_1665 : vector<16xf32>
        %max3A_1669 = arith.constant 0.000000e+00 : f32
        %max3A_1670 = vector.broadcast %max3A_1669 : f32 to vector<16xf32>
        %max3A_1671 = arith.maximumf %max3A_1670, %sub3A_1668 : vector<16xf32>
        %mul3A_1672 = arith.mulf %gather3A_380, %max3A_1671 : vector<16xf32>
        %mul3A_1673 = arith.mulf %mul3A_1672, %max3A_1646 : vector<16xf32>
        %add3A_1674 = arith.addf %add3A_1660, %mul3A_1673 : vector<16xf32>
        %add3A_1675 = arith.constant 0.000000e+00 : f32
        %add3A_1676 = vector.broadcast %add3A_1675 : f32 to vector<16xf32>
        %add3A_1677 = arith.addf %convert_element_type3A, %add3A_1676 : vector<16xf32>
        %sub3A_1678 = arith.subf %mul3A_1435, %add3A_1677 : vector<16xf32>
        %abs3A_1679 = math.absf %sub3A_1678 : vector<16xf32>
        %sub3A_1680 = arith.constant 1.000000e+00 : f32
        %sub3A_1681 = vector.broadcast %sub3A_1680 : f32 to vector<16xf32>
        %sub3A_1682 = arith.subf %sub3A_1681, %abs3A_1679 : vector<16xf32>
        %max3A_1683 = arith.constant 0.000000e+00 : f32
        %max3A_1684 = vector.broadcast %max3A_1683 : f32 to vector<16xf32>
        %max3A_1685 = arith.maximumf %max3A_1684, %sub3A_1682 : vector<16xf32>
        %mul3A_1686 = arith.mulf %gather3A_390, %max3A_1685 : vector<16xf32>
        %mul3A_1687 = arith.mulf %mul3A_1686, %max3A_1646 : vector<16xf32>
        %add3A_1688 = arith.addf %add3A_1674, %mul3A_1687 : vector<16xf32>
        %add3A_1689 = arith.constant 1.000000e+00 : f32
        %add3A_1690 = vector.broadcast %add3A_1689 : f32 to vector<16xf32>
        %add3A_1691 = arith.addf %convert_element_type3A, %add3A_1690 : vector<16xf32>
        %sub3A_1692 = arith.subf %mul3A_1435, %add3A_1691 : vector<16xf32>
        %abs3A_1693 = math.absf %sub3A_1692 : vector<16xf32>
        %sub3A_1694 = arith.constant 1.000000e+00 : f32
        %sub3A_1695 = vector.broadcast %sub3A_1694 : f32 to vector<16xf32>
        %sub3A_1696 = arith.subf %sub3A_1695, %abs3A_1693 : vector<16xf32>
        %max3A_1697 = arith.constant 0.000000e+00 : f32
        %max3A_1698 = vector.broadcast %max3A_1697 : f32 to vector<16xf32>
        %max3A_1699 = arith.maximumf %max3A_1698, %sub3A_1696 : vector<16xf32>
        %mul3A_1700 = arith.mulf %gather3A_400, %max3A_1699 : vector<16xf32>
        %mul3A_1701 = arith.mulf %mul3A_1700, %max3A_1646 : vector<16xf32>
        %add3A_1702 = arith.addf %add3A_1688, %mul3A_1701 : vector<16xf32>
        %add3A_1703 = arith.constant 2.000000e+00 : f32
        %add3A_1704 = vector.broadcast %add3A_1703 : f32 to vector<16xf32>
        %add3A_1705 = arith.addf %convert_element_type3A, %add3A_1704 : vector<16xf32>
        %sub3A_1706 = arith.subf %mul3A_1435, %add3A_1705 : vector<16xf32>
        %abs3A_1707 = math.absf %sub3A_1706 : vector<16xf32>
        %sub3A_1708 = arith.constant 1.000000e+00 : f32
        %sub3A_1709 = vector.broadcast %sub3A_1708 : f32 to vector<16xf32>
        %sub3A_1710 = arith.subf %sub3A_1709, %abs3A_1707 : vector<16xf32>
        %max3A_1711 = arith.constant 0.000000e+00 : f32
        %max3A_1712 = vector.broadcast %max3A_1711 : f32 to vector<16xf32>
        %max3A_1713 = arith.maximumf %max3A_1712, %sub3A_1710 : vector<16xf32>
        %mul3A_1714 = arith.mulf %gather3A_410, %max3A_1713 : vector<16xf32>
        %mul3A_1715 = arith.mulf %mul3A_1714, %max3A_1646 : vector<16xf32>
        %add3A_1716 = arith.addf %add3A_1702, %mul3A_1715 : vector<16xf32>
        %add3A_1717 = arith.constant 3.000000e+00 : f32
        %add3A_1718 = vector.broadcast %add3A_1717 : f32 to vector<16xf32>
        %add3A_1719 = arith.addf %convert_element_type3A, %add3A_1718 : vector<16xf32>
        %sub3A_1720 = arith.subf %mul3A_1435, %add3A_1719 : vector<16xf32>
        %abs3A_1721 = math.absf %sub3A_1720 : vector<16xf32>
        %sub3A_1722 = arith.constant 1.000000e+00 : f32
        %sub3A_1723 = vector.broadcast %sub3A_1722 : f32 to vector<16xf32>
        %sub3A_1724 = arith.subf %sub3A_1723, %abs3A_1721 : vector<16xf32>
        %max3A_1725 = arith.constant 0.000000e+00 : f32
        %max3A_1726 = vector.broadcast %max3A_1725 : f32 to vector<16xf32>
        %max3A_1727 = arith.maximumf %max3A_1726, %sub3A_1724 : vector<16xf32>
        %mul3A_1728 = arith.mulf %gather3A_420, %max3A_1727 : vector<16xf32>
        %mul3A_1729 = arith.mulf %mul3A_1728, %max3A_1646 : vector<16xf32>
        %add3A_1730 = arith.addf %add3A_1716, %mul3A_1729 : vector<16xf32>
        %add3A_1731 = arith.constant 1.000000e+00 : f32
        %add3A_1732 = vector.broadcast %add3A_1731 : f32 to vector<16xf32>
        %add3A_1733 = arith.addf %convert_element_type3A_1406, %add3A_1732 : vector<16xf32>
        %sub3A_1734 = arith.subf %mul3A_1444, %add3A_1733 : vector<16xf32>
        %abs3A_1735 = math.absf %sub3A_1734 : vector<16xf32>
        %sub3A_1736 = arith.constant 1.000000e+00 : f32
        %sub3A_1737 = vector.broadcast %sub3A_1736 : f32 to vector<16xf32>
        %sub3A_1738 = arith.subf %sub3A_1737, %abs3A_1735 : vector<16xf32>
        %max3A_1739 = arith.constant 0.000000e+00 : f32
        %max3A_1740 = vector.broadcast %max3A_1739 : f32 to vector<16xf32>
        %max3A_1741 = arith.maximumf %max3A_1740, %sub3A_1738 : vector<16xf32>
        %add3A_1742 = arith.constant -2.000000e+00 : f32
        %add3A_1743 = vector.broadcast %add3A_1742 : f32 to vector<16xf32>
        %add3A_1744 = arith.addf %convert_element_type3A, %add3A_1743 : vector<16xf32>
        %sub3A_1745 = arith.subf %mul3A_1435, %add3A_1744 : vector<16xf32>
        %abs3A_1746 = math.absf %sub3A_1745 : vector<16xf32>
        %sub3A_1747 = arith.constant 1.000000e+00 : f32
        %sub3A_1748 = vector.broadcast %sub3A_1747 : f32 to vector<16xf32>
        %sub3A_1749 = arith.subf %sub3A_1748, %abs3A_1746 : vector<16xf32>
        %max3A_1750 = arith.constant 0.000000e+00 : f32
        %max3A_1751 = vector.broadcast %max3A_1750 : f32 to vector<16xf32>
        %max3A_1752 = arith.maximumf %max3A_1751, %sub3A_1749 : vector<16xf32>
        %mul3A_1753 = arith.mulf %gather3A_430, %max3A_1752 : vector<16xf32>
        %mul3A_1754 = arith.mulf %mul3A_1753, %max3A_1741 : vector<16xf32>
        %add3A_1755 = arith.addf %add3A_1730, %mul3A_1754 : vector<16xf32>
        %add3A_1756 = arith.constant -1.000000e+00 : f32
        %add3A_1757 = vector.broadcast %add3A_1756 : f32 to vector<16xf32>
        %add3A_1758 = arith.addf %convert_element_type3A, %add3A_1757 : vector<16xf32>
        %sub3A_1759 = arith.subf %mul3A_1435, %add3A_1758 : vector<16xf32>
        %abs3A_1760 = math.absf %sub3A_1759 : vector<16xf32>
        %sub3A_1761 = arith.constant 1.000000e+00 : f32
        %sub3A_1762 = vector.broadcast %sub3A_1761 : f32 to vector<16xf32>
        %sub3A_1763 = arith.subf %sub3A_1762, %abs3A_1760 : vector<16xf32>
        %max3A_1764 = arith.constant 0.000000e+00 : f32
        %max3A_1765 = vector.broadcast %max3A_1764 : f32 to vector<16xf32>
        %max3A_1766 = arith.maximumf %max3A_1765, %sub3A_1763 : vector<16xf32>
        %mul3A_1767 = arith.mulf %gather3A_440, %max3A_1766 : vector<16xf32>
        %mul3A_1768 = arith.mulf %mul3A_1767, %max3A_1741 : vector<16xf32>
        %add3A_1769 = arith.addf %add3A_1755, %mul3A_1768 : vector<16xf32>
        %add3A_1770 = arith.constant 0.000000e+00 : f32
        %add3A_1771 = vector.broadcast %add3A_1770 : f32 to vector<16xf32>
        %add3A_1772 = arith.addf %convert_element_type3A, %add3A_1771 : vector<16xf32>
        %sub3A_1773 = arith.subf %mul3A_1435, %add3A_1772 : vector<16xf32>
        %abs3A_1774 = math.absf %sub3A_1773 : vector<16xf32>
        %sub3A_1775 = arith.constant 1.000000e+00 : f32
        %sub3A_1776 = vector.broadcast %sub3A_1775 : f32 to vector<16xf32>
        %sub3A_1777 = arith.subf %sub3A_1776, %abs3A_1774 : vector<16xf32>
        %max3A_1778 = arith.constant 0.000000e+00 : f32
        %max3A_1779 = vector.broadcast %max3A_1778 : f32 to vector<16xf32>
        %max3A_1780 = arith.maximumf %max3A_1779, %sub3A_1777 : vector<16xf32>
        %mul3A_1781 = arith.mulf %gather3A_450, %max3A_1780 : vector<16xf32>
        %mul3A_1782 = arith.mulf %mul3A_1781, %max3A_1741 : vector<16xf32>
        %add3A_1783 = arith.addf %add3A_1769, %mul3A_1782 : vector<16xf32>
        %add3A_1784 = arith.constant 1.000000e+00 : f32
        %add3A_1785 = vector.broadcast %add3A_1784 : f32 to vector<16xf32>
        %add3A_1786 = arith.addf %convert_element_type3A, %add3A_1785 : vector<16xf32>
        %sub3A_1787 = arith.subf %mul3A_1435, %add3A_1786 : vector<16xf32>
        %abs3A_1788 = math.absf %sub3A_1787 : vector<16xf32>
        %sub3A_1789 = arith.constant 1.000000e+00 : f32
        %sub3A_1790 = vector.broadcast %sub3A_1789 : f32 to vector<16xf32>
        %sub3A_1791 = arith.subf %sub3A_1790, %abs3A_1788 : vector<16xf32>
        %max3A_1792 = arith.constant 0.000000e+00 : f32
        %max3A_1793 = vector.broadcast %max3A_1792 : f32 to vector<16xf32>
        %max3A_1794 = arith.maximumf %max3A_1793, %sub3A_1791 : vector<16xf32>
        %mul3A_1795 = arith.mulf %gather3A_460, %max3A_1794 : vector<16xf32>
        %mul3A_1796 = arith.mulf %mul3A_1795, %max3A_1741 : vector<16xf32>
        %add3A_1797 = arith.addf %add3A_1783, %mul3A_1796 : vector<16xf32>
        %add3A_1798 = arith.constant 2.000000e+00 : f32
        %add3A_1799 = vector.broadcast %add3A_1798 : f32 to vector<16xf32>
        %add3A_1800 = arith.addf %convert_element_type3A, %add3A_1799 : vector<16xf32>
        %sub3A_1801 = arith.subf %mul3A_1435, %add3A_1800 : vector<16xf32>
        %abs3A_1802 = math.absf %sub3A_1801 : vector<16xf32>
        %sub3A_1803 = arith.constant 1.000000e+00 : f32
        %sub3A_1804 = vector.broadcast %sub3A_1803 : f32 to vector<16xf32>
        %sub3A_1805 = arith.subf %sub3A_1804, %abs3A_1802 : vector<16xf32>
        %max3A_1806 = arith.constant 0.000000e+00 : f32
        %max3A_1807 = vector.broadcast %max3A_1806 : f32 to vector<16xf32>
        %max3A_1808 = arith.maximumf %max3A_1807, %sub3A_1805 : vector<16xf32>
        %mul3A_1809 = arith.mulf %gather3A_470, %max3A_1808 : vector<16xf32>
        %mul3A_1810 = arith.mulf %mul3A_1809, %max3A_1741 : vector<16xf32>
        %add3A_1811 = arith.addf %add3A_1797, %mul3A_1810 : vector<16xf32>
        %add3A_1812 = arith.constant 3.000000e+00 : f32
        %add3A_1813 = vector.broadcast %add3A_1812 : f32 to vector<16xf32>
        %add3A_1814 = arith.addf %convert_element_type3A, %add3A_1813 : vector<16xf32>
        %sub3A_1815 = arith.subf %mul3A_1435, %add3A_1814 : vector<16xf32>
        %abs3A_1816 = math.absf %sub3A_1815 : vector<16xf32>
        %sub3A_1817 = arith.constant 1.000000e+00 : f32
        %sub3A_1818 = vector.broadcast %sub3A_1817 : f32 to vector<16xf32>
        %sub3A_1819 = arith.subf %sub3A_1818, %abs3A_1816 : vector<16xf32>
        %max3A_1820 = arith.constant 0.000000e+00 : f32
        %max3A_1821 = vector.broadcast %max3A_1820 : f32 to vector<16xf32>
        %max3A_1822 = arith.maximumf %max3A_1821, %sub3A_1819 : vector<16xf32>
        %mul3A_1823 = arith.mulf %gather3A_480, %max3A_1822 : vector<16xf32>
        %mul3A_1824 = arith.mulf %mul3A_1823, %max3A_1741 : vector<16xf32>
        %add3A_1825 = arith.addf %add3A_1811, %mul3A_1824 : vector<16xf32>
        %add3A_1826 = arith.constant 2.000000e+00 : f32
        %add3A_1827 = vector.broadcast %add3A_1826 : f32 to vector<16xf32>
        %add3A_1828 = arith.addf %convert_element_type3A_1406, %add3A_1827 : vector<16xf32>
        %sub3A_1829 = arith.subf %mul3A_1444, %add3A_1828 : vector<16xf32>
        %abs3A_1830 = math.absf %sub3A_1829 : vector<16xf32>
        %sub3A_1831 = arith.constant 1.000000e+00 : f32
        %sub3A_1832 = vector.broadcast %sub3A_1831 : f32 to vector<16xf32>
        %sub3A_1833 = arith.subf %sub3A_1832, %abs3A_1830 : vector<16xf32>
        %max3A_1834 = arith.constant 0.000000e+00 : f32
        %max3A_1835 = vector.broadcast %max3A_1834 : f32 to vector<16xf32>
        %max3A_1836 = arith.maximumf %max3A_1835, %sub3A_1833 : vector<16xf32>
        %add3A_1837 = arith.constant -2.000000e+00 : f32
        %add3A_1838 = vector.broadcast %add3A_1837 : f32 to vector<16xf32>
        %add3A_1839 = arith.addf %convert_element_type3A, %add3A_1838 : vector<16xf32>
        %sub3A_1840 = arith.subf %mul3A_1435, %add3A_1839 : vector<16xf32>
        %abs3A_1841 = math.absf %sub3A_1840 : vector<16xf32>
        %sub3A_1842 = arith.constant 1.000000e+00 : f32
        %sub3A_1843 = vector.broadcast %sub3A_1842 : f32 to vector<16xf32>
        %sub3A_1844 = arith.subf %sub3A_1843, %abs3A_1841 : vector<16xf32>
        %max3A_1845 = arith.constant 0.000000e+00 : f32
        %max3A_1846 = vector.broadcast %max3A_1845 : f32 to vector<16xf32>
        %max3A_1847 = arith.maximumf %max3A_1846, %sub3A_1844 : vector<16xf32>
        %mul3A_1848 = arith.mulf %gather3A_490, %max3A_1847 : vector<16xf32>
        %mul3A_1849 = arith.mulf %mul3A_1848, %max3A_1836 : vector<16xf32>
        %add3A_1850 = arith.addf %add3A_1825, %mul3A_1849 : vector<16xf32>
        %add3A_1851 = arith.constant -1.000000e+00 : f32
        %add3A_1852 = vector.broadcast %add3A_1851 : f32 to vector<16xf32>
        %add3A_1853 = arith.addf %convert_element_type3A, %add3A_1852 : vector<16xf32>
        %sub3A_1854 = arith.subf %mul3A_1435, %add3A_1853 : vector<16xf32>
        %abs3A_1855 = math.absf %sub3A_1854 : vector<16xf32>
        %sub3A_1856 = arith.constant 1.000000e+00 : f32
        %sub3A_1857 = vector.broadcast %sub3A_1856 : f32 to vector<16xf32>
        %sub3A_1858 = arith.subf %sub3A_1857, %abs3A_1855 : vector<16xf32>
        %max3A_1859 = arith.constant 0.000000e+00 : f32
        %max3A_1860 = vector.broadcast %max3A_1859 : f32 to vector<16xf32>
        %max3A_1861 = arith.maximumf %max3A_1860, %sub3A_1858 : vector<16xf32>
        %mul3A_1862 = arith.mulf %gather3A_500, %max3A_1861 : vector<16xf32>
        %mul3A_1863 = arith.mulf %mul3A_1862, %max3A_1836 : vector<16xf32>
        %add3A_1864 = arith.addf %add3A_1850, %mul3A_1863 : vector<16xf32>
        %add3A_1865 = arith.constant 0.000000e+00 : f32
        %add3A_1866 = vector.broadcast %add3A_1865 : f32 to vector<16xf32>
        %add3A_1867 = arith.addf %convert_element_type3A, %add3A_1866 : vector<16xf32>
        %sub3A_1868 = arith.subf %mul3A_1435, %add3A_1867 : vector<16xf32>
        %abs3A_1869 = math.absf %sub3A_1868 : vector<16xf32>
        %sub3A_1870 = arith.constant 1.000000e+00 : f32
        %sub3A_1871 = vector.broadcast %sub3A_1870 : f32 to vector<16xf32>
        %sub3A_1872 = arith.subf %sub3A_1871, %abs3A_1869 : vector<16xf32>
        %max3A_1873 = arith.constant 0.000000e+00 : f32
        %max3A_1874 = vector.broadcast %max3A_1873 : f32 to vector<16xf32>
        %max3A_1875 = arith.maximumf %max3A_1874, %sub3A_1872 : vector<16xf32>
        %mul3A_1876 = arith.mulf %gather3A_510, %max3A_1875 : vector<16xf32>
        %mul3A_1877 = arith.mulf %mul3A_1876, %max3A_1836 : vector<16xf32>
        %add3A_1878 = arith.addf %add3A_1864, %mul3A_1877 : vector<16xf32>
        %add3A_1879 = arith.constant 1.000000e+00 : f32
        %add3A_1880 = vector.broadcast %add3A_1879 : f32 to vector<16xf32>
        %add3A_1881 = arith.addf %convert_element_type3A, %add3A_1880 : vector<16xf32>
        %sub3A_1882 = arith.subf %mul3A_1435, %add3A_1881 : vector<16xf32>
        %abs3A_1883 = math.absf %sub3A_1882 : vector<16xf32>
        %sub3A_1884 = arith.constant 1.000000e+00 : f32
        %sub3A_1885 = vector.broadcast %sub3A_1884 : f32 to vector<16xf32>
        %sub3A_1886 = arith.subf %sub3A_1885, %abs3A_1883 : vector<16xf32>
        %max3A_1887 = arith.constant 0.000000e+00 : f32
        %max3A_1888 = vector.broadcast %max3A_1887 : f32 to vector<16xf32>
        %max3A_1889 = arith.maximumf %max3A_1888, %sub3A_1886 : vector<16xf32>
        %mul3A_1890 = arith.mulf %gather3A_520, %max3A_1889 : vector<16xf32>
        %mul3A_1891 = arith.mulf %mul3A_1890, %max3A_1836 : vector<16xf32>
        %add3A_1892 = arith.addf %add3A_1878, %mul3A_1891 : vector<16xf32>
        %add3A_1893 = arith.constant 2.000000e+00 : f32
        %add3A_1894 = vector.broadcast %add3A_1893 : f32 to vector<16xf32>
        %add3A_1895 = arith.addf %convert_element_type3A, %add3A_1894 : vector<16xf32>
        %sub3A_1896 = arith.subf %mul3A_1435, %add3A_1895 : vector<16xf32>
        %abs3A_1897 = math.absf %sub3A_1896 : vector<16xf32>
        %sub3A_1898 = arith.constant 1.000000e+00 : f32
        %sub3A_1899 = vector.broadcast %sub3A_1898 : f32 to vector<16xf32>
        %sub3A_1900 = arith.subf %sub3A_1899, %abs3A_1897 : vector<16xf32>
        %max3A_1901 = arith.constant 0.000000e+00 : f32
        %max3A_1902 = vector.broadcast %max3A_1901 : f32 to vector<16xf32>
        %max3A_1903 = arith.maximumf %max3A_1902, %sub3A_1900 : vector<16xf32>
        %mul3A_1904 = arith.mulf %gather3A_530, %max3A_1903 : vector<16xf32>
        %mul3A_1905 = arith.mulf %mul3A_1904, %max3A_1836 : vector<16xf32>
        %add3A_1906 = arith.addf %add3A_1892, %mul3A_1905 : vector<16xf32>
        %add3A_1907 = arith.constant 3.000000e+00 : f32
        %add3A_1908 = vector.broadcast %add3A_1907 : f32 to vector<16xf32>
        %add3A_1909 = arith.addf %convert_element_type3A, %add3A_1908 : vector<16xf32>
        %sub3A_1910 = arith.subf %mul3A_1435, %add3A_1909 : vector<16xf32>
        %abs3A_1911 = math.absf %sub3A_1910 : vector<16xf32>
        %sub3A_1912 = arith.constant 1.000000e+00 : f32
        %sub3A_1913 = vector.broadcast %sub3A_1912 : f32 to vector<16xf32>
        %sub3A_1914 = arith.subf %sub3A_1913, %abs3A_1911 : vector<16xf32>
        %max3A_1915 = arith.constant 0.000000e+00 : f32
        %max3A_1916 = vector.broadcast %max3A_1915 : f32 to vector<16xf32>
        %max3A_1917 = arith.maximumf %max3A_1916, %sub3A_1914 : vector<16xf32>
        %mul3A_1918 = arith.mulf %gather3A_540, %max3A_1917 : vector<16xf32>
        %mul3A_1919 = arith.mulf %mul3A_1918, %max3A_1836 : vector<16xf32>
        %add3A_1920 = arith.addf %add3A_1906, %mul3A_1919 : vector<16xf32>
        %add3A_1921 = arith.constant 3.000000e+00 : f32
        %add3A_1922 = vector.broadcast %add3A_1921 : f32 to vector<16xf32>
        %add3A_1923 = arith.addf %convert_element_type3A_1406, %add3A_1922 : vector<16xf32>
        %sub3A_1924 = arith.subf %mul3A_1444, %add3A_1923 : vector<16xf32>
        %abs3A_1925 = math.absf %sub3A_1924 : vector<16xf32>
        %sub3A_1926 = arith.constant 1.000000e+00 : f32
        %sub3A_1927 = vector.broadcast %sub3A_1926 : f32 to vector<16xf32>
        %sub3A_1928 = arith.subf %sub3A_1927, %abs3A_1925 : vector<16xf32>
        %max3A_1929 = arith.constant 0.000000e+00 : f32
        %max3A_1930 = vector.broadcast %max3A_1929 : f32 to vector<16xf32>
        %max3A_1931 = arith.maximumf %max3A_1930, %sub3A_1928 : vector<16xf32>
        %add3A_1932 = arith.constant -2.000000e+00 : f32
        %add3A_1933 = vector.broadcast %add3A_1932 : f32 to vector<16xf32>
        %add3A_1934 = arith.addf %convert_element_type3A, %add3A_1933 : vector<16xf32>
        %sub3A_1935 = arith.subf %mul3A_1435, %add3A_1934 : vector<16xf32>
        %abs3A_1936 = math.absf %sub3A_1935 : vector<16xf32>
        %sub3A_1937 = arith.constant 1.000000e+00 : f32
        %sub3A_1938 = vector.broadcast %sub3A_1937 : f32 to vector<16xf32>
        %sub3A_1939 = arith.subf %sub3A_1938, %abs3A_1936 : vector<16xf32>
        %max3A_1940 = arith.constant 0.000000e+00 : f32
        %max3A_1941 = vector.broadcast %max3A_1940 : f32 to vector<16xf32>
        %max3A_1942 = arith.maximumf %max3A_1941, %sub3A_1939 : vector<16xf32>
        %mul3A_1943 = arith.mulf %gather3A_550, %max3A_1942 : vector<16xf32>
        %mul3A_1944 = arith.mulf %mul3A_1943, %max3A_1931 : vector<16xf32>
        %add3A_1945 = arith.addf %add3A_1920, %mul3A_1944 : vector<16xf32>
        %add3A_1946 = arith.constant -1.000000e+00 : f32
        %add3A_1947 = vector.broadcast %add3A_1946 : f32 to vector<16xf32>
        %add3A_1948 = arith.addf %convert_element_type3A, %add3A_1947 : vector<16xf32>
        %sub3A_1949 = arith.subf %mul3A_1435, %add3A_1948 : vector<16xf32>
        %abs3A_1950 = math.absf %sub3A_1949 : vector<16xf32>
        %sub3A_1951 = arith.constant 1.000000e+00 : f32
        %sub3A_1952 = vector.broadcast %sub3A_1951 : f32 to vector<16xf32>
        %sub3A_1953 = arith.subf %sub3A_1952, %abs3A_1950 : vector<16xf32>
        %max3A_1954 = arith.constant 0.000000e+00 : f32
        %max3A_1955 = vector.broadcast %max3A_1954 : f32 to vector<16xf32>
        %max3A_1956 = arith.maximumf %max3A_1955, %sub3A_1953 : vector<16xf32>
        %mul3A_1957 = arith.mulf %gather3A_560, %max3A_1956 : vector<16xf32>
        %mul3A_1958 = arith.mulf %mul3A_1957, %max3A_1931 : vector<16xf32>
        %add3A_1959 = arith.addf %add3A_1945, %mul3A_1958 : vector<16xf32>
        %add3A_1960 = arith.constant 0.000000e+00 : f32
        %add3A_1961 = vector.broadcast %add3A_1960 : f32 to vector<16xf32>
        %add3A_1962 = arith.addf %convert_element_type3A, %add3A_1961 : vector<16xf32>
        %sub3A_1963 = arith.subf %mul3A_1435, %add3A_1962 : vector<16xf32>
        %abs3A_1964 = math.absf %sub3A_1963 : vector<16xf32>
        %sub3A_1965 = arith.constant 1.000000e+00 : f32
        %sub3A_1966 = vector.broadcast %sub3A_1965 : f32 to vector<16xf32>
        %sub3A_1967 = arith.subf %sub3A_1966, %abs3A_1964 : vector<16xf32>
        %max3A_1968 = arith.constant 0.000000e+00 : f32
        %max3A_1969 = vector.broadcast %max3A_1968 : f32 to vector<16xf32>
        %max3A_1970 = arith.maximumf %max3A_1969, %sub3A_1967 : vector<16xf32>
        %mul3A_1971 = arith.mulf %gather3A_570, %max3A_1970 : vector<16xf32>
        %mul3A_1972 = arith.mulf %mul3A_1971, %max3A_1931 : vector<16xf32>
        %add3A_1973 = arith.addf %add3A_1959, %mul3A_1972 : vector<16xf32>
        %add3A_1974 = arith.constant 1.000000e+00 : f32
        %add3A_1975 = vector.broadcast %add3A_1974 : f32 to vector<16xf32>
        %add3A_1976 = arith.addf %convert_element_type3A, %add3A_1975 : vector<16xf32>
        %sub3A_1977 = arith.subf %mul3A_1435, %add3A_1976 : vector<16xf32>
        %abs3A_1978 = math.absf %sub3A_1977 : vector<16xf32>
        %sub3A_1979 = arith.constant 1.000000e+00 : f32
        %sub3A_1980 = vector.broadcast %sub3A_1979 : f32 to vector<16xf32>
        %sub3A_1981 = arith.subf %sub3A_1980, %abs3A_1978 : vector<16xf32>
        %max3A_1982 = arith.constant 0.000000e+00 : f32
        %max3A_1983 = vector.broadcast %max3A_1982 : f32 to vector<16xf32>
        %max3A_1984 = arith.maximumf %max3A_1983, %sub3A_1981 : vector<16xf32>
        %mul3A_1985 = arith.mulf %gather3A_580, %max3A_1984 : vector<16xf32>
        %mul3A_1986 = arith.mulf %mul3A_1985, %max3A_1931 : vector<16xf32>
        %add3A_1987 = arith.addf %add3A_1973, %mul3A_1986 : vector<16xf32>
        %add3A_1988 = arith.constant 2.000000e+00 : f32
        %add3A_1989 = vector.broadcast %add3A_1988 : f32 to vector<16xf32>
        %add3A_1990 = arith.addf %convert_element_type3A, %add3A_1989 : vector<16xf32>
        %sub3A_1991 = arith.subf %mul3A_1435, %add3A_1990 : vector<16xf32>
        %abs3A_1992 = math.absf %sub3A_1991 : vector<16xf32>
        %sub3A_1993 = arith.constant 1.000000e+00 : f32
        %sub3A_1994 = vector.broadcast %sub3A_1993 : f32 to vector<16xf32>
        %sub3A_1995 = arith.subf %sub3A_1994, %abs3A_1992 : vector<16xf32>
        %max3A_1996 = arith.constant 0.000000e+00 : f32
        %max3A_1997 = vector.broadcast %max3A_1996 : f32 to vector<16xf32>
        %max3A_1998 = arith.maximumf %max3A_1997, %sub3A_1995 : vector<16xf32>
        %mul3A_1999 = arith.mulf %gather3A_590, %max3A_1998 : vector<16xf32>
        %mul3A_2000 = arith.mulf %mul3A_1999, %max3A_1931 : vector<16xf32>
        %add3A_2001 = arith.addf %add3A_1987, %mul3A_2000 : vector<16xf32>
        %add3A_2002 = arith.constant 3.000000e+00 : f32
        %add3A_2003 = vector.broadcast %add3A_2002 : f32 to vector<16xf32>
        %add3A_2004 = arith.addf %convert_element_type3A, %add3A_2003 : vector<16xf32>
        %sub3A_2005 = arith.subf %mul3A_1435, %add3A_2004 : vector<16xf32>
        %abs3A_2006 = math.absf %sub3A_2005 : vector<16xf32>
        %sub3A_2007 = arith.constant 1.000000e+00 : f32
        %sub3A_2008 = vector.broadcast %sub3A_2007 : f32 to vector<16xf32>
        %sub3A_2009 = arith.subf %sub3A_2008, %abs3A_2006 : vector<16xf32>
        %max3A_2010 = arith.constant 0.000000e+00 : f32
        %max3A_2011 = vector.broadcast %max3A_2010 : f32 to vector<16xf32>
        %max3A_2012 = arith.maximumf %max3A_2011, %sub3A_2009 : vector<16xf32>
        %mul3A_2013 = arith.mulf %gather3A_600, %max3A_2012 : vector<16xf32>
        %mul3A_2014 = arith.mulf %mul3A_2013, %max3A_1931 : vector<16xf32>
        %add3A_2015 = arith.addf %add3A_2001, %mul3A_2014 : vector<16xf32>
        tpu.vector_store_idx %arg11[%add3A_223], %sub3A_1416 : memref<128xf32, #tpu.memory_space<vmem>>[vector<16xi32>], vector<16xf32>,
        tpu.vector_store_idx %arg12[%add3A_223], %sub3A_1426 : memref<128xf32, #tpu.memory_space<vmem>>[vector<16xi32>], vector<16xf32>,
        tpu.vector_store_idx %arg13[%add3A_223], %add3A_2015 : memref<128xf32, #tpu.memory_space<vmem>>[vector<16xi32>], vector<16xf32>,
        tpu.vector_store_idx %arg14[%add3A_223], %div3A_1405 : memref<128xf32, #tpu.memory_space<vmem>>[vector<16xi32>], vector<16xf32>,
      }
      %scan3A_214 = arith.constant 8 : i32
      "tpu.region"() ({
        %run_scoped3A = tpu.sem_alloc : memref<!tpu.dma_semaphore, #tpu.memory_space<semaphore_mem>>
        %dma_start3A_215 = tpu.memref_slice %arg4[%add3A_14] : memref<20480xf32, #tpu.memory_space<hbm>> -> memref<128xf32, #tpu.memory_space<hbm>>
        %dma_start3A_216 = tpu.memref_slice %arg4[%add3A_14] : memref<20480xf32, #tpu.memory_space<hbm>> -> memref<128xf32, #tpu.memory_space<hbm>>
        tpu.enqueue_dma source(%arg11 : memref<128xf32, #tpu.memory_space<vmem>>) target(%dma_start3A_216 : memref<128xf32, #tpu.memory_space<hbm>>) target_semaphore(%run_scoped3A : memref<!tpu.dma_semaphore, #tpu.memory_space<semaphore_mem>>)
        %dma_wait3A_217 = tpu.memref_slice %arg4[%add3A_14] : memref<20480xf32, #tpu.memory_space<hbm>> -> memref<128xf32, #tpu.memory_space<hbm>>
        %dma_wait3A_218 = tpu.memref_slice %arg4[%add3A_14] : memref<20480xf32, #tpu.memory_space<hbm>> -> memref<128xf32, #tpu.memory_space<hbm>>
        tpu.wait_dma2 semaphore(%run_scoped3A : memref<!tpu.dma_semaphore, #tpu.memory_space<semaphore_mem>>) src(%arg11 : memref<128xf32, #tpu.memory_space<vmem>>) dst(%dma_wait3A_218 : memref<128xf32, #tpu.memory_space<hbm>>)
        tpu.yield
      }) : () -> ()
      "tpu.region"() ({
        %run_scoped3A = tpu.sem_alloc : memref<!tpu.dma_semaphore, #tpu.memory_space<semaphore_mem>>
        %dma_start3A_215 = tpu.memref_slice %arg5[%add3A_14] : memref<20480xf32, #tpu.memory_space<hbm>> -> memref<128xf32, #tpu.memory_space<hbm>>
        %dma_start3A_216 = tpu.memref_slice %arg5[%add3A_14] : memref<20480xf32, #tpu.memory_space<hbm>> -> memref<128xf32, #tpu.memory_space<hbm>>
        tpu.enqueue_dma source(%arg12 : memref<128xf32, #tpu.memory_space<vmem>>) target(%dma_start3A_216 : memref<128xf32, #tpu.memory_space<hbm>>) target_semaphore(%run_scoped3A : memref<!tpu.dma_semaphore, #tpu.memory_space<semaphore_mem>>)
        %dma_wait3A_217 = tpu.memref_slice %arg5[%add3A_14] : memref<20480xf32, #tpu.memory_space<hbm>> -> memref<128xf32, #tpu.memory_space<hbm>>
        %dma_wait3A_218 = tpu.memref_slice %arg5[%add3A_14] : memref<20480xf32, #tpu.memory_space<hbm>> -> memref<128xf32, #tpu.memory_space<hbm>>
        tpu.wait_dma2 semaphore(%run_scoped3A : memref<!tpu.dma_semaphore, #tpu.memory_space<semaphore_mem>>) src(%arg12 : memref<128xf32, #tpu.memory_space<vmem>>) dst(%dma_wait3A_218 : memref<128xf32, #tpu.memory_space<hbm>>)
        tpu.yield
      }) : () -> ()
      "tpu.region"() ({
        %run_scoped3A = tpu.sem_alloc : memref<!tpu.dma_semaphore, #tpu.memory_space<semaphore_mem>>
        %dma_start3A_215 = tpu.memref_slice %arg6[%add3A_14] : memref<20480xf32, #tpu.memory_space<hbm>> -> memref<128xf32, #tpu.memory_space<hbm>>
        %dma_start3A_216 = tpu.memref_slice %arg6[%add3A_14] : memref<20480xf32, #tpu.memory_space<hbm>> -> memref<128xf32, #tpu.memory_space<hbm>>
        tpu.enqueue_dma source(%arg13 : memref<128xf32, #tpu.memory_space<vmem>>) target(%dma_start3A_216 : memref<128xf32, #tpu.memory_space<hbm>>) target_semaphore(%run_scoped3A : memref<!tpu.dma_semaphore, #tpu.memory_space<semaphore_mem>>)
        %dma_wait3A_217 = tpu.memref_slice %arg6[%add3A_14] : memref<20480xf32, #tpu.memory_space<hbm>> -> memref<128xf32, #tpu.memory_space<hbm>>
        %dma_wait3A_218 = tpu.memref_slice %arg6[%add3A_14] : memref<20480xf32, #tpu.memory_space<hbm>> -> memref<128xf32, #tpu.memory_space<hbm>>
        tpu.wait_dma2 semaphore(%run_scoped3A : memref<!tpu.dma_semaphore, #tpu.memory_space<semaphore_mem>>) src(%arg13 : memref<128xf32, #tpu.memory_space<vmem>>) dst(%dma_wait3A_218 : memref<128xf32, #tpu.memory_space<hbm>>)
        tpu.yield
      }) : () -> ()
      "tpu.region"() ({
        %run_scoped3A = tpu.sem_alloc : memref<!tpu.dma_semaphore, #tpu.memory_space<semaphore_mem>>
        %dma_start3A_215 = tpu.memref_slice %arg7[%add3A_14] : memref<20480xf32, #tpu.memory_space<hbm>> -> memref<128xf32, #tpu.memory_space<hbm>>
        %dma_start3A_216 = tpu.memref_slice %arg7[%add3A_14] : memref<20480xf32, #tpu.memory_space<hbm>> -> memref<128xf32, #tpu.memory_space<hbm>>
        tpu.enqueue_dma source(%arg14 : memref<128xf32, #tpu.memory_space<vmem>>) target(%dma_start3A_216 : memref<128xf32, #tpu.memory_space<hbm>>) target_semaphore(%run_scoped3A : memref<!tpu.dma_semaphore, #tpu.memory_space<semaphore_mem>>)
        %dma_wait3A_217 = tpu.memref_slice %arg7[%add3A_14] : memref<20480xf32, #tpu.memory_space<hbm>> -> memref<128xf32, #tpu.memory_space<hbm>>
        %dma_wait3A_218 = tpu.memref_slice %arg7[%add3A_14] : memref<20480xf32, #tpu.memory_space<hbm>> -> memref<128xf32, #tpu.memory_space<hbm>>
        tpu.wait_dma2 semaphore(%run_scoped3A : memref<!tpu.dma_semaphore, #tpu.memory_space<semaphore_mem>>) src(%arg14 : memref<128xf32, #tpu.memory_space<vmem>>) dst(%dma_wait3A_218 : memref<128xf32, #tpu.memory_space<hbm>>)
        tpu.yield
      }) : () -> ()
    }
    %scan3A_4 = arith.constant 5 : i32
    return
  }
}

#map = affine_map<(d0, d1) -> (0)>
#map1 = affine_map<(d0, d1) -> (0, 0)>
module attributes {stable_mosaic.version = 14 : i64} {
  func.func @kern(%arg0: i32, %arg1: i32, %arg2: memref<1048576xf32, #tpu.memory_space<hbm>>, %arg3: memref<98304xf32, #tpu.memory_space<hbm>>, %arg4: memref<98304xi32, #tpu.memory_space<hbm>>, %arg5: memref<32x16xi32, #tpu.memory_space<hbm>>, %arg6: memref<4096xi32, #tpu.memory_space<hbm>>, %arg7: memref<2048xf32, #tpu.memory_space<vmem>>, %arg8: memref<3088xf32, #tpu.memory_space<vmem>>, %arg9: memref<3088xi32, #tpu.memory_space<vmem>>, %arg10: memref<16xi32, #tpu.memory_space<vmem>>, %arg11: memref<2048xi32, #tpu.memory_space<vmem>>, %arg12: memref<128xi32, #tpu.memory_space<vmem>>) attributes {dimension_semantics = [#tpu.dimension_semantics<core_parallel>, #tpu.dimension_semantics<subcore_parallel>], iteration_bounds = array<i64: 2, 16>, scalar_prefetch = 0 : i64, scratch_operands = 6 : i64, tpu.core_type = #tpu.core_type<sc_vector_subcore>, window_params = [{transform_indices = #map}, {transform_indices = #map}, {transform_indices = #map}, {transform_indices = #map1}, {transform_indices = #map}]} {
    %mul3A = arith.constant 2 : i32
    %mul3A_0 = arith.muli %arg1, %mul3A : i32
    %add3A = arith.addi %mul3A_0, %arg0 : i32
    %shift_right_arithmetic3A = arith.constant 3 : i32
    %shift_right_arithmetic3A_1 = arith.shrsi %add3A, %shift_right_arithmetic3A : i32
    %and3A = arith.constant 7 : i32
    %and3A_2 = arith.andi %add3A, %and3A : i32
    %mul3A_3 = arith.constant 262144 : i32
    %mul3A_4 = arith.muli %shift_right_arithmetic3A_1, %mul3A_3 : i32
    %mul3A_5 = arith.constant 32768 : i32
    %mul3A_6 = arith.muli %and3A_2, %mul3A_5 : i32
    %add3A_7 = arith.addi %mul3A_4, %mul3A_6 : i32
    %iota3A = tpu.iota {dimensions = array<i32: 0>} : vector<16xi32>
    %broadcast_in_dim3A = arith.constant -1.000000e+00 : f32
    %broadcast_in_dim3A_8 = vector.broadcast %broadcast_in_dim3A : f32 to vector<16xf32>
    %broadcast_in_dim3A_9 = arith.constant 0 : i32
    %broadcast_in_dim3A_10 = vector.broadcast %broadcast_in_dim3A_9 : i32 to vector<16xi32>
    %broadcast_in_dim3A_11 = arith.constant 1 : i32
    %broadcast_in_dim3A_12 = vector.broadcast %broadcast_in_dim3A_11 : i32 to vector<16xi32>
    %scan3A = arith.constant 0 : i32
    %scan3A_13 = arith.constant 193 : i32
    %scan3A_14 = arith.addi %scan3A, %scan3A_13 : i32
    %scan3A_15 = arith.constant 1 : i32
    scf.for %scan3A_43 = %scan3A to %scan3A_14 step %scan3A_15  : i32 {
      %mul3A_44 = arith.constant 1 : i32
      %mul3A_45 = arith.muli %scan3A_43, %mul3A_44 : i32
      %add3A_46 = arith.constant 0 : i32
      %add3A_47 = arith.addi %add3A_46, %mul3A_45 : i32
      %mul3A_48 = arith.constant 16 : i32
      %mul3A_49 = arith.muli %add3A_47, %mul3A_48 : i32
      %swap3A_50 = arith.index_cast %mul3A_49 : i32 to index
      %swap3A_51 = tpu.vector_load %arg8[%swap3A_50] {strides = array<i32>} : memref<3088xf32, #tpu.memory_space<vmem>>, vector<16xf32>,
      tpu.vector_store %arg8[%swap3A_50], %broadcast_in_dim3A_8 {strides = array<i32>} : memref<3088xf32, #tpu.memory_space<vmem>>, vector<16xf32>,
    }
    %scan3A_16 = arith.constant 193 : i32
    %scan3A_17 = arith.constant 0 : i32
    %scan3A_18 = arith.constant 128 : i32
    %scan3A_19 = arith.addi %scan3A_17, %scan3A_18 : i32
    %scan3A_20 = arith.constant 1 : i32
    scf.for %scan3A_43 = %scan3A_17 to %scan3A_19 step %scan3A_20  : i32 {
      %mul3A_44 = arith.constant 1 : i32
      %mul3A_45 = arith.muli %scan3A_43, %mul3A_44 : i32
      %add3A_46 = arith.constant 0 : i32
      %add3A_47 = arith.addi %add3A_46, %mul3A_45 : i32
      %mul3A_48 = arith.constant 16 : i32
      %mul3A_49 = arith.muli %add3A_47, %mul3A_48 : i32
      %swap3A_50 = arith.index_cast %mul3A_49 : i32 to index
      %swap3A_51 = tpu.vector_load %arg11[%swap3A_50] {strides = array<i32>} : memref<2048xi32, #tpu.memory_space<vmem>>, vector<16xi32>,
      tpu.vector_store %arg11[%swap3A_50], %broadcast_in_dim3A_10 {strides = array<i32>} : memref<2048xi32, #tpu.memory_space<vmem>>, vector<16xi32>,
    }
    %scan3A_21 = arith.constant 128 : i32
    %scan3A_22 = arith.constant 0 : i32
    %scan3A_23 = arith.constant 0 : i32
    %scan3A_24 = arith.constant 16 : i32
    %scan3A_25 = arith.addi %scan3A_23, %scan3A_24 : i32
    %scan3A_26 = arith.constant 1 : i32
    %scan3A_27 = scf.for %scan3A_43 = %scan3A_23 to %scan3A_25 step %scan3A_26 iter_args(%scan3A_44 = %scan3A_22) -> (i32)  : i32 {
      %mul3A_45 = arith.constant 2048 : i32
      %mul3A_46 = arith.muli %scan3A_43, %mul3A_45 : i32
      %add3A_47 = arith.addi %add3A_7, %mul3A_46 : i32
      "tpu.region"() ({
        %run_scoped3A = tpu.sem_alloc : memref<!tpu.dma_semaphore, #tpu.memory_space<semaphore_mem>>
        %dma_start3A = tpu.memref_slice %arg2[%add3A_47] : memref<1048576xf32, #tpu.memory_space<hbm>> -> memref<2048xf32, #tpu.memory_space<hbm>>
        %dma_start3A_54 = tpu.memref_slice %arg2[%add3A_47] : memref<1048576xf32, #tpu.memory_space<hbm>> -> memref<2048xf32, #tpu.memory_space<hbm>>
        tpu.enqueue_dma source(%dma_start3A_54 : memref<2048xf32, #tpu.memory_space<hbm>>) target(%arg7 : memref<2048xf32, #tpu.memory_space<vmem>>) target_semaphore(%run_scoped3A : memref<!tpu.dma_semaphore, #tpu.memory_space<semaphore_mem>>)
        %dma_wait3A = tpu.memref_slice %arg2[%add3A_47] : memref<1048576xf32, #tpu.memory_space<hbm>> -> memref<2048xf32, #tpu.memory_space<hbm>>
        %dma_wait3A_55 = tpu.memref_slice %arg2[%add3A_47] : memref<1048576xf32, #tpu.memory_space<hbm>> -> memref<2048xf32, #tpu.memory_space<hbm>>
        tpu.wait_dma2 semaphore(%run_scoped3A : memref<!tpu.dma_semaphore, #tpu.memory_space<semaphore_mem>>) src(%dma_wait3A_55 : memref<2048xf32, #tpu.memory_space<hbm>>) dst(%arg7 : memref<2048xf32, #tpu.memory_space<vmem>>)
        tpu.yield
      }) : () -> ()
      %scan3A_48 = arith.constant 0 : i32
      %scan3A_49 = arith.constant 128 : i32
      %scan3A_50 = arith.addi %scan3A_48, %scan3A_49 : i32
      %scan3A_51 = arith.constant 1 : i32
      %scan3A_52 = scf.for %scan3A_54 = %scan3A_48 to %scan3A_50 step %scan3A_51 iter_args(%scan3A_55 = %scan3A_44) -> (i32)  : i32 {
        %mul3A_56 = arith.constant 16 : i32
        %mul3A_57 = arith.muli %scan3A_54, %mul3A_56 : i32
        %get3A = arith.index_cast %mul3A_57 : i32 to index
        %get3A_58 = tpu.vector_load %arg7[%get3A] {strides = array<i32>} : memref<2048xf32, #tpu.memory_space<vmem>>, vector<16xf32>,
        %gt3A = arith.constant 0.000000e+00 : f32
        %gt3A_59 = vector.broadcast %gt3A : f32 to vector<16xf32>
        %gt3A_60 = arith.cmpf ogt, %get3A_58, %gt3A_59 : vector<16xf32>
        %mul3A_61 = arith.constant 32768 : i32
        %mul3A_62 = arith.muli %and3A_2, %mul3A_61 : i32
        %mul3A_63 = arith.constant 2048 : i32
        %mul3A_64 = arith.muli %scan3A_43, %mul3A_63 : i32
        %add3A_65 = arith.addi %mul3A_62, %mul3A_64 : i32
        %mul3A_66 = arith.constant 16 : i32
        %mul3A_67 = arith.muli %scan3A_54, %mul3A_66 : i32
        %add3A_68 = arith.addi %add3A_65, %mul3A_67 : i32
        %add3A_69 = vector.broadcast %add3A_68 : i32 to vector<16xi32>
        %add3A_70 = arith.addi %add3A_69, %iota3A : vector<16xi32>
        %min3A = arith.constant 3072 : i32
        %min3A_71 = arith.minsi %scan3A_55, %min3A : i32
        %swap3A_72 = arith.index_cast %min3A_71 : i32 to index
        %swap3A_73 = tpu.vector_load %arg8[%swap3A_72] masked %gt3A_60 {strides = array<i32>} : memref<3088xf32, #tpu.memory_space<vmem>>, vector<16xf32>, vector<16xi1>
        tpu.vector_store %arg8[%swap3A_72], %get3A_58 masked %gt3A_60 {strides = array<i32>} : memref<3088xf32, #tpu.memory_space<vmem>>, vector<16xf32>, vector<16xi1>
        %swap3A_74 = arith.index_cast %min3A_71 : i32 to index
        %swap3A_75 = tpu.vector_load %arg9[%swap3A_74] masked %gt3A_60 {strides = array<i32>} : memref<3088xi32, #tpu.memory_space<vmem>>, vector<16xi32>, vector<16xi1>
        tpu.vector_store %arg9[%swap3A_74], %add3A_70 masked %gt3A_60 {strides = array<i32>} : memref<3088xi32, #tpu.memory_space<vmem>>, vector<16xi32>, vector<16xi1>
        %mul3A_76 = arith.constant 1.280000e+02 : f32
        %mul3A_77 = vector.broadcast %mul3A_76 : f32 to vector<16xf32>
        %mul3A_78 = arith.mulf %get3A_58, %mul3A_77 : vector<16xf32>
        %convert_element_type3A = arith.fptosi %mul3A_78 : vector<16xf32> to vector<16xi32>
        %min3A_79 = arith.constant 127 : i32
        %min3A_80 = vector.broadcast %min3A_79 : i32 to vector<16xi32>
        %min3A_81 = arith.minsi %convert_element_type3A, %min3A_80 : vector<16xi32>
        %mul3A_82 = arith.constant 16 : i32
        %mul3A_83 = vector.broadcast %mul3A_82 : i32 to vector<16xi32>
        %mul3A_84 = arith.muli %min3A_81, %mul3A_83 : vector<16xi32>
        %add3A_85 = arith.addi %mul3A_84, %iota3A : vector<16xi32>
        tpu.vector_store_idx %arg11[%add3A_85], %broadcast_in_dim3A_12 masked %gt3A_60 {add = true} : memref<2048xi32, #tpu.memory_space<vmem>>[vector<16xi32>], vector<16xi32>, vector<16xi1>
        %all_reduce_population_count3A = tpu.all_reduce %gt3A_60 {dim = 0 : i64, kind = #tpu.reduction_kind<sum>} : vector<16xi1> -> vector<16xi32>
        %reduce_max3A = arith.constant true
        %reduce_max3A_86 = vector.broadcast %reduce_max3A : i1 to vector<16xi1>
        %reduce_max3A_87 = arith.constant -2147483648 : i32
        %reduce_max3A_88 = vector.broadcast %reduce_max3A_87 : i32 to vector<16xi32>
        %reduce_max3A_89 = arith.xori %all_reduce_population_count3A, %reduce_max3A_88 : vector<16xi32>
        %reduce_max3A_90 = tpu.scan <max>, %reduce_max3A_89 masked %reduce_max3A_86 : vector<16xi32>, vector<16xi1> -> vector<16xi32>
        %reduce_max3A_91 = arith.xori %reduce_max3A_90, %reduce_max3A_88 : vector<16xi32>
        %reduce_max3A_92 = vector.extract %reduce_max3A_91[15] : i32 from vector<16xi32>
        %add3A_93 = arith.addi %scan3A_55, %reduce_max3A_92 : i32
        scf.yield %add3A_93 : i32
      }
      %scan3A_53 = arith.constant 128 : i32
      scf.yield %scan3A_52 : i32
    }
    %scan3A_28 = arith.constant 16 : i32
    %mul3A_29 = vector.broadcast %scan3A_27 : i32 to vector<16xi32>
    %mul3A_30 = arith.muli %broadcast_in_dim3A_12, %mul3A_29 : vector<16xi32>
    %swap3A = arith.constant 0 : index
    %swap3A_31 = tpu.vector_load %arg10[%swap3A] {strides = array<i32>} : memref<16xi32, #tpu.memory_space<vmem>>, vector<16xi32>,
    tpu.vector_store %arg10[%swap3A], %mul3A_30 {strides = array<i32>} : memref<16xi32, #tpu.memory_space<vmem>>, vector<16xi32>,
    %scan3A_32 = arith.constant 0 : i32
    %scan3A_33 = arith.constant 128 : i32
    %scan3A_34 = arith.addi %scan3A_32, %scan3A_33 : i32
    %scan3A_35 = arith.constant 1 : i32
    scf.for %scan3A_43 = %scan3A_32 to %scan3A_34 step %scan3A_35  : i32 {
      %mul3A_44 = arith.constant 1 : i32
      %mul3A_45 = arith.muli %scan3A_43, %mul3A_44 : i32
      %add3A_46 = arith.constant 0 : i32
      %add3A_47 = arith.addi %add3A_46, %mul3A_45 : i32
      %mul3A_48 = arith.constant 16 : i32
      %mul3A_49 = arith.muli %add3A_47, %mul3A_48 : i32
      %get3A = arith.index_cast %mul3A_49 : i32 to index
      %get3A_50 = tpu.vector_load %arg11[%get3A] {strides = array<i32>} : memref<2048xi32, #tpu.memory_space<vmem>>, vector<16xi32>,
      %reduce_sum3A = arith.constant true
      %reduce_sum3A_51 = vector.broadcast %reduce_sum3A : i1 to vector<16xi1>
      %reduce_sum3A_52 = tpu.scan <sum>, %get3A_50 masked %reduce_sum3A_51 : vector<16xi32>, vector<16xi1> -> vector<16xi32>
      %reduce_sum3A_53 = vector.extract %reduce_sum3A_52[15] : i32 from vector<16xi32>
      %mul3A_54 = vector.broadcast %add3A_47 : i32 to vector<16xi32>
      %mul3A_55 = arith.muli %broadcast_in_dim3A_12, %mul3A_54 : vector<16xi32>
      %mul3A_56 = vector.broadcast %reduce_sum3A_53 : i32 to vector<16xi32>
      %mul3A_57 = arith.muli %broadcast_in_dim3A_12, %mul3A_56 : vector<16xi32>
      %eq3A = arith.constant 0 : i32
      %eq3A_58 = vector.broadcast %eq3A : i32 to vector<16xi32>
      %eq3A_59 = arith.cmpi eq, %iota3A, %eq3A_58 : vector<16xi32>
      tpu.vector_store_idx %arg12[%mul3A_55], %mul3A_57 masked %eq3A_59 : memref<128xi32, #tpu.memory_space<vmem>>[vector<16xi32>], vector<16xi32>, vector<16xi1>
    }
    %scan3A_36 = arith.constant 128 : i32
    %mul3A_37 = arith.constant 3072 : i32
    %mul3A_38 = arith.muli %add3A, %mul3A_37 : i32
    "tpu.region"() ({
      %run_scoped3A = tpu.sem_alloc : memref<!tpu.dma_semaphore, #tpu.memory_space<semaphore_mem>>
      %dma_start3A = arith.constant 0 : i32
      %dma_start3A_43 = tpu.memref_slice %arg8[%dma_start3A] : memref<3088xf32, #tpu.memory_space<vmem>> -> memref<3072xf32, #tpu.memory_space<vmem>>
      %dma_start3A_44 = tpu.memref_slice %arg3[%mul3A_38] : memref<98304xf32, #tpu.memory_space<hbm>> -> memref<3072xf32, #tpu.memory_space<hbm>>
      %dma_start3A_45 = tpu.memref_slice %arg3[%mul3A_38] : memref<98304xf32, #tpu.memory_space<hbm>> -> memref<3072xf32, #tpu.memory_space<hbm>>
      %dma_start3A_46 = arith.constant 0 : i32
      %dma_start3A_47 = tpu.memref_slice %arg8[%dma_start3A_46] : memref<3088xf32, #tpu.memory_space<vmem>> -> memref<3072xf32, #tpu.memory_space<vmem>>
      tpu.enqueue_dma source(%dma_start3A_47 : memref<3072xf32, #tpu.memory_space<vmem>>) target(%dma_start3A_45 : memref<3072xf32, #tpu.memory_space<hbm>>) target_semaphore(%run_scoped3A : memref<!tpu.dma_semaphore, #tpu.memory_space<semaphore_mem>>)
      %dma_wait3A = arith.constant 0 : i32
      %dma_wait3A_48 = tpu.memref_slice %arg8[%dma_wait3A] : memref<3088xf32, #tpu.memory_space<vmem>> -> memref<3072xf32, #tpu.memory_space<vmem>>
      %dma_wait3A_49 = tpu.memref_slice %arg3[%mul3A_38] : memref<98304xf32, #tpu.memory_space<hbm>> -> memref<3072xf32, #tpu.memory_space<hbm>>
      %dma_wait3A_50 = tpu.memref_slice %arg3[%mul3A_38] : memref<98304xf32, #tpu.memory_space<hbm>> -> memref<3072xf32, #tpu.memory_space<hbm>>
      %dma_wait3A_51 = arith.constant 0 : i32
      %dma_wait3A_52 = tpu.memref_slice %arg8[%dma_wait3A_51] : memref<3088xf32, #tpu.memory_space<vmem>> -> memref<3072xf32, #tpu.memory_space<vmem>>
      tpu.wait_dma2 semaphore(%run_scoped3A : memref<!tpu.dma_semaphore, #tpu.memory_space<semaphore_mem>>) src(%dma_wait3A_52 : memref<3072xf32, #tpu.memory_space<vmem>>) dst(%dma_wait3A_50 : memref<3072xf32, #tpu.memory_space<hbm>>)
      tpu.yield
    }) : () -> ()
    %mul3A_39 = arith.constant 3072 : i32
    %mul3A_40 = arith.muli %add3A, %mul3A_39 : i32
    "tpu.region"() ({
      %run_scoped3A = tpu.sem_alloc : memref<!tpu.dma_semaphore, #tpu.memory_space<semaphore_mem>>
      %dma_start3A = arith.constant 0 : i32
      %dma_start3A_43 = tpu.memref_slice %arg9[%dma_start3A] : memref<3088xi32, #tpu.memory_space<vmem>> -> memref<3072xi32, #tpu.memory_space<vmem>>
      %dma_start3A_44 = tpu.memref_slice %arg4[%mul3A_40] : memref<98304xi32, #tpu.memory_space<hbm>> -> memref<3072xi32, #tpu.memory_space<hbm>>
      %dma_start3A_45 = tpu.memref_slice %arg4[%mul3A_40] : memref<98304xi32, #tpu.memory_space<hbm>> -> memref<3072xi32, #tpu.memory_space<hbm>>
      %dma_start3A_46 = arith.constant 0 : i32
      %dma_start3A_47 = tpu.memref_slice %arg9[%dma_start3A_46] : memref<3088xi32, #tpu.memory_space<vmem>> -> memref<3072xi32, #tpu.memory_space<vmem>>
      tpu.enqueue_dma source(%dma_start3A_47 : memref<3072xi32, #tpu.memory_space<vmem>>) target(%dma_start3A_45 : memref<3072xi32, #tpu.memory_space<hbm>>) target_semaphore(%run_scoped3A : memref<!tpu.dma_semaphore, #tpu.memory_space<semaphore_mem>>)
      %dma_wait3A = arith.constant 0 : i32
      %dma_wait3A_48 = tpu.memref_slice %arg9[%dma_wait3A] : memref<3088xi32, #tpu.memory_space<vmem>> -> memref<3072xi32, #tpu.memory_space<vmem>>
      %dma_wait3A_49 = tpu.memref_slice %arg4[%mul3A_40] : memref<98304xi32, #tpu.memory_space<hbm>> -> memref<3072xi32, #tpu.memory_space<hbm>>
      %dma_wait3A_50 = tpu.memref_slice %arg4[%mul3A_40] : memref<98304xi32, #tpu.memory_space<hbm>> -> memref<3072xi32, #tpu.memory_space<hbm>>
      %dma_wait3A_51 = arith.constant 0 : i32
      %dma_wait3A_52 = tpu.memref_slice %arg9[%dma_wait3A_51] : memref<3088xi32, #tpu.memory_space<vmem>> -> memref<3072xi32, #tpu.memory_space<vmem>>
      tpu.wait_dma2 semaphore(%run_scoped3A : memref<!tpu.dma_semaphore, #tpu.memory_space<semaphore_mem>>) src(%dma_wait3A_52 : memref<3072xi32, #tpu.memory_space<vmem>>) dst(%dma_wait3A_50 : memref<3072xi32, #tpu.memory_space<hbm>>)
      tpu.yield
    }) : () -> ()
    "tpu.region"() ({
      %run_scoped3A = tpu.sem_alloc : memref<!tpu.dma_semaphore, #tpu.memory_space<semaphore_mem>>
      %dma_start3A = arith.constant 0 : i32
      %dma_start3A_43 = tpu.memref_slice %arg5[%add3A, %dma_start3A] : memref<32x16xi32, #tpu.memory_space<hbm>> -> memref<1x16xi32, #tpu.memory_space<hbm>>
      %dma_start3A_44 = tpu.memref_squeeze %dma_start3A_43 : memref<1x16xi32, #tpu.memory_space<hbm>> -> memref<16xi32, #tpu.memory_space<hbm>>
      %dma_start3A_45 = arith.constant 0 : i32
      %dma_start3A_46 = tpu.memref_slice %arg5[%add3A, %dma_start3A_45] : memref<32x16xi32, #tpu.memory_space<hbm>> -> memref<1x16xi32, #tpu.memory_space<hbm>>
      %dma_start3A_47 = tpu.memref_squeeze %dma_start3A_46 : memref<1x16xi32, #tpu.memory_space<hbm>> -> memref<16xi32, #tpu.memory_space<hbm>>
      tpu.enqueue_dma source(%arg10 : memref<16xi32, #tpu.memory_space<vmem>>) target(%dma_start3A_47 : memref<16xi32, #tpu.memory_space<hbm>>) target_semaphore(%run_scoped3A : memref<!tpu.dma_semaphore, #tpu.memory_space<semaphore_mem>>)
      %dma_wait3A = arith.constant 0 : i32
      %dma_wait3A_48 = tpu.memref_slice %arg5[%add3A, %dma_wait3A] : memref<32x16xi32, #tpu.memory_space<hbm>> -> memref<1x16xi32, #tpu.memory_space<hbm>>
      %dma_wait3A_49 = tpu.memref_squeeze %dma_wait3A_48 : memref<1x16xi32, #tpu.memory_space<hbm>> -> memref<16xi32, #tpu.memory_space<hbm>>
      %dma_wait3A_50 = arith.constant 0 : i32
      %dma_wait3A_51 = tpu.memref_slice %arg5[%add3A, %dma_wait3A_50] : memref<32x16xi32, #tpu.memory_space<hbm>> -> memref<1x16xi32, #tpu.memory_space<hbm>>
      %dma_wait3A_52 = tpu.memref_squeeze %dma_wait3A_51 : memref<1x16xi32, #tpu.memory_space<hbm>> -> memref<16xi32, #tpu.memory_space<hbm>>
      tpu.wait_dma2 semaphore(%run_scoped3A : memref<!tpu.dma_semaphore, #tpu.memory_space<semaphore_mem>>) src(%arg10 : memref<16xi32, #tpu.memory_space<vmem>>) dst(%dma_wait3A_52 : memref<16xi32, #tpu.memory_space<hbm>>)
      tpu.yield
    }) : () -> ()
    %mul3A_41 = arith.constant 128 : i32
    %mul3A_42 = arith.muli %add3A, %mul3A_41 : i32
    "tpu.region"() ({
      %run_scoped3A = tpu.sem_alloc : memref<!tpu.dma_semaphore, #tpu.memory_space<semaphore_mem>>
      %dma_start3A = tpu.memref_slice %arg6[%mul3A_42] : memref<4096xi32, #tpu.memory_space<hbm>> -> memref<128xi32, #tpu.memory_space<hbm>>
      %dma_start3A_43 = tpu.memref_slice %arg6[%mul3A_42] : memref<4096xi32, #tpu.memory_space<hbm>> -> memref<128xi32, #tpu.memory_space<hbm>>
      tpu.enqueue_dma source(%arg12 : memref<128xi32, #tpu.memory_space<vmem>>) target(%dma_start3A_43 : memref<128xi32, #tpu.memory_space<hbm>>) target_semaphore(%run_scoped3A : memref<!tpu.dma_semaphore, #tpu.memory_space<semaphore_mem>>)
      %dma_wait3A = tpu.memref_slice %arg6[%mul3A_42] : memref<4096xi32, #tpu.memory_space<hbm>> -> memref<128xi32, #tpu.memory_space<hbm>>
      %dma_wait3A_44 = tpu.memref_slice %arg6[%mul3A_42] : memref<4096xi32, #tpu.memory_space<hbm>> -> memref<128xi32, #tpu.memory_space<hbm>>
      tpu.wait_dma2 semaphore(%run_scoped3A : memref<!tpu.dma_semaphore, #tpu.memory_space<semaphore_mem>>) src(%arg12 : memref<128xi32, #tpu.memory_space<vmem>>) dst(%dma_wait3A_44 : memref<128xi32, #tpu.memory_space<hbm>>)
      tpu.yield
    }) : () -> ()
    return
  }
}

module attributes {stable_mosaic.version = 14 : i64} {
  func.func @_nms_body(%arg0: i32, %arg1: memref<1x512x512xf32, #tpu.memory_space<vmem>>, %arg2: memref<1x512x512xf32, #tpu.memory_space<vmem>>, %arg3: memref<1x520x640xf32, #tpu.memory_space<vmem>>) attributes {dimension_semantics = [#tpu.dimension_semantics<arbitrary>], iteration_bounds = array<i64: 4>, scalar_prefetch = 0 : i64, scratch_operands = 0 : i64, tpu.core_type = #tpu.core_type<tc>, window_params = [{transform_indices = @transform_0, window_bounds = array<i64: 1, 512, 512>}, {transform_indices = @transform_1, window_bounds = array<i64: 1, 512, 512>}, {transform_indices = @transform_2, window_bounds = array<i64: 1, 520, 640>}]} {
    %get3A = arith.constant 0 : index
    %get3A_0 = arith.constant 0 : index
    %get3A_1 = arith.constant 0 : index
    %get3A_2 = vector.load %arg1[%get3A, %get3A_0, %get3A_1] : memref<1x512x512xf32, #tpu.memory_space<vmem>>, vector<1x512x512xf32>
    %get3A_3 = vector.shape_cast %get3A_2 : vector<1x512x512xf32> to vector<512x512xf32>
    %broadcast_in_dim3A = arith.constant 0.000000e+00 : f32
    %broadcast_in_dim3A_4 = vector.broadcast %broadcast_in_dim3A : f32 to vector<512x512xf32>
    %broadcast_in_dim3A_5 = arith.constant 0xFF800000 : f32
    %broadcast_in_dim3A_6 = vector.broadcast %broadcast_in_dim3A_5 : f32 to vector<512x2xf32>
    %concatenate3A = tpu.concatenate %broadcast_in_dim3A_6, %get3A_3, %broadcast_in_dim3A_6 in 1 : vector<512x2xf32>, vector<512x512xf32>, vector<512x2xf32> -> vector<512x516xf32>
    %slice3A = vector.extract_strided_slice %concatenate3A {offsets = [0, 0], sizes = [512, 512], strides = [1, 1]} : vector<512x516xf32> to vector<512x512xf32>
    %slice3A_7 = vector.extract_strided_slice %concatenate3A {offsets = [0, 1], sizes = [512, 512], strides = [1, 1]} : vector<512x516xf32> to vector<512x512xf32>
    %max3A = arith.maximumf %slice3A, %slice3A_7 : vector<512x512xf32>
    %slice3A_8 = vector.extract_strided_slice %concatenate3A {offsets = [0, 2], sizes = [512, 512], strides = [1, 1]} : vector<512x516xf32> to vector<512x512xf32>
    %max3A_9 = arith.maximumf %max3A, %slice3A_8 : vector<512x512xf32>
    %slice3A_10 = vector.extract_strided_slice %concatenate3A {offsets = [0, 3], sizes = [512, 512], strides = [1, 1]} : vector<512x516xf32> to vector<512x512xf32>
    %max3A_11 = arith.maximumf %max3A_9, %slice3A_10 : vector<512x512xf32>
    %slice3A_12 = vector.extract_strided_slice %concatenate3A {offsets = [0, 4], sizes = [512, 512], strides = [1, 1]} : vector<512x516xf32> to vector<512x512xf32>
    %max3A_13 = arith.maximumf %max3A_11, %slice3A_12 : vector<512x512xf32>
    %broadcast_in_dim3A_14 = arith.constant 0xFF800000 : f32
    %broadcast_in_dim3A_15 = vector.broadcast %broadcast_in_dim3A_14 : f32 to vector<2x512xf32>
    %concatenate3A_16 = tpu.concatenate %broadcast_in_dim3A_15, %max3A_13, %broadcast_in_dim3A_15 in 0 : vector<2x512xf32>, vector<512x512xf32>, vector<2x512xf32> -> vector<516x512xf32>
    %slice3A_17 = vector.extract_strided_slice %concatenate3A_16 {offsets = [0, 0], sizes = [512, 512], strides = [1, 1]} : vector<516x512xf32> to vector<512x512xf32>
    %slice3A_18 = vector.extract_strided_slice %concatenate3A_16 {offsets = [1, 0], sizes = [512, 512], strides = [1, 1]} : vector<516x512xf32> to vector<512x512xf32>
    %max3A_19 = arith.maximumf %slice3A_17, %slice3A_18 : vector<512x512xf32>
    %slice3A_20 = vector.extract_strided_slice %concatenate3A_16 {offsets = [2, 0], sizes = [512, 512], strides = [1, 1]} : vector<516x512xf32> to vector<512x512xf32>
    %max3A_21 = arith.maximumf %max3A_19, %slice3A_20 : vector<512x512xf32>
    %slice3A_22 = vector.extract_strided_slice %concatenate3A_16 {offsets = [3, 0], sizes = [512, 512], strides = [1, 1]} : vector<516x512xf32> to vector<512x512xf32>
    %max3A_23 = arith.maximumf %max3A_21, %slice3A_22 : vector<512x512xf32>
    %slice3A_24 = vector.extract_strided_slice %concatenate3A_16 {offsets = [4, 0], sizes = [512, 512], strides = [1, 1]} : vector<516x512xf32> to vector<512x512xf32>
    %max3A_25 = arith.maximumf %max3A_23, %slice3A_24 : vector<512x512xf32>
    %eq3A = arith.cmpf oeq, %get3A_3, %max3A_25 : vector<512x512xf32>
    %convert_element_type3A = arith.extui %eq3A : vector<512x512xi1> to vector<512x512xi32>
    %convert_element_type3A_26 = arith.sitofp %convert_element_type3A : vector<512x512xi32> to vector<512x512xf32>
    %broadcast_in_dim3A_27 = arith.constant 0xFF800000 : f32
    %broadcast_in_dim3A_28 = vector.broadcast %broadcast_in_dim3A_27 : f32 to vector<512x2xf32>
    %concatenate3A_29 = tpu.concatenate %broadcast_in_dim3A_28, %convert_element_type3A_26, %broadcast_in_dim3A_28 in 1 : vector<512x2xf32>, vector<512x512xf32>, vector<512x2xf32> -> vector<512x516xf32>
    %slice3A_30 = vector.extract_strided_slice %concatenate3A_29 {offsets = [0, 0], sizes = [512, 512], strides = [1, 1]} : vector<512x516xf32> to vector<512x512xf32>
    %slice3A_31 = vector.extract_strided_slice %concatenate3A_29 {offsets = [0, 1], sizes = [512, 512], strides = [1, 1]} : vector<512x516xf32> to vector<512x512xf32>
    %max3A_32 = arith.maximumf %slice3A_30, %slice3A_31 : vector<512x512xf32>
    %slice3A_33 = vector.extract_strided_slice %concatenate3A_29 {offsets = [0, 2], sizes = [512, 512], strides = [1, 1]} : vector<512x516xf32> to vector<512x512xf32>
    %max3A_34 = arith.maximumf %max3A_32, %slice3A_33 : vector<512x512xf32>
    %slice3A_35 = vector.extract_strided_slice %concatenate3A_29 {offsets = [0, 3], sizes = [512, 512], strides = [1, 1]} : vector<512x516xf32> to vector<512x512xf32>
    %max3A_36 = arith.maximumf %max3A_34, %slice3A_35 : vector<512x512xf32>
    %slice3A_37 = vector.extract_strided_slice %concatenate3A_29 {offsets = [0, 4], sizes = [512, 512], strides = [1, 1]} : vector<512x516xf32> to vector<512x512xf32>
    %max3A_38 = arith.maximumf %max3A_36, %slice3A_37 : vector<512x512xf32>
    %broadcast_in_dim3A_39 = arith.constant 0xFF800000 : f32
    %broadcast_in_dim3A_40 = vector.broadcast %broadcast_in_dim3A_39 : f32 to vector<2x512xf32>
    %concatenate3A_41 = tpu.concatenate %broadcast_in_dim3A_40, %max3A_38, %broadcast_in_dim3A_40 in 0 : vector<2x512xf32>, vector<512x512xf32>, vector<2x512xf32> -> vector<516x512xf32>
    %slice3A_42 = vector.extract_strided_slice %concatenate3A_41 {offsets = [0, 0], sizes = [512, 512], strides = [1, 1]} : vector<516x512xf32> to vector<512x512xf32>
    %slice3A_43 = vector.extract_strided_slice %concatenate3A_41 {offsets = [1, 0], sizes = [512, 512], strides = [1, 1]} : vector<516x512xf32> to vector<512x512xf32>
    %max3A_44 = arith.maximumf %slice3A_42, %slice3A_43 : vector<512x512xf32>
    %slice3A_45 = vector.extract_strided_slice %concatenate3A_41 {offsets = [2, 0], sizes = [512, 512], strides = [1, 1]} : vector<516x512xf32> to vector<512x512xf32>
    %max3A_46 = arith.maximumf %max3A_44, %slice3A_45 : vector<512x512xf32>
    %slice3A_47 = vector.extract_strided_slice %concatenate3A_41 {offsets = [3, 0], sizes = [512, 512], strides = [1, 1]} : vector<516x512xf32> to vector<512x512xf32>
    %max3A_48 = arith.maximumf %max3A_46, %slice3A_47 : vector<512x512xf32>
    %slice3A_49 = vector.extract_strided_slice %concatenate3A_41 {offsets = [4, 0], sizes = [512, 512], strides = [1, 1]} : vector<516x512xf32> to vector<512x512xf32>
    %max3A_50 = arith.maximumf %max3A_48, %slice3A_49 : vector<512x512xf32>
    %gt3A = arith.constant 0.000000e+00 : f32
    %gt3A_51 = vector.broadcast %gt3A : f32 to vector<512x512xf32>
    %gt3A_52 = arith.cmpf ogt, %max3A_50, %gt3A_51 : vector<512x512xf32>
    %select_n3A = arith.select %gt3A_52, %broadcast_in_dim3A_4, %get3A_3 : vector<512x512xi1>, vector<512x512xf32>
    %broadcast_in_dim3A_53 = arith.constant 0xFF800000 : f32
    %broadcast_in_dim3A_54 = vector.broadcast %broadcast_in_dim3A_53 : f32 to vector<512x2xf32>
    %concatenate3A_55 = tpu.concatenate %broadcast_in_dim3A_54, %select_n3A, %broadcast_in_dim3A_54 in 1 : vector<512x2xf32>, vector<512x512xf32>, vector<512x2xf32> -> vector<512x516xf32>
    %slice3A_56 = vector.extract_strided_slice %concatenate3A_55 {offsets = [0, 0], sizes = [512, 512], strides = [1, 1]} : vector<512x516xf32> to vector<512x512xf32>
    %slice3A_57 = vector.extract_strided_slice %concatenate3A_55 {offsets = [0, 1], sizes = [512, 512], strides = [1, 1]} : vector<512x516xf32> to vector<512x512xf32>
    %max3A_58 = arith.maximumf %slice3A_56, %slice3A_57 : vector<512x512xf32>
    %slice3A_59 = vector.extract_strided_slice %concatenate3A_55 {offsets = [0, 2], sizes = [512, 512], strides = [1, 1]} : vector<512x516xf32> to vector<512x512xf32>
    %max3A_60 = arith.maximumf %max3A_58, %slice3A_59 : vector<512x512xf32>
    %slice3A_61 = vector.extract_strided_slice %concatenate3A_55 {offsets = [0, 3], sizes = [512, 512], strides = [1, 1]} : vector<512x516xf32> to vector<512x512xf32>
    %max3A_62 = arith.maximumf %max3A_60, %slice3A_61 : vector<512x512xf32>
    %slice3A_63 = vector.extract_strided_slice %concatenate3A_55 {offsets = [0, 4], sizes = [512, 512], strides = [1, 1]} : vector<512x516xf32> to vector<512x512xf32>
    %max3A_64 = arith.maximumf %max3A_62, %slice3A_63 : vector<512x512xf32>
    %broadcast_in_dim3A_65 = arith.constant 0xFF800000 : f32
    %broadcast_in_dim3A_66 = vector.broadcast %broadcast_in_dim3A_65 : f32 to vector<2x512xf32>
    %concatenate3A_67 = tpu.concatenate %broadcast_in_dim3A_66, %max3A_64, %broadcast_in_dim3A_66 in 0 : vector<2x512xf32>, vector<512x512xf32>, vector<2x512xf32> -> vector<516x512xf32>
    %slice3A_68 = vector.extract_strided_slice %concatenate3A_67 {offsets = [0, 0], sizes = [512, 512], strides = [1, 1]} : vector<516x512xf32> to vector<512x512xf32>
    %slice3A_69 = vector.extract_strided_slice %concatenate3A_67 {offsets = [1, 0], sizes = [512, 512], strides = [1, 1]} : vector<516x512xf32> to vector<512x512xf32>
    %max3A_70 = arith.maximumf %slice3A_68, %slice3A_69 : vector<512x512xf32>
    %slice3A_71 = vector.extract_strided_slice %concatenate3A_67 {offsets = [2, 0], sizes = [512, 512], strides = [1, 1]} : vector<516x512xf32> to vector<512x512xf32>
    %max3A_72 = arith.maximumf %max3A_70, %slice3A_71 : vector<512x512xf32>
    %slice3A_73 = vector.extract_strided_slice %concatenate3A_67 {offsets = [3, 0], sizes = [512, 512], strides = [1, 1]} : vector<516x512xf32> to vector<512x512xf32>
    %max3A_74 = arith.maximumf %max3A_72, %slice3A_73 : vector<512x512xf32>
    %slice3A_75 = vector.extract_strided_slice %concatenate3A_67 {offsets = [4, 0], sizes = [512, 512], strides = [1, 1]} : vector<516x512xf32> to vector<512x512xf32>
    %max3A_76 = arith.maximumf %max3A_74, %slice3A_75 : vector<512x512xf32>
    %eq3A_77 = arith.cmpf oeq, %select_n3A, %max3A_76 : vector<512x512xf32>
    %not3A = arith.constant dense<true> : vector<512x512xi1>
    %not3A_78 = arith.xori %gt3A_52, %not3A : vector<512x512xi1>
    %and3A = arith.andi %eq3A_77, %not3A_78 : vector<512x512xi1>
    %or3A = arith.ori %eq3A, %and3A : vector<512x512xi1>
    %convert_element_type3A_79 = arith.extui %or3A : vector<512x512xi1> to vector<512x512xi32>
    %convert_element_type3A_80 = arith.sitofp %convert_element_type3A_79 : vector<512x512xi32> to vector<512x512xf32>
    %broadcast_in_dim3A_81 = arith.constant 0xFF800000 : f32
    %broadcast_in_dim3A_82 = vector.broadcast %broadcast_in_dim3A_81 : f32 to vector<512x2xf32>
    %concatenate3A_83 = tpu.concatenate %broadcast_in_dim3A_82, %convert_element_type3A_80, %broadcast_in_dim3A_82 in 1 : vector<512x2xf32>, vector<512x512xf32>, vector<512x2xf32> -> vector<512x516xf32>
    %slice3A_84 = vector.extract_strided_slice %concatenate3A_83 {offsets = [0, 0], sizes = [512, 512], strides = [1, 1]} : vector<512x516xf32> to vector<512x512xf32>
    %slice3A_85 = vector.extract_strided_slice %concatenate3A_83 {offsets = [0, 1], sizes = [512, 512], strides = [1, 1]} : vector<512x516xf32> to vector<512x512xf32>
    %max3A_86 = arith.maximumf %slice3A_84, %slice3A_85 : vector<512x512xf32>
    %slice3A_87 = vector.extract_strided_slice %concatenate3A_83 {offsets = [0, 2], sizes = [512, 512], strides = [1, 1]} : vector<512x516xf32> to vector<512x512xf32>
    %max3A_88 = arith.maximumf %max3A_86, %slice3A_87 : vector<512x512xf32>
    %slice3A_89 = vector.extract_strided_slice %concatenate3A_83 {offsets = [0, 3], sizes = [512, 512], strides = [1, 1]} : vector<512x516xf32> to vector<512x512xf32>
    %max3A_90 = arith.maximumf %max3A_88, %slice3A_89 : vector<512x512xf32>
    %slice3A_91 = vector.extract_strided_slice %concatenate3A_83 {offsets = [0, 4], sizes = [512, 512], strides = [1, 1]} : vector<512x516xf32> to vector<512x512xf32>
    %max3A_92 = arith.maximumf %max3A_90, %slice3A_91 : vector<512x512xf32>
    %broadcast_in_dim3A_93 = arith.constant 0xFF800000 : f32
    %broadcast_in_dim3A_94 = vector.broadcast %broadcast_in_dim3A_93 : f32 to vector<2x512xf32>
    %concatenate3A_95 = tpu.concatenate %broadcast_in_dim3A_94, %max3A_92, %broadcast_in_dim3A_94 in 0 : vector<2x512xf32>, vector<512x512xf32>, vector<2x512xf32> -> vector<516x512xf32>
    %slice3A_96 = vector.extract_strided_slice %concatenate3A_95 {offsets = [0, 0], sizes = [512, 512], strides = [1, 1]} : vector<516x512xf32> to vector<512x512xf32>
    %slice3A_97 = vector.extract_strided_slice %concatenate3A_95 {offsets = [1, 0], sizes = [512, 512], strides = [1, 1]} : vector<516x512xf32> to vector<512x512xf32>
    %max3A_98 = arith.maximumf %slice3A_96, %slice3A_97 : vector<512x512xf32>
    %slice3A_99 = vector.extract_strided_slice %concatenate3A_95 {offsets = [2, 0], sizes = [512, 512], strides = [1, 1]} : vector<516x512xf32> to vector<512x512xf32>
    %max3A_100 = arith.maximumf %max3A_98, %slice3A_99 : vector<512x512xf32>
    %slice3A_101 = vector.extract_strided_slice %concatenate3A_95 {offsets = [3, 0], sizes = [512, 512], strides = [1, 1]} : vector<516x512xf32> to vector<512x512xf32>
    %max3A_102 = arith.maximumf %max3A_100, %slice3A_101 : vector<512x512xf32>
    %slice3A_103 = vector.extract_strided_slice %concatenate3A_95 {offsets = [4, 0], sizes = [512, 512], strides = [1, 1]} : vector<516x512xf32> to vector<512x512xf32>
    %max3A_104 = arith.maximumf %max3A_102, %slice3A_103 : vector<512x512xf32>
    %gt3A_105 = arith.constant 0.000000e+00 : f32
    %gt3A_106 = vector.broadcast %gt3A_105 : f32 to vector<512x512xf32>
    %gt3A_107 = arith.cmpf ogt, %max3A_104, %gt3A_106 : vector<512x512xf32>
    %select_n3A_108 = arith.select %gt3A_107, %broadcast_in_dim3A_4, %get3A_3 : vector<512x512xi1>, vector<512x512xf32>
    %broadcast_in_dim3A_109 = arith.constant 0xFF800000 : f32
    %broadcast_in_dim3A_110 = vector.broadcast %broadcast_in_dim3A_109 : f32 to vector<512x2xf32>
    %concatenate3A_111 = tpu.concatenate %broadcast_in_dim3A_110, %select_n3A_108, %broadcast_in_dim3A_110 in 1 : vector<512x2xf32>, vector<512x512xf32>, vector<512x2xf32> -> vector<512x516xf32>
    %slice3A_112 = vector.extract_strided_slice %concatenate3A_111 {offsets = [0, 0], sizes = [512, 512], strides = [1, 1]} : vector<512x516xf32> to vector<512x512xf32>
    %slice3A_113 = vector.extract_strided_slice %concatenate3A_111 {offsets = [0, 1], sizes = [512, 512], strides = [1, 1]} : vector<512x516xf32> to vector<512x512xf32>
    %max3A_114 = arith.maximumf %slice3A_112, %slice3A_113 : vector<512x512xf32>
    %slice3A_115 = vector.extract_strided_slice %concatenate3A_111 {offsets = [0, 2], sizes = [512, 512], strides = [1, 1]} : vector<512x516xf32> to vector<512x512xf32>
    %max3A_116 = arith.maximumf %max3A_114, %slice3A_115 : vector<512x512xf32>
    %slice3A_117 = vector.extract_strided_slice %concatenate3A_111 {offsets = [0, 3], sizes = [512, 512], strides = [1, 1]} : vector<512x516xf32> to vector<512x512xf32>
    %max3A_118 = arith.maximumf %max3A_116, %slice3A_117 : vector<512x512xf32>
    %slice3A_119 = vector.extract_strided_slice %concatenate3A_111 {offsets = [0, 4], sizes = [512, 512], strides = [1, 1]} : vector<512x516xf32> to vector<512x512xf32>
    %max3A_120 = arith.maximumf %max3A_118, %slice3A_119 : vector<512x512xf32>
    %broadcast_in_dim3A_121 = arith.constant 0xFF800000 : f32
    %broadcast_in_dim3A_122 = vector.broadcast %broadcast_in_dim3A_121 : f32 to vector<2x512xf32>
    %concatenate3A_123 = tpu.concatenate %broadcast_in_dim3A_122, %max3A_120, %broadcast_in_dim3A_122 in 0 : vector<2x512xf32>, vector<512x512xf32>, vector<2x512xf32> -> vector<516x512xf32>
    %slice3A_124 = vector.extract_strided_slice %concatenate3A_123 {offsets = [0, 0], sizes = [512, 512], strides = [1, 1]} : vector<516x512xf32> to vector<512x512xf32>
    %slice3A_125 = vector.extract_strided_slice %concatenate3A_123 {offsets = [1, 0], sizes = [512, 512], strides = [1, 1]} : vector<516x512xf32> to vector<512x512xf32>
    %max3A_126 = arith.maximumf %slice3A_124, %slice3A_125 : vector<512x512xf32>
    %slice3A_127 = vector.extract_strided_slice %concatenate3A_123 {offsets = [2, 0], sizes = [512, 512], strides = [1, 1]} : vector<516x512xf32> to vector<512x512xf32>
    %max3A_128 = arith.maximumf %max3A_126, %slice3A_127 : vector<512x512xf32>
    %slice3A_129 = vector.extract_strided_slice %concatenate3A_123 {offsets = [3, 0], sizes = [512, 512], strides = [1, 1]} : vector<516x512xf32> to vector<512x512xf32>
    %max3A_130 = arith.maximumf %max3A_128, %slice3A_129 : vector<512x512xf32>
    %slice3A_131 = vector.extract_strided_slice %concatenate3A_123 {offsets = [4, 0], sizes = [512, 512], strides = [1, 1]} : vector<516x512xf32> to vector<512x512xf32>
    %max3A_132 = arith.maximumf %max3A_130, %slice3A_131 : vector<512x512xf32>
    %eq3A_133 = arith.cmpf oeq, %select_n3A_108, %max3A_132 : vector<512x512xf32>
    %not3A_134 = arith.constant dense<true> : vector<512x512xi1>
    %not3A_135 = arith.xori %gt3A_107, %not3A_134 : vector<512x512xi1>
    %and3A_136 = arith.andi %eq3A_133, %not3A_135 : vector<512x512xi1>
    %or3A_137 = arith.ori %or3A, %and3A_136 : vector<512x512xi1>
    %select_n3A_138 = arith.select %or3A_137, %get3A_3, %broadcast_in_dim3A_4 : vector<512x512xi1>, vector<512x512xf32>
    %iota3A = tpu.iota {dimensions = array<i32: 0>} : vector<512x512xi32>
    %iota3A_139 = tpu.iota {dimensions = array<i32: 1>} : vector<512x512xi32>
    %ge3A = arith.constant 3 : i32
    %ge3A_140 = vector.broadcast %ge3A : i32 to vector<512x512xi32>
    %ge3A_141 = arith.cmpi sge, %iota3A, %ge3A_140 : vector<512x512xi32>
    %lt3A = arith.constant 510 : i32
    %lt3A_142 = vector.broadcast %lt3A : i32 to vector<512x512xi32>
    %lt3A_143 = arith.cmpi slt, %iota3A, %lt3A_142 : vector<512x512xi32>
    %and3A_144 = arith.andi %ge3A_141, %lt3A_143 : vector<512x512xi1>
    %ge3A_145 = arith.constant 3 : i32
    %ge3A_146 = vector.broadcast %ge3A_145 : i32 to vector<512x512xi32>
    %ge3A_147 = arith.cmpi sge, %iota3A_139, %ge3A_146 : vector<512x512xi32>
    %and3A_148 = arith.andi %and3A_144, %ge3A_147 : vector<512x512xi1>
    %lt3A_149 = arith.constant 510 : i32
    %lt3A_150 = vector.broadcast %lt3A_149 : i32 to vector<512x512xi32>
    %lt3A_151 = arith.cmpi slt, %iota3A_139, %lt3A_150 : vector<512x512xi32>
    %and3A_152 = arith.andi %and3A_148, %lt3A_151 : vector<512x512xi1>
    %select_n3A_153 = arith.select %and3A_152, %select_n3A_138, %broadcast_in_dim3A_4 : vector<512x512xi1>, vector<512x512xf32>
    %swap3A = arith.constant 0 : index
    %swap3A_154 = arith.constant 0 : index
    %swap3A_155 = arith.constant 0 : index
    %swap3A_156 = vector.load %arg2[%swap3A, %swap3A_154, %swap3A_155] : memref<1x512x512xf32, #tpu.memory_space<vmem>>, vector<1x512x512xf32>
    %swap3A_157 = vector.shape_cast %swap3A_156 : vector<1x512x512xf32> to vector<512x512xf32>
    %swap3A_158 = vector.shape_cast %select_n3A_153 : vector<512x512xf32> to vector<1x512x512xf32>
    tpu.vector_store %arg2[%swap3A, %swap3A_154, %swap3A_155], %swap3A_158 {strides = array<i32>} : memref<1x512x512xf32, #tpu.memory_space<vmem>>, vector<1x512x512xf32>,
    %broadcast_in_dim3A_159 = arith.constant 0.000000e+00 : f32
    %broadcast_in_dim3A_160 = vector.broadcast %broadcast_in_dim3A_159 : f32 to vector<512x3xf32>
    %broadcast_in_dim3A_161 = arith.constant 0.000000e+00 : f32
    %broadcast_in_dim3A_162 = vector.broadcast %broadcast_in_dim3A_161 : f32 to vector<512x125xf32>
    %concatenate3A_163 = tpu.concatenate %broadcast_in_dim3A_160, %get3A_3, %broadcast_in_dim3A_162 in 1 : vector<512x3xf32>, vector<512x512xf32>, vector<512x125xf32> -> vector<512x640xf32>
    %broadcast_in_dim3A_164 = arith.constant 0.000000e+00 : f32
    %broadcast_in_dim3A_165 = vector.broadcast %broadcast_in_dim3A_164 : f32 to vector<3x640xf32>
    %broadcast_in_dim3A_166 = arith.constant 0.000000e+00 : f32
    %broadcast_in_dim3A_167 = vector.broadcast %broadcast_in_dim3A_166 : f32 to vector<5x640xf32>
    %concatenate3A_168 = tpu.concatenate %broadcast_in_dim3A_165, %concatenate3A_163, %broadcast_in_dim3A_167 in 0 : vector<3x640xf32>, vector<512x640xf32>, vector<5x640xf32> -> vector<520x640xf32>
    %swap3A_169 = arith.constant 0 : index
    %swap3A_170 = arith.constant 0 : index
    %swap3A_171 = arith.constant 0 : index
    %swap3A_172 = vector.load %arg3[%swap3A_169, %swap3A_170, %swap3A_171] : memref<1x520x640xf32, #tpu.memory_space<vmem>>, vector<1x520x640xf32>
    %swap3A_173 = vector.shape_cast %swap3A_172 : vector<1x520x640xf32> to vector<520x640xf32>
    %swap3A_174 = vector.shape_cast %concatenate3A_168 : vector<520x640xf32> to vector<1x520x640xf32>
    tpu.vector_store %arg3[%swap3A_169, %swap3A_170, %swap3A_171], %swap3A_174 {strides = array<i32>} : memref<1x520x640xf32, #tpu.memory_space<vmem>>, vector<1x520x640xf32>,
    return
  }
  func.func @transform_0(%arg0: i32) -> (i32, i32, i32) {
    %c0_i32 = arith.constant 0 : i32
    %c0_i32_0 = arith.constant 0 : i32
    %c0_i32_1 = arith.constant 0 : i32
    return %arg0, %c0_i32, %c0_i32_0 : i32, i32, i32
  }
  func.func @transform_1(%arg0: i32) -> (i32, i32, i32) {
    %c0_i32 = arith.constant 0 : i32
    %c0_i32_0 = arith.constant 0 : i32
    %c0_i32_1 = arith.constant 0 : i32
    return %arg0, %c0_i32, %c0_i32_0 : i32, i32, i32
  }
  func.func @transform_2(%arg0: i32) -> (i32, i32, i32) {
    %c0_i32 = arith.constant 0 : i32
    %c0_i32_0 = arith.constant 0 : i32
    %c0_i32_1 = arith.constant 0 : i32
    return %arg0, %c0_i32, %c0_i32_0 : i32, i32, i32
  }
}

</mosaic_0001>

<sc_bundles>
// kernel: gather_offload_async_start
scs
__scs_entry_jumppad:
0x0: {  	(pc) =	sbr.rel $0x88, $3  }
0x1: {  	(tag) =	ssettag $0x0;
	lr =	simm.s32 $0x1  }
0x2: {  	[smem:$0x3FA0] =	sst lr;
	_ =	strace $0xD0000000  }
0x3: {  	_ = 	snop  }
0x4: {  	_ = 	snop  }
0x5: {  	_ = 	snop  }
0x6: {  	_ = 	snop  }
0x7: {  	_ = 	snop  }
__scs_overlays_trampoline_lowered:
0x8: {  	[smem:$0x3FAF] =	sst s0  }
0x9: {  	[smem:$0x3FB0] =	sst s1  }
0xa: {  	[smem:$0x3FB1] =	sst s2  }
0xb: {  	[smem:$0x3FB2] =	sst s3  }
0xc: {  	[smem:$0x3FB3] =	sst s4  }
0xd: {  	[smem:$0x3FB4] =	sst s5  }
0xe: {  	[smem:$0x3FB5] =	sst s6  }
0xf: {  	[smem:$0x3FB6] =	sst s7  }
0x10: {  	[smem:$0x3FB7] =	sst s8  }
0x11: {  	[smem:$0x3FB8] =	sst s9;
	s0 =	simm.s32 @!p0 $0x0  }
0x12: {  	s1 =	sld [smem:$0x3F9E];
	s0 =	simm.s32 @p0 $0x1  }
0x13: {  	[smem:$0x3FB9] =	sst s0;
	s0 =	simm.s32 @!p1 $0x0  }
0x14: {  	s2 =	sld [smem:$0x3F9D];
	s0 =	simm.s32 @p1 $0x1  }
0x15: {  	[smem:$0x3FBA] =	sst s0;
	s0 =	simm.s32 @!p2 $0x0  }
0x16: {  	s3 =	sld [smem:$0x3FDB];
	s0 =	simm.s32 @p2 $0x1  }
0x17: {  	s4 =	simm.s32 $0x1BF5;
	[smem:$0x3FBC] =	sst s0  }
0x18: {  	s0 =	sld [smem:$0x3F9F];
	_ =	swait.ge [sflag:s4], $0x0  }
0x19: {  	s7 =	sld [smem:$0x3FA0]  }
0x1a: {  	s8 =	sadd.s32 $0xFFFFE003, lr  }
0x1b: {  	s9 =	sadd.s32 $0xFFFFFEF7, lr;
	s5 =	simm.s32 $0xFFFFFFFF;
	p2 =	slt.u32 s8, $0xFFFFF086  }
0x1c: {  	p1 =	slt.u32 s9, $0xF7A;
	s5 =	simm.s32 @!p2 $0x0  }
0x1d: {  	s5 =	simm.s32 @p1 $0x1;
	p0 =	seq.s32 s7, s2  }
0x1e: {  	s7 =	smul.u32 @!p0 $0xF7A, s2;
	p2 =	seq.s32 @!p0 s5, $0x0  }
0x1f: {  	s9 =	smul.u32 $0xF7A, s1;
	s8 =	simm.s32 @!p0 $0x1BF5;
	p2 =	por !p2, p0  }
0x20: {  	[sflag:s8] =	ssyncset.s32 @!p0 $0xFFFFF086;
	s6 =	sadd.s32 @!p0 s3, s7;
	s7 =	simm.s32 @!p0 $0x108  }
0x21: {  	s3 =	sadd.s32 s3, s9;
	s6 =	sadd.s32 @!p0 $0x88, s6;
	s7 =	simm.s32 @p2 $0x1082  }
0x22: {  	[simem:s7], [sflag:s8] =	dma.local @!p0 [hbm:s6], $0xF7A  }
0x23: {  	s9 =	sor.u32 $0xD0000000, s2;
	s6 =	simm.s32 $0x108;
	_ =	swait.ge @!p0 [sflag:s8], $0x0  }
0x24: {  	s3 =	sadd.s32 $0x88, s3;
	s6 =	simm.s32 @!p1 $0x1082;
	[sflag:s4] =	ssyncset.s32 $0xFFFFF086  }
0x25: {  	[simem:s6], [sflag:s4] =	dma.local [hbm:s3], $0xF7A  }
0x26: {  	[smem:$0x3FA0] =	sst s1;
	(tag) =	ssettag s2;
	_ =	strace s9  }
0x27: {  	s1 =	sld [smem:$0x3FB0]  }
0x28: {  	s2 =	sld [smem:$0x3FB1]  }
0x29: {  	s4 =	sld [smem:$0x3FB3]  }
0x2a: {  	p0 =	seq.s32 s5, $0x0;
	s5 =	sld [smem:$0x3FB4]  }
0x2b: {  	s6 =	sld [smem:$0x3FB5]  }
0x2c: {  	s7 =	sld [smem:$0x3FB6]  }
0x2d: {  	s3 =	simm.s32 $0x108;
	s8 =	sld [smem:$0x3FB7]  }
0x2e: {  	s3 =	simm.s32 @!p0 $0x1082;
	s9 =	sld [smem:$0x3FB8]  }
0x2f: {  	lr =	sadd.s32 s0, s3;
	s0 =	sld [smem:$0x3FAF]  }
0x30: {  	s3 =	sld [smem:$0x3FB2]  }
0x31: {  	[smem:$0x3FBB] =	sst s10  }
0x32: {  	s10 =	sld [smem:$0x3FB9];
	_ =	sdelay $0x3  }
0x33: {  	p0 =	seq.s32 s10, $0x1;
	s10 =	sld [smem:$0x3FBB];
	_ =	sdelay $0x3  }
0x34: {  	[smem:$0x3FBB] =	sst s10  }
0x35: {  	s10 =	sld [smem:$0x3FBA];
	_ =	sdelay $0x3  }
0x36: {  	p1 =	seq.s32 s10, $0x1;
	s10 =	sld [smem:$0x3FBB];
	_ =	sdelay $0x3  }
0x37: {  	[smem:$0x3FBB] =	sst s10  }
0x38: {  	s10 =	sld [smem:$0x3FBC]  }
0x39: {  	_ = 	snop;
	(pc) =	sbr.ind lr, $3  }
0x3a: {  	_ = 	snop  }
0x3b: {  	_ = 	snop  }
0x3c: {  	p2 =	seq.s32 s10, $0x1;
	s10 =	sld [smem:$0x3FBB]  }
0x3d: {  	_ =	shalt  }
0x3e: {  	_ =	shalt  }
0x3f: {  	_ =	shalt  }
0x40: {  	_ =	shalt  }
0x41: {  	_ =	shalt  }
0x42: {  	_ =	shalt  }
0x43: {  	_ =	shalt  }
0x44: {  	_ =	shalt  }
0x45: {  	_ =	shalt  }
0x46: {  	_ =	shalt  }
0x47: {  	_ =	shalt  }
0x48: {  	_ =	shalt  }
0x49: {  	_ =	shalt  }
0x4a: {  	_ =	shalt  }
0x4b: {  	_ =	shalt  }
0x4c: {  	_ =	shalt  }
0x4d: {  	_ =	shalt  }
0x4e: {  	_ =	shalt  }
0x4f: {  	_ =	shalt  }
0x50: {  	_ =	shalt  }
0x51: {  	_ =	shalt  }
0x52: {  	_ =	shalt  }
0x53: {  	_ =	shalt  }
0x54: {  	_ =	shalt  }
0x55: {  	_ =	shalt  }
0x56: {  	_ =	shalt  }
0x57: {  	_ =	shalt  }
0x58: {  	_ =	shalt  }
0x59: {  	_ =	shalt  }
0x5a: {  	_ =	shalt  }
0x5b: {  	_ =	shalt  }
0x5c: {  	_ =	shalt  }
0x5d: {  	_ =	shalt  }
0x5e: {  	_ =	shalt  }
0x5f: {  	_ =	shalt  }
0x60: {  	_ =	shalt  }
0x61: {  	_ =	shalt  }
0x62: {  	_ =	shalt  }
0x63: {  	_ =	shalt  }
0x64: {  	_ =	shalt  }
0x65: {  	_ =	shalt  }
0x66: {  	_ =	shalt  }
0x67: {  	_ =	shalt  }
0x68: {  	_ =	shalt  }
0x69: {  	_ =	shalt  }
0x6a: {  	_ =	shalt  }
0x6b: {  	_ =	shalt  }
0x6c: {  	_ =	shalt  }
0x6d: {  	_ =	shalt  }
0x6e: {  	_ =	shalt  }
0x6f: {  	_ =	shalt  }
0x70: {  	_ =	shalt  }
0x71: {  	_ =	shalt  }
0x72: {  	_ =	shalt  }
0x73: {  	_ =	shalt  }
0x74: {  	_ =	shalt  }
0x75: {  	_ =	shalt  }
0x76: {  	_ =	shalt  }
0x77: {  	_ =	shalt  }
0x78: {  	_ =	shalt  }
0x79: {  	_ =	shalt  }
0x7a: {  	_ =	shalt  }
0x7b: {  	_ =	shalt  }
0x7c: {  	_ =	shalt  }
0x7d: {  	_ =	shalt  }
0x7e: {  	_ =	shalt  }
0x7f: {  	_ =	shalt  }
0x80: {  	_ =	shalt  }
0x81: {  	_ =	shalt  }
0x82: {  	_ =	shalt  }
0x83: {  	_ =	shalt  }
0x84: {  	_ =	shalt  }
0x85: {  	_ =	shalt  }
0x86: {  	_ =	shalt  }
0x87: {  	_ =	shalt  }
.Lfunc_end0:
.L_simem_size_0:
called_computation_lowered:
.L_overlay_start_0:
0x88: {  	s2 =	sld [smem:$0x3FD9]  }
0x89: {  	s3 =	sld [smem:$0x3FFE];
	_ =	sdelay $0x1  }
0x8a: {  	s1 =	srdreg.scid  }
0x8b: {  	s0 =	sand.u32 $0x1, s1  }
0x8c: {  	s15 =	sshll.u32 s0, $0xA;
	s2 =	sadd.s32 s3, s2  }
0x8d: {  	s2 =	sadd.s32 s2, s15  }
0x8e: {  	[smem:$0x3FC7] =	sst s2  }
0x8f: {  	_ = 	snop  }
0x90: {  	s2 =	sld [smem:$0x3FD0];
	_ =	sdelay $0x2  }
0x91: {  	s16 =	simm.s32 $0xA;
	s4 =	simm.s32 $0x10  }
0x92: {  	[smem:s4], [sflag:s16] =	dma.local [hbm:s2], $0x1  }
0x93: {  	_ =	swait.eq [sflag:s16], $0x1  }
0x94: {  	s17 =	sld [smem:$0x10];
	[sflag:s16] =	ssyncset.done $0x0  }
0x95: {  	s18 =	sld [smem:$0x11];
	[sflag:s16] =	ssyncadd.s32 $0xFFFFFFFF  }
0x96: {  	s19 =	sld [smem:$0x12];
	(tm) =	ssettm $0x1  }
0x97: {  	s5 =	sld [smem:$0x3FFB];
	_ =	sdelay $0x3  }
0x98: {  	_ =	strace s5  }
0x99: {  	s5 =	sld [smem:$0x3FFC];
	_ =	sdelay $0x3  }
0x9a: {  	_ =	strace s5  }
0x9b: {  	s5 =	sld [smem:$0x3FFD];
	_ =	sdelay $0x3  }
0x9c: {  	_ =	strace s5  }
0x9d: {  	_ =	strace $0x8FFFFFFF  }
0x9e: {  	s20 =	sld [smem:$0x3FDB];
	_ =	sdelay $0x1  }
0x9f: {  	s6 =	simm.s32 $_scs_section_size  }
0xa0: {  	s7 =	simm.s32 $_size__tile_overlayer_lowered;
	s8 =	simm.s32 $_tile_overlayer_lowered  }
0xa1: {  	s23 =	simm.s32 $0x1BFF;
	s22 =	sshll.u32 s8, $0x1;
	s5 =	sadd.s32 s6, s20  }
0xa2: {  	s9 =	simm.s32 $0x0;
	s21 =	sshll.u32 s7, $0x1;
	s7 =	sadd.s32 s22, s5  }
0xa3: {  	[timem:s9], [sflag:s23] =	dma.local [hbm:s7], s21  }
0xa4: {  	_ =	swait.ge [sflag:s23], s21  }
0xa5: {  	s6 =	ssub.s32 $0x0, s21;
	[sflag:s23] =	ssyncset.done $0x0  }
0xa6: {  	[sflag:s23] =	ssyncadd.s32 s6;
	_ =	sdelay $0x1  }
0xa7: {  	s24 =	simm.s32 $0x1B8B  }
0xa8: {  	_ =	swait.ge [sflag:s24], $0x1  }
0xa9: {  	[sflag:s24] =	ssyncset.done $0x0  }
0xaa: {  	s25 =	simm.s32 $0x1B8E;
	[sflag:s24] =	ssyncadd.s32 $0xFFFFFFFF  }
0xab: {  	s26 =	simm.s32 $execute0_lowered;
	[smem:$0x3FD2] =	sst s25  }
0xac: {  	s6 =	sshll.u32 s26, $0x1;
	_ =	strace $0x8000004F;
	[dreg:$0x1] =	wrdreg $0xFFFFFFFF  }
0xad: {  	s28 =	simm.s32 $_size_execute0_lowered;
	s5 =	sadd.s32 s5, s6;
	[dreg:$0x0] =	wrdreg $0x0  }
0xae: {  	s6 =	sshll.u32 s28, $0x1;
	[dreg:$0x2] =	wrdreg s5  }
0xaf: {  	[dreg:$0x3] =	wrdreg s6  }
0xb0: {  	[dreg:$0x4] =	wrdreg $0xC0  }
0xb1: {  	_ =	task [dreg:s9], $0x5FFFF  }
0xb2: {  	[dreg:$0x1] =	wrdreg $0xFFFFFFFF  }
0xb3: {  	[dreg:$0x0] =	wrdreg $0x60  }
0xb4: {  	[dreg:$0x2] =	wrdreg s17  }
0xb5: {  	[dreg:$0x3] =	wrdreg s19  }
0xb6: {  	[dreg:$0x4] =	wrdreg s18  }
0xb7: {  	[dreg:$0x5] =	wrdreg $0x9  }
0xb8: {  	_ =	task.clear_ibuf [dreg:s9], $0x6FFFF;
	_ =	strace $0x9000004F  }
0xb9: {  	s29 =	simm.s32 $0x9;
	_ =	strace $0x80000051  }
0xba: {  	_ =	swait.ge [sflag:s29], $0x1  }
0xbb: {  	[sflag:s29] =	ssyncadd.s32 $0xFFFFFFFF  }
0xbc: {  	_ =	strace $0x90000051  }
0xbd: {  	_ =	sfence  }
0xbe: {  	s30 =	sld [smem:$0x0];
	_ =	sdelay $0x2  }
0xbf: {  	s31 =	sshll.u32 s1, $0xD;
	s1 =	sshrl.u32 s1, $0x2  }
0xc0: {  	s3 =	sand.u32 $0x4000, s31;
	s1 =	sadd.s32 s1, s30  }
0xc1: {  	s0 =	sor.u32 s3, s0;
	s1 =	sshll.u32 s1, $0x11  }
0xc2: {  	s0 =	sor.u32 s1, s0  }
0xc3: {  	s0 =	sadd.s32 $0x8F2B, s0  }
0xc4: {  	[sflag:s0] =	ssyncadd.remote.s32 $0x1  }
0xc5: {  	_ =	sfence.sel $0xFFFF  }
0xc6: {  	[dreg:$0x0] =	wrdreg $0xFFFFFFFF;
	(pc) =	sbr.abs _section_cstart, $3  }
0xc7: {  	[dreg:$0x1] =	wrdreg $0xFFFFFFFF  }
0xc8: {  	_ =	task.clear_ibuf [dreg:s9], $0x2FFFF;
	_ =	strace $0x9FFFFFFF  }
0xc9: {  	(tm) =	ssettm $0x7FFFFFFF  }
tec
execute0_lowered:
.L_overlay_start_1:
0x0: {  	(tag) =	ssettag $0x1  }
0x1: {  	s2 =	rddreg [dreg:$0x0]  }
0x2: {  	s3 =	rddreg [dreg:$0x1]  }
0x3: {  	s4 =	rddreg [dreg:$0x2];
	s1 =	stileid.u32  }
0x4: {  	s5 =	srdreg.scid;
	s0 =	rddreg [dreg:$0x3]  }
0x5: {  	_ =	strace $0x80000050;
	s8 =	simm.s32 $0x1;
	s9 =	simm.s32 $0x1  }
0x6: {  	s10 =	simm.s32 $0x3;
	s6 =	sand.u32 $0x1, s5;
	s7 =	sshll.u32 s1, $0x1  }
0x7: {  	s13 =	simm.s32 $0x0;
	s5 =	simm.s32 $0x1;
	s6 =	sor.u32 s7, s6  }
.Ltmp0:
0x8: {  	[sflag:s5] =	ssyncpa.u1 $0x0;
	p0 =	slt.u32 s6, $0x13;
	(pc) =	sbr.rel .LBB2_1-.Ltmp0, $4  }
0x9: {  	s7 =	simm.s32 $0x2;
	s8 =	simm.s32 @!p0 $0x0;
	p0 =	sne.s32 s6, $0x12  }
0xa: {  	[sflag:s7] =	ssyncpa.u1 $0x0;
	s6 =	smul.u32 $0x190, s6;
	s9 =	simm.s32 @!p0 $0x0  }
0xb: {  	s12 =	simm.s32 $0x0;
	[sflag:s10] =	ssyncpa.u1 $0x0;
	s8 =	sadd.s32 s9, s8  }
0xc: {  	vm0 =	vmmov $0xffff;
	s10 =	simm.s32 $0x0;
	s11 =	smov.u32 s6;
	s9 =	sadd.s32 $0x1, s8  }
.LBB2_4:
0xd: {  	v5 =	vld.msk [tilespmem:s18+$0x0 ss:$0x1], $0xffff  }
0xe: {  	v6 =	vand.u32 $0x3, v1;
	v7 =	vshrl.u32 v1, $0x2  }
0xf: {  	v3 =	vor.u32 v4, v3;
	vm1 =	veq.s32 v1, $0x80000000;
	v53 =	vand.u32 $0x1FFF, v7  }
0x10: {  	v2 =	vor.u32 v2, v3;
	v54 =	vsel vm1, $0xFFFFFFFF, v6;
	v1 =	vsel vm1, $0xFFFFFFFF, v53  }
0x11: {  	v6 =	vshll.u32 v54, $0x7;
	v3 =	vand.u32 $0xFFFF8000, v54;
	v55 =	vand.u32 $0x7F, v1  }
0x12: {  	v1 =	vshll.u32 v1, $0x2;
	v6 =	vand.u32 $0x180, v6;
	v56 =	vshrl.u32 v5, $0x2  }
0x13: {  	v1 =	vand.u32 $0xFFFFFE00, v1;
	vm1 =	veq.s32 v5, $0x80000000;
	v57 =	vand.u32 $0x1FFF, v56  }
0x14: {  	v1 =	vadd.s32 v3, v1;
	v5 =	vand.u32 $0x3, v5;
	v3 =	vsel vm1, $0xFFFFFFFF, v57  }
0x15: {  	v1 =	vor.u32 v6, v1;
	v5 =	vsel vm1, $0xFFFFFFFF, v5;
	v58 =	vshll.u32 v3, $0x2  }
0x16: {  	v59 =	vshll.u32 v5, $0x7;
	v5 =	vand.u32 $0xFFFF8000, v5;
	v6 =	vand.u32 $0xFFFFFE00, v58  }
0x17: {  	v1 =	vor.u32 v55, v1;
	v61 =	vand.u32 $0x180, v59;
	v60 =	vadd.s32 v5, v6  }
0x18: {  	[tilespmem:s16], [sflag:$0x1] =	stream.indirect_vreg.gather [hbm4b:s2+s10], $0x1, v0, vm0, $0x4038;
	v62 =	vand.u32 $0x7F, v3;
	v63 =	vor.u32 v61, v60;
	[tilespmem:$0x640] =	vst v63  }
0x19: {  	(ifvalue) =	ssetifvalue $0x7FFFFFFF;
	v0 =	vor.u32 v62, v63  }
0x1a: {  	[tilespmem:s15], [sflag:$0x1] =	stream.indirect_vreg.gather [hbm4b:s2+s10], $0x1, v2, vm0, $0x4038;
	[tilespmem:$0x640] =	vst v63  }
0x1b: {  	s29 =	sadd.s32 $0x10, s15;
	(ifvalue) =	ssetifvalue $0x7FFFFFFF  }
0x1c: {  	[tilespmem:s29], [sflag:$0x1] =	stream.indirect_vreg.gather [hbm4b:s2+s10], $0x1, v1, vm0, $0x4038;
	[tilespmem:$0x640] =	vst v63  }
0x1d: {  	s15 =	sadd.s32 $0x10, s29;
	(ifvalue) =	ssetifvalue $0x7FFFFFFF  }
0x1e: {  	[tilespmem:s15], [sflag:$0x1] =	stream.indirect_vreg.gather [hbm4b:s2+s10], $0x1, v0, vm0, $0x4038;
	[tilespmem:$0x640] =	vst v63  }
0x1f: {  	_ =	swait.ge [sflag:s5], $0x190  }
0x20: {  	s30 =	sshrl.u32 s13, $0x3;
	[sflag:s5] =	ssyncset.done $0x0  }
0x21: {  	s31 =	sand.u32 $0x7, s13;
	s15 =	sadd.s32 s4, s30;
	[sflag:s5] =	ssyncadd.s32 $0xFFFFFE70  }
0x22: {  	[hbm4b:s15+s31] =	stream.linear.scatter [tilespmem:s14], [sflag:$0x3], $0x190, $0x38;
	[tilespmem:$0x640] =	vst v63  }
.LBB2_5:
0x23: {  	s15 =	sadd.s32 $0x3200, s11  }
0x24: {  	p1 =	sgt.s32 s15, $0x4E1F  }
0x25: {  	s15 =	smov.u32 @p1 s6;
	p1 =	sne.s32 s12, s9  }
.Ltmp1:
0x26: {  	p0 =	slt.u32 s12, $0x2;
	(pc) =	sbr.rel @!p1 .LBB2_6-.Ltmp1, $4  }
0x27: {  	s14 =	simm.s32 @!p0 $0x3  }
0x28: {  	_ =	swait.ge @!p0 [sflag:s14], $0x190  }
0x29: {  	s16 =	sadd.s32 $0x1, s12;
	s13 =	smov.u32 s11;
	[sflag:s14] =	ssyncset.done @!p0 $0x0  }
0x2a: {  	s12 =	smov.u32 s16;
	s11 =	smov.u32 s15;
	[sflag:s14] =	ssyncadd.s32 @!p0 $0xFFFFFE70  }
.LBB2_1:
0x2b: {  	p0 =	sge.u32 s12, s8  }
0x2c: {  	s14 =	sxor.u32 @!p0 $0x1, s12  }
0x2d: {  	s14 =	smul.u32 @!p0 $0x640, s14  }
0x2e: {  	s31 =	sadd.s32 $0xFFFFFFFF, s12;
	s15 =	sshrl.u32 @!p0 s11, $0x3  }
0x2f: {  	s16 =	sand.u32 @!p0 $0x7, s11;
	s15 =	sadd.s32 @!p0 s3, s15;
	s14 =	sshra.s32 @!p0 s14, $0x2  }
0x30: {  	[tilespmem:s14], [sflag:$0x2] =	stream.linear.gather @!p0 [hbm4b:s15+s16], $0x190, $0x38;
	[tilespmem:$0x640] =	vst v63  }
0x31: {  	p0 =	sge.u32 s31, s8  }
.Ltmp2:
0x32: {  	_ = 	snop;
	(pc) =	sbr.rel @p0 .LBB2_5-.Ltmp2, $1  }
0x33: {  	_ =	sdelay $0x3  }
0x34: {  	s14 =	sand.u32 $0x1, s12  }
0x35: {  	_ =	swait.ge [sflag:s7], $0x190;
	p0 =	seq.s32 s14, $0x1;
	s14 =	simm.s32 $0x190  }
0x36: {  	[sflag:s7] =	ssyncset.done $0x0;
	s14 =	simm.s32 @!p0 $0x0  }
0x37: {  	[sflag:s7] =	ssyncadd.s32 $0xFFFFFE70;
	(ifvalue) =	ssetifvalue $0x7FFFFFFF;
	v0 =	vld.msk [tilespmem:s14+$0x0 ss:$0x1], $0xffff;
	_ =	sdelay $0x4  }
0x38: {  	s15 =	sadd.s32 $0x10, s14;
	v2 =	vshrl.u32 v0, $0x2  }
0x39: {  	v1 =	vld.msk [tilespmem:s15+$0x0 ss:$0x1], $0xffff;
	vm1 =	veq.s32 v0, $0x80000000;
	v2 =	vand.u32 $0x1FFF, v2  }
0x3a: {  	v0 =	vand.u32 $0x3, v0;
	v2 =	vsel vm1, $0xFFFFFFFF, v2  }
0x3b: {  	v0 =	vsel vm1, $0xFFFFFFFF, v0;
	v3 =	vshll.u32 v2, $0x2  }
0x3c: {  	v4 =	vand.u32 $0xFFFF8000, v0;
	v0 =	vshll.u32 v0, $0x7;
	v3 =	vand.u32 $0xFFFFFE00, v3  }
0x3d: {  	v0 =	vand.u32 $0x180, v0;
	v3 =	vadd.s32 v4, v3  }
0x3e: {  	v2 =	vand.u32 $0x7F, v2;
	v4 =	vshrl.u32 v1, $0x2;
	v0 =	vor.u32 v0, v3  }
0x3f: {  	vm1 =	veq.s32 v1, $0x80000000;
	v4 =	vand.u32 $0x1FFF, v4;
	v0 =	vor.u32 v2, v0  }
0x40: {  	s15 =	sadd.s32 $0x10, s15;
	v1 =	vand.u32 $0x3, v1;
	v3 =	vsel vm1, $0xFFFFFFFF, v4  }
0x41: {  	s14 =	sadd.s32 $0x320, s14;
	v2 =	vsel vm1, $0xFFFFFFFF, v1;
	v1 =	vld.msk [tilespmem:s15+$0x0 ss:$0x1], $0xffff;
	v4 =	vshll.u32 v3, $0x2  }
0x42: {  	s17 =	simm.s32 $0x30;
	s16 =	smov.u32 s14;
	v5 =	vshll.u32 v2, $0x7;
	v6 =	vand.u32 $0xFFFF8000, v2;
	v4 =	vand.u32 $0xFFFFFE00, v4  }
0x43: {  	s18 =	sadd.s32 $0x10, s15;
	(ifvalue) =	ssetifvalue $0x7FFFFFFF;
	s15 =	sadd.s32 $0x10, s14;
	v2 =	vand.u32 $0x7F, v3;
	v3 =	vadd.s32 v6, v4;
	v4 =	vand.u32 $0x180, v5  }
.LBB2_3:
0x44: {  	[tilespmem:s16], [sflag:$0x1] =	stream.indirect_vreg.gather [hbm4b:s2+s10], $0x1, v0, vm0, $0x4038;
	[tilespmem:$0x640] =	vst v63  }
0x45: {  	s17 =	sadd.s32 $0x10, s17  }
0x46: {  	v5 =	vand.u32 $0x3, v1;
	v6 =	vshrl.u32 v1, $0x2;
	v3 =	vor.u32 v4, v3;
	v0 =	vmovc v1;
	v1 =	vld.msk [tilespmem:s18+$0x0 ss:$0x1], $0xffff;
	p0 =	slt.u32 s17, $0x180  }
.Ltmp3:
0x47: {  	s16 =	smov.u32 s15;
	vm1 =	veq.s32 v0, $0x80000000;
	v4 =	vand.u32 $0x1FFF, v6;
	v0 =	vor.u32 v2, v3;
	(pc) =	sbr.rel @p0 .LBB2_3-.Ltmp3, $4  }
0x48: {  	v3 =	vsel vm1, $0xFFFFFFFF, v5;
	v4 =	vsel vm1, $0xFFFFFFFF, v4  }
0x49: {  	v2 =	vand.u32 $0x7F, v4;
	v4 =	vshll.u32 v4, $0x2;
	v5 =	vshll.u32 v3, $0x7  }
0x4a: {  	v3 =	vand.u32 $0xFFFF8000, v3;
	v4 =	vand.u32 $0xFFFFFE00, v4  }
0x4b: {  	s18 =	sadd.s32 $0x10, s18;
	s15 =	sadd.s32 $0x10, s15;
	v3 =	vadd.s32 v3, v4;
	v4 =	vand.u32 $0x180, v5;
	(ifvalue) =	ssetifvalue $0x7FFFFFFF  }
.Ltmp4:
0x4c: {  	_ = 	snop;
	(pc) =	sbr.rel .LBB2_4-.Ltmp4, $1  }
0x4d: {  	_ =	sdelay $0x3  }
.LBB2_6:
0x4e: {  	_ =	sfence.sel $0x180000  }
0x4f: {  	s2 =	simm.s32 $0x2;
	[bflag:$0x0] =	sbarrier.arrive $0xFFFF  }
0x50: {  	s30 =	simm.s32 $0x3;
	[sflag:s2] =	ssyncpa.u1 $0x1  }
0x51: {  	s31 =	simm.s32 $0x1;
	[sflag:s30] =	ssyncpa.u1 $0x1  }
0x52: {  	[sflag:s31] =	ssyncpa.u1 $0x1  }
0x53: {  	p0 =	sne.s32 s1, $0x0;
	_ =	strace $0x90000050  }
0x54: {  	s0 =	sadd.s32 @!p0 $0x100000, s0;
	[bflag:$0x2] =	sbarrier.arrive $0xFFFF  }
0x55: {  	[sflag:s0] =	ssyncadd.tile.s32 @!p0 $0x1;
	_ =	shalt  }
.Lfunc_end2:
_tile_overlayer_lowered:
.L_overlay_start_2:
0x56: {  	(tag) =	ssettag $0x2  }
0x57: {  	s0 =	rddreg [dreg:$0x0];
	s2 =	stileid.u32  }
0x58: {  	s1 =	rddreg [dreg:$0x1];
	p0 =	sne.s32 s2, $0x0  }
0x59: {  	s3 =	rddreg [dreg:$0x2];
	[bflag:$0x3] =	sbarrier.arrive $0xFFFF;
	s2 =	simm.s32 @!p0 $0x1C01  }
0x5a: {  	[timem:s3], [sflag:s2] =	dma.local @!p0 [hbm:s0], s1  }
0x5b: {  	s0 =	simm.s32 @!p0 $0x1  }
0x5c: {  	_ =	swait.ge @!p0 [sflag:s0], s1  }
0x5d: {  	s1 =	ssub.s32 @!p0 $0x0, s1;
	[sflag:s0] =	ssyncset.done @!p0 $0x0  }
0x5e: {  	[sflag:s0] =	ssyncadd.s32 @!p0 s1  }
0x5f: {  	[bflag:$0x3] =	sbarrier.arrive $0xFFFF  }
0x60: {  	_ =	shalt  }

// kernel: kernel.12.cloned.1.call-start
scs
__scs_entry_jumppad:
0x0: {  	(pc) =	sbr.rel $0x88, $3  }
0x1: {  	(tag) =	ssettag $0x0;
	lr =	simm.s32 $0x1  }
0x2: {  	[smem:$0x3FA0] =	sst lr;
	_ =	strace $0xD0000000  }
0x3: {  	_ = 	snop  }
0x4: {  	_ = 	snop  }
0x5: {  	_ = 	snop  }
0x6: {  	_ = 	snop  }
0x7: {  	_ = 	snop  }
__scs_overlays_trampoline_lowered:
0x8: {  	[smem:$0x3FAF] =	sst s0  }
0x9: {  	[smem:$0x3FB0] =	sst s1  }
0xa: {  	[smem:$0x3FB1] =	sst s2  }
0xb: {  	[smem:$0x3FB2] =	sst s3  }
0xc: {  	[smem:$0x3FB3] =	sst s4  }
0xd: {  	[smem:$0x3FB4] =	sst s5  }
0xe: {  	[smem:$0x3FB5] =	sst s6  }
0xf: {  	[smem:$0x3FB6] =	sst s7  }
0x10: {  	[smem:$0x3FB7] =	sst s8  }
0x11: {  	[smem:$0x3FB8] =	sst s9;
	s0 =	simm.s32 @!p0 $0x0  }
0x12: {  	s1 =	sld [smem:$0x3F9E];
	s0 =	simm.s32 @p0 $0x1  }
0x13: {  	[smem:$0x3FB9] =	sst s0;
	s0 =	simm.s32 @!p1 $0x0  }
0x14: {  	s2 =	sld [smem:$0x3F9D];
	s0 =	simm.s32 @p1 $0x1  }
0x15: {  	[smem:$0x3FBA] =	sst s0;
	s0 =	simm.s32 @!p2 $0x0  }
0x16: {  	s3 =	sld [smem:$0x3FDB];
	s0 =	simm.s32 @p2 $0x1  }
0x17: {  	s4 =	simm.s32 $0x1BF5;
	[smem:$0x3FBC] =	sst s0  }
0x18: {  	s0 =	sld [smem:$0x3F9F];
	_ =	swait.ge [sflag:s4], $0x0  }
0x19: {  	s7 =	sld [smem:$0x3FA0]  }
0x1a: {  	s8 =	sadd.s32 $0xFFFFE003, lr  }
0x1b: {  	s9 =	sadd.s32 $0xFFFFFEF7, lr;
	s5 =	simm.s32 $0xFFFFFFFF;
	p2 =	slt.u32 s8, $0xFFFFF086  }
0x1c: {  	p1 =	slt.u32 s9, $0xF7A;
	s5 =	simm.s32 @!p2 $0x0  }
0x1d: {  	s5 =	simm.s32 @p1 $0x1;
	p0 =	seq.s32 s7, s2  }
0x1e: {  	s7 =	smul.u32 @!p0 $0xF7A, s2;
	p2 =	seq.s32 @!p0 s5, $0x0  }
0x1f: {  	s9 =	smul.u32 $0xF7A, s1;
	s8 =	simm.s32 @!p0 $0x1BF5;
	p2 =	por !p2, p0  }
0x20: {  	[sflag:s8] =	ssyncset.s32 @!p0 $0xFFFFF086;
	s6 =	sadd.s32 @!p0 s3, s7;
	s7 =	simm.s32 @!p0 $0x108  }
0x21: {  	s3 =	sadd.s32 s3, s9;
	s6 =	sadd.s32 @!p0 $0x88, s6;
	s7 =	simm.s32 @p2 $0x1082  }
0x22: {  	[simem:s7], [sflag:s8] =	dma.local @!p0 [hbm:s6], $0xF7A  }
0x23: {  	s9 =	sor.u32 $0xD0000000, s2;
	s6 =	simm.s32 $0x108;
	_ =	swait.ge @!p0 [sflag:s8], $0x0  }
0x24: {  	s3 =	sadd.s32 $0x88, s3;
	s6 =	simm.s32 @!p1 $0x1082;
	[sflag:s4] =	ssyncset.s32 $0xFFFFF086  }
0x25: {  	[simem:s6], [sflag:s4] =	dma.local [hbm:s3], $0xF7A  }
0x26: {  	[smem:$0x3FA0] =	sst s1;
	(tag) =	ssettag s2;
	_ =	strace s9  }
0x27: {  	s1 =	sld [smem:$0x3FB0]  }
0x28: {  	s2 =	sld [smem:$0x3FB1]  }
0x29: {  	s4 =	sld [smem:$0x3FB3]  }
0x2a: {  	p0 =	seq.s32 s5, $0x0;
	s5 =	sld [smem:$0x3FB4]  }
0x2b: {  	s6 =	sld [smem:$0x3FB5]  }
0x2c: {  	s7 =	sld [smem:$0x3FB6]  }
0x2d: {  	s3 =	simm.s32 $0x108;
	s8 =	sld [smem:$0x3FB7]  }
0x2e: {  	s3 =	simm.s32 @!p0 $0x1082;
	s9 =	sld [smem:$0x3FB8]  }
0x2f: {  	lr =	sadd.s32 s0, s3;
	s0 =	sld [smem:$0x3FAF]  }
0x30: {  	s3 =	sld [smem:$0x3FB2]  }
0x31: {  	[smem:$0x3FBB] =	sst s10  }
0x32: {  	s10 =	sld [smem:$0x3FB9];
	_ =	sdelay $0x3  }
0x33: {  	p0 =	seq.s32 s10, $0x1;
	s10 =	sld [smem:$0x3FBB];
	_ =	sdelay $0x3  }
0x34: {  	[smem:$0x3FBB] =	sst s10  }
0x35: {  	s10 =	sld [smem:$0x3FBA];
	_ =	sdelay $0x3  }
0x36: {  	p1 =	seq.s32 s10, $0x1;
	s10 =	sld [smem:$0x3FBB];
	_ =	sdelay $0x3  }
0x37: {  	[smem:$0x3FBB] =	sst s10  }
0x38: {  	s10 =	sld [smem:$0x3FBC]  }
0x39: {  	_ = 	snop;
	(pc) =	sbr.ind lr, $3  }
0x3a: {  	_ = 	snop  }
0x3b: {  	_ = 	snop  }
0x3c: {  	p2 =	seq.s32 s10, $0x1;
	s10 =	sld [smem:$0x3FBB]  }
0x3d: {  	_ =	shalt  }
0x3e: {  	_ =	shalt  }
0x3f: {  	_ =	shalt  }
0x40: {  	_ =	shalt  }
0x41: {  	_ =	shalt  }
0x42: {  	_ =	shalt  }
0x43: {  	_ =	shalt  }
0x44: {  	_ =	shalt  }
0x45: {  	_ =	shalt  }
0x46: {  	_ =	shalt  }
0x47: {  	_ =	shalt  }
0x48: {  	_ =	shalt  }
0x49: {  	_ =	shalt  }
0x4a: {  	_ =	shalt  }
0x4b: {  	_ =	shalt  }
0x4c: {  	_ =	shalt  }
0x4d: {  	_ =	shalt  }
0x4e: {  	_ =	shalt  }
0x4f: {  	_ =	shalt  }
0x50: {  	_ =	shalt  }
0x51: {  	_ =	shalt  }
0x52: {  	_ =	shalt  }
0x53: {  	_ =	shalt  }
0x54: {  	_ =	shalt  }
0x55: {  	_ =	shalt  }
0x56: {  	_ =	shalt  }
0x57: {  	_ =	shalt  }
0x58: {  	_ =	shalt  }
0x59: {  	_ =	shalt  }
0x5a: {  	_ =	shalt  }
0x5b: {  	_ =	shalt  }
0x5c: {  	_ =	shalt  }
0x5d: {  	_ =	shalt  }
0x5e: {  	_ =	shalt  }
0x5f: {  	_ =	shalt  }
0x60: {  	_ =	shalt  }
0x61: {  	_ =	shalt  }
0x62: {  	_ =	shalt  }
0x63: {  	_ =	shalt  }
0x64: {  	_ =	shalt  }
0x65: {  	_ =	shalt  }
0x66: {  	_ =	shalt  }
0x67: {  	_ =	shalt  }
0x68: {  	_ =	shalt  }
0x69: {  	_ =	shalt  }
0x6a: {  	_ =	shalt  }
0x6b: {  	_ =	shalt  }
0x6c: {  	_ =	shalt  }
0x6d: {  	_ =	shalt  }
0x6e: {  	_ =	shalt  }
0x6f: {  	_ =	shalt  }
0x70: {  	_ =	shalt  }
0x71: {  	_ =	shalt  }
0x72: {  	_ =	shalt  }
0x73: {  	_ =	shalt  }
0x74: {  	_ =	shalt  }
0x75: {  	_ =	shalt  }
0x76: {  	_ =	shalt  }
0x77: {  	_ =	shalt  }
0x78: {  	_ =	shalt  }
0x79: {  	_ =	shalt  }
0x7a: {  	_ =	shalt  }
0x7b: {  	_ =	shalt  }
0x7c: {  	_ =	shalt  }
0x7d: {  	_ =	shalt  }
0x7e: {  	_ =	shalt  }
0x7f: {  	_ =	shalt  }
0x80: {  	_ =	shalt  }
0x81: {  	_ =	shalt  }
0x82: {  	_ =	shalt  }
0x83: {  	_ =	shalt  }
0x84: {  	_ =	shalt  }
0x85: {  	_ =	shalt  }
0x86: {  	_ =	shalt  }
0x87: {  	_ =	shalt  }
.Lfunc_end0:
.L_simem_size_0:
called_computation.3_lowered:
.L_overlay_start_0:
0x88: {  	s2 =	sld [smem:$0x3FD9]  }
0x89: {  	s3 =	sld [smem:$0x3FFE];
	_ =	sdelay $0x1  }
0x8a: {  	s1 =	srdreg.scid  }
0x8b: {  	s0 =	sand.u32 $0x1, s1  }
0x8c: {  	s14 =	sshll.u32 s0, $0xA;
	s2 =	sadd.s32 s3, s2  }
0x8d: {  	s2 =	sadd.s32 s2, s14  }
0x8e: {  	[smem:$0x3FC7] =	sst s2  }
0x8f: {  	_ = 	snop  }
0x90: {  	s2 =	sld [smem:$0x3FD0];
	_ =	sdelay $0x2  }
0x91: {  	s15 =	simm.s32 $0xA;
	s4 =	simm.s32 $0x10  }
0x92: {  	[smem:s4], [sflag:s15] =	dma.local [hbm:s2], $0x1  }
0x93: {  	_ =	swait.eq [sflag:s15], $0x1  }
0x94: {  	s16 =	sld [smem:$0x10];
	[sflag:s15] =	ssyncset.done $0x0  }
0x95: {  	s17 =	sld [smem:$0x11];
	[sflag:s15] =	ssyncadd.s32 $0xFFFFFFFF  }
0x96: {  	s18 =	sld [smem:$0x12];
	(tm) =	ssettm $0x1  }
0x97: {  	s5 =	sld [smem:$0x3FFB];
	_ =	sdelay $0x3  }
0x98: {  	_ =	strace s5  }
0x99: {  	s5 =	sld [smem:$0x3FFC];
	_ =	sdelay $0x3  }
0x9a: {  	_ =	strace s5  }
0x9b: {  	s5 =	sld [smem:$0x3FFD];
	_ =	sdelay $0x3  }
0x9c: {  	_ =	strace s5  }
0x9d: {  	_ =	strace $0x8FFFFFFF  }
0x9e: {  	s19 =	sld [smem:$0x3FDB];
	_ =	sdelay $0x1  }
0x9f: {  	s6 =	simm.s32 $_scs_section_size  }
0xa0: {  	s7 =	simm.s32 $_size__tile_overlayer_lowered;
	s8 =	simm.s32 $_tile_overlayer_lowered  }
0xa1: {  	s22 =	simm.s32 $0x1BFF;
	s21 =	sshll.u32 s8, $0x1;
	s5 =	sadd.s32 s6, s19  }
0xa2: {  	s9 =	simm.s32 $0x0;
	s20 =	sshll.u32 s7, $0x1;
	s7 =	sadd.s32 s21, s5  }
0xa3: {  	[timem:s9], [sflag:s22] =	dma.local [hbm:s7], s20  }
0xa4: {  	_ =	swait.ge [sflag:s22], s20  }
0xa5: {  	s6 =	ssub.s32 $0x0, s20;
	[sflag:s22] =	ssyncset.done $0x0  }
0xa6: {  	[sflag:s22] =	ssyncadd.s32 s6;
	_ =	sdelay $0x1  }
0xa7: {  	s23 =	simm.s32 $0x1B8B  }
0xa8: {  	_ =	swait.ge [sflag:s23], $0x1  }
0xa9: {  	[sflag:s23] =	ssyncset.done $0x0  }
0xaa: {  	s25 =	simm.s32 $0x1B8E;
	s24 =	sld [smem:$0x3FFE];
	[sflag:s23] =	ssyncadd.s32 $0xFFFFFFFF  }
0xab: {  	s26 =	simm.s32 $execute0_lowered;
	[smem:$0x3FD2] =	sst s25  }
0xac: {  	s7 =	sshll.u32 s26, $0x1;
	_ =	strace $0x8000004C;
	[dreg:$0x1] =	wrdreg $0xFFFFFFFF  }
0xad: {  	s28 =	simm.s32 $_size_execute0_lowered;
	s5 =	sadd.s32 s5, s7;
	[dreg:$0x0] =	wrdreg $0x0  }
0xae: {  	s7 =	sshll.u32 s28, $0x1;
	[dreg:$0x2] =	wrdreg s5  }
0xaf: {  	[dreg:$0x3] =	wrdreg s7  }
0xb0: {  	[dreg:$0x4] =	wrdreg $0xC0  }
0xb1: {  	_ =	task [dreg:s9], $0x5FFFF  }
0xb2: {  	[dreg:$0x1] =	wrdreg $0xFFFFFFFF  }
0xb3: {  	[dreg:$0x0] =	wrdreg $0x60  }
0xb4: {  	[dreg:$0x2] =	wrdreg s24  }
0xb5: {  	[dreg:$0x3] =	wrdreg s18  }
0xb6: {  	[dreg:$0x4] =	wrdreg s17  }
0xb7: {  	[dreg:$0x5] =	wrdreg s16  }
0xb8: {  	[dreg:$0x6] =	wrdreg $0x9  }
0xb9: {  	_ =	task.clear_ibuf [dreg:s9], $0x7FFFF;
	_ =	strace $0x9000004C  }
0xba: {  	s29 =	simm.s32 $0x9;
	_ =	strace $0x8000004E  }
0xbb: {  	_ =	swait.ge [sflag:s29], $0x1  }
0xbc: {  	[sflag:s29] =	ssyncadd.s32 $0xFFFFFFFF  }
0xbd: {  	_ =	strace $0x9000004E  }
0xbe: {  	_ =	sfence  }
0xbf: {  	s30 =	sld [smem:$0x0];
	_ =	sdelay $0x2  }
0xc0: {  	s31 =	sshll.u32 s1, $0xD;
	s1 =	sshrl.u32 s1, $0x2  }
0xc1: {  	s3 =	sand.u32 $0x4000, s31;
	s1 =	sadd.s32 s1, s30  }
0xc2: {  	s0 =	sor.u32 s3, s0;
	s1 =	sshll.u32 s1, $0x11  }
0xc3: {  	s0 =	sor.u32 s1, s0  }
0xc4: {  	s0 =	sadd.s32 $0x8F2B, s0  }
0xc5: {  	[sflag:s0] =	ssyncadd.remote.s32 $0x1  }
0xc6: {  	_ =	sfence.sel $0xFFFF  }
0xc7: {  	[dreg:$0x0] =	wrdreg $0xFFFFFFFF;
	(pc) =	sbr.abs _section_cstart, $3  }
0xc8: {  	[dreg:$0x1] =	wrdreg $0xFFFFFFFF  }
0xc9: {  	_ =	task.clear_ibuf [dreg:s9], $0x2FFFF;
	_ =	strace $0x9FFFFFFF  }
0xca: {  	(tm) =	ssettm $0x7FFFFFFF  }
0xcb: {  	_ =	shalt  }
tec
execute0_lowered:
.L_overlay_start_1:
0x0: {  	(tag) =	ssettag $0x1  }
0x1: {  	s5 =	simm.s32 $0x0  }
0x2: {  	[smem:$0x7FF] =	sst s5  }
0x3: {  	s4 =	rddreg [dreg:$0x0];
	v0 =	vimm.f32 $1.000000010e-01;
	_ =	strace $0x8000004D  }
0x4: {  	s0 =	srdreg.scid;
	(erf) = vrcp.f32 v0;
	v0 =	vimm.f32 $2.000000000e+00  }
0x5: {  	s3 =	stileid.u32;
	s11 =	simm.s32 $0x2;
	s12 =	simm.s32 $0x80;
	(erf) = vrcp.f32 v0;
	v0 =	vimm.f32 $5.110000000e+02  }
0x6: {  	s13 =	simm.s32 $0x680;
	s21 =	simm.s32 $0x2680;
	s22 =	simm.s32 $0x300;
	(erf) = vrcp.f32 v0  }
0x7: {  	s23 =	simm.s32 $0x2E80;
	s24 =	simm.s32 $0x380;
	s25 =	simm.s32 $0x3680  }
0x8: {  	s28 =	simm.s32 $0x3E80;
	s29 =	simm.s32 $0x480;
	s30 =	simm.s32 $0x4680  }
0x9: {  	s31 =	simm.s32 $0x500;
	s6 =	simm.s32 $0x580;
	s10 =	simm.s32 $0x5680  }
0xa: {  	s14 =	simm.s32 $0x6700;
	s15 =	simm.s32 $0x6780;
	s16 =	simm.s32 $0x6800  }
0xb: {  	s18 =	simm.s32 $0x0;
	s0 =	sand.u32 $0x1, s0;
	s7 =	sadd.s32 $0x26200, s4  }
0xc: {  	s3 =	sshll.u32 s3, $0x1;
	s8 =	sadd.s32 $0xA00, s4;
	s1 =	ssub.s32 $0x2, s0  }
0xd: {  	s4 =	simm.s32 $0x6680;
	s0 =	sor.u32 s0, s3;
	s2 =	sshrl.u32 s1, $0x1;
	v0 =	vpop (erf)  }
0xe: {  	s3 =	simm.s32 $0x1;
	s9 =	smul.u32 $0x280, s0;
	s1 =	ssub.s32 s1, s2;
	v24 =	vpop (erf)  }
0xf: {  	v2 =	vlaneseq.u32;
	s0 =	simm.s32 $0x4E80;
	s2 =	simm.s32 $0x600;
	s26 =	smax.u32 s1, $0x1;
	v15 =	vpop (erf)  }
0x10: {  	v4 =	vor.u32 $0xFFFFFFF8, v2;
	s1 =	simm.s32 $0x5E80;
	[dreg:$0x5] =	wrdreg s26;
	s26 =	simm.s32 $0x400;
	[tilespmem:$0x1FFF0] =	vst v15  }
.LBB2_1:
0x11: {  	[dreg:$0x6] =	wrdreg s18;
	s17 =	simm.s32 $0x0  }
.LBB2_2:
0x12: {  	s18 =	sshll.u32 s17, $0x7  }
0x13: {  	s19 =	simm.s32 $0x0;
	s18 =	sadd.s32 s9, s18  }
0x14: {  	s20 =	rddreg [dreg:$0x1];
	v1 =	vor.u32 s19, v2;
	s18 =	sshrl.u32 s18, $0x3  }
0x15: {  	v3 =	vand.u32 v4, v1;
	s20 =	sadd.s32 s20, s18  }
0x16: {  	[tilespmem:s19], [sflag:$0x2] =	stream.linear.gather [hbm4b:s20+s19], $0x80, $0x38;
	[tilespmem:$0x6880] =	vst v63  }
0x17: {  	_ =	swait.ge [sflag:s11], $0x80  }
0x18: {  	[sflag:s11] =	ssyncset.done $0x0  }
0x19: {  	[sflag:s11] =	ssyncadd.s32 $0xFFFFFF80  }
0x1a: {  	v3 =	vld.idx.msk [tilespmem:v3+s5+$0x0], $0xffff;
	_ =	sdelay $0x4  }
0x1b: {  	v5 =	vshrl.u32 v3, $0x9  }
0x1c: {  	v8 =	vmul.u32 $0xC, v1;
	v6 =	vshra.s32 v3, $0x12;
	v5 =	vand.u32 $0x1FF, v5  }
0x1d: {  	v1 =	vand.u32 $0x1FF, v3;
	v3 =	vmul.u32 $0x5140, v6;
	v5 =	vmul.u32 $0x28, v5  }
0x1e: {  	v1 =	vadd.s32 $0x1, v1;
	v6 =	vor.u32 $0x1, v8  }
0x1f: {  	v1 =	vshrl.u32 v1, $0x4;
	v3 =	vadd.s32 v3, v5;
	v5 =	vor.u32 $0x2, v8  }
0x20: {  	v1 =	vadd.s32 v1, v3;
	v3 =	vor.u32 $0x3, v8  }
0x21: {  	v10 =	vadd.s32 $0x4, v8;
	v9 =	vadd.s32 $0x28, v1  }
0x22: {  	v12 =	vadd.s32 $0x5, v8;
	v11 =	vadd.s32 $0x29, v1;
	[tilespmem:v8+s12+$0x0] =	vst.idx.msk $0xffff, v9  }
0x23: {  	v1 =	vadd.s32 $0x50, v1;
	[tilespmem:v6+s12+$0x0] =	vst.idx.msk $0xffff, v11;
	v6 =	vadd.s32 $0x6, v8  }
0x24: {  	v61 =	vand.u32 $0x7FC, v8;
	[tilespmem:v5+s12+$0x0] =	vst.idx.msk $0xffff, v1;
	v1 =	vadd.s32 $0x29, v9;
	v5 =	vadd.s32 $0x7, v8  }
0x25: {  	[tilespmem:v3+s12+$0x0] =	vst.idx.msk $0xffff, v1;
	v1 =	vadd.s32 $0x50, v9;
	v3 =	vadd.s32 $0x8, v61  }
0x26: {  	v62 =	vadd.s32 $0x9, v8;
	[tilespmem:v10+s12+$0x0] =	vst.idx.msk $0xffff, v1;
	v1 =	vadd.s32 $0x51, v9  }
0x27: {  	[tilespmem:v12+s12+$0x0] =	vst.idx.msk $0xffff, v1;
	v1 =	vadd.s32 $0x78, v9  }
0x28: {  	[tilespmem:v6+s12+$0x0] =	vst.idx.msk $0xffff, v1;
	v1 =	vadd.s32 $0x79, v9  }
0x29: {  	v63 =	vadd.s32 $0xA, v8;
	s20 =	simm.s32 $0x10;
	[tilespmem:v5+s12+$0x0] =	vst.idx.msk $0xffff, v1;
	v1 =	vadd.s32 $0xA0, v9  }
0x2a: {  	v5 =	vadd.s32 $0xB, v8;
	[tilespmem:v3+s12+$0x0] =	vst.idx.msk $0xffff, v1;
	v3 =	vadd.s32 $0xA1, v9;
	v1 =	vor.u32 s20, v2  }
0x2b: {  	[tilespmem:v62+s12+$0x0] =	vst.idx.msk $0xffff, v3;
	v3 =	vand.u32 v4, v1;
	_ =	sdelay $0x1  }
0x2c: {  	v6 =	vadd.s32 $0xC8, v9  }
0x2d: {  	s19 =	simm.s32 $0x20;
	[tilespmem:v63+s12+$0x0] =	vst.idx.msk $0xffff, v6;
	v6 =	vadd.s32 $0xC9, v9  }
.LBB2_3:
0x2e: {  	p0 =	sne.s32 s19, $0x70;
	[tilespmem:v5+s12+$0x0] =	vst.idx.msk $0xffff, v6;
	s20 =	smov.u32 s19;
	s19 =	sadd.s32 $0x10, s19  }
0x2f: {  	v3 =	vld.idx.msk [tilespmem:v3+s5+$0x0], $0xffff;
	_ =	sdelay $0x5  }
0x30: {  	v5 =	vshra.s32 v3, $0x12;
	v6 =	vshrl.u32 v3, $0x9;
	v3 =	vand.u32 $0x1FF, v3  }
0x31: {  	v8 =	vmul.u32 $0xC, v1;
	v6 =	vand.u32 $0x1FF, v6;
	v3 =	vadd.s32 $0x1, v3  }
0x32: {  	v1 =	vmul.u32 $0x5140, v5;
	v5 =	vmul.u32 $0x28, v6  }
0x33: {  	v9 =	vand.u32 $0x7FC, v8;
	v6 =	vor.u32 $0x1, v8  }
0x34: {  	v3 =	vshrl.u32 v3, $0x4;
	v1 =	vadd.s32 v1, v5;
	v5 =	vor.u32 $0x2, v8  }
0x35: {  	v1 =	vadd.s32 v3, v1;
	v3 =	vor.u32 $0x3, v8  }
0x36: {  	v11 =	vadd.s32 $0x4, v8;
	v10 =	vadd.s32 $0x28, v1  }
0x37: {  	v13 =	vadd.s32 $0x5, v8;
	v12 =	vadd.s32 $0x29, v1;
	[tilespmem:v8+s12+$0x0] =	vst.idx.msk $0xffff, v10  }
0x38: {  	v1 =	vadd.s32 $0x50, v1;
	[tilespmem:v6+s12+$0x0] =	vst.idx.msk $0xffff, v12;
	v6 =	vadd.s32 $0x6, v8  }
0x39: {  	v12 =	vadd.s32 $0x7, v8;
	[tilespmem:v5+s12+$0x0] =	vst.idx.msk $0xffff, v1;
	v1 =	vadd.s32 $0x29, v10  }
0x3a: {  	v9 =	vadd.s32 $0x8, v9;
	[tilespmem:v3+s12+$0x0] =	vst.idx.msk $0xffff, v1;
	v1 =	vadd.s32 $0x50, v10  }
0x3b: {  	[tilespmem:v11+s12+$0x0] =	vst.idx.msk $0xffff, v1;
	v1 =	vadd.s32 $0x51, v10;
	v11 =	vadd.s32 $0x9, v8  }
0x3c: {  	v3 =	vadd.s32 $0x78, v10;
	[tilespmem:v13+s12+$0x0] =	vst.idx.msk $0xffff, v1;
	v13 =	vadd.s32 $0xA, v8  }
.Ltmp0:
0x3d: {  	v5 =	vadd.s32 $0xB, v8;
	v1 =	vor.u32 s20, v2;
	[tilespmem:v6+s12+$0x0] =	vst.idx.msk $0xffff, v3;
	v6 =	vadd.s32 $0x79, v10;
	(pc) =	sbr.rel @p0 .LBB2_3-.Ltmp0, $4  }
0x3e: {  	v3 =	vand.u32 v4, v1;
	[tilespmem:v12+s12+$0x0] =	vst.idx.msk $0xffff, v6;
	v6 =	vadd.s32 $0xA0, v10  }
0x3f: {  	[tilespmem:v9+s12+$0x0] =	vst.idx.msk $0xffff, v6;
	v6 =	vadd.s32 $0xA1, v10  }
0x40: {  	[tilespmem:v11+s12+$0x0] =	vst.idx.msk $0xffff, v6;
	v6 =	vadd.s32 $0xC8, v10  }
0x41: {  	[tilespmem:v13+s12+$0x0] =	vst.idx.msk $0xffff, v6;
	v6 =	vadd.s32 $0xC9, v10  }
0x42: {  	_ =	sdelay $0x3  }
0x43: {  	[tilespmem:v5+s12+$0x0] =	vst.idx.msk $0xffff, v6  }
0x44: {  	v3 =	vld.idx.msk [tilespmem:v3+s5+$0x0], $0xffff;
	_ =	sdelay $0x4  }
0x45: {  	v5 =	vshrl.u32 v3, $0x9  }
0x46: {  	v1 =	vmul.u32 $0xC, v1;
	v6 =	vshra.s32 v3, $0x12;
	v5 =	vand.u32 $0x1FF, v5  }
0x47: {  	v3 =	vand.u32 $0x1FF, v3;
	v6 =	vmul.u32 $0x5140, v6;
	v5 =	vmul.u32 $0x28, v5  }
0x48: {  	v8 =	vor.u32 $0x1, v1;
	v3 =	vadd.s32 $0x1, v3  }
0x49: {  	v3 =	vshrl.u32 v3, $0x4;
	v5 =	vadd.s32 v6, v5;
	v6 =	vor.u32 $0x2, v1  }
0x4a: {  	v3 =	vadd.s32 v3, v5;
	v5 =	vor.u32 $0x3, v1  }
0x4b: {  	v10 =	vadd.s32 $0x4, v1;
	v9 =	vadd.s32 $0x28, v3  }
0x4c: {  	v12 =	vadd.s32 $0x5, v1;
	v11 =	vadd.s32 $0x29, v3;
	[tilespmem:v1+s12+$0x0] =	vst.idx.msk $0xffff, v9  }
0x4d: {  	v60 =	vadd.s32 $0x6, v1;
	v3 =	vadd.s32 $0x50, v3;
	[tilespmem:v8+s12+$0x0] =	vst.idx.msk $0xffff, v11  }
0x4e: {  	v61 =	vand.u32 $0x7FC, v1;
	[tilespmem:v6+s12+$0x0] =	vst.idx.msk $0xffff, v3;
	v3 =	vadd.s32 $0x29, v9;
	v6 =	vadd.s32 $0x7, v1  }
0x4f: {  	[tilespmem:v5+s12+$0x0] =	vst.idx.msk $0xffff, v3;
	v3 =	vadd.s32 $0x50, v9;
	v5 =	vadd.s32 $0x8, v61  }
0x50: {  	v62 =	vadd.s32 $0x9, v1;
	[tilespmem:v10+s12+$0x0] =	vst.idx.msk $0xffff, v3;
	v3 =	vadd.s32 $0x51, v9  }
0x51: {  	v63 =	vadd.s32 $0xA, v1;
	[tilespmem:v12+s12+$0x0] =	vst.idx.msk $0xffff, v3;
	v3 =	vadd.s32 $0x78, v9  }
0x52: {  	v1 =	vadd.s32 $0xB, v1;
	[tilespmem:v60+s12+$0x0] =	vst.idx.msk $0xffff, v3;
	v3 =	vadd.s32 $0x79, v9  }
0x53: {  	[tilespmem:v6+s12+$0x0] =	vst.idx.msk $0xffff, v3;
	v3 =	vadd.s32 $0xA0, v9  }
0x54: {  	[tilespmem:v5+s12+$0x0] =	vst.idx.msk $0xffff, v3;
	v3 =	vadd.s32 $0xA1, v9  }
0x55: {  	[tilespmem:v62+s12+$0x0] =	vst.idx.msk $0xffff, v3;
	v3 =	vadd.s32 $0xC8, v9  }
0x56: {  	[tilespmem:v63+s12+$0x0] =	vst.idx.msk $0xffff, v3;
	v3 =	vadd.s32 $0xC9, v9  }
0x57: {  	[tilespmem:v1+s12+$0x0] =	vst.idx.msk $0xffff, v3  }
0x58: {  	[tilespmem:s13], [sflag:$0x1] =	stream.indirect.gather [hbm4b:s7+s12], $0x10, s12, s12, $0xb8;
	[tilespmem:$0x6880] =	vst v63  }
0x59: {  	s19 =	simm.s32 $0x100;
	s20 =	simm.s32 $0xE80  }
0x5a: {  	[tilespmem:s20], [sflag:$0x1] =	stream.indirect.gather [hbm4b:s7+s12], $0x10, s19, s12, $0xb8;
	[tilespmem:$0x6880] =	vst v63  }
0x5b: {  	s19 =	simm.s32 $0x180;
	s20 =	simm.s32 $0x1680  }
0x5c: {  	[tilespmem:s20], [sflag:$0x1] =	stream.indirect.gather [hbm4b:s7+s12], $0x10, s19, s12, $0xb8;
	[tilespmem:$0x6880] =	vst v63  }
0x5d: {  	s19 =	simm.s32 $0x200;
	s20 =	simm.s32 $0x1E80  }
0x5e: {  	[tilespmem:s20], [sflag:$0x1] =	stream.indirect.gather [hbm4b:s7+s12], $0x10, s19, s12, $0xb8;
	[tilespmem:$0x6880] =	vst v63  }
0x5f: {  	s20 =	simm.s32 $0x280  }
0x60: {  	[tilespmem:s21], [sflag:$0x1] =	stream.indirect.gather [hbm4b:s7+s12], $0x10, s20, s12, $0xb8;
	[tilespmem:$0x6880] =	vst v63  }
0x61: {  	_ = 	snop  }
0x62: {  	[tilespmem:s23], [sflag:$0x1] =	stream.indirect.gather [hbm4b:s7+s12], $0x10, s22, s12, $0xb8;
	[tilespmem:$0x6880] =	vst v63  }
0x63: {  	_ = 	snop  }
0x64: {  	[tilespmem:s25], [sflag:$0x1] =	stream.indirect.gather [hbm4b:s7+s12], $0x10, s24, s12, $0xb8;
	[tilespmem:$0x6880] =	vst v63  }
0x65: {  	_ = 	snop  }
0x66: {  	[tilespmem:s28], [sflag:$0x1] =	stream.indirect.gather [hbm4b:s7+s12], $0x10, s26, s12, $0xb8;
	[tilespmem:$0x6880] =	vst v63  }
0x67: {  	_ = 	snop  }
0x68: {  	[tilespmem:s30], [sflag:$0x1] =	stream.indirect.gather [hbm4b:s7+s12], $0x10, s29, s12, $0xb8;
	[tilespmem:$0x6880] =	vst v63  }
0x69: {  	_ = 	snop  }
0x6a: {  	[tilespmem:s0], [sflag:$0x1] =	stream.indirect.gather [hbm4b:s7+s12], $0x10, s31, s12, $0xb8;
	[tilespmem:$0x6880] =	vst v63  }
0x6b: {  	_ = 	snop  }
0x6c: {  	[tilespmem:s10], [sflag:$0x1] =	stream.indirect.gather [hbm4b:s7+s12], $0x10, s6, s12, $0xb8;
	[tilespmem:$0x6880] =	vst v63  }
0x6d: {  	_ = 	snop  }
0x6e: {  	[tilespmem:s1], [sflag:$0x1] =	stream.indirect.gather [hbm4b:s7+s12], $0x10, s2, s12, $0xb8;
	[tilespmem:$0x6880] =	vst v63  }
0x6f: {  	_ =	swait.ge [sflag:s3], $0x800  }
0x70: {  	[sflag:s3] =	ssyncset.done $0x0  }
0x71: {  	[sflag:s3] =	ssyncadd.s32 $0xFFFFF800  }
0x72: {  	_ =	swait.ge [sflag:s3], $0x800  }
0x73: {  	[sflag:s3] =	ssyncset.done $0x0  }
0x74: {  	[sflag:s3] =	ssyncadd.s32 $0xFFFFF800  }
0x75: {  	_ =	swait.ge [sflag:s3], $0x800  }
0x76: {  	[sflag:s3] =	ssyncset.done $0x0  }
0x77: {  	[sflag:s3] =	ssyncadd.s32 $0xFFFFF800  }
0x78: {  	_ =	swait.ge [sflag:s3], $0x800  }
0x79: {  	[sflag:s3] =	ssyncset.done $0x0  }
0x7a: {  	[sflag:s3] =	ssyncadd.s32 $0xFFFFF800  }
0x7b: {  	_ =	swait.ge [sflag:s3], $0x800  }
0x7c: {  	[sflag:s3] =	ssyncset.done $0x0  }
0x7d: {  	[sflag:s3] =	ssyncadd.s32 $0xFFFFF800  }
0x7e: {  	_ =	swait.ge [sflag:s3], $0x800  }
0x7f: {  	[sflag:s3] =	ssyncset.done $0x0  }
0x80: {  	[sflag:s3] =	ssyncadd.s32 $0xFFFFF800  }
0x81: {  	_ =	swait.ge [sflag:s3], $0x800  }
0x82: {  	[sflag:s3] =	ssyncset.done $0x0  }
0x83: {  	[sflag:s3] =	ssyncadd.s32 $0xFFFFF800  }
0x84: {  	_ =	swait.ge [sflag:s3], $0x800  }
0x85: {  	[sflag:s3] =	ssyncset.done $0x0  }
0x86: {  	[sflag:s3] =	ssyncadd.s32 $0xFFFFF800  }
0x87: {  	_ =	swait.ge [sflag:s3], $0x800  }
0x88: {  	[sflag:s3] =	ssyncset.done $0x0  }
0x89: {  	[sflag:s3] =	ssyncadd.s32 $0xFFFFF800  }
0x8a: {  	_ =	swait.ge [sflag:s3], $0x800  }
0x8b: {  	[sflag:s3] =	ssyncset.done $0x0  }
0x8c: {  	[sflag:s3] =	ssyncadd.s32 $0xFFFFF800  }
0x8d: {  	_ =	swait.ge [sflag:s3], $0x800  }
0x8e: {  	[sflag:s3] =	ssyncset.done $0x0  }
0x8f: {  	[sflag:s3] =	ssyncadd.s32 $0xFFFFF800  }
0x90: {  	_ =	swait.ge [sflag:s3], $0x800  }
0x91: {  	[sflag:s3] =	ssyncset.done $0x0  }
0x92: {  	s19 =	simm.s32 $0x0;
	[sflag:s3] =	ssyncadd.s32 $0xFFFFF800  }
.LBB2_5:
0x93: {  	v1 =	vor.u32 s19, v2  }
0x94: {  	v3 =	vand.u32 v4, v1;
	_ =	sdelay $0x4  }
0x95: {  	v38 =	vld.idx.msk [tilespmem:v3+s5+$0x0], $0xffff;
	_ =	sdelay $0x4  }
0x96: {  	v1 =	vmul.u32 $0xC0, v1;
	[tilespmem:$0x1FFE0] =	vst v3;
	v3 =	vadd.s32 $0x1, v38  }
0x97: {  	v3 =	vand.u32 $0xF, v3  }
0x98: {  	v6 =	vor.u32 v1, v3  }
0x99: {  	v1 =	vadd.s32 $0x1, v6  }
0x9a: {  	v3 =	vadd.s32 $0x2, v6  }
0x9b: {  	v8 =	vadd.s32 $0x3, v6  }
0x9c: {  	v9 =	vadd.s32 $0x4, v6  }
0x9d: {  	v10 =	vor.u32 $0x20, v6;
	v31 =	vld.idx.msk [tilespmem:v6+s13+$0x0], $0xffff  }
0x9e: {  	v30 =	vld.idx.msk [tilespmem:v1+s13+$0x0], $0xffff;
	v1 =	vadd.s32 $0x21, v6  }
0x9f: {  	v29 =	vld.idx.msk [tilespmem:v3+s13+$0x0], $0xffff;
	v3 =	vadd.s32 $0x22, v6  }
0xa0: {  	v32 =	vadd.s32 $0x23, v6;
	v28 =	vld.idx.msk [tilespmem:v8+s13+$0x0], $0xffff  }
0xa1: {  	v33 =	vadd.s32 $0x24, v6;
	v27 =	vld.idx.msk [tilespmem:v9+s13+$0x0], $0xffff  }
0xa2: {  	v34 =	vadd.s32 $0x40, v6;
	v26 =	vld.idx.msk [tilespmem:v10+s13+$0x0], $0xffff  }
0xa3: {  	v25 =	vld.idx.msk [tilespmem:v1+s13+$0x0], $0xffff;
	v1 =	vadd.s32 $0x41, v6;
	v11 =	vmax.f32 v31, v30  }
0xa4: {  	v5 =	vld.idx.msk [tilespmem:v3+s13+$0x0], $0xffff;
	v3 =	vadd.s32 $0x42, v6;
	v11 =	vmax.f32 v11, v29  }
0xa5: {  	v35 =	vadd.s32 $0x43, v6;
	v12 =	vld.idx.msk [tilespmem:v32+s13+$0x0], $0xffff;
	v11 =	vmax.f32 v11, v28  }
0xa6: {  	v36 =	vadd.s32 $0x44, v6;
	v13 =	vld.idx.msk [tilespmem:v33+s13+$0x0], $0xffff;
	v11 =	vmax.f32 v11, v27  }
0xa7: {  	v37 =	vadd.s32 $0x60, v6;
	v40 =	vld.idx.msk [tilespmem:v34+s13+$0x0], $0xffff;
	v11 =	vmax.f32 v11, v26  }
0xa8: {  	v23 =	vld.idx.msk [tilespmem:v1+s13+$0x0], $0xffff;
	v1 =	vadd.s32 $0x61, v6;
	v11 =	vmax.f32 v11, v25  }
0xa9: {  	v22 =	vld.idx.msk [tilespmem:v3+s13+$0x0], $0xffff;
	v3 =	vadd.s32 $0x62, v6;
	v11 =	vmax.f32 v11, v5  }
0xaa: {  	v39 =	vadd.s32 $0x63, v6;
	v21 =	vld.idx.msk [tilespmem:v35+s13+$0x0], $0xffff;
	v11 =	vmax.f32 v11, v12  }
0xab: {  	v41 =	vadd.s32 $0x64, v6;
	v20 =	vld.idx.msk [tilespmem:v36+s13+$0x0], $0xffff;
	v11 =	vmax.f32 v11, v13  }
0xac: {  	v42 =	vadd.s32 $0x80, v6;
	v18 =	vld.idx.msk [tilespmem:v37+s13+$0x0], $0xffff;
	v11 =	vmax.f32 v11, v40  }
0xad: {  	v17 =	vld.idx.msk [tilespmem:v1+s13+$0x0], $0xffff;
	v1 =	vadd.s32 $0x81, v6;
	v11 =	vmax.f32 v11, v23  }
0xae: {  	v16 =	vld.idx.msk [tilespmem:v3+s13+$0x0], $0xffff;
	v3 =	vadd.s32 $0x82, v6;
	v11 =	vmax.f32 v11, v22  }
0xaf: {  	v43 =	vadd.s32 $0x83, v6;
	v14 =	vld.idx.msk [tilespmem:v39+s13+$0x0], $0xffff;
	v11 =	vmax.f32 v11, v21  }
0xb0: {  	v7 =	vld.idx.msk [tilespmem:v41+s13+$0x0], $0xffff;
	v32 =	vadd.s32 $0x84, v6;
	v44 =	vmax.f32 v11, v20  }
0xb1: {  	v11 =	vld.idx.msk [tilespmem:v42+s13+$0x0], $0xffff;
	v9 =	vmax.f32 v44, v18  }
0xb2: {  	v10 =	vld.idx.msk [tilespmem:v1+s13+$0x0], $0xffff;
	v1 =	vmax.f32 v9, v17  }
0xb3: {  	v9 =	vld.idx.msk [tilespmem:v3+s13+$0x0], $0xffff;
	v1 =	vmax.f32 v1, v16  }
0xb4: {  	v8 =	vld.idx.msk [tilespmem:v43+s13+$0x0], $0xffff;
	v1 =	vmax.f32 v1, v14  }
0xb5: {  	v3 =	vld.idx.msk [tilespmem:v32+s13+$0x0], $0xffff;
	v1 =	vmax.f32 v1, v7  }
0xb6: {  	[tilespmem:$0x1FF80] =	vst v18;
	v1 =	vmax.f32 v1, v11  }
0xb7: {  	[tilespmem:$0x1FFB0] =	vst v14;
	v1 =	vmax.f32 v1, v10  }
0xb8: {  	[tilespmem:$0x1FFC0] =	vst v7;
	v1 =	vmax.f32 v1, v9  }
0xb9: {  	[tilespmem:$0x1FF90] =	vst v17;
	v1 =	vmax.f32 v1, v8  }
0xba: {  	v19 =	vmov v18;
	v18 =	vmov v17;
	[tilespmem:$0x1FFA0] =	vst v16;
	v1 =	vmax.f32 v1, v3  }
0xbb: {  	v17 =	vmovc v16;
	v16 =	vmovc v14;
	v14 =	vmov v7;
	v7 =	vmov v3;
	[tilespmem:$0x1FFD0] =	vst v3;
	v3 =	vsub.f32 v31, v1;
	_ =	sdelay $0x1  }
0xbc: {  	v45 =	vsub.f32 v30, v1;
	v3 =	vmul.f32 v3, v0  }
0xbd: {  	v33 =	vsub.f32 v29, v1  }
0xbe: {  	v32 =	vmul.f32 v45, v0;
	v3 =	vmul.f32 $1.442695020e+00, v3  }
0xbf: {  	v46 =	vmul.f32 v33, v0  }
0xc0: {  	(erf) = vpow2.f32 v3;
	v3 =	vmul.f32 $1.442695020e+00, v32;
	_ =	sdelay $0x1  }
0xc1: {  	(erf) = vpow2.f32 v3;
	v3 =	vmul.f32 $1.442695020e+00, v46  }
0xc2: {  	v47 =	vsub.f32 v28, v1  }
0xc3: {  	(erf) = vpow2.f32 v3;
	v3 =	vsub.f32 v27, v1  }
0xc4: {  	v48 =	vmul.f32 v47, v0  }
0xc5: {  	v49 =	vsub.f32 v26, v1;
	v52 =	vsub.f32 v25, v1;
	v3 =	vmul.f32 v3, v0  }
0xc6: {  	v35 =	vsub.f32 v5, v1;
	v39 =	vsub.f32 v12, v1;
	v32 =	vmul.f32 $1.442695020e+00, v48  }
0xc7: {  	v61 =	vsub.f32 v13, v1;
	v50 =	vmul.f32 v49, v0;
	v3 =	vmul.f32 $1.442695020e+00, v3  }
0xc8: {  	v63 =	vsub.f32 v40, v1;
	v41 =	vsub.f32 v23, v1;
	(erf) = vpow2.f32 v32;
	v58 =	vpop (erf)  }
0xc9: {  	v34 =	vadd.f32 v58, v58;
	(erf) = vpow2.f32 v3;
	v3 =	vmul.f32 $1.442695020e+00, v50  }
0xca: {  	v35 =	vmul.f32 v35, v0;
	v45 =	vsub.f32 v22, v1;
	v51 =	vadd.f32 $0.0e+00, v58  }
0xcb: {  	v59 =	vpop (erf);
	v34 =	vsub.f32 $0.0e+00, v34;
	(erf) = vpow2.f32 v3;
	v3 =	vmul.f32 v52, v0  }
0xcc: {  	v56 =	vmul.f32 v39, v0;
	v47 =	vsub.f32 v20, v1;
	v36 =	vadd.f32 v59, v59  }
0xcd: {  	v53 =	vadd.f32 v51, v59;
	v57 =	vpop (erf);
	v54 =	vsub.f32 v34, v59;
	v3 =	vmul.f32 $1.442695020e+00, v3  }
0xce: {  	v35 =	vmul.f32 $1.442695020e+00, v35;
	v34 =	vsub.f32 v34, v36;
	v37 =	vadd.f32 v57, v57  }
0xcf: {  	[tilespmem:$0x1FF70] =	vst v20;
	v20 =	vsub.f32 v16, v1;
	v36 =	vmul.f32 v61, v0;
	(erf) = vpow2.f32 v3  }
0xd0: {  	v3 =	vsub.f32 v34, v37;
	v34 =	vmul.f32 $1.442695020e+00, v56;
	(erf) = vpow2.f32 v35  }
0xd1: {  	v52 =	vsub.f32 v19, v1;
	v55 =	vmul.f32 $0.0e+00, v57;
	v32 =	vadd.f32 v53, v57;
	v53 =	vpop (erf)  }
0xd2: {  	v46 =	vsub.f32 v21, v1;
	v36 =	vmul.f32 $1.442695020e+00, v36;
	v49 =	vpop (erf);
	(erf) = vpow2.f32 v34  }
0xd3: {  	[tilespmem:$0x1FF60] =	vst v21;
	v21 =	vsub.f32 v14, v1;
	v33 =	vadd.f32 v54, v55;
	v56 =	vmul.f32 v52, v0  }
0xd4: {  	v60 =	vadd.f32 v53, v53;
	v35 =	vmul.f32 v41, v0;
	v50 =	vpop (erf);
	(erf) = vpow2.f32 v36  }
0xd5: {  	v32 =	vadd.f32 v32, v53;
	v33 =	vadd.f32 v33, v53;
	v34 =	vmul.f32 v63, v0  }
0xd6: {  	v3 =	vsub.f32 v3, v60;
	v35 =	vmul.f32 $1.442695020e+00, v35;
	v60 =	vsub.f32 v18, v1  }
0xd7: {  	v63 =	vsub.f32 v17, v1;
	v32 =	vadd.f32 v32, v49;
	v34 =	vmul.f32 $1.442695020e+00, v34  }
0xd8: {  	[tilespmem:$0x1FF30] =	vst v40;
	v62 =	vadd.f32 v49, v49;
	v36 =	vmul.f32 v46, v0;
	v40 =	vadd.f32 v50, v50;
	v51 =	vpop (erf)  }
0xd9: {  	v32 =	vadd.f32 v32, v50;
	v44 =	vpop (erf);
	(erf) = vpow2.f32 v34;
	v34 =	vmul.f32 v45, v0  }
0xda: {  	v19 =	vmul.f32 v63, v0;
	v33 =	vadd.f32 v33, v62;
	v3 =	vsub.f32 v3, v62  }
0xdb: {  	v32 =	vadd.f32 v32, v51;
	v54 =	vpop (erf);
	(erf) = vpow2.f32 v35;
	v34 =	vmul.f32 $1.442695020e+00, v34  }
0xdc: {  	v48 =	vmul.f32 $1.442695020e+00, v36;
	v33 =	vsub.f32 v33, v40;
	v35 =	vmul.f32 v47, v0  }
0xdd: {  	v36 =	vmul.f32 v60, v0;
	v32 =	vadd.f32 v32, v44;
	v40 =	vpop (erf);
	(erf) = vpow2.f32 v34  }
0xde: {  	v33 =	vsub.f32 v33, v51;
	v43 =	vmul.f32 $0.0e+00, v44;
	v35 =	vmul.f32 $1.442695020e+00, v35  }
0xdf: {  	v3 =	vsub.f32 v3, v50;
	v32 =	vadd.f32 v32, v54;
	(erf) = vpow2.f32 v48  }
0xe0: {  	v33 =	vadd.f32 v33, v43;
	v55 =	vadd.f32 v40, v40;
	(erf) = vpow2.f32 v35  }
0xe1: {  	v3 =	vsub.f32 v3, v51;
	v34 =	vmul.f32 $1.442695020e+00, v56;
	v32 =	vadd.f32 v32, v40  }
0xe2: {  	v18 =	vmul.f32 $1.442695020e+00, v36;
	v36 =	vmul.f32 v20, v0;
	v33 =	vadd.f32 v33, v54;
	v46 =	vpop (erf)  }
0xe3: {  	v3 =	vsub.f32 v3, v44;
	(erf) = vpow2.f32 v34;
	v32 =	vadd.f32 v32, v46  }
0xe4: {  	[tilespmem:$0x1FF40] =	vst v23;
	v23 =	vmul.f32 $1.442695020e+00, v36;
	v33 =	vadd.f32 v33, v55;
	v55 =	vpop (erf);
	(erf) = vpow2.f32 v18  }
0xe5: {  	v3 =	vsub.f32 v3, v54;
	v35 =	vmul.f32 $1.442695020e+00, v19;
	v32 =	vadd.f32 v32, v55  }
0xe6: {  	v48 =	vsub.f32 v11, v1;
	v34 =	vmul.f32 v21, v0;
	v61 =	vadd.f32 v46, v46;
	v56 =	vpop (erf)  }
0xe7: {  	v3 =	vsub.f32 v3, v40;
	(erf) = vpow2.f32 v35;
	v32 =	vadd.f32 v32, v56  }
0xe8: {  	v60 =	vmul.f32 v48, v0;
	v34 =	vmul.f32 $1.442695020e+00, v34;
	v33 =	vsub.f32 v33, v61;
	v52 =	vpop (erf)  }
0xe9: {  	v61 =	vsub.f32 v10, v1;
	v45 =	vpop (erf);
	(erf) = vpow2.f32 v23;
	v32 =	vadd.f32 v32, v52  }
0xea: {  	v62 =	vmul.f32 $0.0e+00, v46;
	v18 =	vsub.f32 v8, v1;
	v35 =	vmul.f32 $1.442695020e+00, v60  }
0xeb: {  	v36 =	vmul.f32 v61, v0;
	(erf) = vpow2.f32 v34;
	v32 =	vadd.f32 v32, v45  }
0xec: {  	[tilespmem:$0x1FF50] =	vst v22;
	v3 =	vadd.f32 v3, v62;
	v22 =	vmul.f32 $0.0e+00, v55;
	v62 =	vsub.f32 v9, v1;
	v47 =	vpop (erf)  }
0xed: {  	v63 =	vmul.f32 $1.442695020e+00, v36;
	v32 =	vadd.f32 v32, v47;
	v39 =	vpop (erf);
	(erf) = vpow2.f32 v35  }
0xee: {  	v1 =	vsub.f32 v7, v1;
	v41 =	vmul.f32 $0.0e+00, v56;
	v34 =	vmul.f32 v62, v0  }
0xef: {  	v19 =	vmul.f32 v18, v0;
	(erf) = vpow2.f32 v63;
	v32 =	vadd.f32 v32, v39  }
0xf0: {  	v33 =	vsub.f32 v33, v55;
	v3 =	vadd.f32 v3, v22;
	v34 =	vmul.f32 $1.442695020e+00, v34;
	v48 =	vpop (erf)  }
0xf1: {  	v1 =	vmul.f32 v1, v0;
	v21 =	vmul.f32 $1.442695020e+00, v19;
	v32 =	vadd.f32 v32, v48  }
0xf2: {  	v33 =	vadd.f32 v33, v41;
	v3 =	vadd.f32 v3, v41;
	(erf) = vpow2.f32 v34;
	v41 =	vpop (erf)  }
0xf3: {  	v20 =	vmul.f32 $0.0e+00, v52;
	v22 =	vadd.f32 v45, v45;
	v32 =	vadd.f32 v32, v41  }
0xf4: {  	v1 =	vmul.f32 $1.442695020e+00, v1;
	v33 =	vadd.f32 v33, v52;
	(erf) = vpow2.f32 v21;
	v37 =	vpop (erf)  }
0xf5: {  	v23 =	vmul.f32 $0.0e+00, v45;
	v3 =	vadd.f32 v3, v20;
	v32 =	vadd.f32 v32, v37  }
0xf6: {  	v43 =	vadd.f32 v47, v47;
	v33 =	vadd.f32 v33, v22;
	(erf) = vpow2.f32 v1;
	v36 =	vpop (erf)  }
0xf7: {  	v3 =	vadd.f32 v3, v23;
	v32 =	vadd.f32 v32, v36  }
0xf8: {  	v1 =	vsub.f32 v33, v43;
	v35 =	vpop (erf)  }
0xf9: {  	v3 =	vadd.f32 v3, v47;
	v32 =	vadd.f32 v32, v35  }
0xfa: {  	v60 =	vmul.f32 $0.0e+00, v48;
	v1 =	vsub.f32 v1, v39  }
0xfb: {  	v3 =	vadd.f32 v3, v39;
	v34 =	vpop (erf)  }
0xfc: {  	v1 =	vadd.f32 v1, v60;
	v61 =	vadd.f32 v32, v34  }
0xfd: {  	v3 =	vadd.f32 v3, v48;
	v42 =	vadd.f32 v37, v37;
	v32 =	vpop (erf)  }
0xfe: {  	v1 =	vadd.f32 v1, v41;
	v43 =	vadd.f32 v61, v32  }
0xff: {  	v3 =	vadd.f32 v3, v41;
	v62 =	vadd.f32 v36, v36;
	v33 =	vpop (erf)  }
0x100: {  	v1 =	vadd.f32 v1, v42;
	v43 =	vadd.f32 v43, v33  }
0x101: {  	v3 =	vadd.f32 v3, v37  }
0x102: {  	v1 =	vsub.f32 v1, v62;
	(erf) = vrcp.f32 v43  }
0x103: {  	v63 =	vadd.f32 v35, v35;
	v3 =	vadd.f32 v3, v62  }
0x104: {  	v18 =	vmul.f32 $0.0e+00, v34;
	v1 =	vsub.f32 v1, v35  }
0x105: {  	v19 =	vadd.f32 v34, v34;
	v3 =	vadd.f32 v3, v63  }
0x106: {  	v1 =	vadd.f32 v1, v18  }
0x107: {  	v3 =	vadd.f32 v3, v19;
	v20 =	vadd.f32 v32, v32  }
0x108: {  	v21 =	vadd.f32 v33, v33;
	v1 =	vadd.f32 v1, v32;
	_ =	sdelay $0x1  }
0x109: {  	v3 =	vadd.f32 v3, v20;
	v1 =	vadd.f32 v1, v21  }
0x10a: {  	v22 =	vshrl.u32 v38, $0x9;
	v60 =	vand.u32 $0x1FF, v38;
	v38 =	vpop (erf)  }
0x10b: {  	v14 =	vcvt.s32.f32 v60;
	v3 =	vadd.f32 v3, v21;
	v7 =	vmul.f32 v38, v1  }
0x10c: {  	v1 =	vand.u32 $0x1FF, v22  }
0x10d: {  	v60 =	vmul.f32 v38, v3;
	v61 =	vcvt.s32.f32 v1;
	v1 =	vadd.f32 v14, v7;
	_ =	sdelay $0x1  }
0x10e: {  	v3 =	vadd.f32 v61, v60;
	v1 =	vmul.f32 v1, v15;
	_ =	sdelay $0x1  }
0x10f: {  	v3 =	vmul.f32 v3, v15;
	v1 =	vadd.f32 v1, v1;
	_ =	sdelay $0x1  }
0x110: {  	v42 =	vadd.f32 $-1.000000000e+00, v1;
	v1 =	vadd.f32 v3, v3;
	_ =	sdelay $0x1  }
0x111: {  	v43 =	vadd.f32 $-1.000000000e+00, v1;
	v1 =	vadd.f32 $1.000000000e+00, v42;
	_ =	sdelay $0x1  }
0x112: {  	v1 =	vmul.f32 v1, v24;
	v3 =	vadd.f32 $1.000000000e+00, v43  }
0x113: {  	v17 =	vadd.f32 $-1.000000000e+00, v14;
	v22 =	vadd.s32 $0x5, v6;
	v62 =	vsub.f32 $-2.000000000e+00, v7  }
0x114: {  	v15 =	vmul.f32 $5.110000000e+02, v1;
	v1 =	vmul.f32 v3, v24;
	v3 =	vadd.f32 $-2.000000000e+00, v14  }
0x115: {  	v16 =	vsub.f32 $-2.000000000e+00, v60;
	v23 =	vsub.f32 $-1.000000000e+00, v7;
	v62 =	vmul.f32 v62, v24  }
0x116: {  	v63 =	vmul.f32 $5.110000000e+02, v1;
	v1 =	vadd.f32 $-2.000000000e+00, v61;
	v3 =	vsub.f32 v15, v3  }
0x117: {  	v16 =	vmul.f32 v16, v24;
	v18 =	vmul.f32 v23, v24;
	v23 =	vsub.f32 $0.0e+00, v7  }
0x118: {  	v17 =	vsub.f32 v15, v17;
	v1 =	vsub.f32 v63, v1;
	v3 =	vand.u32 $0x7FFFFFFF, v3  }
0x119: {  	v62 =	vmul.f32 v62, v62;
	v16 =	vmul.f32 v16, v16;
	v3 =	vsub.f32 $1.000000000e+00, v3  }
0x11a: {  	v20 =	vsub.f32 v15, v14;
	v17 =	vand.u32 $0x7FFFFFFF, v17;
	v1 =	vand.u32 $0x7FFFFFFF, v1  }
0x11b: {  	v17 =	vsub.f32 $1.000000000e+00, v17;
	v1 =	vsub.f32 $1.000000000e+00, v1;
	v3 =	vmax.f32 v3, $0.0e+00  }
0x11c: {  	v20 =	vand.u32 $0x7FFFFFFF, v20;
	v19 =	vmul.f32 v3, v31;
	v31 =	vmul.f32 v18, v18  }
0x11d: {  	v18 =	vmax.f32 v1, $0.0e+00;
	v1 =	vmax.f32 v17, $0.0e+00;
	v17 =	vadd.f32 v16, v62  }
0x11e: {  	v19 =	vmul.f32 v19, v18;
	v30 =	vmul.f32 v1, v30;
	v21 =	vadd.f32 v16, v31  }
0x11f: {  	v20 =	vsub.f32 $1.000000000e+00, v20;
	v17 =	vmul.f32 v17, v58;
	v58 =	vadd.f32 $1.000000000e+00, v14  }
0x120: {  	v21 =	vmul.f32 v21, v59;
	v19 =	vadd.f32 $0.0e+00, v19;
	v59 =	vmul.f32 v30, v18  }
0x121: {  	v30 =	vmax.f32 v20, $0.0e+00;
	v20 =	vsub.f32 v15, v58;
	v58 =	vadd.f32 $2.000000000e+00, v14  }
0x122: {  	v23 =	vmul.f32 v23, v24;
	v29 =	vmul.f32 v30, v29;
	v14 =	vadd.f32 $3.000000000e+00, v14  }
0x123: {  	v19 =	vadd.f32 v19, v59;
	v20 =	vand.u32 $0x7FFFFFFF, v20;
	v58 =	vsub.f32 v15, v58  }
0x124: {  	v14 =	vsub.f32 v15, v14;
	v15 =	vmul.f32 v29, v18;
	v20 =	vsub.f32 $1.000000000e+00, v20  }
0x125: {  	v59 =	vand.u32 $0x7FFFFFFF, v58;
	v58 =	vmul.f32 v23, v23  }
0x126: {  	v15 =	vadd.f32 v19, v15;
	v19 =	vld.idx.msk [tilespmem:v22+s13+$0x0], $0xffff;
	v29 =	vmax.f32 v20, $0.0e+00;
	v59 =	vsub.f32 $1.000000000e+00, v59  }
0x127: {  	v14 =	vand.u32 $0x7FFFFFFF, v14;
	v22 =	vmul.f32 v29, v28  }
0x128: {  	v14 =	vsub.f32 $1.000000000e+00, v14;
	v28 =	vmax.f32 v59, $0.0e+00;
	v59 =	vadd.f32 v16, v58  }
0x129: {  	v22 =	vmul.f32 v22, v18;
	v23 =	vmul.f32 v28, v27  }
0x12a: {  	v27 =	vmax.f32 v14, $0.0e+00;
	v20 =	vmul.f32 v59, v57;
	v59 =	vadd.f32 $-1.000000000e+00, v61  }
0x12b: {  	v17 =	vadd.f32 $0.0e+00, v17;
	v14 =	vmul.f32 v27, v19  }
0x12c: {  	v15 =	vadd.f32 v15, v22;
	v57 =	vmul.f32 v23, v18;
	v19 =	vsub.f32 v63, v59  }
0x12d: {  	v17 =	vadd.f32 v17, v21;
	v59 =	vsub.f32 $1.000000000e+00, v7  }
0x12e: {  	v14 =	vmul.f32 v14, v18;
	v15 =	vadd.f32 v15, v57;
	v19 =	vand.u32 $0x7FFFFFFF, v19  }
0x12f: {  	v17 =	vadd.f32 v17, v20;
	v57 =	vmul.f32 v59, v24;
	v19 =	vsub.f32 $1.000000000e+00, v19  }
0x130: {  	v7 =	vsub.f32 $2.000000000e+00, v7;
	v14 =	vadd.f32 v15, v14;
	v15 =	vmul.f32 v3, v26  }
0x131: {  	v20 =	vmul.f32 v1, v25;
	v57 =	vmul.f32 v57, v57;
	v18 =	vmax.f32 v19, $0.0e+00  }
0x132: {  	v7 =	vmul.f32 v7, v24;
	v59 =	vadd.s32 $0x25, v6;
	v15 =	vmul.f32 v15, v18  }
0x133: {  	v5 =	vmul.f32 v30, v5;
	v19 =	vsub.f32 $-1.000000000e+00, v60;
	v23 =	vadd.f32 v16, v57  }
0x134: {  	v25 =	vmul.f32 v7, v7;
	v14 =	vadd.f32 v14, v15;
	v15 =	vmul.f32 v20, v18  }
0x135: {  	v7 =	vmul.f32 v19, v24;
	v19 =	vmul.f32 v23, v53  }
0x136: {  	v12 =	vmul.f32 v29, v12;
	v5 =	vmul.f32 v5, v18;
	v14 =	vadd.f32 v14, v15  }
0x137: {  	v15 =	vadd.f32 v17, v19;
	v17 =	vld.idx.msk [tilespmem:v59+s13+$0x0], $0xffff  }
0x138: {  	v13 =	vmul.f32 v28, v13;
	v12 =	vmul.f32 v12, v18;
	v5 =	vadd.f32 v14, v5;
	_ =	sdelay $0x1  }
0x139: {  	v5 =	vadd.f32 v5, v12;
	v12 =	vmul.f32 v13, v18;
	_ =	sdelay $0x1  }
0x13a: {  	v5 =	vadd.f32 v5, v12;
	v12 =	vmul.f32 v27, v17;
	v17 =	vld [tilespmem:$0x1FF30]  }
0x13b: {  	v13 =	vsub.f32 v63, v61;
	_ =	sdelay $0x1  }
0x13c: {  	v13 =	vand.u32 $0x7FFFFFFF, v13  }
0x13d: {  	v13 =	vsub.f32 $1.000000000e+00, v13  }
0x13e: {  	v12 =	vmul.f32 v12, v18;
	v17 =	vmul.f32 v3, v17  }
0x13f: {  	v13 =	vmax.f32 v13, $0.0e+00  }
0x140: {  	v5 =	vadd.f32 v5, v12;
	v12 =	vmul.f32 v17, v13;
	v17 =	vld [tilespmem:$0x1FF40];
	_ =	sdelay $0x4  }
0x141: {  	v17 =	vmul.f32 v1, v17;
	_ =	sdelay $0x1  }
0x142: {  	v5 =	vadd.f32 v5, v12;
	v12 =	vmul.f32 v17, v13;
	v17 =	vld [tilespmem:$0x1FF50];
	_ =	sdelay $0x1  }
0x143: {  	v16 =	vadd.f32 v16, v25  }
0x144: {  	v7 =	vmul.f32 v7, v7  }
0x145: {  	v16 =	vmul.f32 v16, v49  }
0x146: {  	v49 =	vadd.f32 v7, v62;
	v17 =	vmul.f32 v30, v17  }
0x147: {  	v14 =	vadd.f32 v15, v16  }
0x148: {  	v15 =	vmul.f32 v49, v50;
	v5 =	vadd.f32 v5, v12;
	v12 =	vmul.f32 v17, v13;
	v17 =	vld [tilespmem:$0x1FF60];
	_ =	sdelay $0x1  }
0x149: {  	v14 =	vadd.f32 v14, v15;
	v15 =	vadd.f32 v7, v31;
	_ =	sdelay $0x1  }
0x14a: {  	v16 =	vadd.s32 $0x45, v6;
	v15 =	vmul.f32 v15, v51  }
0x14b: {  	v53 =	vadd.f32 v7, v58;
	v17 =	vmul.f32 v29, v17  }
0x14c: {  	v14 =	vadd.f32 v14, v15  }
0x14d: {  	v15 =	vmul.f32 v53, v44;
	v5 =	vadd.f32 v5, v12;
	v12 =	vmul.f32 v17, v13;
	v17 =	vld [tilespmem:$0x1FF70];
	_ =	sdelay $0x1  }
0x14e: {  	v14 =	vadd.f32 v14, v15;
	v15 =	vld.idx.msk [tilespmem:v16+s13+$0x0], $0xffff;
	_ =	sdelay $0x1  }
0x14f: {  	v59 =	vadd.f32 v7, v57  }
0x150: {  	v17 =	vmul.f32 v28, v17  }
0x151: {  	v21 =	vsub.f32 $0.0e+00, v60;
	v16 =	vmul.f32 v59, v54  }
0x152: {  	v15 =	vmul.f32 v27, v15;
	v5 =	vadd.f32 v5, v12;
	v12 =	vmul.f32 v17, v13  }
0x153: {  	v22 =	vadd.f32 $1.000000000e+00, v61;
	v14 =	vadd.f32 v14, v16;
	v16 =	vmul.f32 v21, v24  }
0x154: {  	v5 =	vadd.f32 v5, v12;
	v12 =	vmul.f32 v15, v13;
	v15 =	vld [tilespmem:$0x1FF80]  }
0x155: {  	v7 =	vadd.f32 v7, v25;
	v18 =	vsub.f32 v63, v22;
	v16 =	vmul.f32 v16, v16  }
0x156: {  	v23 =	vld [tilespmem:$0x1FF90]  }
0x157: {  	v7 =	vmul.f32 v7, v40;
	v18 =	vand.u32 $0x7FFFFFFF, v18;
	v17 =	vadd.f32 v16, v62  }
0x158: {  	v13 =	vsub.f32 $1.000000000e+00, v18  }
0x159: {  	v7 =	vadd.f32 v14, v7;
	v14 =	vmul.f32 v17, v46;
	v15 =	vmul.f32 v3, v15  }
0x15a: {  	v17 =	vadd.f32 v16, v31;
	v5 =	vadd.f32 v5, v12;
	v12 =	vmax.f32 v13, $0.0e+00  }
0x15b: {  	v18 =	vmul.f32 v1, v23;
	v15 =	vmul.f32 v15, v12  }
0x15c: {  	v7 =	vadd.f32 v7, v14;
	v14 =	vmul.f32 v17, v55;
	v17 =	vadd.f32 v16, v58  }
0x15d: {  	v5 =	vadd.f32 v5, v15;
	v15 =	vmul.f32 v18, v12  }
0x15e: {  	v7 =	vadd.f32 v7, v14;
	v14 =	vmul.f32 v17, v56;
	v17 =	vsub.f32 $1.000000000e+00, v60  }
0x15f: {  	v40 =	vld [tilespmem:$0x1FFA0];
	v5 =	vadd.f32 v5, v15;
	v15 =	vadd.f32 v16, v57  }
0x160: {  	v13 =	vadd.s32 $0x65, v6  }
0x161: {  	v7 =	vadd.f32 v7, v14;
	v14 =	vmul.f32 v17, v24;
	v17 =	vld [tilespmem:$0x1FFB0];
	v15 =	vmul.f32 v15, v52;
	_ =	sdelay $0x1  }
0x162: {  	v7 =	vadd.f32 v7, v15;
	v15 =	vld [tilespmem:$0x1FFC0]  }
0x163: {  	v18 =	vmul.f32 v30, v40  }
0x164: {  	v13 =	vld.idx.msk [tilespmem:v13+s13+$0x0], $0xffff  }
0x165: {  	v18 =	vmul.f32 v18, v12;
	v17 =	vmul.f32 v29, v17;
	_ =	sdelay $0x1  }
0x166: {  	v5 =	vadd.f32 v5, v18;
	v17 =	vmul.f32 v17, v12;
	v15 =	vmul.f32 v28, v15  }
0x167: {  	v44 =	vadd.f32 $2.000000000e+00, v61;
	v14 =	vmul.f32 v14, v14;
	v16 =	vadd.f32 v16, v25  }
0x168: {  	v13 =	vmul.f32 v27, v13;
	v5 =	vadd.f32 v5, v17;
	v15 =	vmul.f32 v15, v12  }
0x169: {  	v18 =	vsub.f32 v63, v44;
	v16 =	vmul.f32 v16, v45  }
0x16a: {  	v17 =	vadd.f32 v14, v62;
	v12 =	vmul.f32 v13, v12;
	v5 =	vadd.f32 v5, v15  }
0x16b: {  	v18 =	vand.u32 $0x7FFFFFFF, v18;
	v7 =	vadd.f32 v7, v16  }
0x16c: {  	v16 =	vmul.f32 v17, v47;
	v5 =	vadd.f32 v5, v12;
	v12 =	vadd.s32 $0x85, v6  }
0x16d: {  	v17 =	vsub.f32 $1.000000000e+00, v18;
	v13 =	vadd.f32 v14, v31  }
0x16e: {  	v7 =	vadd.f32 v7, v16;
	v16 =	vadd.f32 v14, v58  }
0x16f: {  	v11 =	vmul.f32 v3, v11;
	v13 =	vmul.f32 v13, v39  }
0x170: {  	v10 =	vmul.f32 v1, v10;
	v45 =	vmul.f32 v16, v48;
	v15 =	vmax.f32 v17, $0.0e+00  }
0x171: {  	v11 =	vmul.f32 v11, v15;
	v7 =	vadd.f32 v7, v13;
	v13 =	vadd.s32 $0xA0, v6;
	v48 =	vld.idx.msk [tilespmem:v12+s13+$0x0], $0xffff  }
0x172: {  	v9 =	vmul.f32 v30, v9;
	v8 =	vmul.f32 v29, v8;
	v12 =	vld [tilespmem:$0x1FFD0]  }
0x173: {  	v50 =	vadd.s32 $0xA3, v6;
	v10 =	vmul.f32 v10, v15;
	v5 =	vadd.f32 v5, v11  }
0x174: {  	v46 =	vadd.s32 $0xA1, v6;
	v47 =	vadd.f32 v14, v57;
	v16 =	vadd.s32 $0xA2, v6  }
0x175: {  	v17 =	vadd.f32 $3.000000000e+00, v61;
	v9 =	vmul.f32 v9, v15;
	v5 =	vadd.f32 v5, v10  }
0x176: {  	v14 =	vadd.f32 v14, v25;
	v8 =	vmul.f32 v8, v15;
	v49 =	vld.idx.msk [tilespmem:v13+s13+$0x0], $0xffff;
	v13 =	vsub.f32 $2.000000000e+00, v60  }
0x177: {  	v17 =	vsub.f32 v63, v17;
	v5 =	vadd.f32 v5, v9;
	v12 =	vmul.f32 v28, v12  }
0x178: {  	v7 =	vadd.f32 v7, v45;
	v11 =	vmul.f32 v47, v41;
	v51 =	vmul.f32 v13, v24  }
0x179: {  	v10 =	vld.idx.msk [tilespmem:v46+s13+$0x0], $0xffff;
	v13 =	vand.u32 $0x7FFFFFFF, v17;
	v5 =	vadd.f32 v5, v8;
	v12 =	vmul.f32 v12, v15  }
0x17a: {  	v7 =	vadd.f32 v7, v11;
	v13 =	vsub.f32 $1.000000000e+00, v13;
	v9 =	vmul.f32 v27, v48  }
0x17b: {  	v16 =	vld.idx.msk [tilespmem:v16+s13+$0x0], $0xffff;
	v11 =	vmul.f32 v51, v51;
	v5 =	vadd.f32 v5, v12;
	v12 =	vadd.s32 $0xA4, v6  }
0x17c: {  	v3 =	vmul.f32 v3, v49;
	v9 =	vmul.f32 v9, v15;
	v6 =	vadd.s32 $0xA5, v6  }
0x17d: {  	v52 =	vmul.f32 v14, v37;
	v14 =	vld.idx.msk [tilespmem:v50+s13+$0x0], $0xffff;
	v13 =	vmax.f32 v13, $0.0e+00;
	v15 =	vadd.f32 v11, v62  }
0x17e: {  	v1 =	vmul.f32 v1, v10;
	v3 =	vmul.f32 v3, v13;
	v5 =	vadd.f32 v5, v9  }
0x17f: {  	v7 =	vadd.f32 v7, v52;
	v55 =	vadd.f32 v11, v31;
	v53 =	vmul.f32 v15, v36  }
0x180: {  	v1 =	vmul.f32 v1, v13;
	v3 =	vadd.f32 v5, v3;
	v5 =	vmul.f32 v30, v16;
	v54 =	vld.idx.msk [tilespmem:v12+s13+$0x0], $0xffff  }
0x181: {  	v59 =	vadd.f32 v11, v58;
	v56 =	vmul.f32 v55, v35;
	v7 =	vadd.f32 v7, v53;
	v6 =	vld.idx.msk [tilespmem:v6+s13+$0x0], $0xffff  }
0x182: {  	v1 =	vadd.f32 v3, v1;
	v3 =	vmul.f32 v29, v14;
	v5 =	vmul.f32 v5, v13  }
0x183: {  	v61 =	vadd.f32 v11, v57;
	v60 =	vmul.f32 v59, v34;
	v7 =	vadd.f32 v7, v56  }
0x184: {  	v63 =	vadd.f32 v11, v25;
	v1 =	vadd.f32 v1, v5;
	v3 =	vmul.f32 v3, v13  }
0x185: {  	v62 =	vmul.f32 v61, v32;
	v7 =	vadd.f32 v7, v60;
	v5 =	vmul.f32 v28, v54  }
0x186: {  	v1 =	vadd.f32 v1, v3;
	v3 =	vmul.f32 v27, v6  }
0x187: {  	v6 =	vadd.f32 v7, v62;
	v7 =	vmul.f32 v63, v33;
	v5 =	vmul.f32 v5, v13;
	_ =	sdelay $0x1  }
0x188: {  	v1 =	vadd.f32 v1, v5;
	v5 =	vadd.f32 v6, v7;
	v6 =	vld [tilespmem:$0x1FFE0];
	_ =	sdelay $0x5  }
0x189: {  	p0 =	sne.s32 s19, $0x70;
	v3 =	vmul.f32 v3, v13  }
.Ltmp1:
0x18a: {  	_ = 	snop;
	(pc) =	sbr.rel @p0 .LBB2_5-.Ltmp1, $4  }
0x18b: {  	v1 =	vadd.f32 v1, v3;
	[tilespmem:v6+s4+$0x0] =	vst.idx.msk $0xffff, v42  }
0x18c: {  	v3 =	vmul.f32 v5, v38;
	[tilespmem:v6+s14+$0x0] =	vst.idx.msk $0xffff, v43  }
0x18d: {  	[tilespmem:v6+s15+$0x0] =	vst.idx.msk $0xffff, v1  }
0x18e: {  	s19 =	sadd.s32 $0x10, s19;
	v15 =	vld [tilespmem:$0x1FFF0];
	[tilespmem:v6+s16+$0x0] =	vst.idx.msk $0xffff, v3  }
0x18f: {  	s19 =	rddreg [dreg:$0x2]  }
0x190: {  	s19 =	sadd.s32 s19, s18  }
0x191: {  	[hbm4b:s19+s5] =	stream.linear.scatter [tilespmem:s4], [sflag:$0x2], $0x80, $0x38;
	[tilespmem:$0x6880] =	vst v63  }
0x192: {  	_ =	swait.ge [sflag:s11], $0x80  }
0x193: {  	[sflag:s11] =	ssyncset.done $0x0  }
0x194: {  	[sflag:s11] =	ssyncadd.s32 $0xFFFFFF80  }
0x195: {  	s20 =	rddreg [dreg:$0x3]  }
0x196: {  	s19 =	sadd.s32 s20, s18  }
0x197: {  	[hbm4b:s19+s5] =	stream.linear.scatter [tilespmem:s14], [sflag:$0x2], $0x80, $0x38;
	[tilespmem:$0x6880] =	vst v63  }
0x198: {  	_ =	swait.ge [sflag:s11], $0x80  }
0x199: {  	[sflag:s11] =	ssyncset.done $0x0  }
0x19a: {  	[sflag:s11] =	ssyncadd.s32 $0xFFFFFF80  }
0x19b: {  	s20 =	rddreg [dreg:$0x0]  }
0x19c: {  	s19 =	sadd.s32 s20, s18  }
0x19d: {  	[hbm4b:s19+s5] =	stream.linear.scatter [tilespmem:s15], [sflag:$0x2], $0x80, $0x38;
	[tilespmem:$0x6880] =	vst v63  }
0x19e: {  	s17 =	sadd.s32 $0x1, s17;
	_ =	swait.ge [sflag:s11], $0x80  }
0x19f: {  	p0 =	sne.s32 s17, $0x5;
	[sflag:s11] =	ssyncset.done $0x0  }
.Ltmp2:
0x1a0: {  	s20 =	sadd.s32 s8, s18;
	[sflag:s11] =	ssyncadd.s32 $0xFFFFFF80;
	(pc) =	sbr.rel @p0 .LBB2_2-.Ltmp2, $4  }
0x1a1: {  	[hbm4b:s20+s5] =	stream.linear.scatter [tilespmem:s16], [sflag:$0x2], $0x80, $0x38;
	[tilespmem:$0x6880] =	vst v63  }
0x1a2: {  	_ =	swait.ge [sflag:s11], $0x80  }
0x1a3: {  	[sflag:s11] =	ssyncset.done $0x0  }
0x1a4: {  	[sflag:s11] =	ssyncadd.s32 $0xFFFFFF80  }
0x1a5: {  	s18 =	rddreg [dreg:$0x6]  }
0x1a6: {  	s17 =	rddreg [dreg:$0x5];
	s18 =	sadd.s32 $0x1, s18  }
0x1a7: {  	p0 =	sne.s32 s18, s17  }
.Ltmp3:
0x1a8: {  	_ = 	snop;
	(pc) =	sbr.rel @p0 .LBB2_1-.Ltmp3, $1  }
0x1a9: {  	_ =	sdelay $0x3  }
0x1aa: {  	_ =	sfence.sel $0x180000  }
0x1ab: {  	[bflag:$0x0] =	sbarrier.arrive $0xFFFF  }
0x1ac: {  	_ =	strace $0x9000004D  }
0x1ad: {  	s0 =	stileid.u32;
	[bflag:$0x2] =	sbarrier.arrive $0xFFFF  }
0x1ae: {  	p0 =	sne.s32 s0, $0x0;
	s0 =	rddreg [dreg:$0x4]  }
0x1af: {  	s0 =	sadd.s32 @!p0 $0x100000, s0  }
0x1b0: {  	[sflag:s0] =	ssyncadd.tile.s32 @!p0 $0x1;
	_ =	shalt  }
.Lfunc_end2:
_tile_overlayer_lowered:
.L_overlay_start_2:
0x1b1: {  	(tag) =	ssettag $0x2  }
0x1b2: {  	s0 =	rddreg [dreg:$0x0];
	s2 =	stileid.u32  }
0x1b3: {  	s1 =	rddreg [dreg:$0x1];
	p0 =	sne.s32 s2, $0x0  }
0x1b4: {  	s3 =	rddreg [dreg:$0x2];
	[bflag:$0x3] =	sbarrier.arrive $0xFFFF;
	s2 =	simm.s32 @!p0 $0x1C02  }
0x1b5: {  	[timem:s3], [sflag:s2] =	dma.local @!p0 [hbm:s0], s1  }
0x1b6: {  	s0 =	simm.s32 @!p0 $0x2  }
0x1b7: {  	_ =	swait.ge @!p0 [sflag:s0], s1  }
0x1b8: {  	s1 =	ssub.s32 @!p0 $0x0, s1;
	[sflag:s0] =	ssyncset.done @!p0 $0x0  }
0x1b9: {  	[sflag:s0] =	ssyncadd.s32 @!p0 s1  }
0x1ba: {  	[bflag:$0x3] =	sbarrier.arrive $0xFFFF  }
0x1bb: {  	_ =	shalt  }

// kernel: kernel.6.cloned.1.call-start
scs
__scs_entry_jumppad:
0x0: {  	(pc) =	sbr.rel $0x88, $3  }
0x1: {  	(tag) =	ssettag $0x0;
	lr =	simm.s32 $0x1  }
0x2: {  	[smem:$0x3FA0] =	sst lr;
	_ =	strace $0xD0000000  }
0x3: {  	_ = 	snop  }
0x4: {  	_ = 	snop  }
0x5: {  	_ = 	snop  }
0x6: {  	_ = 	snop  }
0x7: {  	_ = 	snop  }
__scs_overlays_trampoline_lowered:
0x8: {  	[smem:$0x3FAF] =	sst s0  }
0x9: {  	[smem:$0x3FB0] =	sst s1  }
0xa: {  	[smem:$0x3FB1] =	sst s2  }
0xb: {  	[smem:$0x3FB2] =	sst s3  }
0xc: {  	[smem:$0x3FB3] =	sst s4  }
0xd: {  	[smem:$0x3FB4] =	sst s5  }
0xe: {  	[smem:$0x3FB5] =	sst s6  }
0xf: {  	[smem:$0x3FB6] =	sst s7  }
0x10: {  	[smem:$0x3FB7] =	sst s8  }
0x11: {  	[smem:$0x3FB8] =	sst s9;
	s0 =	simm.s32 @!p0 $0x0  }
0x12: {  	s1 =	sld [smem:$0x3F9E];
	s0 =	simm.s32 @p0 $0x1  }
0x13: {  	[smem:$0x3FB9] =	sst s0;
	s0 =	simm.s32 @!p1 $0x0  }
0x14: {  	s2 =	sld [smem:$0x3F9D];
	s0 =	simm.s32 @p1 $0x1  }
0x15: {  	[smem:$0x3FBA] =	sst s0;
	s0 =	simm.s32 @!p2 $0x0  }
0x16: {  	s3 =	sld [smem:$0x3FDB];
	s0 =	simm.s32 @p2 $0x1  }
0x17: {  	s4 =	simm.s32 $0x1BF5;
	[smem:$0x3FBC] =	sst s0  }
0x18: {  	s0 =	sld [smem:$0x3F9F];
	_ =	swait.ge [sflag:s4], $0x0  }
0x19: {  	s7 =	sld [smem:$0x3FA0]  }
0x1a: {  	s8 =	sadd.s32 $0xFFFFE003, lr  }
0x1b: {  	s9 =	sadd.s32 $0xFFFFFEF7, lr;
	s5 =	simm.s32 $0xFFFFFFFF;
	p2 =	slt.u32 s8, $0xFFFFF086  }
0x1c: {  	p1 =	slt.u32 s9, $0xF7A;
	s5 =	simm.s32 @!p2 $0x0  }
0x1d: {  	s5 =	simm.s32 @p1 $0x1;
	p0 =	seq.s32 s7, s2  }
0x1e: {  	s7 =	smul.u32 @!p0 $0xF7A, s2;
	p2 =	seq.s32 @!p0 s5, $0x0  }
0x1f: {  	s9 =	smul.u32 $0xF7A, s1;
	s8 =	simm.s32 @!p0 $0x1BF5;
	p2 =	por !p2, p0  }
0x20: {  	[sflag:s8] =	ssyncset.s32 @!p0 $0xFFFFF086;
	s6 =	sadd.s32 @!p0 s3, s7;
	s7 =	simm.s32 @!p0 $0x108  }
0x21: {  	s3 =	sadd.s32 s3, s9;
	s6 =	sadd.s32 @!p0 $0x88, s6;
	s7 =	simm.s32 @p2 $0x1082  }
0x22: {  	[simem:s7], [sflag:s8] =	dma.local @!p0 [hbm:s6], $0xF7A  }
0x23: {  	s9 =	sor.u32 $0xD0000000, s2;
	s6 =	simm.s32 $0x108;
	_ =	swait.ge @!p0 [sflag:s8], $0x0  }
0x24: {  	s3 =	sadd.s32 $0x88, s3;
	s6 =	simm.s32 @!p1 $0x1082;
	[sflag:s4] =	ssyncset.s32 $0xFFFFF086  }
0x25: {  	[simem:s6], [sflag:s4] =	dma.local [hbm:s3], $0xF7A  }
0x26: {  	[smem:$0x3FA0] =	sst s1;
	(tag) =	ssettag s2;
	_ =	strace s9  }
0x27: {  	s1 =	sld [smem:$0x3FB0]  }
0x28: {  	s2 =	sld [smem:$0x3FB1]  }
0x29: {  	s4 =	sld [smem:$0x3FB3]  }
0x2a: {  	p0 =	seq.s32 s5, $0x0;
	s5 =	sld [smem:$0x3FB4]  }
0x2b: {  	s6 =	sld [smem:$0x3FB5]  }
0x2c: {  	s7 =	sld [smem:$0x3FB6]  }
0x2d: {  	s3 =	simm.s32 $0x108;
	s8 =	sld [smem:$0x3FB7]  }
0x2e: {  	s3 =	simm.s32 @!p0 $0x1082;
	s9 =	sld [smem:$0x3FB8]  }
0x2f: {  	lr =	sadd.s32 s0, s3;
	s0 =	sld [smem:$0x3FAF]  }
0x30: {  	s3 =	sld [smem:$0x3FB2]  }
0x31: {  	[smem:$0x3FBB] =	sst s10  }
0x32: {  	s10 =	sld [smem:$0x3FB9];
	_ =	sdelay $0x3  }
0x33: {  	p0 =	seq.s32 s10, $0x1;
	s10 =	sld [smem:$0x3FBB];
	_ =	sdelay $0x3  }
0x34: {  	[smem:$0x3FBB] =	sst s10  }
0x35: {  	s10 =	sld [smem:$0x3FBA];
	_ =	sdelay $0x3  }
0x36: {  	p1 =	seq.s32 s10, $0x1;
	s10 =	sld [smem:$0x3FBB];
	_ =	sdelay $0x3  }
0x37: {  	[smem:$0x3FBB] =	sst s10  }
0x38: {  	s10 =	sld [smem:$0x3FBC]  }
0x39: {  	_ = 	snop;
	(pc) =	sbr.ind lr, $3  }
0x3a: {  	_ = 	snop  }
0x3b: {  	_ = 	snop  }
0x3c: {  	p2 =	seq.s32 s10, $0x1;
	s10 =	sld [smem:$0x3FBB]  }
0x3d: {  	_ =	shalt  }
0x3e: {  	_ =	shalt  }
0x3f: {  	_ =	shalt  }
0x40: {  	_ =	shalt  }
0x41: {  	_ =	shalt  }
0x42: {  	_ =	shalt  }
0x43: {  	_ =	shalt  }
0x44: {  	_ =	shalt  }
0x45: {  	_ =	shalt  }
0x46: {  	_ =	shalt  }
0x47: {  	_ =	shalt  }
0x48: {  	_ =	shalt  }
0x49: {  	_ =	shalt  }
0x4a: {  	_ =	shalt  }
0x4b: {  	_ =	shalt  }
0x4c: {  	_ =	shalt  }
0x4d: {  	_ =	shalt  }
0x4e: {  	_ =	shalt  }
0x4f: {  	_ =	shalt  }
0x50: {  	_ =	shalt  }
0x51: {  	_ =	shalt  }
0x52: {  	_ =	shalt  }
0x53: {  	_ =	shalt  }
0x54: {  	_ =	shalt  }
0x55: {  	_ =	shalt  }
0x56: {  	_ =	shalt  }
0x57: {  	_ =	shalt  }
0x58: {  	_ =	shalt  }
0x59: {  	_ =	shalt  }
0x5a: {  	_ =	shalt  }
0x5b: {  	_ =	shalt  }
0x5c: {  	_ =	shalt  }
0x5d: {  	_ =	shalt  }
0x5e: {  	_ =	shalt  }
0x5f: {  	_ =	shalt  }
0x60: {  	_ =	shalt  }
0x61: {  	_ =	shalt  }
0x62: {  	_ =	shalt  }
0x63: {  	_ =	shalt  }
0x64: {  	_ =	shalt  }
0x65: {  	_ =	shalt  }
0x66: {  	_ =	shalt  }
0x67: {  	_ =	shalt  }
0x68: {  	_ =	shalt  }
0x69: {  	_ =	shalt  }
0x6a: {  	_ =	shalt  }
0x6b: {  	_ =	shalt  }
0x6c: {  	_ =	shalt  }
0x6d: {  	_ =	shalt  }
0x6e: {  	_ =	shalt  }
0x6f: {  	_ =	shalt  }
0x70: {  	_ =	shalt  }
0x71: {  	_ =	shalt  }
0x72: {  	_ =	shalt  }
0x73: {  	_ =	shalt  }
0x74: {  	_ =	shalt  }
0x75: {  	_ =	shalt  }
0x76: {  	_ =	shalt  }
0x77: {  	_ =	shalt  }
0x78: {  	_ =	shalt  }
0x79: {  	_ =	shalt  }
0x7a: {  	_ =	shalt  }
0x7b: {  	_ =	shalt  }
0x7c: {  	_ =	shalt  }
0x7d: {  	_ =	shalt  }
0x7e: {  	_ =	shalt  }
0x7f: {  	_ =	shalt  }
0x80: {  	_ =	shalt  }
0x81: {  	_ =	shalt  }
0x82: {  	_ =	shalt  }
0x83: {  	_ =	shalt  }
0x84: {  	_ =	shalt  }
0x85: {  	_ =	shalt  }
0x86: {  	_ =	shalt  }
0x87: {  	_ =	shalt  }
.Lfunc_end0:
.L_simem_size_0:
called_computation.1_lowered:
.L_overlay_start_0:
0x88: {  	s2 =	sld [smem:$0x3FD9]  }
0x89: {  	s3 =	sld [smem:$0x3FFE];
	_ =	sdelay $0x1  }
0x8a: {  	s1 =	srdreg.scid  }
0x8b: {  	s0 =	sand.u32 $0x1, s1  }
0x8c: {  	s14 =	sshll.u32 s0, $0xA;
	s2 =	sadd.s32 s3, s2  }
0x8d: {  	s2 =	sadd.s32 s2, s14  }
0x8e: {  	[smem:$0x3FC7] =	sst s2  }
0x8f: {  	_ = 	snop  }
0x90: {  	s2 =	sld [smem:$0x3FD0];
	_ =	sdelay $0x2  }
0x91: {  	s15 =	simm.s32 $0xA;
	s4 =	simm.s32 $0x10  }
0x92: {  	[smem:s4], [sflag:s15] =	dma.local [hbm:s2], $0x1  }
0x93: {  	_ =	swait.eq [sflag:s15], $0x1  }
0x94: {  	[sflag:s15] =	ssyncset.done $0x0  }
0x95: {  	[sflag:s15] =	ssyncadd.s32 $0xFFFFFFFF  }
0x96: {  	s16 =	sld [smem:$0x12];
	(tm) =	ssettm $0x1  }
0x97: {  	s17 =	sld [smem:$0x3FFB];
	_ =	sdelay $0x3  }
0x98: {  	_ =	strace s17  }
0x99: {  	s3 =	sld [smem:$0x3FFC];
	_ =	sdelay $0x3  }
0x9a: {  	_ =	strace s3  }
0x9b: {  	s3 =	sld [smem:$0x3FFD];
	_ =	sdelay $0x3  }
0x9c: {  	_ =	strace s3  }
0x9d: {  	_ =	strace $0x8FFFFFFF  }
0x9e: {  	s18 =	sld [smem:$0x3FDB];
	_ =	sdelay $0x1  }
0x9f: {  	s19 =	simm.s32 $_scs_section_size  }
0xa0: {  	s5 =	simm.s32 $_size__tile_overlayer_lowered;
	s6 =	simm.s32 $_tile_overlayer_lowered  }
0xa1: {  	s22 =	simm.s32 $0x1BFF;
	s21 =	sshll.u32 s6, $0x1;
	s3 =	sadd.s32 s19, s18  }
0xa2: {  	s7 =	simm.s32 $0x0;
	s20 =	sshll.u32 s5, $0x1;
	s5 =	sadd.s32 s21, s3  }
0xa3: {  	[timem:s7], [sflag:s22] =	dma.local [hbm:s5], s20  }
0xa4: {  	_ =	swait.ge [sflag:s22], s20  }
0xa5: {  	s4 =	ssub.s32 $0x0, s20;
	[sflag:s22] =	ssyncset.done $0x0  }
0xa6: {  	[sflag:s22] =	ssyncadd.s32 s4;
	_ =	sdelay $0x1  }
0xa7: {  	s23 =	simm.s32 $0x1B8B  }
0xa8: {  	_ =	swait.ge [sflag:s23], $0x1  }
0xa9: {  	[sflag:s23] =	ssyncset.done $0x0  }
0xaa: {  	s25 =	simm.s32 $0x1B8E;
	s24 =	sld [smem:$0x3FFE];
	[sflag:s23] =	ssyncadd.s32 $0xFFFFFFFF  }
0xab: {  	s26 =	simm.s32 $execute0_lowered;
	[smem:$0x3FD2] =	sst s25  }
0xac: {  	s5 =	sshll.u32 s26, $0x1;
	_ =	strace $0x80000046;
	[dreg:$0x1] =	wrdreg $0xFFFFFFFF  }
0xad: {  	s28 =	simm.s32 $_size_execute0_lowered;
	s3 =	sadd.s32 s3, s5;
	[dreg:$0x0] =	wrdreg $0x0  }
0xae: {  	s5 =	sshll.u32 s28, $0x1;
	[dreg:$0x2] =	wrdreg s3  }
0xaf: {  	[dreg:$0x3] =	wrdreg s5  }
0xb0: {  	[dreg:$0x4] =	wrdreg $0xC0  }
0xb1: {  	_ =	task [dreg:s7], $0x5FFFF  }
0xb2: {  	[dreg:$0x1] =	wrdreg $0xFFFFFFFF  }
0xb3: {  	[dreg:$0x0] =	wrdreg $0x60  }
0xb4: {  	[dreg:$0x2] =	wrdreg s24  }
0xb5: {  	[dreg:$0x3] =	wrdreg s16  }
0xb6: {  	[dreg:$0x4] =	wrdreg $0x9  }
0xb7: {  	_ =	task.clear_ibuf [dreg:s7], $0x5FFFF;
	_ =	strace $0x90000046  }
0xb8: {  	s29 =	simm.s32 $0x9;
	_ =	strace $0x80000048  }
0xb9: {  	_ =	swait.ge [sflag:s29], $0x1  }
0xba: {  	[sflag:s29] =	ssyncadd.s32 $0xFFFFFFFF  }
0xbb: {  	_ =	strace $0x90000048  }
0xbc: {  	_ =	sfence  }
0xbd: {  	s30 =	sld [smem:$0x0];
	_ =	sdelay $0x2  }
0xbe: {  	s31 =	sshll.u32 s1, $0xD;
	s1 =	sshrl.u32 s1, $0x2  }
0xbf: {  	s3 =	sand.u32 $0x4000, s31;
	s1 =	sadd.s32 s1, s30  }
0xc0: {  	s0 =	sor.u32 s3, s0;
	s1 =	sshll.u32 s1, $0x11  }
0xc1: {  	s0 =	sor.u32 s1, s0  }
0xc2: {  	s0 =	sadd.s32 $0x8F2B, s0  }
0xc3: {  	[sflag:s0] =	ssyncadd.remote.s32 $0x1  }
0xc4: {  	_ =	sfence.sel $0xFFFF  }
0xc5: {  	[dreg:$0x0] =	wrdreg $0xFFFFFFFF;
	(pc) =	sbr.abs _section_cstart, $3  }
0xc6: {  	[dreg:$0x1] =	wrdreg $0xFFFFFFFF  }
0xc7: {  	_ =	task.clear_ibuf [dreg:s7], $0x2FFFF;
	_ =	strace $0x9FFFFFFF  }
0xc8: {  	(tm) =	ssettm $0x7FFFFFFF  }
0xc9: {  	_ =	shalt  }
tec
execute0_lowered:
.L_overlay_start_1:
0x0: {  	(tag) =	ssettag $0x1  }
0x1: {  	s1 =	srdreg.scid  }
0x2: {  	s0 =	stileid.u32;
	s2 =	rddreg [dreg:$0x0]  }
0x3: {  	s8 =	rddreg [dreg:$0x1];
	s3 =	simm.s32 $0x0;
	s14 =	simm.s32 $0x800  }
0x4: {  	s15 =	simm.s32 $0x1410;
	s16 =	simm.s32 $0x2020;
	s17 =	simm.s32 $0x0  }
0x5: {  	s7 =	sand.u32 $0x1, s1;
	s26 =	sshll.u32 s0, $0x1;
	s1 =	rddreg [dreg:$0x2]  }
0x6: {  	[smem:$0x7FF] =	sst s3;
	s11 =	sshll.u32 s0, $0x10;
	s9 =	sor.u32 s7, s26  }
0x7: {  	_ =	strace $0x80000047;
	s28 =	ssub.s32 $0x2, s7;
	s13 =	sand.u32 $0xC0000, s11  }
0x8: {  	s30 =	sshll.u32 s7, $0xF;
	s4 =	smul.u32 $0x180, s9;
	s5 =	sshll.u32 s9, $0x1  }
0x9: {  	s29 =	sshll.u32 s9, $0xF;
	s12 =	sshrl.u32 s28, $0x1;
	s9 =	sshll.u32 s9, $0x4  }
0xa: {  	s31 =	sor.u32 s30, s11;
	s11 =	simm.s32 $0x1;
	s10 =	sadd.s32 s5, s2  }
0xb: {  	s5 =	sand.u32 $0x38000, s29;
	s12 =	ssub.s32 s28, s12;
	s8 =	sadd.s32 s8, s9  }
0xc: {  	s6 =	sadd.s32 s4, s2;
	s4 =	sor.u32 s13, s5;
	s7 =	sadd.s32 $0x20000, s10  }
0xd: {  	v0 =	vimm.f32 $-1.000000000e+00;
	s9 =	smax.u32 s12, $0x1;
	s10 =	sand.u32 $0x38000, s31;
	s12 =	simm.s32 $0x2030  }
0xe: {  	v1 =	vimm.s32 $0x0;
	v2 =	vlaneseq.u32;
	v3 =	vimm.s32 $0x1;
	s13 =	simm.s32 $0x2830;
	s5 =	sadd.s32 $0x20200, s6;
	s6 =	sadd.s32 $0x23200, s6  }
.LBB2_1:
0xf: {  	s18 =	simm.s32 $0x40;
	s19 =	simm.s32 $0x0  }
.LBB2_2:
0x10: {  	p0 =	sne.s32 s18, $0x3000;
	[tilespmem:s19+$0x800] =	vst v0;
	s19 =	smov.u32 s18;
	s18 =	sadd.s32 $0x40, s18  }
.Ltmp0:
0x11: {  	(pc) =	sbr.rel @p0 .LBB2_2-.Ltmp0, $2  }
0x12: {  	_ =	sdelay $0x2  }
0x13: {  	s19 =	sshra.s32 s19, $0x2  }
0x14: {  	[tilespmem:s19+$0x800] =	vst v0;
	s18 =	simm.s32 $0x0;
	s19 =	simm.s32 $0x40;
	s20 =	simm.s32 $0x0  }
.LBB2_4:
0x15: {  	p0 =	sne.s32 s19, $0x1FC0;
	[tilespmem:s20+$0x2030] =	vst v1;
	s20 =	smov.u32 s19;
	s19 =	sadd.s32 $0x40, s19  }
.Ltmp1:
0x16: {  	(pc) =	sbr.rel @p0 .LBB2_4-.Ltmp1, $2  }
0x17: {  	_ =	sdelay $0x2  }
0x18: {  	s20 =	sshra.s32 s20, $0x2  }
0x19: {  	[tilespmem:s20+$0x2030] =	vst v1;
	s19 =	smov.u32 s10;
	s20 =	simm.s32 $0x0  }
.LBB2_6:
0x1a: {  	s21 =	sshll.u32 s20, $0xB  }
0x1b: {  	s21 =	sor.u32 s21, s4  }
0x1c: {  	s21 =	sshrl.u32 s21, $0x3  }
0x1d: {  	s22 =	simm.s32 $0x0;
	s21 =	sadd.s32 s2, s21  }
0x1e: {  	[tilespmem:s22], [sflag:$0x1] =	stream.linear.gather [hbm4b:s21+s22], $0x800, $0x38;
	[tilespmem:$0x28B0] =	vst v63  }
0x1f: {  	_ =	swait.ge [sflag:s11], $0x800  }
0x20: {  	[sflag:s11] =	ssyncset.done $0x0  }
0x21: {  	s31 =	simm.s32 $0x0;
	[sflag:s11] =	ssyncadd.s32 $0xFFFFF800  }
0x22: {  	v4 =	vld [tilespmem:s31+$0x0];
	_ =	sdelay $0x4  }
0x23: {  	vm0 =	vgt.f32 v4, $0.0e+00  }
0x24: {  	v5 =	vmul.f32 $1.280000000e+02, v4;
	v6 =	vmpcnt.ones.xlane vm0;
	_ =	sdelay $0x1  }
0x25: {  	v5 =	vtrunc.f32 v5;
	v6 =	vxor.u32 $0x80000000, v6  }
0x26: {  	v5 =	vcvt.f32.s32 v5;
	(xrf0) =	vmax.scan.msk.u32 $0xffff, v6;
	_ =	sdelay $0x1  }
0x27: {  	vm1 =	vlt.s32 v5, $0x7F  }
0x28: {  	v5 =	vnsel vm1, $0x7F, v5  }
0x29: {  	p0 =	slt.s32 s18, $0xC00;
	s21 =	smov.u32 s18;
	v5 =	vshll.u32 v5, $0x4  }
0x2a: {  	s21 =	simm.s32 @!p0 $0xC00;
	v5 =	vor.u32 v2, v5  }
0x2b: {  	[tilespmem:s21+$0x800] =	vst.msk vm0, v4;
	v4, _, _ =	vpop (xrf0)  }
0x2c: {  	(v2sf) =	vpush v4, $0xF  }
0x2d: {  	v63 =	vor.u32 s19, v2  }
0x2e: {  	[tilespmem:s21+$0x1410] =	vst.msk vm0, v63  }
0x2f: {  	s23 =	simm.s32 $0x10;
	s22 =	simm.s32 $0x80;
	s21 =	smov.u32 s19;
	[tilespmem:v5+s12+$0x0] =	vst.idx.add.s32.msk vm0, v3  }
.LBB2_7:
0x30: {  	p0 =	sne.s32 s22, $0x1FC0;
	v4 =	vld [tilespmem:s23+$0x0];
	_ =	sdelay $0x4  }
0x31: {  	vm0 =	vgt.f32 v4, $0.0e+00;
	v5 =	vmul.f32 $1.280000000e+02, v4  }
0x32: {  	v6 =	vmpcnt.ones.xlane vm0  }
0x33: {  	v5 =	vtrunc.f32 v5  }
0x34: {  	v5 =	vcvt.f32.s32 v5;
	v6 =	vxor.u32 $0x80000000, v6  }
0x35: {  	(xrf0) =	vmax.scan.msk.u32 $0xffff, v6  }
0x36: {  	vm1 =	vlt.s32 v5, $0x7F  }
0x37: {  	v5 =	vnsel vm1, $0x7F, v5;
	s23 =	spop (v2sf)  }
0x38: {  	v5 =	vshll.u32 v5, $0x4;
	s18 =	sadd.s32 s23, s18  }
0x39: {  	v5 =	vor.u32 v2, v5;
	s18 =	sadd.s32 $0x80000000, s18  }
0x3a: {  	p1 =	slt.s32 s18, $0xC00;
	s23 =	smov.u32 s18  }
.Ltmp2:
0x3b: {  	s21 =	sadd.s32 $0x10, s21;
	s23 =	simm.s32 @!p1 $0xC00;
	v6, _, _ =	vpop (xrf0);
	(pc) =	sbr.rel @p0 .LBB2_7-.Ltmp2, $4  }
0x3c: {  	v7 =	vor.u32 s21, v2;
	[tilespmem:s23+$0x800] =	vst.msk vm0, v4;
	(v2sf) =	vpush v6, $0xF  }
0x3d: {  	[tilespmem:s23+$0x1410] =	vst.msk vm0, v7  }
0x3e: {  	[tilespmem:v5+s12+$0x0] =	vst.idx.add.s32.msk vm0, v3  }
0x3f: {  	s23 =	sshra.s32 s22, $0x2;
	s22 =	sadd.s32 $0x40, s22  }
0x40: {  	v4 =	vld [tilespmem:s23+$0x0];
	_ =	sdelay $0x4  }
0x41: {  	vm0 =	vgt.f32 v4, $0.0e+00  }
0x42: {  	v5 =	vmpcnt.ones.xlane vm0;
	_ =	sdelay $0x1  }
0x43: {  	v5 =	vxor.u32 $0x80000000, v5  }
0x44: {  	(xrf0) =	vmax.scan.msk.u32 $0xffff, v5;
	_ =	sdelay $0x5  }
0x45: {  	v5, _, _ =	vpop (xrf0)  }
0x46: {  	(v2sf) =	vpush v5, $0xF;
	_ =	sdelay $0x3  }
0x47: {  	v5 =	vmul.f32 $1.280000000e+02, v4;
	_ =	sdelay $0x1  }
0x48: {  	v5 =	vtrunc.f32 v5  }
0x49: {  	v5 =	vcvt.f32.s32 v5  }
0x4a: {  	s22 =	spop (v2sf)  }
0x4b: {  	s18 =	sadd.s32 s22, s18;
	vm1 =	vlt.s32 v5, $0x7F  }
0x4c: {  	s18 =	sadd.s32 $0x80000000, s18;
	v5 =	vnsel vm1, $0x7F, v5  }
0x4d: {  	s20 =	sadd.s32 $0x1, s20;
	p0 =	slt.s32 s18, $0xC00;
	s22 =	smov.u32 s18;
	v5 =	vshll.u32 v5, $0x4  }
0x4e: {  	s22 =	simm.s32 @!p0 $0xC00;
	p0 =	sne.s32 s20, $0x10;
	v5 =	vor.u32 v2, v5  }
.Ltmp3:
0x4f: {  	_ = 	snop;
	(pc) =	sbr.rel @p0 .LBB2_6-.Ltmp3, $4  }
0x50: {  	s21 =	sadd.s32 $0x10, s21  }
0x51: {  	v6 =	vor.u32 s21, v2;
	[tilespmem:s22+$0x800] =	vst.msk vm0, v4;
	s31 =	spop (v2sf)  }
0x52: {  	[tilespmem:s22+$0x1410] =	vst.msk vm0, v6;
	s18 =	sadd.s32 s31, s18  }
0x53: {  	s19 =	sadd.s32 $0x800, s19;
	[tilespmem:v5+s12+$0x0] =	vst.idx.add.s32.msk vm0, v3;
	s18 =	sadd.s32 $0x80000000, s18  }
0x54: {  	v4 =	vmov s18  }
0x55: {  	s19 =	simm.s32 $0x2030;
	[tilespmem:$0x2020] =	vst v4  }
0x56: {  	s18 =	simm.s32 $0x0;
	s20 =	simm.s32 $0x1;
	v4 =	vld [tilespmem:s19+$0x0]  }
.LBB2_10:
0x57: {  	p0 =	sne.s32 s20, $0x7F;
	_ =	sdelay $0x3  }
0x58: {  	(xrf0) =	vadd.scan.msk.s32 $0xffff, v4;
	_ =	sdelay $0x3  }
0x59: {  	v4 =	vmov s18;
	s18 =	smov.u32 s20;
	_ =	sdelay $0x1  }
.Ltmp4:
0x5a: {  	v5, _, _ =	vpop (xrf0);
	(pc) =	sbr.rel @p0 .LBB2_10-.Ltmp4, $3  }
0x5b: {  	v5 =	vbroadcast v5, $0xF;
	_ =	sdelay $0x1  }
0x5c: {  	s19 =	sadd.s32 $0x10, s19;
	[tilespmem:v4+s13+$0x0] =	vst.idx.msk $0x1, v5  }
0x5d: {  	s20 =	sadd.s32 $0x1, s20;
	v4 =	vld [tilespmem:s19+$0x0]  }
0x5e: {  	_ =	sdelay $0x3  }
0x5f: {  	(xrf0) =	vadd.scan.msk.s32 $0xffff, v4;
	_ =	sdelay $0x3  }
0x60: {  	v4 =	vmov s18;
	_ =	sdelay $0x1  }
0x61: {  	v5, _, _ =	vpop (xrf0)  }
0x62: {  	v5 =	vbroadcast v5, $0xF;
	_ =	sdelay $0x1  }
0x63: {  	[tilespmem:v4+s13+$0x0] =	vst.idx.msk $0x1, v5  }
0x64: {  	[hbm4b:s5+s3] =	stream.linear.scatter [tilespmem:s14], [sflag:$0x1], $0xC00, $0x38;
	[tilespmem:$0x28B0] =	vst v63  }
0x65: {  	_ =	swait.ge [sflag:s11], $0xC00  }
0x66: {  	[sflag:s11] =	ssyncset.done $0x0  }
0x67: {  	[sflag:s11] =	ssyncadd.s32 $0xFFFFF400  }
0x68: {  	[hbm4b:s6+s3] =	stream.linear.scatter [tilespmem:s15], [sflag:$0x1], $0xC00, $0x38;
	[tilespmem:$0x28B0] =	vst v63  }
0x69: {  	_ =	swait.ge [sflag:s11], $0xC00  }
0x6a: {  	[sflag:s11] =	ssyncset.done $0x0  }
0x6b: {  	[sflag:s11] =	ssyncadd.s32 $0xFFFFF400  }
0x6c: {  	[hbm4b:s7+s3] =	stream.linear.scatter [tilespmem:s16], [sflag:$0x1], $0x10, $0x38;
	[tilespmem:$0x28B0] =	vst v63  }
0x6d: {  	s17 =	sadd.s32 $0x1, s17;
	_ =	swait.ge [sflag:s11], $0x10  }
0x6e: {  	p0 =	sne.s32 s17, s9;
	[sflag:s11] =	ssyncset.done $0x0  }
.Ltmp5:
0x6f: {  	[sflag:s11] =	ssyncadd.s32 $0xFFFFFFF0;
	(pc) =	sbr.rel @p0 .LBB2_1-.Ltmp5, $4  }
0x70: {  	[hbm4b:s8+s3] =	stream.linear.scatter [tilespmem:s13], [sflag:$0x1], $0x80, $0x38;
	[tilespmem:$0x28B0] =	vst v63  }
0x71: {  	_ =	swait.ge [sflag:s11], $0x80  }
0x72: {  	[sflag:s11] =	ssyncset.done $0x0  }
0x73: {  	[sflag:s11] =	ssyncadd.s32 $0xFFFFFF80  }
0x74: {  	_ =	sfence.sel $0x180000  }
0x75: {  	[bflag:$0x0] =	sbarrier.arrive $0xFFFF  }
0x76: {  	p0 =	sne.s32 s0, $0x0;
	_ =	strace $0x90000047  }
0x77: {  	s0 =	sadd.s32 @!p0 $0x100000, s1;
	[bflag:$0x2] =	sbarrier.arrive $0xFFFF  }
0x78: {  	[sflag:s0] =	ssyncadd.tile.s32 @!p0 $0x1;
	_ =	shalt  }
.Lfunc_end2:
_tile_overlayer_lowered:
.L_overlay_start_2:
0x79: {  	(tag) =	ssettag $0x2  }
0x7a: {  	s0 =	rddreg [dreg:$0x0];
	s2 =	stileid.u32  }
0x7b: {  	s1 =	rddreg [dreg:$0x1];
	p0 =	sne.s32 s2, $0x0  }
0x7c: {  	s3 =	rddreg [dreg:$0x2];
	[bflag:$0x3] =	sbarrier.arrive $0xFFFF;
	s2 =	simm.s32 @!p0 $0x1C01  }
0x7d: {  	[timem:s3], [sflag:s2] =	dma.local @!p0 [hbm:s0], s1  }
0x7e: {  	s0 =	simm.s32 @!p0 $0x1  }
0x7f: {  	_ =	swait.ge @!p0 [sflag:s0], s1  }
0x80: {  	s1 =	ssub.s32 @!p0 $0x0, s1;
	[sflag:s0] =	ssyncset.done @!p0 $0x0  }
0x81: {  	[sflag:s0] =	ssyncadd.s32 @!p0 s1  }
0x82: {  	[bflag:$0x3] =	sbarrier.arrive $0xFFFF  }
0x83: {  	_ =	shalt  }

// kernel: kernel.9.cloned.1.call-start
scs
__scs_entry_jumppad:
0x0: {  	(pc) =	sbr.rel $0x88, $3  }
0x1: {  	(tag) =	ssettag $0x0;
	lr =	simm.s32 $0x1  }
0x2: {  	[smem:$0x3FA0] =	sst lr;
	_ =	strace $0xD0000000  }
0x3: {  	_ = 	snop  }
0x4: {  	_ = 	snop  }
0x5: {  	_ = 	snop  }
0x6: {  	_ = 	snop  }
0x7: {  	_ = 	snop  }
__scs_overlays_trampoline_lowered:
0x8: {  	[smem:$0x3FAF] =	sst s0  }
0x9: {  	[smem:$0x3FB0] =	sst s1  }
0xa: {  	[smem:$0x3FB1] =	sst s2  }
0xb: {  	[smem:$0x3FB2] =	sst s3  }
0xc: {  	[smem:$0x3FB3] =	sst s4  }
0xd: {  	[smem:$0x3FB4] =	sst s5  }
0xe: {  	[smem:$0x3FB5] =	sst s6  }
0xf: {  	[smem:$0x3FB6] =	sst s7  }
0x10: {  	[smem:$0x3FB7] =	sst s8  }
0x11: {  	[smem:$0x3FB8] =	sst s9;
	s0 =	simm.s32 @!p0 $0x0  }
0x12: {  	s1 =	sld [smem:$0x3F9E];
	s0 =	simm.s32 @p0 $0x1  }
0x13: {  	[smem:$0x3FB9] =	sst s0;
	s0 =	simm.s32 @!p1 $0x0  }
0x14: {  	s2 =	sld [smem:$0x3F9D];
	s0 =	simm.s32 @p1 $0x1  }
0x15: {  	[smem:$0x3FBA] =	sst s0;
	s0 =	simm.s32 @!p2 $0x0  }
0x16: {  	s3 =	sld [smem:$0x3FDB];
	s0 =	simm.s32 @p2 $0x1  }
0x17: {  	s4 =	simm.s32 $0x1BF5;
	[smem:$0x3FBC] =	sst s0  }
0x18: {  	s0 =	sld [smem:$0x3F9F];
	_ =	swait.ge [sflag:s4], $0x0  }
0x19: {  	s7 =	sld [smem:$0x3FA0]  }
0x1a: {  	s8 =	sadd.s32 $0xFFFFE003, lr  }
0x1b: {  	s9 =	sadd.s32 $0xFFFFFEF7, lr;
	s5 =	simm.s32 $0xFFFFFFFF;
	p2 =	slt.u32 s8, $0xFFFFF086  }
0x1c: {  	p1 =	slt.u32 s9, $0xF7A;
	s5 =	simm.s32 @!p2 $0x0  }
0x1d: {  	s5 =	simm.s32 @p1 $0x1;
	p0 =	seq.s32 s7, s2  }
0x1e: {  	s7 =	smul.u32 @!p0 $0xF7A, s2;
	p2 =	seq.s32 @!p0 s5, $0x0  }
0x1f: {  	s9 =	smul.u32 $0xF7A, s1;
	s8 =	simm.s32 @!p0 $0x1BF5;
	p2 =	por !p2, p0  }
0x20: {  	[sflag:s8] =	ssyncset.s32 @!p0 $0xFFFFF086;
	s6 =	sadd.s32 @!p0 s3, s7;
	s7 =	simm.s32 @!p0 $0x108  }
0x21: {  	s3 =	sadd.s32 s3, s9;
	s6 =	sadd.s32 @!p0 $0x88, s6;
	s7 =	simm.s32 @p2 $0x1082  }
0x22: {  	[simem:s7], [sflag:s8] =	dma.local @!p0 [hbm:s6], $0xF7A  }
0x23: {  	s9 =	sor.u32 $0xD0000000, s2;
	s6 =	simm.s32 $0x108;
	_ =	swait.ge @!p0 [sflag:s8], $0x0  }
0x24: {  	s3 =	sadd.s32 $0x88, s3;
	s6 =	simm.s32 @!p1 $0x1082;
	[sflag:s4] =	ssyncset.s32 $0xFFFFF086  }
0x25: {  	[simem:s6], [sflag:s4] =	dma.local [hbm:s3], $0xF7A  }
0x26: {  	[smem:$0x3FA0] =	sst s1;
	(tag) =	ssettag s2;
	_ =	strace s9  }
0x27: {  	s1 =	sld [smem:$0x3FB0]  }
0x28: {  	s2 =	sld [smem:$0x3FB1]  }
0x29: {  	s4 =	sld [smem:$0x3FB3]  }
0x2a: {  	p0 =	seq.s32 s5, $0x0;
	s5 =	sld [smem:$0x3FB4]  }
0x2b: {  	s6 =	sld [smem:$0x3FB5]  }
0x2c: {  	s7 =	sld [smem:$0x3FB6]  }
0x2d: {  	s3 =	simm.s32 $0x108;
	s8 =	sld [smem:$0x3FB7]  }
0x2e: {  	s3 =	simm.s32 @!p0 $0x1082;
	s9 =	sld [smem:$0x3FB8]  }
0x2f: {  	lr =	sadd.s32 s0, s3;
	s0 =	sld [smem:$0x3FAF]  }
0x30: {  	s3 =	sld [smem:$0x3FB2]  }
0x31: {  	[smem:$0x3FBB] =	sst s10  }
0x32: {  	s10 =	sld [smem:$0x3FB9];
	_ =	sdelay $0x3  }
0x33: {  	p0 =	seq.s32 s10, $0x1;
	s10 =	sld [smem:$0x3FBB];
	_ =	sdelay $0x3  }
0x34: {  	[smem:$0x3FBB] =	sst s10  }
0x35: {  	s10 =	sld [smem:$0x3FBA];
	_ =	sdelay $0x3  }
0x36: {  	p1 =	seq.s32 s10, $0x1;
	s10 =	sld [smem:$0x3FBB];
	_ =	sdelay $0x3  }
0x37: {  	[smem:$0x3FBB] =	sst s10  }
0x38: {  	s10 =	sld [smem:$0x3FBC]  }
0x39: {  	_ = 	snop;
	(pc) =	sbr.ind lr, $3  }
0x3a: {  	_ = 	snop  }
0x3b: {  	_ = 	snop  }
0x3c: {  	p2 =	seq.s32 s10, $0x1;
	s10 =	sld [smem:$0x3FBB]  }
0x3d: {  	_ =	shalt  }
0x3e: {  	_ =	shalt  }
0x3f: {  	_ =	shalt  }
0x40: {  	_ =	shalt  }
0x41: {  	_ =	shalt  }
0x42: {  	_ =	shalt  }
0x43: {  	_ =	shalt  }
0x44: {  	_ =	shalt  }
0x45: {  	_ =	shalt  }
0x46: {  	_ =	shalt  }
0x47: {  	_ =	shalt  }
0x48: {  	_ =	shalt  }
0x49: {  	_ =	shalt  }
0x4a: {  	_ =	shalt  }
0x4b: {  	_ =	shalt  }
0x4c: {  	_ =	shalt  }
0x4d: {  	_ =	shalt  }
0x4e: {  	_ =	shalt  }
0x4f: {  	_ =	shalt  }
0x50: {  	_ =	shalt  }
0x51: {  	_ =	shalt  }
0x52: {  	_ =	shalt  }
0x53: {  	_ =	shalt  }
0x54: {  	_ =	shalt  }
0x55: {  	_ =	shalt  }
0x56: {  	_ =	shalt  }
0x57: {  	_ =	shalt  }
0x58: {  	_ =	shalt  }
0x59: {  	_ =	shalt  }
0x5a: {  	_ =	shalt  }
0x5b: {  	_ =	shalt  }
0x5c: {  	_ =	shalt  }
0x5d: {  	_ =	shalt  }
0x5e: {  	_ =	shalt  }
0x5f: {  	_ =	shalt  }
0x60: {  	_ =	shalt  }
0x61: {  	_ =	shalt  }
0x62: {  	_ =	shalt  }
0x63: {  	_ =	shalt  }
0x64: {  	_ =	shalt  }
0x65: {  	_ =	shalt  }
0x66: {  	_ =	shalt  }
0x67: {  	_ =	shalt  }
0x68: {  	_ =	shalt  }
0x69: {  	_ =	shalt  }
0x6a: {  	_ =	shalt  }
0x6b: {  	_ =	shalt  }
0x6c: {  	_ =	shalt  }
0x6d: {  	_ =	shalt  }
0x6e: {  	_ =	shalt  }
0x6f: {  	_ =	shalt  }
0x70: {  	_ =	shalt  }
0x71: {  	_ =	shalt  }
0x72: {  	_ =	shalt  }
0x73: {  	_ =	shalt  }
0x74: {  	_ =	shalt  }
0x75: {  	_ =	shalt  }
0x76: {  	_ =	shalt  }
0x77: {  	_ =	shalt  }
0x78: {  	_ =	shalt  }
0x79: {  	_ =	shalt  }
0x7a: {  	_ =	shalt  }
0x7b: {  	_ =	shalt  }
0x7c: {  	_ =	shalt  }
0x7d: {  	_ =	shalt  }
0x7e: {  	_ =	shalt  }
0x7f: {  	_ =	shalt  }
0x80: {  	_ =	shalt  }
0x81: {  	_ =	shalt  }
0x82: {  	_ =	shalt  }
0x83: {  	_ =	shalt  }
0x84: {  	_ =	shalt  }
0x85: {  	_ =	shalt  }
0x86: {  	_ =	shalt  }
0x87: {  	_ =	shalt  }
.Lfunc_end0:
.L_simem_size_0:
called_computation.2_lowered:
.L_overlay_start_0:
0x88: {  	s2 =	sld [smem:$0x3FD9]  }
0x89: {  	s3 =	sld [smem:$0x3FFE];
	_ =	sdelay $0x1  }
0x8a: {  	s1 =	srdreg.scid  }
0x8b: {  	s0 =	sand.u32 $0x1, s1  }
0x8c: {  	s14 =	sshll.u32 s0, $0xA;
	s2 =	sadd.s32 s3, s2  }
0x8d: {  	s2 =	sadd.s32 s2, s14  }
0x8e: {  	[smem:$0x3FC7] =	sst s2  }
0x8f: {  	_ = 	snop  }
0x90: {  	s2 =	sld [smem:$0x3FD0];
	_ =	sdelay $0x2  }
0x91: {  	s15 =	simm.s32 $0xA;
	s4 =	simm.s32 $0x10  }
0x92: {  	[smem:s4], [sflag:s15] =	dma.local [hbm:s2], $0x1  }
0x93: {  	_ =	swait.eq [sflag:s15], $0x1  }
0x94: {  	[sflag:s15] =	ssyncset.done $0x0  }
0x95: {  	s16 =	sld [smem:$0x10];
	[sflag:s15] =	ssyncadd.s32 $0xFFFFFFFF  }
0x96: {  	s17 =	sld [smem:$0x11];
	(tm) =	ssettm $0x1  }
0x97: {  	s18 =	sld [smem:$0x3FFB];
	_ =	sdelay $0x3  }
0x98: {  	_ =	strace s18  }
0x99: {  	s4 =	sld [smem:$0x3FFC];
	_ =	sdelay $0x3  }
0x9a: {  	_ =	strace s4  }
0x9b: {  	s4 =	sld [smem:$0x3FFD];
	_ =	sdelay $0x3  }
0x9c: {  	_ =	strace s4  }
0x9d: {  	_ =	strace $0x8FFFFFFF  }
0x9e: {  	s19 =	sld [smem:$0x3FDB];
	_ =	sdelay $0x1  }
0x9f: {  	s5 =	simm.s32 $_scs_section_size  }
0xa0: {  	s6 =	simm.s32 $_size__tile_overlayer_lowered;
	s7 =	simm.s32 $_tile_overlayer_lowered  }
0xa1: {  	s22 =	simm.s32 $0x1BFF;
	s21 =	sshll.u32 s7, $0x1;
	s4 =	sadd.s32 s5, s19  }
0xa2: {  	s8 =	simm.s32 $0x0;
	s20 =	sshll.u32 s6, $0x1;
	s6 =	sadd.s32 s21, s4  }
0xa3: {  	[timem:s8], [sflag:s22] =	dma.local [hbm:s6], s20  }
0xa4: {  	_ =	swait.ge [sflag:s22], s20  }
0xa5: {  	s5 =	ssub.s32 $0x0, s20;
	[sflag:s22] =	ssyncset.done $0x0  }
0xa6: {  	[sflag:s22] =	ssyncadd.s32 s5;
	_ =	sdelay $0x1  }
0xa7: {  	s23 =	simm.s32 $0x1B8B  }
0xa8: {  	_ =	swait.ge [sflag:s23], $0x1  }
0xa9: {  	[sflag:s23] =	ssyncset.done $0x0  }
0xaa: {  	s25 =	simm.s32 $0x1B8E;
	s24 =	sld [smem:$0x3FFE];
	[sflag:s23] =	ssyncadd.s32 $0xFFFFFFFF  }
0xab: {  	s26 =	simm.s32 $execute0_lowered;
	[smem:$0x3FD2] =	sst s25  }
0xac: {  	s6 =	sshll.u32 s26, $0x1;
	_ =	strace $0x80000049;
	[dreg:$0x1] =	wrdreg $0xFFFFFFFF  }
0xad: {  	s28 =	simm.s32 $_size_execute0_lowered;
	s4 =	sadd.s32 s4, s6;
	[dreg:$0x0] =	wrdreg $0x0  }
0xae: {  	s6 =	sshll.u32 s28, $0x1;
	[dreg:$0x2] =	wrdreg s4  }
0xaf: {  	[dreg:$0x3] =	wrdreg s6  }
0xb0: {  	[dreg:$0x4] =	wrdreg $0xC0  }
0xb1: {  	_ =	task [dreg:s8], $0x5FFFF  }
0xb2: {  	[dreg:$0x1] =	wrdreg $0xFFFFFFFF  }
0xb3: {  	[dreg:$0x0] =	wrdreg $0x60  }
0xb4: {  	[dreg:$0x2] =	wrdreg s24  }
0xb5: {  	[dreg:$0x3] =	wrdreg s16  }
0xb6: {  	[dreg:$0x4] =	wrdreg s17  }
0xb7: {  	[dreg:$0x5] =	wrdreg $0x9  }
0xb8: {  	_ =	task.clear_ibuf [dreg:s8], $0x6FFFF;
	_ =	strace $0x90000049  }
0xb9: {  	s29 =	simm.s32 $0x9;
	_ =	strace $0x8000004B  }
0xba: {  	_ =	swait.ge [sflag:s29], $0x1  }
0xbb: {  	[sflag:s29] =	ssyncadd.s32 $0xFFFFFFFF  }
0xbc: {  	_ =	strace $0x9000004B  }
0xbd: {  	_ =	sfence  }
0xbe: {  	s30 =	sld [smem:$0x0];
	_ =	sdelay $0x2  }
0xbf: {  	s31 =	sshll.u32 s1, $0xD;
	s1 =	sshrl.u32 s1, $0x2  }
0xc0: {  	s3 =	sand.u32 $0x4000, s31;
	s1 =	sadd.s32 s1, s30  }
0xc1: {  	s0 =	sor.u32 s3, s0;
	s1 =	sshll.u32 s1, $0x11  }
0xc2: {  	s0 =	sor.u32 s1, s0  }
0xc3: {  	s0 =	sadd.s32 $0x8F2B, s0  }
0xc4: {  	[sflag:s0] =	ssyncadd.remote.s32 $0x1  }
0xc5: {  	_ =	sfence.sel $0xFFFF  }
0xc6: {  	[dreg:$0x0] =	wrdreg $0xFFFFFFFF;
	(pc) =	sbr.abs _section_cstart, $3  }
0xc7: {  	[dreg:$0x1] =	wrdreg $0xFFFFFFFF  }
0xc8: {  	_ =	task.clear_ibuf [dreg:s8], $0x2FFFF;
	_ =	strace $0x9FFFFFFF  }
0xc9: {  	(tm) =	ssettm $0x7FFFFFFF  }
tec
execute0_lowered:
.L_overlay_start_1:
0x0: {  	(tag) =	ssettag $0x1  }
0x1: {  	s5 =	rddreg [dreg:$0x0]  }
0x2: {  	s6 =	rddreg [dreg:$0x1];
	s1 =	srdreg.scid  }
0x3: {  	s0 =	stileid.u32;
	s8 =	rddreg [dreg:$0x2]  }
0x4: {  	s2 =	simm.s32 $0x0;
	s13 =	simm.s32 $0x1800;
	s14 =	simm.s32 $0x1C10  }
0x5: {  	s15 =	simm.s32 $0x0;
	s3 =	sand.u32 $0x1, s1;
	s1 =	rddreg [dreg:$0x3]  }
0x6: {  	s4 =	sshll.u32 s0, $0x1;
	[smem:$0x7FF] =	sst s2;
	s12 =	sshrl.u32 s0, $0x1  }
0x7: {  	s7 =	sor.u32 s3, s4;
	_ =	strace $0x8000004A;
	s3 =	ssub.s32 $0x2, s3  }
0x8: {  	s12 =	sand.u32 $0x6, s12;
	s4 =	smul.u32 $0x180, s7;
	s9 =	sshll.u32 s7, $0x7  }
0x9: {  	s10 =	sshrl.u32 s3, $0x1;
	s31 =	sshll.u32 s7, $0x1;
	s11 =	sadd.s32 s9, s5  }
0xa: {  	s10 =	ssub.s32 s3, s10;
	s6 =	sadd.s32 s6, s9;
	s8 =	sadd.s32 s8, s31  }
0xb: {  	s4 =	sadd.s32 s4, s5;
	s5 =	sadd.s32 s5, s12;
	s7 =	sadd.s32 $0x200, s11  }
0xc: {  	s9 =	smax.u32 s10, $0x1;
	s10 =	simm.s32 $0x1;
	s11 =	simm.s32 $0xC00  }
0xd: {  	v0 =	vimm.f32 $-1.000000000e+00;
	s12 =	simm.s32 $0x2020;
	s3 =	sadd.s32 $0x20200, s4;
	s4 =	sadd.s32 $0x23200, s4  }
.LBB2_1:
0xe: {  	[tilespmem:s2], [sflag:$0x1] =	stream.linear.gather [hbm4b:s3+s2], $0xC00, $0x38;
	[tilespmem:$0x2030] =	vst v63  }
0xf: {  	_ =	swait.ge [sflag:s10], $0xC00  }
0x10: {  	[sflag:s10] =	ssyncset.done $0x0  }
0x11: {  	[sflag:s10] =	ssyncadd.s32 $0xFFFFF400  }
0x12: {  	[tilespmem:s11], [sflag:$0x1] =	stream.linear.gather [hbm4b:s4+s2], $0xC00, $0x38;
	[tilespmem:$0x2030] =	vst v63  }
0x13: {  	_ =	swait.ge [sflag:s10], $0xC00  }
0x14: {  	[sflag:s10] =	ssyncset.done $0x0  }
0x15: {  	[sflag:s10] =	ssyncadd.s32 $0xFFFFF400  }
0x16: {  	[tilespmem:s12], [sflag:$0x1] =	stream.linear.gather [hbm4b:s5+s2], $0x10, $0x38;
	[tilespmem:$0x2030] =	vst v63  }
0x17: {  	_ =	swait.ge [sflag:s10], $0x10  }
0x18: {  	[sflag:s10] =	ssyncset.done $0x0  }
0x19: {  	[sflag:s10] =	ssyncadd.s32 $0xFFFFFFF0  }
0x1a: {  	s16 =	simm.s32 $0x40;
	s17 =	simm.s32 $0x0;
	v1 =	vld [tilespmem:$0x2020]  }
.LBB2_2:
0x1b: {  	p0 =	seq.s32 s16, $0x1000;
	[tilespmem:s17+$0x1800] =	vst v0;
	s17 =	smov.u32 s16;
	s16 =	sadd.s32 $0x40, s16  }
.Ltmp0:
0x1c: {  	(pc) =	sbr.rel @!p0 .LBB2_2-.Ltmp0, $2  }
0x1d: {  	_ =	sdelay $0x2  }
0x1e: {  	s17 =	sshra.s32 s17, $0x2  }
0x1f: {  	v1 =	vxor.u32 $0x80000000, v1  }
0x20: {  	(xrf0) =	vmax.scan.msk.u32 $0xffff, v1;
	_ =	sdelay $0x5  }
0x21: {  	v1, _, _ =	vpop (xrf0)  }
0x22: {  	(v2sf) =	vpush v1, $0xF;
	_ =	sdelay $0x4  }
0x23: {  	[tilespmem:s17+$0x1800] =	vst v0;
	s31 =	simm.s32 $0x0  }
0x24: {  	v2 =	vld [tilespmem:s31+$0x0];
	_ =	sdelay $0x4  }
0x25: {  	v3 =	vmul.f32 $1.280000000e+02, v2;
	_ =	sdelay $0x1  }
0x26: {  	v3 =	vtrunc.f32 v3  }
0x27: {  	v3 =	vcvt.f32.s32 v3  }
0x28: {  	s16 =	spop (v2sf)  }
0x29: {  	vm0 =	vlt.s32 v3, $0x7F;
	s16 =	sxor.u32 $0x80000000, s16  }
0x2a: {  	v3 =	vnsel vm0, $0x7F, v3;
	v1 =	vmov s16  }
0x2b: {  	vm15 =	vgt.f32 v2, $0.0e+00;
	vm1 =	vge.s32 v3, v1  }
0x2c: {  	vm0 =	vmand vm15, vm1  }
0x2d: {  	v4 =	vmpcnt.ones.xlane vm0;
	_ =	sdelay $0x1  }
0x2e: {  	v4 =	vxor.u32 $0x80000000, v4  }
0x2f: {  	v3 =	vld [tilespmem:s31+$0xC00];
	(xrf0) =	vmax.scan.msk.u32 $0xffff, v4;
	_ =	sdelay $0x1  }
0x30: {  	p0 =	por $0x1, $0x1;
	s19 =	simm.s32 $0x0  }
0x31: {  	s19 =	simm.s32 @!p0 $0x400  }
0x32: {  	[tilespmem:s19+$0x1800] =	vst.msk vm0, v2  }
0x33: {  	s17 =	simm.s32 $0x10;
	s18 =	simm.s32 $0x80;
	s16 =	simm.s32 $0x0;
	[tilespmem:s19+$0x1C10] =	vst.msk vm0, v3  }
.LBB2_4:
0x34: {  	p0 =	sne.s32 s18, $0x2FC0;
	v2 =	vld [tilespmem:s17+$0x0];
	v3, _, _ =	vpop (xrf0)  }
0x35: {  	(v2sf) =	vpush v3, $0xF;
	_ =	sdelay $0x3  }
0x36: {  	v3 =	vmul.f32 $1.280000000e+02, v2;
	_ =	sdelay $0x1  }
0x37: {  	v3 =	vtrunc.f32 v3  }
0x38: {  	v3 =	vcvt.f32.s32 v3;
	_ =	sdelay $0x1  }
0x39: {  	vm0 =	vlt.s32 v3, $0x7F  }
0x3a: {  	v3 =	vnsel vm0, $0x7F, v3  }
0x3b: {  	vm0 =	vgt.f32 v2, $0.0e+00;
	vm1 =	vge.s32 v3, v1  }
0x3c: {  	vm0 =	vmand vm0, vm1  }
0x3d: {  	v3 =	vmpcnt.ones.xlane vm0;
	_ =	sdelay $0x1  }
0x3e: {  	v3 =	vxor.u32 $0x80000000, v3;
	s19 =	spop (v2sf)  }
0x3f: {  	v4 =	vld [tilespmem:s17+$0xC00];
	(xrf0) =	vmax.scan.msk.u32 $0xffff, v3;
	s16 =	sadd.s32 s19, s16  }
.Ltmp1:
0x40: {  	s16 =	sadd.s32 $0x80000000, s16;
	(pc) =	sbr.rel @p0 .LBB2_4-.Ltmp1, $4  }
0x41: {  	p1 =	slt.s32 s16, $0x400;
	s19 =	smov.u32 s16  }
0x42: {  	s19 =	simm.s32 @!p1 $0x400  }
0x43: {  	[tilespmem:s19+$0x1800] =	vst.msk vm0, v2  }
0x44: {  	s17 =	sshra.s32 s18, $0x2;
	s18 =	sadd.s32 $0x40, s18;
	[tilespmem:s19+$0x1C10] =	vst.msk vm0, v4  }
0x45: {  	v2 =	vld [tilespmem:s17+$0x0];
	_ =	sdelay $0x4  }
0x46: {  	v3 =	vmul.f32 $1.280000000e+02, v2;
	_ =	sdelay $0x1  }
0x47: {  	v3 =	vtrunc.f32 v3  }
0x48: {  	v3 =	vcvt.f32.s32 v3;
	_ =	sdelay $0x1  }
0x49: {  	vm0 =	vlt.s32 v3, $0x7F  }
0x4a: {  	v3 =	vnsel vm0, $0x7F, v3  }
0x4b: {  	vm15 =	vgt.f32 v2, $0.0e+00;
	vm1 =	vge.s32 v3, v1  }
0x4c: {  	vm0 =	vmand vm15, vm1  }
0x4d: {  	v1 =	vmpcnt.ones.xlane vm0;
	_ =	sdelay $0x1  }
0x4e: {  	v1 =	vxor.u32 $0x80000000, v1  }
0x4f: {  	(xrf0) =	vmax.scan.msk.u32 $0xffff, v1;
	_ =	sdelay $0x2  }
0x50: {  	v1, _, _ =	vpop (xrf0)  }
0x51: {  	(v2sf) =	vpush v1, $0xF;
	_ =	sdelay $0x1  }
0x52: {  	v1, _, _ =	vpop (xrf0)  }
0x53: {  	(v2sf) =	vpush v1, $0xF;
	_ =	sdelay $0xb  }
0x54: {  	s18 =	spop (v2sf)  }
0x55: {  	v1 =	vld [tilespmem:s17+$0xC00];
	s16 =	sadd.s32 s18, s16  }
0x56: {  	s16 =	sadd.s32 $0x80000000, s16  }
0x57: {  	p0 =	slt.s32 s16, $0x400;
	s17 =	smov.u32 s16;
	s31 =	spop (v2sf)  }
0x58: {  	s17 =	simm.s32 @!p0 $0x400;
	s16 =	sadd.s32 s31, s16  }
0x59: {  	[tilespmem:s17+$0x1800] =	vst.msk vm0, v2;
	s16 =	sadd.s32 $0x80000000, s16  }
0x5a: {  	[tilespmem:s17+$0x1C10] =	vst.msk vm0, v1;
	v1 =	vmov s16  }
0x5b: {  	[tilespmem:$0x2020] =	vst v1  }
0x5c: {  	[hbm4b:s6+s2] =	stream.linear.scatter [tilespmem:s13], [sflag:$0x1], $0x400, $0x38;
	[tilespmem:$0x2030] =	vst v63  }
0x5d: {  	_ =	swait.ge [sflag:s10], $0x400  }
0x5e: {  	[sflag:s10] =	ssyncset.done $0x0  }
0x5f: {  	[sflag:s10] =	ssyncadd.s32 $0xFFFFFC00  }
0x60: {  	[hbm4b:s7+s2] =	stream.linear.scatter [tilespmem:s14], [sflag:$0x1], $0x400, $0x38;
	[tilespmem:$0x2030] =	vst v63  }
0x61: {  	s15 =	sadd.s32 $0x1, s15;
	_ =	swait.ge [sflag:s10], $0x400  }
0x62: {  	p0 =	sne.s32 s15, s9;
	[sflag:s10] =	ssyncset.done $0x0  }
.Ltmp2:
0x63: {  	[sflag:s10] =	ssyncadd.s32 $0xFFFFFC00;
	(pc) =	sbr.rel @p0 .LBB2_1-.Ltmp2, $4  }
0x64: {  	[hbm4b:s8+s2] =	stream.linear.scatter [tilespmem:s12], [sflag:$0x1], $0x10, $0x38;
	[tilespmem:$0x2030] =	vst v63  }
0x65: {  	_ =	swait.ge [sflag:s10], $0x10  }
0x66: {  	[sflag:s10] =	ssyncset.done $0x0  }
0x67: {  	[sflag:s10] =	ssyncadd.s32 $0xFFFFFFF0  }
0x68: {  	_ =	sfence.sel $0x180000  }
0x69: {  	[bflag:$0x0] =	sbarrier.arrive $0xFFFF  }
0x6a: {  	p0 =	sne.s32 s0, $0x0;
	_ =	strace $0x9000004A  }
0x6b: {  	s0 =	sadd.s32 @!p0 $0x100000, s1;
	[bflag:$0x2] =	sbarrier.arrive $0xFFFF  }
0x6c: {  	[sflag:s0] =	ssyncadd.tile.s32 @!p0 $0x1;
	_ =	shalt  }
.Lfunc_end2:
_tile_overlayer_lowered:
.L_overlay_start_2:
0x6d: {  	(tag) =	ssettag $0x2  }
0x6e: {  	s0 =	rddreg [dreg:$0x0];
	s2 =	stileid.u32  }
0x6f: {  	s1 =	rddreg [dreg:$0x1];
	p0 =	sne.s32 s2, $0x0  }
0x70: {  	s3 =	rddreg [dreg:$0x2];
	[bflag:$0x3] =	sbarrier.arrive $0xFFFF;
	s2 =	simm.s32 @!p0 $0x1C01  }
0x71: {  	[timem:s3], [sflag:s2] =	dma.local @!p0 [hbm:s0], s1  }
0x72: {  	s0 =	simm.s32 @!p0 $0x1  }
0x73: {  	_ =	swait.ge @!p0 [sflag:s0], s1  }
0x74: {  	s1 =	ssub.s32 @!p0 $0x0, s1;
	[sflag:s0] =	ssyncset.done @!p0 $0x0  }
0x75: {  	[sflag:s0] =	ssyncadd.s32 @!p0 s1  }
0x76: {  	[bflag:$0x3] =	sbarrier.arrive $0xFFFF  }
0x77: {  	_ =	shalt  }

</sc_bundles>
